<compile_context>
chip_gen: v7x
topology: tpu7x:2x2x1
jax: 0.10.2.dev20260603
libtpu: 0.0.44.dev20260713+nightly
codegen_flags: <defaults>
</compile_context>

<pallas_src>
import functools

import numpy as np

import jax
import jax.numpy as jnp
from jax import lax
from jax.experimental import pallas as pl
from jax.experimental.pallas import tpu as pltpu
from jax.experimental.pallas import tpu_sc as plsc

_STD_XY = 0.1
_STD_WH = 0.2
_MAX_RATIO = abs(float(np.log(16.0 / 1000.0)))

_B, _N, _C = 8, 5000, 81
_NT = 40
_NB = 1024
_NTB = _NB // 128
_NW = 32


def _argmax_body(y_ref, lab_ref):
    y = y_ref[...]
    mx = jnp.max(y, axis=0)
    cls = lax.broadcasted_iota(jnp.int32, (_C, _B, _NB), 0)
    lab = jnp.min(jnp.where(y == mx[None], cls, _C), axis=0)
    lab = jnp.minimum(lab, _C - 1)
    lab_ref[...] = lab.reshape(_B, _NTB, 128)


_NBUF = 3


def _sc_body(nt_base, nt_cnt, spw, bb, labs, prt, out,
             slab0, slab1, slab2, lv0, lv1, lv2, pv0, pv1, pv2,
             ov0, ov1, ov2, semA, semB, semC, semX, semY, semZ):
    slabs = (slab0, slab1, slab2)
    lvs = (lv0, lv1, lv2)
    pvs = (pv0, pv1, pv2)
    ovs = (ov0, ov1, ov2)
    semIn = (semA, semB, semC)
    semOut = (semX, semY, semZ)
    wid = lax.axis_index("s") * 2 + lax.axis_index("c")
    lanes = lax.iota(jnp.int32, 16)
    comps = [jnp.full((16,), c, jnp.int32) for c in range(4)]

    def _refs(j):
        sid = wid * spw + j
        b = sid // nt_cnt
        ntl = sid % nt_cnt
        n0 = pl.multiple_of((nt_base + ntl) * 128, 128)
        return b, ntl, n0

    def fire(j, slab, pv, lv, sem):
        b, ntl, n0 = _refs(j)
        pltpu.async_copy(bb.at[b, :, :, pl.ds(n0, 128)], slab, sem)
        pltpu.async_copy(prt.at[b, :, pl.ds(n0, 128)], pv, sem)
        pltpu.async_copy(labs.at[b, ntl], lv, sem)

    def drain(j, slab, pv, lv, sem):
        b, ntl, n0 = _refs(j)
        pltpu.make_async_copy(bb.at[b, :, :, pl.ds(n0, 128)], slab, sem).wait()
        pltpu.make_async_copy(prt.at[b, :, pl.ds(n0, 128)], pv, sem).wait()
        pltpu.make_async_copy(labs.at[b, ntl], lv, sem).wait()

    def process(j, slab, pv, lv, ov, sem):
        b, ntl, _ = _refs(j)

        def group(k, c2):
            s = k * 16
            lab = lv[pl.ds(s, 16)]
            q = s + lanes
            dx = plsc.load_gather(slab, [lab, comps[0], q])
            dy = plsc.load_gather(slab, [lab, comps[1], q])
            dw = plsc.load_gather(slab, [lab, comps[2], q])
            dh = plsc.load_gather(slab, [lab, comps[3], q])
            x1 = pv[0, pl.ds(s, 16)]
            y1 = pv[1, pl.ds(s, 16)]
            x2 = pv[2, pl.ds(s, 16)]
            y2 = pv[3, pl.ds(s, 16)]
            w = x2 - x1
            h = y2 - y1
            cx = x1 + 0.5 * w
            cy = y1 + 0.5 * h
            dwc = jnp.clip(dw * _STD_WH, -_MAX_RATIO, _MAX_RATIO)
            dhc = jnp.clip(dh * _STD_WH, -_MAX_RATIO, _MAX_RATIO)
            hw = 0.5 * (w * jnp.exp(dwc))
            hh = 0.5 * (h * jnp.exp(dhc))
            pcx = cx + dx * _STD_XY * w
            pcy = cy + dy * _STD_XY * h
            ov[0, pl.ds(s, 16)] = jnp.clip(pcx - hw, 0.0, 1.0)
            ov[1, pl.ds(s, 16)] = jnp.clip(pcy - hh, 0.0, 1.0)
            ov[2, pl.ds(s, 16)] = jnp.clip(pcx + hw, 0.0, 1.0)
            ov[3, pl.ds(s, 16)] = jnp.clip(pcy + hh, 0.0, 1.0)
            return c2

        lax.fori_loop(0, 8, group, 0)
        pltpu.async_copy(ov, out.at[b, :, pl.ds(_refs(j)[2], 128)], sem)

    def drain_out(j, ov, sem):
        b, ntl, n0 = _refs(j)
        pltpu.make_async_copy(ov, out.at[b, :, pl.ds(n0, 128)], sem).wait()

    for j in range(min(_NBUF - 1, spw)):
        fire(j, slabs[j % _NBUF], pvs[j % _NBUF], lvs[j % _NBUF],
             semIn[j % _NBUF])
    for j in range(spw):
        k = j % _NBUF
        if j >= _NBUF:
            drain_out(j - _NBUF, ovs[k], semOut[k])
        drain(j, slabs[k], pvs[k], lvs[k], semIn[k])
        if j + _NBUF - 1 < spw:
            k2 = (j + _NBUF - 1) % _NBUF
            fire(j + _NBUF - 1, slabs[k2], pvs[k2], lvs[k2], semIn[k2])
        process(j, slabs[k], pvs[k], lvs[k], ovs[k], semOut[k])
    for j in range(max(0, spw - _NBUF), spw):
        drain_out(j, ovs[j % _NBUF], semOut[j % _NBUF])


def kernel(y_pred, bbox_pred, proposals):
    y_t = jnp.transpose(y_pred, (2, 0, 1))
    bb_t = jnp.transpose(bbox_pred, (0, 2, 3, 1))
    pr_t = jnp.transpose(proposals, (0, 2, 1))

    labs = pl.pallas_call(
        _argmax_body,
        grid=(_NT // _NTB,),
        in_specs=[pl.BlockSpec((_C, _B, _NB), lambda i: (0, 0, i))],
        out_specs=pl.BlockSpec((_B, _NTB, 128), lambda i: (0, i, 0)),
        out_shape=jax.ShapeDtypeStruct((_B, _NT, 128), jnp.int32),
    )(y_t)

    mesh = plsc.VectorSubcoreMesh(core_axis_name="c", subcore_axis_name="s")
    spw = _B * _NT // _NW
    out3 = pl.kernel(
        functools.partial(_sc_body, 0, _NT, spw),
        mesh=mesh,
        out_type=jax.ShapeDtypeStruct((_B, 4, _N), jnp.float32),
        compiler_params=pltpu.CompilerParams(needs_layout_passes=False),
        scratch_types=(
            [pltpu.VMEM((_C, 4, 128), jnp.float32)] * 3
            + [pltpu.VMEM((128,), jnp.int32)] * 3
            + [pltpu.VMEM((4, 128), jnp.float32)] * 6
            + [pltpu.SemaphoreType.DMA] * 6
        ),
    )(bb_t, labs, pr_t)

    out = jnp.transpose(out3, (0, 2, 1))
    return lax.stop_gradient(out)

# --- scband reference (transcript-rebuilt; emitter-appended) ---
"""Pipeline reference for scband-classifier2-proposal-52235392254186 (READ-ONLY COPY).

The authoritative reference and input builder live on the scoring server;
editing this copy changes nothing except your own understanding.
"""

import jax, jax.numpy as jnp
import numpy as np

MEAN = jnp.array([0.0, 0.0, 0.0, 0.0], dtype=jnp.float32)
STD = jnp.array([0.1, 0.1, 0.2, 0.2], dtype=jnp.float32)
CLIP_RATIO = 16.0 / 1000.0


def delta2bbox(bbox, delta, mean=MEAN, std=STD, clip_ratio=CLIP_RATIO):
    # denormalize deltas
    delta = delta * std + mean
    w = bbox[..., 2] - bbox[..., 0]
    h = bbox[..., 3] - bbox[..., 1]
    cx = bbox[..., 0] + 0.5 * w
    cy = bbox[..., 1] + 0.5 * h
    dx = delta[..., 0]
    dy = delta[..., 1]
    dw = delta[..., 2]
    dh = delta[..., 3]
    max_ratio = abs(float(np.log(clip_ratio)))
    dw = jnp.clip(dw, -max_ratio, max_ratio)
    dh = jnp.clip(dh, -max_ratio, max_ratio)
    pw = w * jnp.exp(dw)
    ph = h * jnp.exp(dh)
    pcx = cx + dx * w
    pcy = cy + dy * h
    x1 = pcx - 0.5 * pw
    y1 = pcy - 0.5 * ph
    x2 = pcx + 0.5 * pw
    y2 = pcy + 0.5 * ph
    return jnp.stack([x1, y1, x2, y2], axis=-1)


def setup_inputs(seed: int = 0) -> dict:
    key = jax.random.key(seed)
    k1, k2, k3, k4 = jax.random.split(key, 4)
    B, N, C = 8, 5000, 81
    y_pred = jax.random.normal(k1, (B, N, C), dtype=jnp.float32)
    bbox_pred = jax.random.normal(k2, (B, N, C, 4), dtype=jnp.float32) * 0.1
    # build valid normalized proposals: coords in [0,1], min-corner <= max-corner
    p1 = jax.random.uniform(k3, (B, N, 2), dtype=jnp.float32)
    p2 = jax.random.uniform(k4, (B, N, 2), dtype=jnp.float32)
    lo = jnp.minimum(p1, p2)
    hi = jnp.maximum(p1, p2)
    proposals = jnp.concatenate([lo, hi], axis=-1)
    return {"y_pred": y_pred, "bbox_pred": bbox_pred, "proposals": proposals}


def reference(y_pred, bbox_pred, proposals):
    # label_pred = argmax over classes, then gather the per-class box delta
    label = jnp.argmax(y_pred, axis=-1).astype(jnp.int32)  # [B, N]
    # tf.gather_nd(bbox_pred, label[..., None], batch_dims=2) -> [B, N, 4]
    delta = jnp.take_along_axis(bbox_pred, label[:, :, None, None], axis=2)
    delta = jnp.squeeze(delta, axis=2)  # [B, N, 4]
    out = delta2bbox(proposals, delta, MEAN, STD, CLIP_RATIO)
    out = jnp.clip(out, 0.0, 1.0)
    return jax.lax.stop_gradient(out)

if __name__ == "__main__":
    import jax
    _d = setup_inputs()
    print(jax.jit(kernel)(*tuple(_d.values())))

</pallas_src>

<mosaic_0001>
#map = affine_map<(d0, d1) -> (0, 0, 0, 0)>
#map1 = affine_map<(d0, d1) -> (0, 0, 0)>
module attributes {stable_mosaic.version = 14 : i64} {
  func.func @_sc_body(%arg0: i32, %arg1: i32, %arg2: memref<8x81x4x5000xf32, #tpu.memory_space<hbm>>, %arg3: memref<8x40x128xi32, #tpu.memory_space<hbm>>, %arg4: memref<8x4x5000xf32, #tpu.memory_space<hbm>>, %arg5: memref<8x4x5000xf32, #tpu.memory_space<hbm>>, %arg6: memref<81x4x128xf32, #tpu.memory_space<vmem>>, %arg7: memref<81x4x128xf32, #tpu.memory_space<vmem>>, %arg8: memref<81x4x128xf32, #tpu.memory_space<vmem>>, %arg9: memref<128xi32, #tpu.memory_space<vmem>>, %arg10: memref<128xi32, #tpu.memory_space<vmem>>, %arg11: memref<128xi32, #tpu.memory_space<vmem>>, %arg12: memref<4x128xf32, #tpu.memory_space<vmem>>, %arg13: memref<4x128xf32, #tpu.memory_space<vmem>>, %arg14: memref<4x128xf32, #tpu.memory_space<vmem>>, %arg15: memref<4x128xf32, #tpu.memory_space<vmem>>, %arg16: memref<4x128xf32, #tpu.memory_space<vmem>>, %arg17: memref<4x128xf32, #tpu.memory_space<vmem>>, %arg18: memref<!tpu.dma_semaphore, #tpu.memory_space<semaphore_mem>>, %arg19: memref<!tpu.dma_semaphore, #tpu.memory_space<semaphore_mem>>, %arg20: memref<!tpu.dma_semaphore, #tpu.memory_space<semaphore_mem>>, %arg21: memref<!tpu.dma_semaphore, #tpu.memory_space<semaphore_mem>>, %arg22: memref<!tpu.dma_semaphore, #tpu.memory_space<semaphore_mem>>, %arg23: memref<!tpu.dma_semaphore, #tpu.memory_space<semaphore_mem>>) attributes {dimension_semantics = [#tpu.dimension_semantics<core_parallel>, #tpu.dimension_semantics<subcore_parallel>], iteration_bounds = array<i64: 2, 16>, scalar_prefetch = 0 : i64, scratch_operands = 18 : i64, tpu.core_type = #tpu.core_type<sc_vector_subcore>, window_params = [{transform_indices = #map}, {transform_indices = #map1}, {transform_indices = #map1}, {transform_indices = #map1}]} {
    %mul3A = arith.constant 2 : i32
    %mul3A_0 = arith.muli %arg1, %mul3A : i32
    %add3A = arith.addi %mul3A_0, %arg0 : i32
    %iota3A = tpu.iota {dimensions = array<i32: 0>} : vector<16xi32>
    %broadcast_in_dim3A = arith.constant 0 : i32
    %broadcast_in_dim3A_1 = vector.broadcast %broadcast_in_dim3A : i32 to vector<16xi32>
    %broadcast_in_dim3A_2 = arith.constant 1 : i32
    %broadcast_in_dim3A_3 = vector.broadcast %broadcast_in_dim3A_2 : i32 to vector<16xi32>
    %broadcast_in_dim3A_4 = arith.constant 2 : i32
    %broadcast_in_dim3A_5 = vector.broadcast %broadcast_in_dim3A_4 : i32 to vector<16xi32>
    %broadcast_in_dim3A_6 = arith.constant 3 : i32
    %broadcast_in_dim3A_7 = vector.broadcast %broadcast_in_dim3A_6 : i32 to vector<16xi32>
    %mul3A_8 = arith.constant 10 : i32
    %mul3A_9 = arith.muli %add3A, %mul3A_8 : i32
    %add3A_10 = arith.constant 0 : i32
    %add3A_11 = arith.addi %mul3A_9, %add3A_10 : i32
    %jit3A = arith.constant 40 : i32
    %div3A = arith.divsi %add3A_11, %jit3A : i32
    %sign3A = arith.constant 0 : i32
    %sign3A_12 = arith.cmpi sgt, %add3A_11, %sign3A : i32
    %sign3A_13 = arith.extui %sign3A_12 : i1 to i32
    %sign3A_14 = arith.constant 0 : i32
    %sign3A_15 = arith.cmpi slt, %add3A_11, %sign3A_14 : i32
    %sign3A_16 = arith.extui %sign3A_15 : i1 to i32
    %sign3A_17 = arith.subi %sign3A_13, %sign3A_16 : i32
    %sign3A_18 = arith.constant 0 : i32
    %sign3A_19 = arith.cmpi sgt, %jit3A, %sign3A_18 : i32
    %sign3A_20 = arith.extui %sign3A_19 : i1 to i32
    %sign3A_21 = arith.constant 0 : i32
    %sign3A_22 = arith.cmpi slt, %jit3A, %sign3A_21 : i32
    %sign3A_23 = arith.extui %sign3A_22 : i1 to i32
    %sign3A_24 = arith.subi %sign3A_20, %sign3A_23 : i32
    %ne3A = arith.cmpi ne, %sign3A_17, %sign3A_24 : i32
    %rem3A = arith.remsi %add3A_11, %jit3A : i32
    %ne3A_25 = arith.constant 0 : i32
    %ne3A_26 = arith.cmpi ne, %rem3A, %ne3A_25 : i32
    %and3A = arith.andi %ne3A, %ne3A_26 : i1
    %sub3A = arith.constant 1 : i32
    %sub3A_27 = arith.subi %div3A, %sub3A : i32
    %select_n3A = arith.select %and3A, %sub3A_27, %div3A : i32
    %jit3A_28 = arith.constant 40 : i32
    %eq3A = arith.constant 0 : i32
    %eq3A_29 = arith.cmpi eq, %jit3A_28, %eq3A : i32
    %jit3A_30 = arith.constant 1 : i32
    %select_n3A_31 = arith.select %eq3A_29, %jit3A_30, %jit3A_28 : i32
    %rem3A_32 = arith.remsi %add3A_11, %select_n3A_31 : i32
    %ne3A_33 = arith.constant 0 : i32
    %ne3A_34 = arith.cmpi ne, %rem3A_32, %ne3A_33 : i32
    %lt3A = arith.constant 0 : i32
    %lt3A_35 = arith.cmpi slt, %rem3A_32, %lt3A : i32
    %lt3A_36 = arith.constant 0 : i32
    %lt3A_37 = arith.cmpi slt, %select_n3A_31, %lt3A_36 : i32
    %ne3A_38 = arith.xori %lt3A_35, %lt3A_37 : i1
    %and3A_39 = arith.andi %ne3A_38, %ne3A_34 : i1
    %add3A_40 = arith.addi %rem3A_32, %select_n3A_31 : i32
    %select_n3A_41 = arith.select %and3A_39, %add3A_40, %rem3A_32 : i32
    %add3A_42 = arith.constant 0 : i32
    %add3A_43 = arith.addi %add3A_42, %select_n3A_41 : i32
    %mul3A_44 = arith.constant 128 : i32
    %mul3A_45 = arith.muli %add3A_43, %mul3A_44 : i32
    %multiple_of3A = tpu.assume_multiple %mul3A_45, 128 : i32
    %dma_start3A = arith.constant 0 : i32
    %dma_start3A_46 = arith.constant 0 : i32
    %dma_start3A_47 = tpu.memref_slice %arg2[%select_n3A, %dma_start3A, %dma_start3A_46, %multiple_of3A] : memref<8x81x4x5000xf32, #tpu.memory_space<hbm>> -> memref<1x81x4x128xf32, #tpu.memory_space<hbm>>
    %dma_start3A_48 = tpu.memref_squeeze %dma_start3A_47 : memref<1x81x4x128xf32, #tpu.memory_space<hbm>> -> memref<81x4x128xf32, #tpu.memory_space<hbm>>
    %dma_start3A_49 = arith.constant 0 : i32
    %dma_start3A_50 = arith.constant 0 : i32
    %dma_start3A_51 = tpu.memref_slice %arg2[%select_n3A, %dma_start3A_49, %dma_start3A_50, %multiple_of3A] : memref<8x81x4x5000xf32, #tpu.memory_space<hbm>> -> memref<1x81x4x128xf32, #tpu.memory_space<hbm>>
    %dma_start3A_52 = tpu.memref_squeeze %dma_start3A_51 : memref<1x81x4x128xf32, #tpu.memory_space<hbm>> -> memref<81x4x128xf32, #tpu.memory_space<hbm>>
    tpu.enqueue_dma source(%dma_start3A_52 : memref<81x4x128xf32, #tpu.memory_space<hbm>>) target(%arg6 : memref<81x4x128xf32, #tpu.memory_space<vmem>>) target_semaphore(%arg18 : memref<!tpu.dma_semaphore, #tpu.memory_space<semaphore_mem>>)
    %dma_start3A_53 = arith.constant 0 : i32
    %dma_start3A_54 = tpu.memref_slice %arg4[%select_n3A, %dma_start3A_53, %multiple_of3A] : memref<8x4x5000xf32, #tpu.memory_space<hbm>> -> memref<1x4x128xf32, #tpu.memory_space<hbm>>
    %dma_start3A_55 = tpu.memref_squeeze %dma_start3A_54 : memref<1x4x128xf32, #tpu.memory_space<hbm>> -> memref<4x128xf32, #tpu.memory_space<hbm>>
    %dma_start3A_56 = arith.constant 0 : i32
    %dma_start3A_57 = tpu.memref_slice %arg4[%select_n3A, %dma_start3A_56, %multiple_of3A] : memref<8x4x5000xf32, #tpu.memory_space<hbm>> -> memref<1x4x128xf32, #tpu.memory_space<hbm>>
    %dma_start3A_58 = tpu.memref_squeeze %dma_start3A_57 : memref<1x4x128xf32, #tpu.memory_space<hbm>> -> memref<4x128xf32, #tpu.memory_space<hbm>>
    tpu.enqueue_dma source(%dma_start3A_58 : memref<4x128xf32, #tpu.memory_space<hbm>>) target(%arg12 : memref<4x128xf32, #tpu.memory_space<vmem>>) target_semaphore(%arg18 : memref<!tpu.dma_semaphore, #tpu.memory_space<semaphore_mem>>)
    %dma_start3A_59 = arith.constant 0 : i32
    %dma_start3A_60 = tpu.memref_slice %arg3[%select_n3A, %select_n3A_41, %dma_start3A_59] : memref<8x40x128xi32, #tpu.memory_space<hbm>> -> memref<1x1x128xi32, #tpu.memory_space<hbm>>
    %dma_start3A_61 = tpu.memref_squeeze %dma_start3A_60 : memref<1x1x128xi32, #tpu.memory_space<hbm>> -> memref<128xi32, #tpu.memory_space<hbm>>
    %dma_start3A_62 = arith.constant 0 : i32
    %dma_start3A_63 = tpu.memref_slice %arg3[%select_n3A, %select_n3A_41, %dma_start3A_62] : memref<8x40x128xi32, #tpu.memory_space<hbm>> -> memref<1x1x128xi32, #tpu.memory_space<hbm>>
    %dma_start3A_64 = tpu.memref_squeeze %dma_start3A_63 : memref<1x1x128xi32, #tpu.memory_space<hbm>> -> memref<128xi32, #tpu.memory_space<hbm>>
    tpu.enqueue_dma source(%dma_start3A_64 : memref<128xi32, #tpu.memory_space<hbm>>) target(%arg9 : memref<128xi32, #tpu.memory_space<vmem>>) target_semaphore(%arg18 : memref<!tpu.dma_semaphore, #tpu.memory_space<semaphore_mem>>)
    %mul3A_65 = arith.constant 10 : i32
    %mul3A_66 = arith.muli %add3A, %mul3A_65 : i32
    %add3A_67 = arith.constant 1 : i32
    %add3A_68 = arith.addi %mul3A_66, %add3A_67 : i32
    %jit3A_69 = arith.constant 40 : i32
    %div3A_70 = arith.divsi %add3A_68, %jit3A_69 : i32
    %sign3A_71 = arith.constant 0 : i32
    %sign3A_72 = arith.cmpi sgt, %add3A_68, %sign3A_71 : i32
    %sign3A_73 = arith.extui %sign3A_72 : i1 to i32
    %sign3A_74 = arith.constant 0 : i32
    %sign3A_75 = arith.cmpi slt, %add3A_68, %sign3A_74 : i32
    %sign3A_76 = arith.extui %sign3A_75 : i1 to i32
    %sign3A_77 = arith.subi %sign3A_73, %sign3A_76 : i32
    %sign3A_78 = arith.constant 0 : i32
    %sign3A_79 = arith.cmpi sgt, %jit3A_69, %sign3A_78 : i32
    %sign3A_80 = arith.extui %sign3A_79 : i1 to i32
    %sign3A_81 = arith.constant 0 : i32
    %sign3A_82 = arith.cmpi slt, %jit3A_69, %sign3A_81 : i32
    %sign3A_83 = arith.extui %sign3A_82 : i1 to i32
    %sign3A_84 = arith.subi %sign3A_80, %sign3A_83 : i32
    %ne3A_85 = arith.cmpi ne, %sign3A_77, %sign3A_84 : i32
    %rem3A_86 = arith.remsi %add3A_68, %jit3A_69 : i32
    %ne3A_87 = arith.constant 0 : i32
    %ne3A_88 = arith.cmpi ne, %rem3A_86, %ne3A_87 : i32
    %and3A_89 = arith.andi %ne3A_85, %ne3A_88 : i1
    %sub3A_90 = arith.constant 1 : i32
    %sub3A_91 = arith.subi %div3A_70, %sub3A_90 : i32
    %select_n3A_92 = arith.select %and3A_89, %sub3A_91, %div3A_70 : i32
    %jit3A_93 = arith.constant 40 : i32
    %eq3A_94 = arith.constant 0 : i32
    %eq3A_95 = arith.cmpi eq, %jit3A_93, %eq3A_94 : i32
    %jit3A_96 = arith.constant 1 : i32
    %select_n3A_97 = arith.select %eq3A_95, %jit3A_96, %jit3A_93 : i32
    %rem3A_98 = arith.remsi %add3A_68, %select_n3A_97 : i32
    %ne3A_99 = arith.constant 0 : i32
    %ne3A_100 = arith.cmpi ne, %rem3A_98, %ne3A_99 : i32
    %lt3A_101 = arith.constant 0 : i32
    %lt3A_102 = arith.cmpi slt, %rem3A_98, %lt3A_101 : i32
    %lt3A_103 = arith.constant 0 : i32
    %lt3A_104 = arith.cmpi slt, %select_n3A_97, %lt3A_103 : i32
    %ne3A_105 = arith.xori %lt3A_102, %lt3A_104 : i1
    %and3A_106 = arith.andi %ne3A_105, %ne3A_100 : i1
    %add3A_107 = arith.addi %rem3A_98, %select_n3A_97 : i32
    %select_n3A_108 = arith.select %and3A_106, %add3A_107, %rem3A_98 : i32
    %add3A_109 = arith.constant 0 : i32
    %add3A_110 = arith.addi %add3A_109, %select_n3A_108 : i32
    %mul3A_111 = arith.constant 128 : i32
    %mul3A_112 = arith.muli %add3A_110, %mul3A_111 : i32
    %multiple_of3A_113 = tpu.assume_multiple %mul3A_112, 128 : i32
    %dma_start3A_114 = arith.constant 0 : i32
    %dma_start3A_115 = arith.constant 0 : i32
    %dma_start3A_116 = tpu.memref_slice %arg2[%select_n3A_92, %dma_start3A_114, %dma_start3A_115, %multiple_of3A_113] : memref<8x81x4x5000xf32, #tpu.memory_space<hbm>> -> memref<1x81x4x128xf32, #tpu.memory_space<hbm>>
    %dma_start3A_117 = tpu.memref_squeeze %dma_start3A_116 : memref<1x81x4x128xf32, #tpu.memory_space<hbm>> -> memref<81x4x128xf32, #tpu.memory_space<hbm>>
    %dma_start3A_118 = arith.constant 0 : i32
    %dma_start3A_119 = arith.constant 0 : i32
    %dma_start3A_120 = tpu.memref_slice %arg2[%select_n3A_92, %dma_start3A_118, %dma_start3A_119, %multiple_of3A_113] : memref<8x81x4x5000xf32, #tpu.memory_space<hbm>> -> memref<1x81x4x128xf32, #tpu.memory_space<hbm>>
    %dma_start3A_121 = tpu.memref_squeeze %dma_start3A_120 : memref<1x81x4x128xf32, #tpu.memory_space<hbm>> -> memref<81x4x128xf32, #tpu.memory_space<hbm>>
    tpu.enqueue_dma source(%dma_start3A_121 : memref<81x4x128xf32, #tpu.memory_space<hbm>>) target(%arg7 : memref<81x4x128xf32, #tpu.memory_space<vmem>>) target_semaphore(%arg19 : memref<!tpu.dma_semaphore, #tpu.memory_space<semaphore_mem>>)
    %dma_start3A_122 = arith.constant 0 : i32
    %dma_start3A_123 = tpu.memref_slice %arg4[%select_n3A_92, %dma_start3A_122, %multiple_of3A_113] : memref<8x4x5000xf32, #tpu.memory_space<hbm>> -> memref<1x4x128xf32, #tpu.memory_space<hbm>>
    %dma_start3A_124 = tpu.memref_squeeze %dma_start3A_123 : memref<1x4x128xf32, #tpu.memory_space<hbm>> -> memref<4x128xf32, #tpu.memory_space<hbm>>
    %dma_start3A_125 = arith.constant 0 : i32
    %dma_start3A_126 = tpu.memref_slice %arg4[%select_n3A_92, %dma_start3A_125, %multiple_of3A_113] : memref<8x4x5000xf32, #tpu.memory_space<hbm>> -> memref<1x4x128xf32, #tpu.memory_space<hbm>>
    %dma_start3A_127 = tpu.memref_squeeze %dma_start3A_126 : memref<1x4x128xf32, #tpu.memory_space<hbm>> -> memref<4x128xf32, #tpu.memory_space<hbm>>
    tpu.enqueue_dma source(%dma_start3A_127 : memref<4x128xf32, #tpu.memory_space<hbm>>) target(%arg13 : memref<4x128xf32, #tpu.memory_space<vmem>>) target_semaphore(%arg19 : memref<!tpu.dma_semaphore, #tpu.memory_space<semaphore_mem>>)
    %dma_start3A_128 = arith.constant 0 : i32
    %dma_start3A_129 = tpu.memref_slice %arg3[%select_n3A_92, %select_n3A_108, %dma_start3A_128] : memref<8x40x128xi32, #tpu.memory_space<hbm>> -> memref<1x1x128xi32, #tpu.memory_space<hbm>>
    %dma_start3A_130 = tpu.memref_squeeze %dma_start3A_129 : memref<1x1x128xi32, #tpu.memory_space<hbm>> -> memref<128xi32, #tpu.memory_space<hbm>>
    %dma_start3A_131 = arith.constant 0 : i32
    %dma_start3A_132 = tpu.memref_slice %arg3[%select_n3A_92, %select_n3A_108, %dma_start3A_131] : memref<8x40x128xi32, #tpu.memory_space<hbm>> -> memref<1x1x128xi32, #tpu.memory_space<hbm>>
    %dma_start3A_133 = tpu.memref_squeeze %dma_start3A_132 : memref<1x1x128xi32, #tpu.memory_space<hbm>> -> memref<128xi32, #tpu.memory_space<hbm>>
    tpu.enqueue_dma source(%dma_start3A_133 : memref<128xi32, #tpu.memory_space<hbm>>) target(%arg10 : memref<128xi32, #tpu.memory_space<vmem>>) target_semaphore(%arg19 : memref<!tpu.dma_semaphore, #tpu.memory_space<semaphore_mem>>)
    %mul3A_134 = arith.constant 10 : i32
    %mul3A_135 = arith.muli %add3A, %mul3A_134 : i32
    %add3A_136 = arith.constant 0 : i32
    %add3A_137 = arith.addi %mul3A_135, %add3A_136 : i32
    %jit3A_138 = arith.constant 40 : i32
    %div3A_139 = arith.divsi %add3A_137, %jit3A_138 : i32
    %sign3A_140 = arith.constant 0 : i32
    %sign3A_141 = arith.cmpi sgt, %add3A_137, %sign3A_140 : i32
    %sign3A_142 = arith.extui %sign3A_141 : i1 to i32
    %sign3A_143 = arith.constant 0 : i32
    %sign3A_144 = arith.cmpi slt, %add3A_137, %sign3A_143 : i32
    %sign3A_145 = arith.extui %sign3A_144 : i1 to i32
    %sign3A_146 = arith.subi %sign3A_142, %sign3A_145 : i32
    %sign3A_147 = arith.constant 0 : i32
    %sign3A_148 = arith.cmpi sgt, %jit3A_138, %sign3A_147 : i32
    %sign3A_149 = arith.extui %sign3A_148 : i1 to i32
    %sign3A_150 = arith.constant 0 : i32
    %sign3A_151 = arith.cmpi slt, %jit3A_138, %sign3A_150 : i32
    %sign3A_152 = arith.extui %sign3A_151 : i1 to i32
    %sign3A_153 = arith.subi %sign3A_149, %sign3A_152 : i32
    %ne3A_154 = arith.cmpi ne, %sign3A_146, %sign3A_153 : i32
    %rem3A_155 = arith.remsi %add3A_137, %jit3A_138 : i32
    %ne3A_156 = arith.constant 0 : i32
    %ne3A_157 = arith.cmpi ne, %rem3A_155, %ne3A_156 : i32
    %and3A_158 = arith.andi %ne3A_154, %ne3A_157 : i1
    %sub3A_159 = arith.constant 1 : i32
    %sub3A_160 = arith.subi %div3A_139, %sub3A_159 : i32
    %select_n3A_161 = arith.select %and3A_158, %sub3A_160, %div3A_139 : i32
    %jit3A_162 = arith.constant 40 : i32
    %eq3A_163 = arith.constant 0 : i32
    %eq3A_164 = arith.cmpi eq, %jit3A_162, %eq3A_163 : i32
    %jit3A_165 = arith.constant 1 : i32
    %select_n3A_166 = arith.select %eq3A_164, %jit3A_165, %jit3A_162 : i32
    %rem3A_167 = arith.remsi %add3A_137, %select_n3A_166 : i32
    %ne3A_168 = arith.constant 0 : i32
    %ne3A_169 = arith.cmpi ne, %rem3A_167, %ne3A_168 : i32
    %lt3A_170 = arith.constant 0 : i32
    %lt3A_171 = arith.cmpi slt, %rem3A_167, %lt3A_170 : i32
    %lt3A_172 = arith.constant 0 : i32
    %lt3A_173 = arith.cmpi slt, %select_n3A_166, %lt3A_172 : i32
    %ne3A_174 = arith.xori %lt3A_171, %lt3A_173 : i1
    %and3A_175 = arith.andi %ne3A_174, %ne3A_169 : i1
    %add3A_176 = arith.addi %rem3A_167, %select_n3A_166 : i32
    %select_n3A_177 = arith.select %and3A_175, %add3A_176, %rem3A_167 : i32
    %add3A_178 = arith.constant 0 : i32
    %add3A_179 = arith.addi %add3A_178, %select_n3A_177 : i32
    %mul3A_180 = arith.constant 128 : i32
    %mul3A_181 = arith.muli %add3A_179, %mul3A_180 : i32
    %multiple_of3A_182 = tpu.assume_multiple %mul3A_181, 128 : i32
    %dma_wait3A = arith.constant 0 : i32
    %dma_wait3A_183 = arith.constant 0 : i32
    %dma_wait3A_184 = tpu.memref_slice %arg2[%select_n3A_161, %dma_wait3A, %dma_wait3A_183, %multiple_of3A_182] : memref<8x81x4x5000xf32, #tpu.memory_space<hbm>> -> memref<1x81x4x128xf32, #tpu.memory_space<hbm>>
    %dma_wait3A_185 = tpu.memref_squeeze %dma_wait3A_184 : memref<1x81x4x128xf32, #tpu.memory_space<hbm>> -> memref<81x4x128xf32, #tpu.memory_space<hbm>>
    %dma_wait3A_186 = arith.constant 0 : i32
    %dma_wait3A_187 = arith.constant 0 : i32
    %dma_wait3A_188 = tpu.memref_slice %arg2[%select_n3A_161, %dma_wait3A_186, %dma_wait3A_187, %multiple_of3A_182] : memref<8x81x4x5000xf32, #tpu.memory_space<hbm>> -> memref<1x81x4x128xf32, #tpu.memory_space<hbm>>
    %dma_wait3A_189 = tpu.memref_squeeze %dma_wait3A_188 : memref<1x81x4x128xf32, #tpu.memory_space<hbm>> -> memref<81x4x128xf32, #tpu.memory_space<hbm>>
    tpu.wait_dma2 semaphore(%arg18 : memref<!tpu.dma_semaphore, #tpu.memory_space<semaphore_mem>>) src(%dma_wait3A_189 : memref<81x4x128xf32, #tpu.memory_space<hbm>>) dst(%arg6 : memref<81x4x128xf32, #tpu.memory_space<vmem>>)
    %dma_wait3A_190 = arith.constant 0 : i32
    %dma_wait3A_191 = tpu.memref_slice %arg4[%select_n3A_161, %dma_wait3A_190, %multiple_of3A_182] : memref<8x4x5000xf32, #tpu.memory_space<hbm>> -> memref<1x4x128xf32, #tpu.memory_space<hbm>>
    %dma_wait3A_192 = tpu.memref_squeeze %dma_wait3A_191 : memref<1x4x128xf32, #tpu.memory_space<hbm>> -> memref<4x128xf32, #tpu.memory_space<hbm>>
    %dma_wait3A_193 = arith.constant 0 : i32
    %dma_wait3A_194 = tpu.memref_slice %arg4[%select_n3A_161, %dma_wait3A_193, %multiple_of3A_182] : memref<8x4x5000xf32, #tpu.memory_space<hbm>> -> memref<1x4x128xf32, #tpu.memory_space<hbm>>
    %dma_wait3A_195 = tpu.memref_squeeze %dma_wait3A_194 : memref<1x4x128xf32, #tpu.memory_space<hbm>> -> memref<4x128xf32, #tpu.memory_space<hbm>>
    tpu.wait_dma2 semaphore(%arg18 : memref<!tpu.dma_semaphore, #tpu.memory_space<semaphore_mem>>) src(%dma_wait3A_195 : memref<4x128xf32, #tpu.memory_space<hbm>>) dst(%arg12 : memref<4x128xf32, #tpu.memory_space<vmem>>)
    %dma_wait3A_196 = arith.constant 0 : i32
    %dma_wait3A_197 = tpu.memref_slice %arg3[%select_n3A_161, %select_n3A_177, %dma_wait3A_196] : memref<8x40x128xi32, #tpu.memory_space<hbm>> -> memref<1x1x128xi32, #tpu.memory_space<hbm>>
    %dma_wait3A_198 = tpu.memref_squeeze %dma_wait3A_197 : memref<1x1x128xi32, #tpu.memory_space<hbm>> -> memref<128xi32, #tpu.memory_space<hbm>>
    %dma_wait3A_199 = arith.constant 0 : i32
    %dma_wait3A_200 = tpu.memref_slice %arg3[%select_n3A_161, %select_n3A_177, %dma_wait3A_199] : memref<8x40x128xi32, #tpu.memory_space<hbm>> -> memref<1x1x128xi32, #tpu.memory_space<hbm>>
    %dma_wait3A_201 = tpu.memref_squeeze %dma_wait3A_200 : memref<1x1x128xi32, #tpu.memory_space<hbm>> -> memref<128xi32, #tpu.memory_space<hbm>>
    tpu.wait_dma2 semaphore(%arg18 : memref<!tpu.dma_semaphore, #tpu.memory_space<semaphore_mem>>) src(%dma_wait3A_201 : memref<128xi32, #tpu.memory_space<hbm>>) dst(%arg9 : memref<128xi32, #tpu.memory_space<vmem>>)
    %mul3A_202 = arith.constant 10 : i32
    %mul3A_203 = arith.muli %add3A, %mul3A_202 : i32
    %add3A_204 = arith.constant 2 : i32
    %add3A_205 = arith.addi %mul3A_203, %add3A_204 : i32
    %jit3A_206 = arith.constant 40 : i32
    %div3A_207 = arith.divsi %add3A_205, %jit3A_206 : i32
    %sign3A_208 = arith.constant 0 : i32
    %sign3A_209 = arith.cmpi sgt, %add3A_205, %sign3A_208 : i32
    %sign3A_210 = arith.extui %sign3A_209 : i1 to i32
    %sign3A_211 = arith.constant 0 : i32
    %sign3A_212 = arith.cmpi slt, %add3A_205, %sign3A_211 : i32
    %sign3A_213 = arith.extui %sign3A_212 : i1 to i32
    %sign3A_214 = arith.subi %sign3A_210, %sign3A_213 : i32
    %sign3A_215 = arith.constant 0 : i32
    %sign3A_216 = arith.cmpi sgt, %jit3A_206, %sign3A_215 : i32
    %sign3A_217 = arith.extui %sign3A_216 : i1 to i32
    %sign3A_218 = arith.constant 0 : i32
    %sign3A_219 = arith.cmpi slt, %jit3A_206, %sign3A_218 : i32
    %sign3A_220 = arith.extui %sign3A_219 : i1 to i32
    %sign3A_221 = arith.subi %sign3A_217, %sign3A_220 : i32
    %ne3A_222 = arith.cmpi ne, %sign3A_214, %sign3A_221 : i32
    %rem3A_223 = arith.remsi %add3A_205, %jit3A_206 : i32
    %ne3A_224 = arith.constant 0 : i32
    %ne3A_225 = arith.cmpi ne, %rem3A_223, %ne3A_224 : i32
    %and3A_226 = arith.andi %ne3A_222, %ne3A_225 : i1
    %sub3A_227 = arith.constant 1 : i32
    %sub3A_228 = arith.subi %div3A_207, %sub3A_227 : i32
    %select_n3A_229 = arith.select %and3A_226, %sub3A_228, %div3A_207 : i32
    %jit3A_230 = arith.constant 40 : i32
    %eq3A_231 = arith.constant 0 : i32
    %eq3A_232 = arith.cmpi eq, %jit3A_230, %eq3A_231 : i32
    %jit3A_233 = arith.constant 1 : i32
    %select_n3A_234 = arith.select %eq3A_232, %jit3A_233, %jit3A_230 : i32
    %rem3A_235 = arith.remsi %add3A_205, %select_n3A_234 : i32
    %ne3A_236 = arith.constant 0 : i32
    %ne3A_237 = arith.cmpi ne, %rem3A_235, %ne3A_236 : i32
    %lt3A_238 = arith.constant 0 : i32
    %lt3A_239 = arith.cmpi slt, %rem3A_235, %lt3A_238 : i32
    %lt3A_240 = arith.constant 0 : i32
    %lt3A_241 = arith.cmpi slt, %select_n3A_234, %lt3A_240 : i32
    %ne3A_242 = arith.xori %lt3A_239, %lt3A_241 : i1
    %and3A_243 = arith.andi %ne3A_242, %ne3A_237 : i1
    %add3A_244 = arith.addi %rem3A_235, %select_n3A_234 : i32
    %select_n3A_245 = arith.select %and3A_243, %add3A_244, %rem3A_235 : i32
    %add3A_246 = arith.constant 0 : i32
    %add3A_247 = arith.addi %add3A_246, %select_n3A_245 : i32
    %mul3A_248 = arith.constant 128 : i32
    %mul3A_249 = arith.muli %add3A_247, %mul3A_248 : i32
    %multiple_of3A_250 = tpu.assume_multiple %mul3A_249, 128 : i32
    %dma_start3A_251 = arith.constant 0 : i32
    %dma_start3A_252 = arith.constant 0 : i32
    %dma_start3A_253 = tpu.memref_slice %arg2[%select_n3A_229, %dma_start3A_251, %dma_start3A_252, %multiple_of3A_250] : memref<8x81x4x5000xf32, #tpu.memory_space<hbm>> -> memref<1x81x4x128xf32, #tpu.memory_space<hbm>>
    %dma_start3A_254 = tpu.memref_squeeze %dma_start3A_253 : memref<1x81x4x128xf32, #tpu.memory_space<hbm>> -> memref<81x4x128xf32, #tpu.memory_space<hbm>>
    %dma_start3A_255 = arith.constant 0 : i32
    %dma_start3A_256 = arith.constant 0 : i32
    %dma_start3A_257 = tpu.memref_slice %arg2[%select_n3A_229, %dma_start3A_255, %dma_start3A_256, %multiple_of3A_250] : memref<8x81x4x5000xf32, #tpu.memory_space<hbm>> -> memref<1x81x4x128xf32, #tpu.memory_space<hbm>>
    %dma_start3A_258 = tpu.memref_squeeze %dma_start3A_257 : memref<1x81x4x128xf32, #tpu.memory_space<hbm>> -> memref<81x4x128xf32, #tpu.memory_space<hbm>>
    tpu.enqueue_dma source(%dma_start3A_258 : memref<81x4x128xf32, #tpu.memory_space<hbm>>) target(%arg8 : memref<81x4x128xf32, #tpu.memory_space<vmem>>) target_semaphore(%arg20 : memref<!tpu.dma_semaphore, #tpu.memory_space<semaphore_mem>>)
    %dma_start3A_259 = arith.constant 0 : i32
    %dma_start3A_260 = tpu.memref_slice %arg4[%select_n3A_229, %dma_start3A_259, %multiple_of3A_250] : memref<8x4x5000xf32, #tpu.memory_space<hbm>> -> memref<1x4x128xf32, #tpu.memory_space<hbm>>
    %dma_start3A_261 = tpu.memref_squeeze %dma_start3A_260 : memref<1x4x128xf32, #tpu.memory_space<hbm>> -> memref<4x128xf32, #tpu.memory_space<hbm>>
    %dma_start3A_262 = arith.constant 0 : i32
    %dma_start3A_263 = tpu.memref_slice %arg4[%select_n3A_229, %dma_start3A_262, %multiple_of3A_250] : memref<8x4x5000xf32, #tpu.memory_space<hbm>> -> memref<1x4x128xf32, #tpu.memory_space<hbm>>
    %dma_start3A_264 = tpu.memref_squeeze %dma_start3A_263 : memref<1x4x128xf32, #tpu.memory_space<hbm>> -> memref<4x128xf32, #tpu.memory_space<hbm>>
    tpu.enqueue_dma source(%dma_start3A_264 : memref<4x128xf32, #tpu.memory_space<hbm>>) target(%arg14 : memref<4x128xf32, #tpu.memory_space<vmem>>) target_semaphore(%arg20 : memref<!tpu.dma_semaphore, #tpu.memory_space<semaphore_mem>>)
    %dma_start3A_265 = arith.constant 0 : i32
    %dma_start3A_266 = tpu.memref_slice %arg3[%select_n3A_229, %select_n3A_245, %dma_start3A_265] : memref<8x40x128xi32, #tpu.memory_space<hbm>> -> memref<1x1x128xi32, #tpu.memory_space<hbm>>
    %dma_start3A_267 = tpu.memref_squeeze %dma_start3A_266 : memref<1x1x128xi32, #tpu.memory_space<hbm>> -> memref<128xi32, #tpu.memory_space<hbm>>
    %dma_start3A_268 = arith.constant 0 : i32
    %dma_start3A_269 = tpu.memref_slice %arg3[%select_n3A_229, %select_n3A_245, %dma_start3A_268] : memref<8x40x128xi32, #tpu.memory_space<hbm>> -> memref<1x1x128xi32, #tpu.memory_space<hbm>>
    %dma_start3A_270 = tpu.memref_squeeze %dma_start3A_269 : memref<1x1x128xi32, #tpu.memory_space<hbm>> -> memref<128xi32, #tpu.memory_space<hbm>>
    tpu.enqueue_dma source(%dma_start3A_270 : memref<128xi32, #tpu.memory_space<hbm>>) target(%arg11 : memref<128xi32, #tpu.memory_space<vmem>>) target_semaphore(%arg20 : memref<!tpu.dma_semaphore, #tpu.memory_space<semaphore_mem>>)
    %mul3A_271 = arith.constant 10 : i32
    %mul3A_272 = arith.muli %add3A, %mul3A_271 : i32
    %add3A_273 = arith.constant 0 : i32
    %add3A_274 = arith.addi %mul3A_272, %add3A_273 : i32
    %jit3A_275 = arith.constant 40 : i32
    %div3A_276 = arith.divsi %add3A_274, %jit3A_275 : i32
    %sign3A_277 = arith.constant 0 : i32
    %sign3A_278 = arith.cmpi sgt, %add3A_274, %sign3A_277 : i32
    %sign3A_279 = arith.extui %sign3A_278 : i1 to i32
    %sign3A_280 = arith.constant 0 : i32
    %sign3A_281 = arith.cmpi slt, %add3A_274, %sign3A_280 : i32
    %sign3A_282 = arith.extui %sign3A_281 : i1 to i32
    %sign3A_283 = arith.subi %sign3A_279, %sign3A_282 : i32
    %sign3A_284 = arith.constant 0 : i32
    %sign3A_285 = arith.cmpi sgt, %jit3A_275, %sign3A_284 : i32
    %sign3A_286 = arith.extui %sign3A_285 : i1 to i32
    %sign3A_287 = arith.constant 0 : i32
    %sign3A_288 = arith.cmpi slt, %jit3A_275, %sign3A_287 : i32
    %sign3A_289 = arith.extui %sign3A_288 : i1 to i32
    %sign3A_290 = arith.subi %sign3A_286, %sign3A_289 : i32
    %ne3A_291 = arith.cmpi ne, %sign3A_283, %sign3A_290 : i32
    %rem3A_292 = arith.remsi %add3A_274, %jit3A_275 : i32
    %ne3A_293 = arith.constant 0 : i32
    %ne3A_294 = arith.cmpi ne, %rem3A_292, %ne3A_293 : i32
    %and3A_295 = arith.andi %ne3A_291, %ne3A_294 : i1
    %sub3A_296 = arith.constant 1 : i32
    %sub3A_297 = arith.subi %div3A_276, %sub3A_296 : i32
    %select_n3A_298 = arith.select %and3A_295, %sub3A_297, %div3A_276 : i32
    %jit3A_299 = arith.constant 40 : i32
    %eq3A_300 = arith.constant 0 : i32
    %eq3A_301 = arith.cmpi eq, %jit3A_299, %eq3A_300 : i32
    %jit3A_302 = arith.constant 1 : i32
    %select_n3A_303 = arith.select %eq3A_301, %jit3A_302, %jit3A_299 : i32
    %rem3A_304 = arith.remsi %add3A_274, %select_n3A_303 : i32
    %ne3A_305 = arith.constant 0 : i32
    %ne3A_306 = arith.cmpi ne, %rem3A_304, %ne3A_305 : i32
    %lt3A_307 = arith.constant 0 : i32
    %lt3A_308 = arith.cmpi slt, %rem3A_304, %lt3A_307 : i32
    %lt3A_309 = arith.constant 0 : i32
    %lt3A_310 = arith.cmpi slt, %select_n3A_303, %lt3A_309 : i32
    %ne3A_311 = arith.xori %lt3A_308, %lt3A_310 : i1
    %and3A_312 = arith.andi %ne3A_311, %ne3A_306 : i1
    %add3A_313 = arith.addi %rem3A_304, %select_n3A_303 : i32
    %select_n3A_314 = arith.select %and3A_312, %add3A_313, %rem3A_304 : i32
    %add3A_315 = arith.constant 0 : i32
    %add3A_316 = arith.addi %add3A_315, %select_n3A_314 : i32
    %mul3A_317 = arith.constant 128 : i32
    %mul3A_318 = arith.muli %add3A_316, %mul3A_317 : i32
    %multiple_of3A_319 = tpu.assume_multiple %mul3A_318, 128 : i32
    %scan3A = arith.constant 0 : i32
    %scan3A_320 = arith.constant 0 : i32
    %scan3A_321 = arith.constant 8 : i32
    %scan3A_322 = arith.addi %scan3A_320, %scan3A_321 : i32
    %scan3A_323 = arith.constant 1 : i32
    scf.for %scan3A_3024 = %scan3A_320 to %scan3A_322 step %scan3A_323  : i32 {
      %mul3A_3025 = arith.constant 16 : i32
      %mul3A_3026 = arith.muli %scan3A_3024, %mul3A_3025 : i32
      %get3A = arith.index_cast %mul3A_3026 : i32 to index
      %get3A_3027 = tpu.vector_load %arg9[%get3A] {strides = array<i32>} : memref<128xi32, #tpu.memory_space<vmem>>, vector<16xi32>,
      %add3A_3028 = vector.broadcast %mul3A_3026 : i32 to vector<16xi32>
      %add3A_3029 = arith.addi %add3A_3028, %iota3A : vector<16xi32>
      %gather3A = tpu.vector_load_idx %arg6[%get3A_3027, %broadcast_in_dim3A_1, %add3A_3029] : memref<81x4x128xf32, #tpu.memory_space<vmem>>[vector<16xi32>, vector<16xi32>, vector<16xi32>], vector<16xf32>,
      %gather3A_3030 = tpu.vector_load_idx %arg6[%get3A_3027, %broadcast_in_dim3A_3, %add3A_3029] : memref<81x4x128xf32, #tpu.memory_space<vmem>>[vector<16xi32>, vector<16xi32>, vector<16xi32>], vector<16xf32>,
      %gather3A_3031 = tpu.vector_load_idx %arg6[%get3A_3027, %broadcast_in_dim3A_5, %add3A_3029] : memref<81x4x128xf32, #tpu.memory_space<vmem>>[vector<16xi32>, vector<16xi32>, vector<16xi32>], vector<16xf32>,
      %gather3A_3032 = tpu.vector_load_idx %arg6[%get3A_3027, %broadcast_in_dim3A_7, %add3A_3029] : memref<81x4x128xf32, #tpu.memory_space<vmem>>[vector<16xi32>, vector<16xi32>, vector<16xi32>], vector<16xf32>,
      %get3A_3033 = arith.constant 0 : i32
      %get3A_3034 = arith.index_cast %get3A_3033 : i32 to index
      %get3A_3035 = arith.index_cast %mul3A_3026 : i32 to index
      %get3A_3036 = tpu.vector_load %arg12[%get3A_3034, %get3A_3035] {strides = array<i32>} : memref<4x128xf32, #tpu.memory_space<vmem>>, vector<16xf32>,
      %get3A_3037 = arith.constant 1 : i32
      %get3A_3038 = arith.index_cast %get3A_3037 : i32 to index
      %get3A_3039 = arith.index_cast %mul3A_3026 : i32 to index
      %get3A_3040 = tpu.vector_load %arg12[%get3A_3038, %get3A_3039] {strides = array<i32>} : memref<4x128xf32, #tpu.memory_space<vmem>>, vector<16xf32>,
      %get3A_3041 = arith.constant 2 : i32
      %get3A_3042 = arith.index_cast %get3A_3041 : i32 to index
      %get3A_3043 = arith.index_cast %mul3A_3026 : i32 to index
      %get3A_3044 = tpu.vector_load %arg12[%get3A_3042, %get3A_3043] {strides = array<i32>} : memref<4x128xf32, #tpu.memory_space<vmem>>, vector<16xf32>,
      %get3A_3045 = arith.constant 3 : i32
      %get3A_3046 = arith.index_cast %get3A_3045 : i32 to index
      %get3A_3047 = arith.index_cast %mul3A_3026 : i32 to index
      %get3A_3048 = tpu.vector_load %arg12[%get3A_3046, %get3A_3047] {strides = array<i32>} : memref<4x128xf32, #tpu.memory_space<vmem>>, vector<16xf32>,
      %sub3A_3049 = arith.subf %get3A_3044, %get3A_3036 : vector<16xf32>
      %sub3A_3050 = arith.subf %get3A_3048, %get3A_3040 : vector<16xf32>
      %mul3A_3051 = arith.constant 5.000000e-01 : f32
      %mul3A_3052 = vector.broadcast %mul3A_3051 : f32 to vector<16xf32>
      %mul3A_3053 = arith.mulf %mul3A_3052, %sub3A_3049 : vector<16xf32>
      %add3A_3054 = arith.addf %get3A_3036, %mul3A_3053 : vector<16xf32>
      %mul3A_3055 = arith.constant 5.000000e-01 : f32
      %mul3A_3056 = vector.broadcast %mul3A_3055 : f32 to vector<16xf32>
      %mul3A_3057 = arith.mulf %mul3A_3056, %sub3A_3050 : vector<16xf32>
      %add3A_3058 = arith.addf %get3A_3040, %mul3A_3057 : vector<16xf32>
      %mul3A_3059 = arith.constant 2.000000e-01 : f32
      %mul3A_3060 = vector.broadcast %mul3A_3059 : f32 to vector<16xf32>
      %mul3A_3061 = arith.mulf %gather3A_3031, %mul3A_3060 : vector<16xf32>
      %jit3A_3062 = arith.constant -4.13516665 : f32
      %jit3A_3063 = arith.constant 4.13516665 : f32
      %max3A = vector.broadcast %jit3A_3062 : f32 to vector<16xf32>
      %max3A_3064 = arith.maximumf %max3A, %mul3A_3061 : vector<16xf32>
      %min3A = vector.broadcast %jit3A_3063 : f32 to vector<16xf32>
      %min3A_3065 = arith.minimumf %min3A, %max3A_3064 : vector<16xf32>
      %mul3A_3066 = arith.constant 2.000000e-01 : f32
      %mul3A_3067 = vector.broadcast %mul3A_3066 : f32 to vector<16xf32>
      %mul3A_3068 = arith.mulf %gather3A_3032, %mul3A_3067 : vector<16xf32>
      %jit3A_3069 = arith.constant -4.13516665 : f32
      %jit3A_3070 = arith.constant 4.13516665 : f32
      %max3A_3071 = vector.broadcast %jit3A_3069 : f32 to vector<16xf32>
      %max3A_3072 = arith.maximumf %max3A_3071, %mul3A_3068 : vector<16xf32>
      %min3A_3073 = vector.broadcast %jit3A_3070 : f32 to vector<16xf32>
      %min3A_3074 = arith.minimumf %min3A_3073, %max3A_3072 : vector<16xf32>
      %exp3A = math.exp %min3A_3065 : vector<16xf32>
      %mul3A_3075 = arith.mulf %sub3A_3049, %exp3A : vector<16xf32>
      %mul3A_3076 = arith.constant 5.000000e-01 : f32
      %mul3A_3077 = vector.broadcast %mul3A_3076 : f32 to vector<16xf32>
      %mul3A_3078 = arith.mulf %mul3A_3077, %mul3A_3075 : vector<16xf32>
      %exp3A_3079 = math.exp %min3A_3074 : vector<16xf32>
      %mul3A_3080 = arith.mulf %sub3A_3050, %exp3A_3079 : vector<16xf32>
      %mul3A_3081 = arith.constant 5.000000e-01 : f32
      %mul3A_3082 = vector.broadcast %mul3A_3081 : f32 to vector<16xf32>
      %mul3A_3083 = arith.mulf %mul3A_3082, %mul3A_3080 : vector<16xf32>
      %mul3A_3084 = arith.constant 1.000000e-01 : f32
      %mul3A_3085 = vector.broadcast %mul3A_3084 : f32 to vector<16xf32>
      %mul3A_3086 = arith.mulf %gather3A, %mul3A_3085 : vector<16xf32>
      %mul3A_3087 = arith.mulf %mul3A_3086, %sub3A_3049 : vector<16xf32>
      %add3A_3088 = arith.addf %add3A_3054, %mul3A_3087 : vector<16xf32>
      %mul3A_3089 = arith.constant 1.000000e-01 : f32
      %mul3A_3090 = vector.broadcast %mul3A_3089 : f32 to vector<16xf32>
      %mul3A_3091 = arith.mulf %gather3A_3030, %mul3A_3090 : vector<16xf32>
      %mul3A_3092 = arith.mulf %mul3A_3091, %sub3A_3050 : vector<16xf32>
      %add3A_3093 = arith.addf %add3A_3058, %mul3A_3092 : vector<16xf32>
      %sub3A_3094 = arith.subf %add3A_3088, %mul3A_3078 : vector<16xf32>
      %jit3A_3095 = arith.constant 0.000000e+00 : f32
      %jit3A_3096 = arith.constant 1.000000e+00 : f32
      %max3A_3097 = vector.broadcast %jit3A_3095 : f32 to vector<16xf32>
      %max3A_3098 = arith.maximumf %max3A_3097, %sub3A_3094 : vector<16xf32>
      %min3A_3099 = vector.broadcast %jit3A_3096 : f32 to vector<16xf32>
      %min3A_3100 = arith.minimumf %min3A_3099, %max3A_3098 : vector<16xf32>
      %swap3A = arith.constant 0 : i32
      %swap3A_3101 = arith.index_cast %swap3A : i32 to index
      %swap3A_3102 = arith.index_cast %mul3A_3026 : i32 to index
      %swap3A_3103 = tpu.vector_load %arg15[%swap3A_3101, %swap3A_3102] {strides = array<i32>} : memref<4x128xf32, #tpu.memory_space<vmem>>, vector<16xf32>,
      tpu.vector_store %arg15[%swap3A_3101, %swap3A_3102], %min3A_3100 {strides = array<i32>} : memref<4x128xf32, #tpu.memory_space<vmem>>, vector<16xf32>,
      %sub3A_3104 = arith.subf %add3A_3093, %mul3A_3083 : vector<16xf32>
      %jit3A_3105 = arith.constant 0.000000e+00 : f32
      %jit3A_3106 = arith.constant 1.000000e+00 : f32
      %max3A_3107 = vector.broadcast %jit3A_3105 : f32 to vector<16xf32>
      %max3A_3108 = arith.maximumf %max3A_3107, %sub3A_3104 : vector<16xf32>
      %min3A_3109 = vector.broadcast %jit3A_3106 : f32 to vector<16xf32>
      %min3A_3110 = arith.minimumf %min3A_3109, %max3A_3108 : vector<16xf32>
      %swap3A_3111 = arith.constant 1 : i32
      %swap3A_3112 = arith.index_cast %swap3A_3111 : i32 to index
      %swap3A_3113 = arith.index_cast %mul3A_3026 : i32 to index
      %swap3A_3114 = tpu.vector_load %arg15[%swap3A_3112, %swap3A_3113] {strides = array<i32>} : memref<4x128xf32, #tpu.memory_space<vmem>>, vector<16xf32>,
      tpu.vector_store %arg15[%swap3A_3112, %swap3A_3113], %min3A_3110 {strides = array<i32>} : memref<4x128xf32, #tpu.memory_space<vmem>>, vector<16xf32>,
      %add3A_3115 = arith.addf %add3A_3088, %mul3A_3078 : vector<16xf32>
      %jit3A_3116 = arith.constant 0.000000e+00 : f32
      %jit3A_3117 = arith.constant 1.000000e+00 : f32
      %max3A_3118 = vector.broadcast %jit3A_3116 : f32 to vector<16xf32>
      %max3A_3119 = arith.maximumf %max3A_3118, %add3A_3115 : vector<16xf32>
      %min3A_3120 = vector.broadcast %jit3A_3117 : f32 to vector<16xf32>
      %min3A_3121 = arith.minimumf %min3A_3120, %max3A_3119 : vector<16xf32>
      %swap3A_3122 = arith.constant 2 : i32
      %swap3A_3123 = arith.index_cast %swap3A_3122 : i32 to index
      %swap3A_3124 = arith.index_cast %mul3A_3026 : i32 to index
      %swap3A_3125 = tpu.vector_load %arg15[%swap3A_3123, %swap3A_3124] {strides = array<i32>} : memref<4x128xf32, #tpu.memory_space<vmem>>, vector<16xf32>,
      tpu.vector_store %arg15[%swap3A_3123, %swap3A_3124], %min3A_3121 {strides = array<i32>} : memref<4x128xf32, #tpu.memory_space<vmem>>, vector<16xf32>,
      %add3A_3126 = arith.addf %add3A_3093, %mul3A_3083 : vector<16xf32>
      %jit3A_3127 = arith.constant 0.000000e+00 : f32
      %jit3A_3128 = arith.constant 1.000000e+00 : f32
      %max3A_3129 = vector.broadcast %jit3A_3127 : f32 to vector<16xf32>
      %max3A_3130 = arith.maximumf %max3A_3129, %add3A_3126 : vector<16xf32>
      %min3A_3131 = vector.broadcast %jit3A_3128 : f32 to vector<16xf32>
      %min3A_3132 = arith.minimumf %min3A_3131, %max3A_3130 : vector<16xf32>
      %swap3A_3133 = arith.constant 3 : i32
      %swap3A_3134 = arith.index_cast %swap3A_3133 : i32 to index
      %swap3A_3135 = arith.index_cast %mul3A_3026 : i32 to index
      %swap3A_3136 = tpu.vector_load %arg15[%swap3A_3134, %swap3A_3135] {strides = array<i32>} : memref<4x128xf32, #tpu.memory_space<vmem>>, vector<16xf32>,
      tpu.vector_store %arg15[%swap3A_3134, %swap3A_3135], %min3A_3132 {strides = array<i32>} : memref<4x128xf32, #tpu.memory_space<vmem>>, vector<16xf32>,
    }
    %scan3A_324 = arith.constant 8 : i32
    %mul3A_325 = arith.constant 10 : i32
    %mul3A_326 = arith.muli %add3A, %mul3A_325 : i32
    %add3A_327 = arith.constant 0 : i32
    %add3A_328 = arith.addi %mul3A_326, %add3A_327 : i32
    %jit3A_329 = arith.constant 40 : i32
    %div3A_330 = arith.divsi %add3A_328, %jit3A_329 : i32
    %sign3A_331 = arith.constant 0 : i32
    %sign3A_332 = arith.cmpi sgt, %add3A_328, %sign3A_331 : i32
    %sign3A_333 = arith.extui %sign3A_332 : i1 to i32
    %sign3A_334 = arith.constant 0 : i32
    %sign3A_335 = arith.cmpi slt, %add3A_328, %sign3A_334 : i32
    %sign3A_336 = arith.extui %sign3A_335 : i1 to i32
    %sign3A_337 = arith.subi %sign3A_333, %sign3A_336 : i32
    %sign3A_338 = arith.constant 0 : i32
    %sign3A_339 = arith.cmpi sgt, %jit3A_329, %sign3A_338 : i32
    %sign3A_340 = arith.extui %sign3A_339 : i1 to i32
    %sign3A_341 = arith.constant 0 : i32
    %sign3A_342 = arith.cmpi slt, %jit3A_329, %sign3A_341 : i32
    %sign3A_343 = arith.extui %sign3A_342 : i1 to i32
    %sign3A_344 = arith.subi %sign3A_340, %sign3A_343 : i32
    %ne3A_345 = arith.cmpi ne, %sign3A_337, %sign3A_344 : i32
    %rem3A_346 = arith.remsi %add3A_328, %jit3A_329 : i32
    %ne3A_347 = arith.constant 0 : i32
    %ne3A_348 = arith.cmpi ne, %rem3A_346, %ne3A_347 : i32
    %and3A_349 = arith.andi %ne3A_345, %ne3A_348 : i1
    %sub3A_350 = arith.constant 1 : i32
    %sub3A_351 = arith.subi %div3A_330, %sub3A_350 : i32
    %select_n3A_352 = arith.select %and3A_349, %sub3A_351, %div3A_330 : i32
    %jit3A_353 = arith.constant 40 : i32
    %eq3A_354 = arith.constant 0 : i32
    %eq3A_355 = arith.cmpi eq, %jit3A_353, %eq3A_354 : i32
    %jit3A_356 = arith.constant 1 : i32
    %select_n3A_357 = arith.select %eq3A_355, %jit3A_356, %jit3A_353 : i32
    %rem3A_358 = arith.remsi %add3A_328, %select_n3A_357 : i32
    %ne3A_359 = arith.constant 0 : i32
    %ne3A_360 = arith.cmpi ne, %rem3A_358, %ne3A_359 : i32
    %lt3A_361 = arith.constant 0 : i32
    %lt3A_362 = arith.cmpi slt, %rem3A_358, %lt3A_361 : i32
    %lt3A_363 = arith.constant 0 : i32
    %lt3A_364 = arith.cmpi slt, %select_n3A_357, %lt3A_363 : i32
    %ne3A_365 = arith.xori %lt3A_362, %lt3A_364 : i1
    %and3A_366 = arith.andi %ne3A_365, %ne3A_360 : i1
    %add3A_367 = arith.addi %rem3A_358, %select_n3A_357 : i32
    %select_n3A_368 = arith.select %and3A_366, %add3A_367, %rem3A_358 : i32
    %add3A_369 = arith.constant 0 : i32
    %add3A_370 = arith.addi %add3A_369, %select_n3A_368 : i32
    %mul3A_371 = arith.constant 128 : i32
    %mul3A_372 = arith.muli %add3A_370, %mul3A_371 : i32
    %multiple_of3A_373 = tpu.assume_multiple %mul3A_372, 128 : i32
    %dma_start3A_374 = arith.constant 0 : i32
    %dma_start3A_375 = tpu.memref_slice %arg5[%select_n3A_298, %dma_start3A_374, %multiple_of3A_373] : memref<8x4x5000xf32, #tpu.memory_space<hbm>> -> memref<1x4x128xf32, #tpu.memory_space<hbm>>
    %dma_start3A_376 = tpu.memref_squeeze %dma_start3A_375 : memref<1x4x128xf32, #tpu.memory_space<hbm>> -> memref<4x128xf32, #tpu.memory_space<hbm>>
    %dma_start3A_377 = arith.constant 0 : i32
    %dma_start3A_378 = tpu.memref_slice %arg5[%select_n3A_298, %dma_start3A_377, %multiple_of3A_373] : memref<8x4x5000xf32, #tpu.memory_space<hbm>> -> memref<1x4x128xf32, #tpu.memory_space<hbm>>
    %dma_start3A_379 = tpu.memref_squeeze %dma_start3A_378 : memref<1x4x128xf32, #tpu.memory_space<hbm>> -> memref<4x128xf32, #tpu.memory_space<hbm>>
    tpu.enqueue_dma source(%arg15 : memref<4x128xf32, #tpu.memory_space<vmem>>) target(%dma_start3A_379 : memref<4x128xf32, #tpu.memory_space<hbm>>) target_semaphore(%arg21 : memref<!tpu.dma_semaphore, #tpu.memory_space<semaphore_mem>>)
    %mul3A_380 = arith.constant 10 : i32
    %mul3A_381 = arith.muli %add3A, %mul3A_380 : i32
    %add3A_382 = arith.constant 1 : i32
    %add3A_383 = arith.addi %mul3A_381, %add3A_382 : i32
    %jit3A_384 = arith.constant 40 : i32
    %div3A_385 = arith.divsi %add3A_383, %jit3A_384 : i32
    %sign3A_386 = arith.constant 0 : i32
    %sign3A_387 = arith.cmpi sgt, %add3A_383, %sign3A_386 : i32
    %sign3A_388 = arith.extui %sign3A_387 : i1 to i32
    %sign3A_389 = arith.constant 0 : i32
    %sign3A_390 = arith.cmpi slt, %add3A_383, %sign3A_389 : i32
    %sign3A_391 = arith.extui %sign3A_390 : i1 to i32
    %sign3A_392 = arith.subi %sign3A_388, %sign3A_391 : i32
    %sign3A_393 = arith.constant 0 : i32
    %sign3A_394 = arith.cmpi sgt, %jit3A_384, %sign3A_393 : i32
    %sign3A_395 = arith.extui %sign3A_394 : i1 to i32
    %sign3A_396 = arith.constant 0 : i32
    %sign3A_397 = arith.cmpi slt, %jit3A_384, %sign3A_396 : i32
    %sign3A_398 = arith.extui %sign3A_397 : i1 to i32
    %sign3A_399 = arith.subi %sign3A_395, %sign3A_398 : i32
    %ne3A_400 = arith.cmpi ne, %sign3A_392, %sign3A_399 : i32
    %rem3A_401 = arith.remsi %add3A_383, %jit3A_384 : i32
    %ne3A_402 = arith.constant 0 : i32
    %ne3A_403 = arith.cmpi ne, %rem3A_401, %ne3A_402 : i32
    %and3A_404 = arith.andi %ne3A_400, %ne3A_403 : i1
    %sub3A_405 = arith.constant 1 : i32
    %sub3A_406 = arith.subi %div3A_385, %sub3A_405 : i32
    %select_n3A_407 = arith.select %and3A_404, %sub3A_406, %div3A_385 : i32
    %jit3A_408 = arith.constant 40 : i32
    %eq3A_409 = arith.constant 0 : i32
    %eq3A_410 = arith.cmpi eq, %jit3A_408, %eq3A_409 : i32
    %jit3A_411 = arith.constant 1 : i32
    %select_n3A_412 = arith.select %eq3A_410, %jit3A_411, %jit3A_408 : i32
    %rem3A_413 = arith.remsi %add3A_383, %select_n3A_412 : i32
    %ne3A_414 = arith.constant 0 : i32
    %ne3A_415 = arith.cmpi ne, %rem3A_413, %ne3A_414 : i32
    %lt3A_416 = arith.constant 0 : i32
    %lt3A_417 = arith.cmpi slt, %rem3A_413, %lt3A_416 : i32
    %lt3A_418 = arith.constant 0 : i32
    %lt3A_419 = arith.cmpi slt, %select_n3A_412, %lt3A_418 : i32
    %ne3A_420 = arith.xori %lt3A_417, %lt3A_419 : i1
    %and3A_421 = arith.andi %ne3A_420, %ne3A_415 : i1
    %add3A_422 = arith.addi %rem3A_413, %select_n3A_412 : i32
    %select_n3A_423 = arith.select %and3A_421, %add3A_422, %rem3A_413 : i32
    %add3A_424 = arith.constant 0 : i32
    %add3A_425 = arith.addi %add3A_424, %select_n3A_423 : i32
    %mul3A_426 = arith.constant 128 : i32
    %mul3A_427 = arith.muli %add3A_425, %mul3A_426 : i32
    %multiple_of3A_428 = tpu.assume_multiple %mul3A_427, 128 : i32
    %dma_wait3A_429 = arith.constant 0 : i32
    %dma_wait3A_430 = arith.constant 0 : i32
    %dma_wait3A_431 = tpu.memref_slice %arg2[%select_n3A_407, %dma_wait3A_429, %dma_wait3A_430, %multiple_of3A_428] : memref<8x81x4x5000xf32, #tpu.memory_space<hbm>> -> memref<1x81x4x128xf32, #tpu.memory_space<hbm>>
    %dma_wait3A_432 = tpu.memref_squeeze %dma_wait3A_431 : memref<1x81x4x128xf32, #tpu.memory_space<hbm>> -> memref<81x4x128xf32, #tpu.memory_space<hbm>>
    %dma_wait3A_433 = arith.constant 0 : i32
    %dma_wait3A_434 = arith.constant 0 : i32
    %dma_wait3A_435 = tpu.memref_slice %arg2[%select_n3A_407, %dma_wait3A_433, %dma_wait3A_434, %multiple_of3A_428] : memref<8x81x4x5000xf32, #tpu.memory_space<hbm>> -> memref<1x81x4x128xf32, #tpu.memory_space<hbm>>
    %dma_wait3A_436 = tpu.memref_squeeze %dma_wait3A_435 : memref<1x81x4x128xf32, #tpu.memory_space<hbm>> -> memref<81x4x128xf32, #tpu.memory_space<hbm>>
    tpu.wait_dma2 semaphore(%arg19 : memref<!tpu.dma_semaphore, #tpu.memory_space<semaphore_mem>>) src(%dma_wait3A_436 : memref<81x4x128xf32, #tpu.memory_space<hbm>>) dst(%arg7 : memref<81x4x128xf32, #tpu.memory_space<vmem>>)
    %dma_wait3A_437 = arith.constant 0 : i32
    %dma_wait3A_438 = tpu.memref_slice %arg4[%select_n3A_407, %dma_wait3A_437, %multiple_of3A_428] : memref<8x4x5000xf32, #tpu.memory_space<hbm>> -> memref<1x4x128xf32, #tpu.memory_space<hbm>>
    %dma_wait3A_439 = tpu.memref_squeeze %dma_wait3A_438 : memref<1x4x128xf32, #tpu.memory_space<hbm>> -> memref<4x128xf32, #tpu.memory_space<hbm>>
    %dma_wait3A_440 = arith.constant 0 : i32
    %dma_wait3A_441 = tpu.memref_slice %arg4[%select_n3A_407, %dma_wait3A_440, %multiple_of3A_428] : memref<8x4x5000xf32, #tpu.memory_space<hbm>> -> memref<1x4x128xf32, #tpu.memory_space<hbm>>
    %dma_wait3A_442 = tpu.memref_squeeze %dma_wait3A_441 : memref<1x4x128xf32, #tpu.memory_space<hbm>> -> memref<4x128xf32, #tpu.memory_space<hbm>>
    tpu.wait_dma2 semaphore(%arg19 : memref<!tpu.dma_semaphore, #tpu.memory_space<semaphore_mem>>) src(%dma_wait3A_442 : memref<4x128xf32, #tpu.memory_space<hbm>>) dst(%arg13 : memref<4x128xf32, #tpu.memory_space<vmem>>)
    %dma_wait3A_443 = arith.constant 0 : i32
    %dma_wait3A_444 = tpu.memref_slice %arg3[%select_n3A_407, %select_n3A_423, %dma_wait3A_443] : memref<8x40x128xi32, #tpu.memory_space<hbm>> -> memref<1x1x128xi32, #tpu.memory_space<hbm>>
    %dma_wait3A_445 = tpu.memref_squeeze %dma_wait3A_444 : memref<1x1x128xi32, #tpu.memory_space<hbm>> -> memref<128xi32, #tpu.memory_space<hbm>>
    %dma_wait3A_446 = arith.constant 0 : i32
    %dma_wait3A_447 = tpu.memref_slice %arg3[%select_n3A_407, %select_n3A_423, %dma_wait3A_446] : memref<8x40x128xi32, #tpu.memory_space<hbm>> -> memref<1x1x128xi32, #tpu.memory_space<hbm>>
    %dma_wait3A_448 = tpu.memref_squeeze %dma_wait3A_447 : memref<1x1x128xi32, #tpu.memory_space<hbm>> -> memref<128xi32, #tpu.memory_space<hbm>>
    tpu.wait_dma2 semaphore(%arg19 : memref<!tpu.dma_semaphore, #tpu.memory_space<semaphore_mem>>) src(%dma_wait3A_448 : memref<128xi32, #tpu.memory_space<hbm>>) dst(%arg10 : memref<128xi32, #tpu.memory_space<vmem>>)
    %mul3A_449 = arith.constant 10 : i32
    %mul3A_450 = arith.muli %add3A, %mul3A_449 : i32
    %add3A_451 = arith.constant 3 : i32
    %add3A_452 = arith.addi %mul3A_450, %add3A_451 : i32
    %jit3A_453 = arith.constant 40 : i32
    %div3A_454 = arith.divsi %add3A_452, %jit3A_453 : i32
    %sign3A_455 = arith.constant 0 : i32
    %sign3A_456 = arith.cmpi sgt, %add3A_452, %sign3A_455 : i32
    %sign3A_457 = arith.extui %sign3A_456 : i1 to i32
    %sign3A_458 = arith.constant 0 : i32
    %sign3A_459 = arith.cmpi slt, %add3A_452, %sign3A_458 : i32
    %sign3A_460 = arith.extui %sign3A_459 : i1 to i32
    %sign3A_461 = arith.subi %sign3A_457, %sign3A_460 : i32
    %sign3A_462 = arith.constant 0 : i32
    %sign3A_463 = arith.cmpi sgt, %jit3A_453, %sign3A_462 : i32
    %sign3A_464 = arith.extui %sign3A_463 : i1 to i32
    %sign3A_465 = arith.constant 0 : i32
    %sign3A_466 = arith.cmpi slt, %jit3A_453, %sign3A_465 : i32
    %sign3A_467 = arith.extui %sign3A_466 : i1 to i32
    %sign3A_468 = arith.subi %sign3A_464, %sign3A_467 : i32
    %ne3A_469 = arith.cmpi ne, %sign3A_461, %sign3A_468 : i32
    %rem3A_470 = arith.remsi %add3A_452, %jit3A_453 : i32
    %ne3A_471 = arith.constant 0 : i32
    %ne3A_472 = arith.cmpi ne, %rem3A_470, %ne3A_471 : i32
    %and3A_473 = arith.andi %ne3A_469, %ne3A_472 : i1
    %sub3A_474 = arith.constant 1 : i32
    %sub3A_475 = arith.subi %div3A_454, %sub3A_474 : i32
    %select_n3A_476 = arith.select %and3A_473, %sub3A_475, %div3A_454 : i32
    %jit3A_477 = arith.constant 40 : i32
    %eq3A_478 = arith.constant 0 : i32
    %eq3A_479 = arith.cmpi eq, %jit3A_477, %eq3A_478 : i32
    %jit3A_480 = arith.constant 1 : i32
    %select_n3A_481 = arith.select %eq3A_479, %jit3A_480, %jit3A_477 : i32
    %rem3A_482 = arith.remsi %add3A_452, %select_n3A_481 : i32
    %ne3A_483 = arith.constant 0 : i32
    %ne3A_484 = arith.cmpi ne, %rem3A_482, %ne3A_483 : i32
    %lt3A_485 = arith.constant 0 : i32
    %lt3A_486 = arith.cmpi slt, %rem3A_482, %lt3A_485 : i32
    %lt3A_487 = arith.constant 0 : i32
    %lt3A_488 = arith.cmpi slt, %select_n3A_481, %lt3A_487 : i32
    %ne3A_489 = arith.xori %lt3A_486, %lt3A_488 : i1
    %and3A_490 = arith.andi %ne3A_489, %ne3A_484 : i1
    %add3A_491 = arith.addi %rem3A_482, %select_n3A_481 : i32
    %select_n3A_492 = arith.select %and3A_490, %add3A_491, %rem3A_482 : i32
    %add3A_493 = arith.constant 0 : i32
    %add3A_494 = arith.addi %add3A_493, %select_n3A_492 : i32
    %mul3A_495 = arith.constant 128 : i32
    %mul3A_496 = arith.muli %add3A_494, %mul3A_495 : i32
    %multiple_of3A_497 = tpu.assume_multiple %mul3A_496, 128 : i32
    %dma_start3A_498 = arith.constant 0 : i32
    %dma_start3A_499 = arith.constant 0 : i32
    %dma_start3A_500 = tpu.memref_slice %arg2[%select_n3A_476, %dma_start3A_498, %dma_start3A_499, %multiple_of3A_497] : memref<8x81x4x5000xf32, #tpu.memory_space<hbm>> -> memref<1x81x4x128xf32, #tpu.memory_space<hbm>>
    %dma_start3A_501 = tpu.memref_squeeze %dma_start3A_500 : memref<1x81x4x128xf32, #tpu.memory_space<hbm>> -> memref<81x4x128xf32, #tpu.memory_space<hbm>>
    %dma_start3A_502 = arith.constant 0 : i32
    %dma_start3A_503 = arith.constant 0 : i32
    %dma_start3A_504 = tpu.memref_slice %arg2[%select_n3A_476, %dma_start3A_502, %dma_start3A_503, %multiple_of3A_497] : memref<8x81x4x5000xf32, #tpu.memory_space<hbm>> -> memref<1x81x4x128xf32, #tpu.memory_space<hbm>>
    %dma_start3A_505 = tpu.memref_squeeze %dma_start3A_504 : memref<1x81x4x128xf32, #tpu.memory_space<hbm>> -> memref<81x4x128xf32, #tpu.memory_space<hbm>>
    tpu.enqueue_dma source(%dma_start3A_505 : memref<81x4x128xf32, #tpu.memory_space<hbm>>) target(%arg6 : memref<81x4x128xf32, #tpu.memory_space<vmem>>) target_semaphore(%arg18 : memref<!tpu.dma_semaphore, #tpu.memory_space<semaphore_mem>>)
    %dma_start3A_506 = arith.constant 0 : i32
    %dma_start3A_507 = tpu.memref_slice %arg4[%select_n3A_476, %dma_start3A_506, %multiple_of3A_497] : memref<8x4x5000xf32, #tpu.memory_space<hbm>> -> memref<1x4x128xf32, #tpu.memory_space<hbm>>
    %dma_start3A_508 = tpu.memref_squeeze %dma_start3A_507 : memref<1x4x128xf32, #tpu.memory_space<hbm>> -> memref<4x128xf32, #tpu.memory_space<hbm>>
    %dma_start3A_509 = arith.constant 0 : i32
    %dma_start3A_510 = tpu.memref_slice %arg4[%select_n3A_476, %dma_start3A_509, %multiple_of3A_497] : memref<8x4x5000xf32, #tpu.memory_space<hbm>> -> memref<1x4x128xf32, #tpu.memory_space<hbm>>
    %dma_start3A_511 = tpu.memref_squeeze %dma_start3A_510 : memref<1x4x128xf32, #tpu.memory_space<hbm>> -> memref<4x128xf32, #tpu.memory_space<hbm>>
    tpu.enqueue_dma source(%dma_start3A_511 : memref<4x128xf32, #tpu.memory_space<hbm>>) target(%arg12 : memref<4x128xf32, #tpu.memory_space<vmem>>) target_semaphore(%arg18 : memref<!tpu.dma_semaphore, #tpu.memory_space<semaphore_mem>>)
    %dma_start3A_512 = arith.constant 0 : i32
    %dma_start3A_513 = tpu.memref_slice %arg3[%select_n3A_476, %select_n3A_492, %dma_start3A_512] : memref<8x40x128xi32, #tpu.memory_space<hbm>> -> memref<1x1x128xi32, #tpu.memory_space<hbm>>
    %dma_start3A_514 = tpu.memref_squeeze %dma_start3A_513 : memref<1x1x128xi32, #tpu.memory_space<hbm>> -> memref<128xi32, #tpu.memory_space<hbm>>
    %dma_start3A_515 = arith.constant 0 : i32
    %dma_start3A_516 = tpu.memref_slice %arg3[%select_n3A_476, %select_n3A_492, %dma_start3A_515] : memref<8x40x128xi32, #tpu.memory_space<hbm>> -> memref<1x1x128xi32, #tpu.memory_space<hbm>>
    %dma_start3A_517 = tpu.memref_squeeze %dma_start3A_516 : memref<1x1x128xi32, #tpu.memory_space<hbm>> -> memref<128xi32, #tpu.memory_space<hbm>>
    tpu.enqueue_dma source(%dma_start3A_517 : memref<128xi32, #tpu.memory_space<hbm>>) target(%arg9 : memref<128xi32, #tpu.memory_space<vmem>>) target_semaphore(%arg18 : memref<!tpu.dma_semaphore, #tpu.memory_space<semaphore_mem>>)
    %mul3A_518 = arith.constant 10 : i32
    %mul3A_519 = arith.muli %add3A, %mul3A_518 : i32
    %add3A_520 = arith.constant 1 : i32
    %add3A_521 = arith.addi %mul3A_519, %add3A_520 : i32
    %jit3A_522 = arith.constant 40 : i32
    %div3A_523 = arith.divsi %add3A_521, %jit3A_522 : i32
    %sign3A_524 = arith.constant 0 : i32
    %sign3A_525 = arith.cmpi sgt, %add3A_521, %sign3A_524 : i32
    %sign3A_526 = arith.extui %sign3A_525 : i1 to i32
    %sign3A_527 = arith.constant 0 : i32
    %sign3A_528 = arith.cmpi slt, %add3A_521, %sign3A_527 : i32
    %sign3A_529 = arith.extui %sign3A_528 : i1 to i32
    %sign3A_530 = arith.subi %sign3A_526, %sign3A_529 : i32
    %sign3A_531 = arith.constant 0 : i32
    %sign3A_532 = arith.cmpi sgt, %jit3A_522, %sign3A_531 : i32
    %sign3A_533 = arith.extui %sign3A_532 : i1 to i32
    %sign3A_534 = arith.constant 0 : i32
    %sign3A_535 = arith.cmpi slt, %jit3A_522, %sign3A_534 : i32
    %sign3A_536 = arith.extui %sign3A_535 : i1 to i32
    %sign3A_537 = arith.subi %sign3A_533, %sign3A_536 : i32
    %ne3A_538 = arith.cmpi ne, %sign3A_530, %sign3A_537 : i32
    %rem3A_539 = arith.remsi %add3A_521, %jit3A_522 : i32
    %ne3A_540 = arith.constant 0 : i32
    %ne3A_541 = arith.cmpi ne, %rem3A_539, %ne3A_540 : i32
    %and3A_542 = arith.andi %ne3A_538, %ne3A_541 : i1
    %sub3A_543 = arith.constant 1 : i32
    %sub3A_544 = arith.subi %div3A_523, %sub3A_543 : i32
    %select_n3A_545 = arith.select %and3A_542, %sub3A_544, %div3A_523 : i32
    %jit3A_546 = arith.constant 40 : i32
    %eq3A_547 = arith.constant 0 : i32
    %eq3A_548 = arith.cmpi eq, %jit3A_546, %eq3A_547 : i32
    %jit3A_549 = arith.constant 1 : i32
    %select_n3A_550 = arith.select %eq3A_548, %jit3A_549, %jit3A_546 : i32
    %rem3A_551 = arith.remsi %add3A_521, %select_n3A_550 : i32
    %ne3A_552 = arith.constant 0 : i32
    %ne3A_553 = arith.cmpi ne, %rem3A_551, %ne3A_552 : i32
    %lt3A_554 = arith.constant 0 : i32
    %lt3A_555 = arith.cmpi slt, %rem3A_551, %lt3A_554 : i32
    %lt3A_556 = arith.constant 0 : i32
    %lt3A_557 = arith.cmpi slt, %select_n3A_550, %lt3A_556 : i32
    %ne3A_558 = arith.xori %lt3A_555, %lt3A_557 : i1
    %and3A_559 = arith.andi %ne3A_558, %ne3A_553 : i1
    %add3A_560 = arith.addi %rem3A_551, %select_n3A_550 : i32
    %select_n3A_561 = arith.select %and3A_559, %add3A_560, %rem3A_551 : i32
    %add3A_562 = arith.constant 0 : i32
    %add3A_563 = arith.addi %add3A_562, %select_n3A_561 : i32
    %mul3A_564 = arith.constant 128 : i32
    %mul3A_565 = arith.muli %add3A_563, %mul3A_564 : i32
    %multiple_of3A_566 = tpu.assume_multiple %mul3A_565, 128 : i32
    %scan3A_567 = arith.constant 0 : i32
    %scan3A_568 = arith.constant 0 : i32
    %scan3A_569 = arith.constant 8 : i32
    %scan3A_570 = arith.addi %scan3A_568, %scan3A_569 : i32
    %scan3A_571 = arith.constant 1 : i32
    scf.for %scan3A_3024 = %scan3A_568 to %scan3A_570 step %scan3A_571  : i32 {
      %mul3A_3025 = arith.constant 16 : i32
      %mul3A_3026 = arith.muli %scan3A_3024, %mul3A_3025 : i32
      %get3A = arith.index_cast %mul3A_3026 : i32 to index
      %get3A_3027 = tpu.vector_load %arg10[%get3A] {strides = array<i32>} : memref<128xi32, #tpu.memory_space<vmem>>, vector<16xi32>,
      %add3A_3028 = vector.broadcast %mul3A_3026 : i32 to vector<16xi32>
      %add3A_3029 = arith.addi %add3A_3028, %iota3A : vector<16xi32>
      %gather3A = tpu.vector_load_idx %arg7[%get3A_3027, %broadcast_in_dim3A_1, %add3A_3029] : memref<81x4x128xf32, #tpu.memory_space<vmem>>[vector<16xi32>, vector<16xi32>, vector<16xi32>], vector<16xf32>,
      %gather3A_3030 = tpu.vector_load_idx %arg7[%get3A_3027, %broadcast_in_dim3A_3, %add3A_3029] : memref<81x4x128xf32, #tpu.memory_space<vmem>>[vector<16xi32>, vector<16xi32>, vector<16xi32>], vector<16xf32>,
      %gather3A_3031 = tpu.vector_load_idx %arg7[%get3A_3027, %broadcast_in_dim3A_5, %add3A_3029] : memref<81x4x128xf32, #tpu.memory_space<vmem>>[vector<16xi32>, vector<16xi32>, vector<16xi32>], vector<16xf32>,
      %gather3A_3032 = tpu.vector_load_idx %arg7[%get3A_3027, %broadcast_in_dim3A_7, %add3A_3029] : memref<81x4x128xf32, #tpu.memory_space<vmem>>[vector<16xi32>, vector<16xi32>, vector<16xi32>], vector<16xf32>,
      %get3A_3033 = arith.constant 0 : i32
      %get3A_3034 = arith.index_cast %get3A_3033 : i32 to index
      %get3A_3035 = arith.index_cast %mul3A_3026 : i32 to index
      %get3A_3036 = tpu.vector_load %arg13[%get3A_3034, %get3A_3035] {strides = array<i32>} : memref<4x128xf32, #tpu.memory_space<vmem>>, vector<16xf32>,
      %get3A_3037 = arith.constant 1 : i32
      %get3A_3038 = arith.index_cast %get3A_3037 : i32 to index
      %get3A_3039 = arith.index_cast %mul3A_3026 : i32 to index
      %get3A_3040 = tpu.vector_load %arg13[%get3A_3038, %get3A_3039] {strides = array<i32>} : memref<4x128xf32, #tpu.memory_space<vmem>>, vector<16xf32>,
      %get3A_3041 = arith.constant 2 : i32
      %get3A_3042 = arith.index_cast %get3A_3041 : i32 to index
      %get3A_3043 = arith.index_cast %mul3A_3026 : i32 to index
      %get3A_3044 = tpu.vector_load %arg13[%get3A_3042, %get3A_3043] {strides = array<i32>} : memref<4x128xf32, #tpu.memory_space<vmem>>, vector<16xf32>,
      %get3A_3045 = arith.constant 3 : i32
      %get3A_3046 = arith.index_cast %get3A_3045 : i32 to index
      %get3A_3047 = arith.index_cast %mul3A_3026 : i32 to index
      %get3A_3048 = tpu.vector_load %arg13[%get3A_3046, %get3A_3047] {strides = array<i32>} : memref<4x128xf32, #tpu.memory_space<vmem>>, vector<16xf32>,
      %sub3A_3049 = arith.subf %get3A_3044, %get3A_3036 : vector<16xf32>
      %sub3A_3050 = arith.subf %get3A_3048, %get3A_3040 : vector<16xf32>
      %mul3A_3051 = arith.constant 5.000000e-01 : f32
      %mul3A_3052 = vector.broadcast %mul3A_3051 : f32 to vector<16xf32>
      %mul3A_3053 = arith.mulf %mul3A_3052, %sub3A_3049 : vector<16xf32>
      %add3A_3054 = arith.addf %get3A_3036, %mul3A_3053 : vector<16xf32>
      %mul3A_3055 = arith.constant 5.000000e-01 : f32
      %mul3A_3056 = vector.broadcast %mul3A_3055 : f32 to vector<16xf32>
      %mul3A_3057 = arith.mulf %mul3A_3056, %sub3A_3050 : vector<16xf32>
      %add3A_3058 = arith.addf %get3A_3040, %mul3A_3057 : vector<16xf32>
      %mul3A_3059 = arith.constant 2.000000e-01 : f32
      %mul3A_3060 = vector.broadcast %mul3A_3059 : f32 to vector<16xf32>
      %mul3A_3061 = arith.mulf %gather3A_3031, %mul3A_3060 : vector<16xf32>
      %jit3A_3062 = arith.constant -4.13516665 : f32
      %jit3A_3063 = arith.constant 4.13516665 : f32
      %max3A = vector.broadcast %jit3A_3062 : f32 to vector<16xf32>
      %max3A_3064 = arith.maximumf %max3A, %mul3A_3061 : vector<16xf32>
      %min3A = vector.broadcast %jit3A_3063 : f32 to vector<16xf32>
      %min3A_3065 = arith.minimumf %min3A, %max3A_3064 : vector<16xf32>
      %mul3A_3066 = arith.constant 2.000000e-01 : f32
      %mul3A_3067 = vector.broadcast %mul3A_3066 : f32 to vector<16xf32>
      %mul3A_3068 = arith.mulf %gather3A_3032, %mul3A_3067 : vector<16xf32>
      %jit3A_3069 = arith.constant -4.13516665 : f32
      %jit3A_3070 = arith.constant 4.13516665 : f32
      %max3A_3071 = vector.broadcast %jit3A_3069 : f32 to vector<16xf32>
      %max3A_3072 = arith.maximumf %max3A_3071, %mul3A_3068 : vector<16xf32>
      %min3A_3073 = vector.broadcast %jit3A_3070 : f32 to vector<16xf32>
      %min3A_3074 = arith.minimumf %min3A_3073, %max3A_3072 : vector<16xf32>
      %exp3A = math.exp %min3A_3065 : vector<16xf32>
      %mul3A_3075 = arith.mulf %sub3A_3049, %exp3A : vector<16xf32>
      %mul3A_3076 = arith.constant 5.000000e-01 : f32
      %mul3A_3077 = vector.broadcast %mul3A_3076 : f32 to vector<16xf32>
      %mul3A_3078 = arith.mulf %mul3A_3077, %mul3A_3075 : vector<16xf32>
      %exp3A_3079 = math.exp %min3A_3074 : vector<16xf32>
      %mul3A_3080 = arith.mulf %sub3A_3050, %exp3A_3079 : vector<16xf32>
      %mul3A_3081 = arith.constant 5.000000e-01 : f32
      %mul3A_3082 = vector.broadcast %mul3A_3081 : f32 to vector<16xf32>
      %mul3A_3083 = arith.mulf %mul3A_3082, %mul3A_3080 : vector<16xf32>
      %mul3A_3084 = arith.constant 1.000000e-01 : f32
      %mul3A_3085 = vector.broadcast %mul3A_3084 : f32 to vector<16xf32>
      %mul3A_3086 = arith.mulf %gather3A, %mul3A_3085 : vector<16xf32>
      %mul3A_3087 = arith.mulf %mul3A_3086, %sub3A_3049 : vector<16xf32>
      %add3A_3088 = arith.addf %add3A_3054, %mul3A_3087 : vector<16xf32>
      %mul3A_3089 = arith.constant 1.000000e-01 : f32
      %mul3A_3090 = vector.broadcast %mul3A_3089 : f32 to vector<16xf32>
      %mul3A_3091 = arith.mulf %gather3A_3030, %mul3A_3090 : vector<16xf32>
      %mul3A_3092 = arith.mulf %mul3A_3091, %sub3A_3050 : vector<16xf32>
      %add3A_3093 = arith.addf %add3A_3058, %mul3A_3092 : vector<16xf32>
      %sub3A_3094 = arith.subf %add3A_3088, %mul3A_3078 : vector<16xf32>
      %jit3A_3095 = arith.constant 0.000000e+00 : f32
      %jit3A_3096 = arith.constant 1.000000e+00 : f32
      %max3A_3097 = vector.broadcast %jit3A_3095 : f32 to vector<16xf32>
      %max3A_3098 = arith.maximumf %max3A_3097, %sub3A_3094 : vector<16xf32>
      %min3A_3099 = vector.broadcast %jit3A_3096 : f32 to vector<16xf32>
      %min3A_3100 = arith.minimumf %min3A_3099, %max3A_3098 : vector<16xf32>
      %swap3A = arith.constant 0 : i32
      %swap3A_3101 = arith.index_cast %swap3A : i32 to index
      %swap3A_3102 = arith.index_cast %mul3A_3026 : i32 to index
      %swap3A_3103 = tpu.vector_load %arg16[%swap3A_3101, %swap3A_3102] {strides = array<i32>} : memref<4x128xf32, #tpu.memory_space<vmem>>, vector<16xf32>,
      tpu.vector_store %arg16[%swap3A_3101, %swap3A_3102], %min3A_3100 {strides = array<i32>} : memref<4x128xf32, #tpu.memory_space<vmem>>, vector<16xf32>,
      %sub3A_3104 = arith.subf %add3A_3093, %mul3A_3083 : vector<16xf32>
      %jit3A_3105 = arith.constant 0.000000e+00 : f32
      %jit3A_3106 = arith.constant 1.000000e+00 : f32
      %max3A_3107 = vector.broadcast %jit3A_3105 : f32 to vector<16xf32>
      %max3A_3108 = arith.maximumf %max3A_3107, %sub3A_3104 : vector<16xf32>
      %min3A_3109 = vector.broadcast %jit3A_3106 : f32 to vector<16xf32>
      %min3A_3110 = arith.minimumf %min3A_3109, %max3A_3108 : vector<16xf32>
      %swap3A_3111 = arith.constant 1 : i32
      %swap3A_3112 = arith.index_cast %swap3A_3111 : i32 to index
      %swap3A_3113 = arith.index_cast %mul3A_3026 : i32 to index
      %swap3A_3114 = tpu.vector_load %arg16[%swap3A_3112, %swap3A_3113] {strides = array<i32>} : memref<4x128xf32, #tpu.memory_space<vmem>>, vector<16xf32>,
      tpu.vector_store %arg16[%swap3A_3112, %swap3A_3113], %min3A_3110 {strides = array<i32>} : memref<4x128xf32, #tpu.memory_space<vmem>>, vector<16xf32>,
      %add3A_3115 = arith.addf %add3A_3088, %mul3A_3078 : vector<16xf32>
      %jit3A_3116 = arith.constant 0.000000e+00 : f32
      %jit3A_3117 = arith.constant 1.000000e+00 : f32
      %max3A_3118 = vector.broadcast %jit3A_3116 : f32 to vector<16xf32>
      %max3A_3119 = arith.maximumf %max3A_3118, %add3A_3115 : vector<16xf32>
      %min3A_3120 = vector.broadcast %jit3A_3117 : f32 to vector<16xf32>
      %min3A_3121 = arith.minimumf %min3A_3120, %max3A_3119 : vector<16xf32>
      %swap3A_3122 = arith.constant 2 : i32
      %swap3A_3123 = arith.index_cast %swap3A_3122 : i32 to index
      %swap3A_3124 = arith.index_cast %mul3A_3026 : i32 to index
      %swap3A_3125 = tpu.vector_load %arg16[%swap3A_3123, %swap3A_3124] {strides = array<i32>} : memref<4x128xf32, #tpu.memory_space<vmem>>, vector<16xf32>,
      tpu.vector_store %arg16[%swap3A_3123, %swap3A_3124], %min3A_3121 {strides = array<i32>} : memref<4x128xf32, #tpu.memory_space<vmem>>, vector<16xf32>,
      %add3A_3126 = arith.addf %add3A_3093, %mul3A_3083 : vector<16xf32>
      %jit3A_3127 = arith.constant 0.000000e+00 : f32
      %jit3A_3128 = arith.constant 1.000000e+00 : f32
      %max3A_3129 = vector.broadcast %jit3A_3127 : f32 to vector<16xf32>
      %max3A_3130 = arith.maximumf %max3A_3129, %add3A_3126 : vector<16xf32>
      %min3A_3131 = vector.broadcast %jit3A_3128 : f32 to vector<16xf32>
      %min3A_3132 = arith.minimumf %min3A_3131, %max3A_3130 : vector<16xf32>
      %swap3A_3133 = arith.constant 3 : i32
      %swap3A_3134 = arith.index_cast %swap3A_3133 : i32 to index
      %swap3A_3135 = arith.index_cast %mul3A_3026 : i32 to index
      %swap3A_3136 = tpu.vector_load %arg16[%swap3A_3134, %swap3A_3135] {strides = array<i32>} : memref<4x128xf32, #tpu.memory_space<vmem>>, vector<16xf32>,
      tpu.vector_store %arg16[%swap3A_3134, %swap3A_3135], %min3A_3132 {strides = array<i32>} : memref<4x128xf32, #tpu.memory_space<vmem>>, vector<16xf32>,
    }
    %scan3A_572 = arith.constant 8 : i32
    %mul3A_573 = arith.constant 10 : i32
    %mul3A_574 = arith.muli %add3A, %mul3A_573 : i32
    %add3A_575 = arith.constant 1 : i32
    %add3A_576 = arith.addi %mul3A_574, %add3A_575 : i32
    %jit3A_577 = arith.constant 40 : i32
    %div3A_578 = arith.divsi %add3A_576, %jit3A_577 : i32
    %sign3A_579 = arith.constant 0 : i32
    %sign3A_580 = arith.cmpi sgt, %add3A_576, %sign3A_579 : i32
    %sign3A_581 = arith.extui %sign3A_580 : i1 to i32
    %sign3A_582 = arith.constant 0 : i32
    %sign3A_583 = arith.cmpi slt, %add3A_576, %sign3A_582 : i32
    %sign3A_584 = arith.extui %sign3A_583 : i1 to i32
    %sign3A_585 = arith.subi %sign3A_581, %sign3A_584 : i32
    %sign3A_586 = arith.constant 0 : i32
    %sign3A_587 = arith.cmpi sgt, %jit3A_577, %sign3A_586 : i32
    %sign3A_588 = arith.extui %sign3A_587 : i1 to i32
    %sign3A_589 = arith.constant 0 : i32
    %sign3A_590 = arith.cmpi slt, %jit3A_577, %sign3A_589 : i32
    %sign3A_591 = arith.extui %sign3A_590 : i1 to i32
    %sign3A_592 = arith.subi %sign3A_588, %sign3A_591 : i32
    %ne3A_593 = arith.cmpi ne, %sign3A_585, %sign3A_592 : i32
    %rem3A_594 = arith.remsi %add3A_576, %jit3A_577 : i32
    %ne3A_595 = arith.constant 0 : i32
    %ne3A_596 = arith.cmpi ne, %rem3A_594, %ne3A_595 : i32
    %and3A_597 = arith.andi %ne3A_593, %ne3A_596 : i1
    %sub3A_598 = arith.constant 1 : i32
    %sub3A_599 = arith.subi %div3A_578, %sub3A_598 : i32
    %select_n3A_600 = arith.select %and3A_597, %sub3A_599, %div3A_578 : i32
    %jit3A_601 = arith.constant 40 : i32
    %eq3A_602 = arith.constant 0 : i32
    %eq3A_603 = arith.cmpi eq, %jit3A_601, %eq3A_602 : i32
    %jit3A_604 = arith.constant 1 : i32
    %select_n3A_605 = arith.select %eq3A_603, %jit3A_604, %jit3A_601 : i32
    %rem3A_606 = arith.remsi %add3A_576, %select_n3A_605 : i32
    %ne3A_607 = arith.constant 0 : i32
    %ne3A_608 = arith.cmpi ne, %rem3A_606, %ne3A_607 : i32
    %lt3A_609 = arith.constant 0 : i32
    %lt3A_610 = arith.cmpi slt, %rem3A_606, %lt3A_609 : i32
    %lt3A_611 = arith.constant 0 : i32
    %lt3A_612 = arith.cmpi slt, %select_n3A_605, %lt3A_611 : i32
    %ne3A_613 = arith.xori %lt3A_610, %lt3A_612 : i1
    %and3A_614 = arith.andi %ne3A_613, %ne3A_608 : i1
    %add3A_615 = arith.addi %rem3A_606, %select_n3A_605 : i32
    %select_n3A_616 = arith.select %and3A_614, %add3A_615, %rem3A_606 : i32
    %add3A_617 = arith.constant 0 : i32
    %add3A_618 = arith.addi %add3A_617, %select_n3A_616 : i32
    %mul3A_619 = arith.constant 128 : i32
    %mul3A_620 = arith.muli %add3A_618, %mul3A_619 : i32
    %multiple_of3A_621 = tpu.assume_multiple %mul3A_620, 128 : i32
    %dma_start3A_622 = arith.constant 0 : i32
    %dma_start3A_623 = tpu.memref_slice %arg5[%select_n3A_545, %dma_start3A_622, %multiple_of3A_621] : memref<8x4x5000xf32, #tpu.memory_space<hbm>> -> memref<1x4x128xf32, #tpu.memory_space<hbm>>
    %dma_start3A_624 = tpu.memref_squeeze %dma_start3A_623 : memref<1x4x128xf32, #tpu.memory_space<hbm>> -> memref<4x128xf32, #tpu.memory_space<hbm>>
    %dma_start3A_625 = arith.constant 0 : i32
    %dma_start3A_626 = tpu.memref_slice %arg5[%select_n3A_545, %dma_start3A_625, %multiple_of3A_621] : memref<8x4x5000xf32, #tpu.memory_space<hbm>> -> memref<1x4x128xf32, #tpu.memory_space<hbm>>
    %dma_start3A_627 = tpu.memref_squeeze %dma_start3A_626 : memref<1x4x128xf32, #tpu.memory_space<hbm>> -> memref<4x128xf32, #tpu.memory_space<hbm>>
    tpu.enqueue_dma source(%arg16 : memref<4x128xf32, #tpu.memory_space<vmem>>) target(%dma_start3A_627 : memref<4x128xf32, #tpu.memory_space<hbm>>) target_semaphore(%arg22 : memref<!tpu.dma_semaphore, #tpu.memory_space<semaphore_mem>>)
    %mul3A_628 = arith.constant 10 : i32
    %mul3A_629 = arith.muli %add3A, %mul3A_628 : i32
    %add3A_630 = arith.constant 2 : i32
    %add3A_631 = arith.addi %mul3A_629, %add3A_630 : i32
    %jit3A_632 = arith.constant 40 : i32
    %div3A_633 = arith.divsi %add3A_631, %jit3A_632 : i32
    %sign3A_634 = arith.constant 0 : i32
    %sign3A_635 = arith.cmpi sgt, %add3A_631, %sign3A_634 : i32
    %sign3A_636 = arith.extui %sign3A_635 : i1 to i32
    %sign3A_637 = arith.constant 0 : i32
    %sign3A_638 = arith.cmpi slt, %add3A_631, %sign3A_637 : i32
    %sign3A_639 = arith.extui %sign3A_638 : i1 to i32
    %sign3A_640 = arith.subi %sign3A_636, %sign3A_639 : i32
    %sign3A_641 = arith.constant 0 : i32
    %sign3A_642 = arith.cmpi sgt, %jit3A_632, %sign3A_641 : i32
    %sign3A_643 = arith.extui %sign3A_642 : i1 to i32
    %sign3A_644 = arith.constant 0 : i32
    %sign3A_645 = arith.cmpi slt, %jit3A_632, %sign3A_644 : i32
    %sign3A_646 = arith.extui %sign3A_645 : i1 to i32
    %sign3A_647 = arith.subi %sign3A_643, %sign3A_646 : i32
    %ne3A_648 = arith.cmpi ne, %sign3A_640, %sign3A_647 : i32
    %rem3A_649 = arith.remsi %add3A_631, %jit3A_632 : i32
    %ne3A_650 = arith.constant 0 : i32
    %ne3A_651 = arith.cmpi ne, %rem3A_649, %ne3A_650 : i32
    %and3A_652 = arith.andi %ne3A_648, %ne3A_651 : i1
    %sub3A_653 = arith.constant 1 : i32
    %sub3A_654 = arith.subi %div3A_633, %sub3A_653 : i32
    %select_n3A_655 = arith.select %and3A_652, %sub3A_654, %div3A_633 : i32
    %jit3A_656 = arith.constant 40 : i32
    %eq3A_657 = arith.constant 0 : i32
    %eq3A_658 = arith.cmpi eq, %jit3A_656, %eq3A_657 : i32
    %jit3A_659 = arith.constant 1 : i32
    %select_n3A_660 = arith.select %eq3A_658, %jit3A_659, %jit3A_656 : i32
    %rem3A_661 = arith.remsi %add3A_631, %select_n3A_660 : i32
    %ne3A_662 = arith.constant 0 : i32
    %ne3A_663 = arith.cmpi ne, %rem3A_661, %ne3A_662 : i32
    %lt3A_664 = arith.constant 0 : i32
    %lt3A_665 = arith.cmpi slt, %rem3A_661, %lt3A_664 : i32
    %lt3A_666 = arith.constant 0 : i32
    %lt3A_667 = arith.cmpi slt, %select_n3A_660, %lt3A_666 : i32
    %ne3A_668 = arith.xori %lt3A_665, %lt3A_667 : i1
    %and3A_669 = arith.andi %ne3A_668, %ne3A_663 : i1
    %add3A_670 = arith.addi %rem3A_661, %select_n3A_660 : i32
    %select_n3A_671 = arith.select %and3A_669, %add3A_670, %rem3A_661 : i32
    %add3A_672 = arith.constant 0 : i32
    %add3A_673 = arith.addi %add3A_672, %select_n3A_671 : i32
    %mul3A_674 = arith.constant 128 : i32
    %mul3A_675 = arith.muli %add3A_673, %mul3A_674 : i32
    %multiple_of3A_676 = tpu.assume_multiple %mul3A_675, 128 : i32
    %dma_wait3A_677 = arith.constant 0 : i32
    %dma_wait3A_678 = arith.constant 0 : i32
    %dma_wait3A_679 = tpu.memref_slice %arg2[%select_n3A_655, %dma_wait3A_677, %dma_wait3A_678, %multiple_of3A_676] : memref<8x81x4x5000xf32, #tpu.memory_space<hbm>> -> memref<1x81x4x128xf32, #tpu.memory_space<hbm>>
    %dma_wait3A_680 = tpu.memref_squeeze %dma_wait3A_679 : memref<1x81x4x128xf32, #tpu.memory_space<hbm>> -> memref<81x4x128xf32, #tpu.memory_space<hbm>>
    %dma_wait3A_681 = arith.constant 0 : i32
    %dma_wait3A_682 = arith.constant 0 : i32
    %dma_wait3A_683 = tpu.memref_slice %arg2[%select_n3A_655, %dma_wait3A_681, %dma_wait3A_682, %multiple_of3A_676] : memref<8x81x4x5000xf32, #tpu.memory_space<hbm>> -> memref<1x81x4x128xf32, #tpu.memory_space<hbm>>
    %dma_wait3A_684 = tpu.memref_squeeze %dma_wait3A_683 : memref<1x81x4x128xf32, #tpu.memory_space<hbm>> -> memref<81x4x128xf32, #tpu.memory_space<hbm>>
    tpu.wait_dma2 semaphore(%arg20 : memref<!tpu.dma_semaphore, #tpu.memory_space<semaphore_mem>>) src(%dma_wait3A_684 : memref<81x4x128xf32, #tpu.memory_space<hbm>>) dst(%arg8 : memref<81x4x128xf32, #tpu.memory_space<vmem>>)
    %dma_wait3A_685 = arith.constant 0 : i32
    %dma_wait3A_686 = tpu.memref_slice %arg4[%select_n3A_655, %dma_wait3A_685, %multiple_of3A_676] : memref<8x4x5000xf32, #tpu.memory_space<hbm>> -> memref<1x4x128xf32, #tpu.memory_space<hbm>>
    %dma_wait3A_687 = tpu.memref_squeeze %dma_wait3A_686 : memref<1x4x128xf32, #tpu.memory_space<hbm>> -> memref<4x128xf32, #tpu.memory_space<hbm>>
    %dma_wait3A_688 = arith.constant 0 : i32
    %dma_wait3A_689 = tpu.memref_slice %arg4[%select_n3A_655, %dma_wait3A_688, %multiple_of3A_676] : memref<8x4x5000xf32, #tpu.memory_space<hbm>> -> memref<1x4x128xf32, #tpu.memory_space<hbm>>
    %dma_wait3A_690 = tpu.memref_squeeze %dma_wait3A_689 : memref<1x4x128xf32, #tpu.memory_space<hbm>> -> memref<4x128xf32, #tpu.memory_space<hbm>>
    tpu.wait_dma2 semaphore(%arg20 : memref<!tpu.dma_semaphore, #tpu.memory_space<semaphore_mem>>) src(%dma_wait3A_690 : memref<4x128xf32, #tpu.memory_space<hbm>>) dst(%arg14 : memref<4x128xf32, #tpu.memory_space<vmem>>)
    %dma_wait3A_691 = arith.constant 0 : i32
    %dma_wait3A_692 = tpu.memref_slice %arg3[%select_n3A_655, %select_n3A_671, %dma_wait3A_691] : memref<8x40x128xi32, #tpu.memory_space<hbm>> -> memref<1x1x128xi32, #tpu.memory_space<hbm>>
    %dma_wait3A_693 = tpu.memref_squeeze %dma_wait3A_692 : memref<1x1x128xi32, #tpu.memory_space<hbm>> -> memref<128xi32, #tpu.memory_space<hbm>>
    %dma_wait3A_694 = arith.constant 0 : i32
    %dma_wait3A_695 = tpu.memref_slice %arg3[%select_n3A_655, %select_n3A_671, %dma_wait3A_694] : memref<8x40x128xi32, #tpu.memory_space<hbm>> -> memref<1x1x128xi32, #tpu.memory_space<hbm>>
    %dma_wait3A_696 = tpu.memref_squeeze %dma_wait3A_695 : memref<1x1x128xi32, #tpu.memory_space<hbm>> -> memref<128xi32, #tpu.memory_space<hbm>>
    tpu.wait_dma2 semaphore(%arg20 : memref<!tpu.dma_semaphore, #tpu.memory_space<semaphore_mem>>) src(%dma_wait3A_696 : memref<128xi32, #tpu.memory_space<hbm>>) dst(%arg11 : memref<128xi32, #tpu.memory_space<vmem>>)
    %mul3A_697 = arith.constant 10 : i32
    %mul3A_698 = arith.muli %add3A, %mul3A_697 : i32
    %add3A_699 = arith.constant 4 : i32
    %add3A_700 = arith.addi %mul3A_698, %add3A_699 : i32
    %jit3A_701 = arith.constant 40 : i32
    %div3A_702 = arith.divsi %add3A_700, %jit3A_701 : i32
    %sign3A_703 = arith.constant 0 : i32
    %sign3A_704 = arith.cmpi sgt, %add3A_700, %sign3A_703 : i32
    %sign3A_705 = arith.extui %sign3A_704 : i1 to i32
    %sign3A_706 = arith.constant 0 : i32
    %sign3A_707 = arith.cmpi slt, %add3A_700, %sign3A_706 : i32
    %sign3A_708 = arith.extui %sign3A_707 : i1 to i32
    %sign3A_709 = arith.subi %sign3A_705, %sign3A_708 : i32
    %sign3A_710 = arith.constant 0 : i32
    %sign3A_711 = arith.cmpi sgt, %jit3A_701, %sign3A_710 : i32
    %sign3A_712 = arith.extui %sign3A_711 : i1 to i32
    %sign3A_713 = arith.constant 0 : i32
    %sign3A_714 = arith.cmpi slt, %jit3A_701, %sign3A_713 : i32
    %sign3A_715 = arith.extui %sign3A_714 : i1 to i32
    %sign3A_716 = arith.subi %sign3A_712, %sign3A_715 : i32
    %ne3A_717 = arith.cmpi ne, %sign3A_709, %sign3A_716 : i32
    %rem3A_718 = arith.remsi %add3A_700, %jit3A_701 : i32
    %ne3A_719 = arith.constant 0 : i32
    %ne3A_720 = arith.cmpi ne, %rem3A_718, %ne3A_719 : i32
    %and3A_721 = arith.andi %ne3A_717, %ne3A_720 : i1
    %sub3A_722 = arith.constant 1 : i32
    %sub3A_723 = arith.subi %div3A_702, %sub3A_722 : i32
    %select_n3A_724 = arith.select %and3A_721, %sub3A_723, %div3A_702 : i32
    %jit3A_725 = arith.constant 40 : i32
    %eq3A_726 = arith.constant 0 : i32
    %eq3A_727 = arith.cmpi eq, %jit3A_725, %eq3A_726 : i32
    %jit3A_728 = arith.constant 1 : i32
    %select_n3A_729 = arith.select %eq3A_727, %jit3A_728, %jit3A_725 : i32
    %rem3A_730 = arith.remsi %add3A_700, %select_n3A_729 : i32
    %ne3A_731 = arith.constant 0 : i32
    %ne3A_732 = arith.cmpi ne, %rem3A_730, %ne3A_731 : i32
    %lt3A_733 = arith.constant 0 : i32
    %lt3A_734 = arith.cmpi slt, %rem3A_730, %lt3A_733 : i32
    %lt3A_735 = arith.constant 0 : i32
    %lt3A_736 = arith.cmpi slt, %select_n3A_729, %lt3A_735 : i32
    %ne3A_737 = arith.xori %lt3A_734, %lt3A_736 : i1
    %and3A_738 = arith.andi %ne3A_737, %ne3A_732 : i1
    %add3A_739 = arith.addi %rem3A_730, %select_n3A_729 : i32
    %select_n3A_740 = arith.select %and3A_738, %add3A_739, %rem3A_730 : i32
    %add3A_741 = arith.constant 0 : i32
    %add3A_742 = arith.addi %add3A_741, %select_n3A_740 : i32
    %mul3A_743 = arith.constant 128 : i32
    %mul3A_744 = arith.muli %add3A_742, %mul3A_743 : i32
    %multiple_of3A_745 = tpu.assume_multiple %mul3A_744, 128 : i32
    %dma_start3A_746 = arith.constant 0 : i32
    %dma_start3A_747 = arith.constant 0 : i32
    %dma_start3A_748 = tpu.memref_slice %arg2[%select_n3A_724, %dma_start3A_746, %dma_start3A_747, %multiple_of3A_745] : memref<8x81x4x5000xf32, #tpu.memory_space<hbm>> -> memref<1x81x4x128xf32, #tpu.memory_space<hbm>>
    %dma_start3A_749 = tpu.memref_squeeze %dma_start3A_748 : memref<1x81x4x128xf32, #tpu.memory_space<hbm>> -> memref<81x4x128xf32, #tpu.memory_space<hbm>>
    %dma_start3A_750 = arith.constant 0 : i32
    %dma_start3A_751 = arith.constant 0 : i32
    %dma_start3A_752 = tpu.memref_slice %arg2[%select_n3A_724, %dma_start3A_750, %dma_start3A_751, %multiple_of3A_745] : memref<8x81x4x5000xf32, #tpu.memory_space<hbm>> -> memref<1x81x4x128xf32, #tpu.memory_space<hbm>>
    %dma_start3A_753 = tpu.memref_squeeze %dma_start3A_752 : memref<1x81x4x128xf32, #tpu.memory_space<hbm>> -> memref<81x4x128xf32, #tpu.memory_space<hbm>>
    tpu.enqueue_dma source(%dma_start3A_753 : memref<81x4x128xf32, #tpu.memory_space<hbm>>) target(%arg7 : memref<81x4x128xf32, #tpu.memory_space<vmem>>) target_semaphore(%arg19 : memref<!tpu.dma_semaphore, #tpu.memory_space<semaphore_mem>>)
    %dma_start3A_754 = arith.constant 0 : i32
    %dma_start3A_755 = tpu.memref_slice %arg4[%select_n3A_724, %dma_start3A_754, %multiple_of3A_745] : memref<8x4x5000xf32, #tpu.memory_space<hbm>> -> memref<1x4x128xf32, #tpu.memory_space<hbm>>
    %dma_start3A_756 = tpu.memref_squeeze %dma_start3A_755 : memref<1x4x128xf32, #tpu.memory_space<hbm>> -> memref<4x128xf32, #tpu.memory_space<hbm>>
    %dma_start3A_757 = arith.constant 0 : i32
    %dma_start3A_758 = tpu.memref_slice %arg4[%select_n3A_724, %dma_start3A_757, %multiple_of3A_745] : memref<8x4x5000xf32, #tpu.memory_space<hbm>> -> memref<1x4x128xf32, #tpu.memory_space<hbm>>
    %dma_start3A_759 = tpu.memref_squeeze %dma_start3A_758 : memref<1x4x128xf32, #tpu.memory_space<hbm>> -> memref<4x128xf32, #tpu.memory_space<hbm>>
    tpu.enqueue_dma source(%dma_start3A_759 : memref<4x128xf32, #tpu.memory_space<hbm>>) target(%arg13 : memref<4x128xf32, #tpu.memory_space<vmem>>) target_semaphore(%arg19 : memref<!tpu.dma_semaphore, #tpu.memory_space<semaphore_mem>>)
    %dma_start3A_760 = arith.constant 0 : i32
    %dma_start3A_761 = tpu.memref_slice %arg3[%select_n3A_724, %select_n3A_740, %dma_start3A_760] : memref<8x40x128xi32, #tpu.memory_space<hbm>> -> memref<1x1x128xi32, #tpu.memory_space<hbm>>
    %dma_start3A_762 = tpu.memref_squeeze %dma_start3A_761 : memref<1x1x128xi32, #tpu.memory_space<hbm>> -> memref<128xi32, #tpu.memory_space<hbm>>
    %dma_start3A_763 = arith.constant 0 : i32
    %dma_start3A_764 = tpu.memref_slice %arg3[%select_n3A_724, %select_n3A_740, %dma_start3A_763] : memref<8x40x128xi32, #tpu.memory_space<hbm>> -> memref<1x1x128xi32, #tpu.memory_space<hbm>>
    %dma_start3A_765 = tpu.memref_squeeze %dma_start3A_764 : memref<1x1x128xi32, #tpu.memory_space<hbm>> -> memref<128xi32, #tpu.memory_space<hbm>>
    tpu.enqueue_dma source(%dma_start3A_765 : memref<128xi32, #tpu.memory_space<hbm>>) target(%arg10 : memref<128xi32, #tpu.memory_space<vmem>>) target_semaphore(%arg19 : memref<!tpu.dma_semaphore, #tpu.memory_space<semaphore_mem>>)
    %mul3A_766 = arith.constant 10 : i32
    %mul3A_767 = arith.muli %add3A, %mul3A_766 : i32
    %add3A_768 = arith.constant 2 : i32
    %add3A_769 = arith.addi %mul3A_767, %add3A_768 : i32
    %jit3A_770 = arith.constant 40 : i32
    %div3A_771 = arith.divsi %add3A_769, %jit3A_770 : i32
    %sign3A_772 = arith.constant 0 : i32
    %sign3A_773 = arith.cmpi sgt, %add3A_769, %sign3A_772 : i32
    %sign3A_774 = arith.extui %sign3A_773 : i1 to i32
    %sign3A_775 = arith.constant 0 : i32
    %sign3A_776 = arith.cmpi slt, %add3A_769, %sign3A_775 : i32
    %sign3A_777 = arith.extui %sign3A_776 : i1 to i32
    %sign3A_778 = arith.subi %sign3A_774, %sign3A_777 : i32
    %sign3A_779 = arith.constant 0 : i32
    %sign3A_780 = arith.cmpi sgt, %jit3A_770, %sign3A_779 : i32
    %sign3A_781 = arith.extui %sign3A_780 : i1 to i32
    %sign3A_782 = arith.constant 0 : i32
    %sign3A_783 = arith.cmpi slt, %jit3A_770, %sign3A_782 : i32
    %sign3A_784 = arith.extui %sign3A_783 : i1 to i32
    %sign3A_785 = arith.subi %sign3A_781, %sign3A_784 : i32
    %ne3A_786 = arith.cmpi ne, %sign3A_778, %sign3A_785 : i32
    %rem3A_787 = arith.remsi %add3A_769, %jit3A_770 : i32
    %ne3A_788 = arith.constant 0 : i32
    %ne3A_789 = arith.cmpi ne, %rem3A_787, %ne3A_788 : i32
    %and3A_790 = arith.andi %ne3A_786, %ne3A_789 : i1
    %sub3A_791 = arith.constant 1 : i32
    %sub3A_792 = arith.subi %div3A_771, %sub3A_791 : i32
    %select_n3A_793 = arith.select %and3A_790, %sub3A_792, %div3A_771 : i32
    %jit3A_794 = arith.constant 40 : i32
    %eq3A_795 = arith.constant 0 : i32
    %eq3A_796 = arith.cmpi eq, %jit3A_794, %eq3A_795 : i32
    %jit3A_797 = arith.constant 1 : i32
    %select_n3A_798 = arith.select %eq3A_796, %jit3A_797, %jit3A_794 : i32
    %rem3A_799 = arith.remsi %add3A_769, %select_n3A_798 : i32
    %ne3A_800 = arith.constant 0 : i32
    %ne3A_801 = arith.cmpi ne, %rem3A_799, %ne3A_800 : i32
    %lt3A_802 = arith.constant 0 : i32
    %lt3A_803 = arith.cmpi slt, %rem3A_799, %lt3A_802 : i32
    %lt3A_804 = arith.constant 0 : i32
    %lt3A_805 = arith.cmpi slt, %select_n3A_798, %lt3A_804 : i32
    %ne3A_806 = arith.xori %lt3A_803, %lt3A_805 : i1
    %and3A_807 = arith.andi %ne3A_806, %ne3A_801 : i1
    %add3A_808 = arith.addi %rem3A_799, %select_n3A_798 : i32
    %select_n3A_809 = arith.select %and3A_807, %add3A_808, %rem3A_799 : i32
    %add3A_810 = arith.constant 0 : i32
    %add3A_811 = arith.addi %add3A_810, %select_n3A_809 : i32
    %mul3A_812 = arith.constant 128 : i32
    %mul3A_813 = arith.muli %add3A_811, %mul3A_812 : i32
    %multiple_of3A_814 = tpu.assume_multiple %mul3A_813, 128 : i32
    %scan3A_815 = arith.constant 0 : i32
    %scan3A_816 = arith.constant 0 : i32
    %scan3A_817 = arith.constant 8 : i32
    %scan3A_818 = arith.addi %scan3A_816, %scan3A_817 : i32
    %scan3A_819 = arith.constant 1 : i32
    scf.for %scan3A_3024 = %scan3A_816 to %scan3A_818 step %scan3A_819  : i32 {
      %mul3A_3025 = arith.constant 16 : i32
      %mul3A_3026 = arith.muli %scan3A_3024, %mul3A_3025 : i32
      %get3A = arith.index_cast %mul3A_3026 : i32 to index
      %get3A_3027 = tpu.vector_load %arg11[%get3A] {strides = array<i32>} : memref<128xi32, #tpu.memory_space<vmem>>, vector<16xi32>,
      %add3A_3028 = vector.broadcast %mul3A_3026 : i32 to vector<16xi32>
      %add3A_3029 = arith.addi %add3A_3028, %iota3A : vector<16xi32>
      %gather3A = tpu.vector_load_idx %arg8[%get3A_3027, %broadcast_in_dim3A_1, %add3A_3029] : memref<81x4x128xf32, #tpu.memory_space<vmem>>[vector<16xi32>, vector<16xi32>, vector<16xi32>], vector<16xf32>,
      %gather3A_3030 = tpu.vector_load_idx %arg8[%get3A_3027, %broadcast_in_dim3A_3, %add3A_3029] : memref<81x4x128xf32, #tpu.memory_space<vmem>>[vector<16xi32>, vector<16xi32>, vector<16xi32>], vector<16xf32>,
      %gather3A_3031 = tpu.vector_load_idx %arg8[%get3A_3027, %broadcast_in_dim3A_5, %add3A_3029] : memref<81x4x128xf32, #tpu.memory_space<vmem>>[vector<16xi32>, vector<16xi32>, vector<16xi32>], vector<16xf32>,
      %gather3A_3032 = tpu.vector_load_idx %arg8[%get3A_3027, %broadcast_in_dim3A_7, %add3A_3029] : memref<81x4x128xf32, #tpu.memory_space<vmem>>[vector<16xi32>, vector<16xi32>, vector<16xi32>], vector<16xf32>,
      %get3A_3033 = arith.constant 0 : i32
      %get3A_3034 = arith.index_cast %get3A_3033 : i32 to index
      %get3A_3035 = arith.index_cast %mul3A_3026 : i32 to index
      %get3A_3036 = tpu.vector_load %arg14[%get3A_3034, %get3A_3035] {strides = array<i32>} : memref<4x128xf32, #tpu.memory_space<vmem>>, vector<16xf32>,
      %get3A_3037 = arith.constant 1 : i32
      %get3A_3038 = arith.index_cast %get3A_3037 : i32 to index
      %get3A_3039 = arith.index_cast %mul3A_3026 : i32 to index
      %get3A_3040 = tpu.vector_load %arg14[%get3A_3038, %get3A_3039] {strides = array<i32>} : memref<4x128xf32, #tpu.memory_space<vmem>>, vector<16xf32>,
      %get3A_3041 = arith.constant 2 : i32
      %get3A_3042 = arith.index_cast %get3A_3041 : i32 to index
      %get3A_3043 = arith.index_cast %mul3A_3026 : i32 to index
      %get3A_3044 = tpu.vector_load %arg14[%get3A_3042, %get3A_3043] {strides = array<i32>} : memref<4x128xf32, #tpu.memory_space<vmem>>, vector<16xf32>,
      %get3A_3045 = arith.constant 3 : i32
      %get3A_3046 = arith.index_cast %get3A_3045 : i32 to index
      %get3A_3047 = arith.index_cast %mul3A_3026 : i32 to index
      %get3A_3048 = tpu.vector_load %arg14[%get3A_3046, %get3A_3047] {strides = array<i32>} : memref<4x128xf32, #tpu.memory_space<vmem>>, vector<16xf32>,
      %sub3A_3049 = arith.subf %get3A_3044, %get3A_3036 : vector<16xf32>
      %sub3A_3050 = arith.subf %get3A_3048, %get3A_3040 : vector<16xf32>
      %mul3A_3051 = arith.constant 5.000000e-01 : f32
      %mul3A_3052 = vector.broadcast %mul3A_3051 : f32 to vector<16xf32>
      %mul3A_3053 = arith.mulf %mul3A_3052, %sub3A_3049 : vector<16xf32>
      %add3A_3054 = arith.addf %get3A_3036, %mul3A_3053 : vector<16xf32>
      %mul3A_3055 = arith.constant 5.000000e-01 : f32
      %mul3A_3056 = vector.broadcast %mul3A_3055 : f32 to vector<16xf32>
      %mul3A_3057 = arith.mulf %mul3A_3056, %sub3A_3050 : vector<16xf32>
      %add3A_3058 = arith.addf %get3A_3040, %mul3A_3057 : vector<16xf32>
      %mul3A_3059 = arith.constant 2.000000e-01 : f32
      %mul3A_3060 = vector.broadcast %mul3A_3059 : f32 to vector<16xf32>
      %mul3A_3061 = arith.mulf %gather3A_3031, %mul3A_3060 : vector<16xf32>
      %jit3A_3062 = arith.constant -4.13516665 : f32
      %jit3A_3063 = arith.constant 4.13516665 : f32
      %max3A = vector.broadcast %jit3A_3062 : f32 to vector<16xf32>
      %max3A_3064 = arith.maximumf %max3A, %mul3A_3061 : vector<16xf32>
      %min3A = vector.broadcast %jit3A_3063 : f32 to vector<16xf32>
      %min3A_3065 = arith.minimumf %min3A, %max3A_3064 : vector<16xf32>
      %mul3A_3066 = arith.constant 2.000000e-01 : f32
      %mul3A_3067 = vector.broadcast %mul3A_3066 : f32 to vector<16xf32>
      %mul3A_3068 = arith.mulf %gather3A_3032, %mul3A_3067 : vector<16xf32>
      %jit3A_3069 = arith.constant -4.13516665 : f32
      %jit3A_3070 = arith.constant 4.13516665 : f32
      %max3A_3071 = vector.broadcast %jit3A_3069 : f32 to vector<16xf32>
      %max3A_3072 = arith.maximumf %max3A_3071, %mul3A_3068 : vector<16xf32>
      %min3A_3073 = vector.broadcast %jit3A_3070 : f32 to vector<16xf32>
      %min3A_3074 = arith.minimumf %min3A_3073, %max3A_3072 : vector<16xf32>
      %exp3A = math.exp %min3A_3065 : vector<16xf32>
      %mul3A_3075 = arith.mulf %sub3A_3049, %exp3A : vector<16xf32>
      %mul3A_3076 = arith.constant 5.000000e-01 : f32
      %mul3A_3077 = vector.broadcast %mul3A_3076 : f32 to vector<16xf32>
      %mul3A_3078 = arith.mulf %mul3A_3077, %mul3A_3075 : vector<16xf32>
      %exp3A_3079 = math.exp %min3A_3074 : vector<16xf32>
      %mul3A_3080 = arith.mulf %sub3A_3050, %exp3A_3079 : vector<16xf32>
      %mul3A_3081 = arith.constant 5.000000e-01 : f32
      %mul3A_3082 = vector.broadcast %mul3A_3081 : f32 to vector<16xf32>
      %mul3A_3083 = arith.mulf %mul3A_3082, %mul3A_3080 : vector<16xf32>
      %mul3A_3084 = arith.constant 1.000000e-01 : f32
      %mul3A_3085 = vector.broadcast %mul3A_3084 : f32 to vector<16xf32>
      %mul3A_3086 = arith.mulf %gather3A, %mul3A_3085 : vector<16xf32>
      %mul3A_3087 = arith.mulf %mul3A_3086, %sub3A_3049 : vector<16xf32>
      %add3A_3088 = arith.addf %add3A_3054, %mul3A_3087 : vector<16xf32>
      %mul3A_3089 = arith.constant 1.000000e-01 : f32
      %mul3A_3090 = vector.broadcast %mul3A_3089 : f32 to vector<16xf32>
      %mul3A_3091 = arith.mulf %gather3A_3030, %mul3A_3090 : vector<16xf32>
      %mul3A_3092 = arith.mulf %mul3A_3091, %sub3A_3050 : vector<16xf32>
      %add3A_3093 = arith.addf %add3A_3058, %mul3A_3092 : vector<16xf32>
      %sub3A_3094 = arith.subf %add3A_3088, %mul3A_3078 : vector<16xf32>
      %jit3A_3095 = arith.constant 0.000000e+00 : f32
      %jit3A_3096 = arith.constant 1.000000e+00 : f32
      %max3A_3097 = vector.broadcast %jit3A_3095 : f32 to vector<16xf32>
      %max3A_3098 = arith.maximumf %max3A_3097, %sub3A_3094 : vector<16xf32>
      %min3A_3099 = vector.broadcast %jit3A_3096 : f32 to vector<16xf32>
      %min3A_3100 = arith.minimumf %min3A_3099, %max3A_3098 : vector<16xf32>
      %swap3A = arith.constant 0 : i32
      %swap3A_3101 = arith.index_cast %swap3A : i32 to index
      %swap3A_3102 = arith.index_cast %mul3A_3026 : i32 to index
      %swap3A_3103 = tpu.vector_load %arg17[%swap3A_3101, %swap3A_3102] {strides = array<i32>} : memref<4x128xf32, #tpu.memory_space<vmem>>, vector<16xf32>,
      tpu.vector_store %arg17[%swap3A_3101, %swap3A_3102], %min3A_3100 {strides = array<i32>} : memref<4x128xf32, #tpu.memory_space<vmem>>, vector<16xf32>,
      %sub3A_3104 = arith.subf %add3A_3093, %mul3A_3083 : vector<16xf32>
      %jit3A_3105 = arith.constant 0.000000e+00 : f32
      %jit3A_3106 = arith.constant 1.000000e+00 : f32
      %max3A_3107 = vector.broadcast %jit3A_3105 : f32 to vector<16xf32>
      %max3A_3108 = arith.maximumf %max3A_3107, %sub3A_3104 : vector<16xf32>
      %min3A_3109 = vector.broadcast %jit3A_3106 : f32 to vector<16xf32>
      %min3A_3110 = arith.minimumf %min3A_3109, %max3A_3108 : vector<16xf32>
      %swap3A_3111 = arith.constant 1 : i32
      %swap3A_3112 = arith.index_cast %swap3A_3111 : i32 to index
      %swap3A_3113 = arith.index_cast %mul3A_3026 : i32 to index
      %swap3A_3114 = tpu.vector_load %arg17[%swap3A_3112, %swap3A_3113] {strides = array<i32>} : memref<4x128xf32, #tpu.memory_space<vmem>>, vector<16xf32>,
      tpu.vector_store %arg17[%swap3A_3112, %swap3A_3113], %min3A_3110 {strides = array<i32>} : memref<4x128xf32, #tpu.memory_space<vmem>>, vector<16xf32>,
      %add3A_3115 = arith.addf %add3A_3088, %mul3A_3078 : vector<16xf32>
      %jit3A_3116 = arith.constant 0.000000e+00 : f32
      %jit3A_3117 = arith.constant 1.000000e+00 : f32
      %max3A_3118 = vector.broadcast %jit3A_3116 : f32 to vector<16xf32>
      %max3A_3119 = arith.maximumf %max3A_3118, %add3A_3115 : vector<16xf32>
      %min3A_3120 = vector.broadcast %jit3A_3117 : f32 to vector<16xf32>
      %min3A_3121 = arith.minimumf %min3A_3120, %max3A_3119 : vector<16xf32>
      %swap3A_3122 = arith.constant 2 : i32
      %swap3A_3123 = arith.index_cast %swap3A_3122 : i32 to index
      %swap3A_3124 = arith.index_cast %mul3A_3026 : i32 to index
      %swap3A_3125 = tpu.vector_load %arg17[%swap3A_3123, %swap3A_3124] {strides = array<i32>} : memref<4x128xf32, #tpu.memory_space<vmem>>, vector<16xf32>,
      tpu.vector_store %arg17[%swap3A_3123, %swap3A_3124], %min3A_3121 {strides = array<i32>} : memref<4x128xf32, #tpu.memory_space<vmem>>, vector<16xf32>,
      %add3A_3126 = arith.addf %add3A_3093, %mul3A_3083 : vector<16xf32>
      %jit3A_3127 = arith.constant 0.000000e+00 : f32
      %jit3A_3128 = arith.constant 1.000000e+00 : f32
      %max3A_3129 = vector.broadcast %jit3A_3127 : f32 to vector<16xf32>
      %max3A_3130 = arith.maximumf %max3A_3129, %add3A_3126 : vector<16xf32>
      %min3A_3131 = vector.broadcast %jit3A_3128 : f32 to vector<16xf32>
      %min3A_3132 = arith.minimumf %min3A_3131, %max3A_3130 : vector<16xf32>
      %swap3A_3133 = arith.constant 3 : i32
      %swap3A_3134 = arith.index_cast %swap3A_3133 : i32 to index
      %swap3A_3135 = arith.index_cast %mul3A_3026 : i32 to index
      %swap3A_3136 = tpu.vector_load %arg17[%swap3A_3134, %swap3A_3135] {strides = array<i32>} : memref<4x128xf32, #tpu.memory_space<vmem>>, vector<16xf32>,
      tpu.vector_store %arg17[%swap3A_3134, %swap3A_3135], %min3A_3132 {strides = array<i32>} : memref<4x128xf32, #tpu.memory_space<vmem>>, vector<16xf32>,
    }
    %scan3A_820 = arith.constant 8 : i32
    %mul3A_821 = arith.constant 10 : i32
    %mul3A_822 = arith.muli %add3A, %mul3A_821 : i32
    %add3A_823 = arith.constant 2 : i32
    %add3A_824 = arith.addi %mul3A_822, %add3A_823 : i32
    %jit3A_825 = arith.constant 40 : i32
    %div3A_826 = arith.divsi %add3A_824, %jit3A_825 : i32
    %sign3A_827 = arith.constant 0 : i32
    %sign3A_828 = arith.cmpi sgt, %add3A_824, %sign3A_827 : i32
    %sign3A_829 = arith.extui %sign3A_828 : i1 to i32
    %sign3A_830 = arith.constant 0 : i32
    %sign3A_831 = arith.cmpi slt, %add3A_824, %sign3A_830 : i32
    %sign3A_832 = arith.extui %sign3A_831 : i1 to i32
    %sign3A_833 = arith.subi %sign3A_829, %sign3A_832 : i32
    %sign3A_834 = arith.constant 0 : i32
    %sign3A_835 = arith.cmpi sgt, %jit3A_825, %sign3A_834 : i32
    %sign3A_836 = arith.extui %sign3A_835 : i1 to i32
    %sign3A_837 = arith.constant 0 : i32
    %sign3A_838 = arith.cmpi slt, %jit3A_825, %sign3A_837 : i32
    %sign3A_839 = arith.extui %sign3A_838 : i1 to i32
    %sign3A_840 = arith.subi %sign3A_836, %sign3A_839 : i32
    %ne3A_841 = arith.cmpi ne, %sign3A_833, %sign3A_840 : i32
    %rem3A_842 = arith.remsi %add3A_824, %jit3A_825 : i32
    %ne3A_843 = arith.constant 0 : i32
    %ne3A_844 = arith.cmpi ne, %rem3A_842, %ne3A_843 : i32
    %and3A_845 = arith.andi %ne3A_841, %ne3A_844 : i1
    %sub3A_846 = arith.constant 1 : i32
    %sub3A_847 = arith.subi %div3A_826, %sub3A_846 : i32
    %select_n3A_848 = arith.select %and3A_845, %sub3A_847, %div3A_826 : i32
    %jit3A_849 = arith.constant 40 : i32
    %eq3A_850 = arith.constant 0 : i32
    %eq3A_851 = arith.cmpi eq, %jit3A_849, %eq3A_850 : i32
    %jit3A_852 = arith.constant 1 : i32
    %select_n3A_853 = arith.select %eq3A_851, %jit3A_852, %jit3A_849 : i32
    %rem3A_854 = arith.remsi %add3A_824, %select_n3A_853 : i32
    %ne3A_855 = arith.constant 0 : i32
    %ne3A_856 = arith.cmpi ne, %rem3A_854, %ne3A_855 : i32
    %lt3A_857 = arith.constant 0 : i32
    %lt3A_858 = arith.cmpi slt, %rem3A_854, %lt3A_857 : i32
    %lt3A_859 = arith.constant 0 : i32
    %lt3A_860 = arith.cmpi slt, %select_n3A_853, %lt3A_859 : i32
    %ne3A_861 = arith.xori %lt3A_858, %lt3A_860 : i1
    %and3A_862 = arith.andi %ne3A_861, %ne3A_856 : i1
    %add3A_863 = arith.addi %rem3A_854, %select_n3A_853 : i32
    %select_n3A_864 = arith.select %and3A_862, %add3A_863, %rem3A_854 : i32
    %add3A_865 = arith.constant 0 : i32
    %add3A_866 = arith.addi %add3A_865, %select_n3A_864 : i32
    %mul3A_867 = arith.constant 128 : i32
    %mul3A_868 = arith.muli %add3A_866, %mul3A_867 : i32
    %multiple_of3A_869 = tpu.assume_multiple %mul3A_868, 128 : i32
    %dma_start3A_870 = arith.constant 0 : i32
    %dma_start3A_871 = tpu.memref_slice %arg5[%select_n3A_793, %dma_start3A_870, %multiple_of3A_869] : memref<8x4x5000xf32, #tpu.memory_space<hbm>> -> memref<1x4x128xf32, #tpu.memory_space<hbm>>
    %dma_start3A_872 = tpu.memref_squeeze %dma_start3A_871 : memref<1x4x128xf32, #tpu.memory_space<hbm>> -> memref<4x128xf32, #tpu.memory_space<hbm>>
    %dma_start3A_873 = arith.constant 0 : i32
    %dma_start3A_874 = tpu.memref_slice %arg5[%select_n3A_793, %dma_start3A_873, %multiple_of3A_869] : memref<8x4x5000xf32, #tpu.memory_space<hbm>> -> memref<1x4x128xf32, #tpu.memory_space<hbm>>
    %dma_start3A_875 = tpu.memref_squeeze %dma_start3A_874 : memref<1x4x128xf32, #tpu.memory_space<hbm>> -> memref<4x128xf32, #tpu.memory_space<hbm>>
    tpu.enqueue_dma source(%arg17 : memref<4x128xf32, #tpu.memory_space<vmem>>) target(%dma_start3A_875 : memref<4x128xf32, #tpu.memory_space<hbm>>) target_semaphore(%arg23 : memref<!tpu.dma_semaphore, #tpu.memory_space<semaphore_mem>>)
    %mul3A_876 = arith.constant 10 : i32
    %mul3A_877 = arith.muli %add3A, %mul3A_876 : i32
    %add3A_878 = arith.constant 0 : i32
    %add3A_879 = arith.addi %mul3A_877, %add3A_878 : i32
    %jit3A_880 = arith.constant 40 : i32
    %div3A_881 = arith.divsi %add3A_879, %jit3A_880 : i32
    %sign3A_882 = arith.constant 0 : i32
    %sign3A_883 = arith.cmpi sgt, %add3A_879, %sign3A_882 : i32
    %sign3A_884 = arith.extui %sign3A_883 : i1 to i32
    %sign3A_885 = arith.constant 0 : i32
    %sign3A_886 = arith.cmpi slt, %add3A_879, %sign3A_885 : i32
    %sign3A_887 = arith.extui %sign3A_886 : i1 to i32
    %sign3A_888 = arith.subi %sign3A_884, %sign3A_887 : i32
    %sign3A_889 = arith.constant 0 : i32
    %sign3A_890 = arith.cmpi sgt, %jit3A_880, %sign3A_889 : i32
    %sign3A_891 = arith.extui %sign3A_890 : i1 to i32
    %sign3A_892 = arith.constant 0 : i32
    %sign3A_893 = arith.cmpi slt, %jit3A_880, %sign3A_892 : i32
    %sign3A_894 = arith.extui %sign3A_893 : i1 to i32
    %sign3A_895 = arith.subi %sign3A_891, %sign3A_894 : i32
    %ne3A_896 = arith.cmpi ne, %sign3A_888, %sign3A_895 : i32
    %rem3A_897 = arith.remsi %add3A_879, %jit3A_880 : i32
    %ne3A_898 = arith.constant 0 : i32
    %ne3A_899 = arith.cmpi ne, %rem3A_897, %ne3A_898 : i32
    %and3A_900 = arith.andi %ne3A_896, %ne3A_899 : i1
    %sub3A_901 = arith.constant 1 : i32
    %sub3A_902 = arith.subi %div3A_881, %sub3A_901 : i32
    %select_n3A_903 = arith.select %and3A_900, %sub3A_902, %div3A_881 : i32
    %jit3A_904 = arith.constant 40 : i32
    %eq3A_905 = arith.constant 0 : i32
    %eq3A_906 = arith.cmpi eq, %jit3A_904, %eq3A_905 : i32
    %jit3A_907 = arith.constant 1 : i32
    %select_n3A_908 = arith.select %eq3A_906, %jit3A_907, %jit3A_904 : i32
    %rem3A_909 = arith.remsi %add3A_879, %select_n3A_908 : i32
    %ne3A_910 = arith.constant 0 : i32
    %ne3A_911 = arith.cmpi ne, %rem3A_909, %ne3A_910 : i32
    %lt3A_912 = arith.constant 0 : i32
    %lt3A_913 = arith.cmpi slt, %rem3A_909, %lt3A_912 : i32
    %lt3A_914 = arith.constant 0 : i32
    %lt3A_915 = arith.cmpi slt, %select_n3A_908, %lt3A_914 : i32
    %ne3A_916 = arith.xori %lt3A_913, %lt3A_915 : i1
    %and3A_917 = arith.andi %ne3A_916, %ne3A_911 : i1
    %add3A_918 = arith.addi %rem3A_909, %select_n3A_908 : i32
    %select_n3A_919 = arith.select %and3A_917, %add3A_918, %rem3A_909 : i32
    %add3A_920 = arith.constant 0 : i32
    %add3A_921 = arith.addi %add3A_920, %select_n3A_919 : i32
    %mul3A_922 = arith.constant 128 : i32
    %mul3A_923 = arith.muli %add3A_921, %mul3A_922 : i32
    %multiple_of3A_924 = tpu.assume_multiple %mul3A_923, 128 : i32
    %dma_wait3A_925 = arith.constant 0 : i32
    %dma_wait3A_926 = tpu.memref_slice %arg5[%select_n3A_903, %dma_wait3A_925, %multiple_of3A_924] : memref<8x4x5000xf32, #tpu.memory_space<hbm>> -> memref<1x4x128xf32, #tpu.memory_space<hbm>>
    %dma_wait3A_927 = tpu.memref_squeeze %dma_wait3A_926 : memref<1x4x128xf32, #tpu.memory_space<hbm>> -> memref<4x128xf32, #tpu.memory_space<hbm>>
    %dma_wait3A_928 = arith.constant 0 : i32
    %dma_wait3A_929 = tpu.memref_slice %arg5[%select_n3A_903, %dma_wait3A_928, %multiple_of3A_924] : memref<8x4x5000xf32, #tpu.memory_space<hbm>> -> memref<1x4x128xf32, #tpu.memory_space<hbm>>
    %dma_wait3A_930 = tpu.memref_squeeze %dma_wait3A_929 : memref<1x4x128xf32, #tpu.memory_space<hbm>> -> memref<4x128xf32, #tpu.memory_space<hbm>>
    tpu.wait_dma2 semaphore(%arg21 : memref<!tpu.dma_semaphore, #tpu.memory_space<semaphore_mem>>) src(%arg15 : memref<4x128xf32, #tpu.memory_space<vmem>>) dst(%dma_wait3A_930 : memref<4x128xf32, #tpu.memory_space<hbm>>)
    %mul3A_931 = arith.constant 10 : i32
    %mul3A_932 = arith.muli %add3A, %mul3A_931 : i32
    %add3A_933 = arith.constant 3 : i32
    %add3A_934 = arith.addi %mul3A_932, %add3A_933 : i32
    %jit3A_935 = arith.constant 40 : i32
    %div3A_936 = arith.divsi %add3A_934, %jit3A_935 : i32
    %sign3A_937 = arith.constant 0 : i32
    %sign3A_938 = arith.cmpi sgt, %add3A_934, %sign3A_937 : i32
    %sign3A_939 = arith.extui %sign3A_938 : i1 to i32
    %sign3A_940 = arith.constant 0 : i32
    %sign3A_941 = arith.cmpi slt, %add3A_934, %sign3A_940 : i32
    %sign3A_942 = arith.extui %sign3A_941 : i1 to i32
    %sign3A_943 = arith.subi %sign3A_939, %sign3A_942 : i32
    %sign3A_944 = arith.constant 0 : i32
    %sign3A_945 = arith.cmpi sgt, %jit3A_935, %sign3A_944 : i32
    %sign3A_946 = arith.extui %sign3A_945 : i1 to i32
    %sign3A_947 = arith.constant 0 : i32
    %sign3A_948 = arith.cmpi slt, %jit3A_935, %sign3A_947 : i32
    %sign3A_949 = arith.extui %sign3A_948 : i1 to i32
    %sign3A_950 = arith.subi %sign3A_946, %sign3A_949 : i32
    %ne3A_951 = arith.cmpi ne, %sign3A_943, %sign3A_950 : i32
    %rem3A_952 = arith.remsi %add3A_934, %jit3A_935 : i32
    %ne3A_953 = arith.constant 0 : i32
    %ne3A_954 = arith.cmpi ne, %rem3A_952, %ne3A_953 : i32
    %and3A_955 = arith.andi %ne3A_951, %ne3A_954 : i1
    %sub3A_956 = arith.constant 1 : i32
    %sub3A_957 = arith.subi %div3A_936, %sub3A_956 : i32
    %select_n3A_958 = arith.select %and3A_955, %sub3A_957, %div3A_936 : i32
    %jit3A_959 = arith.constant 40 : i32
    %eq3A_960 = arith.constant 0 : i32
    %eq3A_961 = arith.cmpi eq, %jit3A_959, %eq3A_960 : i32
    %jit3A_962 = arith.constant 1 : i32
    %select_n3A_963 = arith.select %eq3A_961, %jit3A_962, %jit3A_959 : i32
    %rem3A_964 = arith.remsi %add3A_934, %select_n3A_963 : i32
    %ne3A_965 = arith.constant 0 : i32
    %ne3A_966 = arith.cmpi ne, %rem3A_964, %ne3A_965 : i32
    %lt3A_967 = arith.constant 0 : i32
    %lt3A_968 = arith.cmpi slt, %rem3A_964, %lt3A_967 : i32
    %lt3A_969 = arith.constant 0 : i32
    %lt3A_970 = arith.cmpi slt, %select_n3A_963, %lt3A_969 : i32
    %ne3A_971 = arith.xori %lt3A_968, %lt3A_970 : i1
    %and3A_972 = arith.andi %ne3A_971, %ne3A_966 : i1
    %add3A_973 = arith.addi %rem3A_964, %select_n3A_963 : i32
    %select_n3A_974 = arith.select %and3A_972, %add3A_973, %rem3A_964 : i32
    %add3A_975 = arith.constant 0 : i32
    %add3A_976 = arith.addi %add3A_975, %select_n3A_974 : i32
    %mul3A_977 = arith.constant 128 : i32
    %mul3A_978 = arith.muli %add3A_976, %mul3A_977 : i32
    %multiple_of3A_979 = tpu.assume_multiple %mul3A_978, 128 : i32
    %dma_wait3A_980 = arith.constant 0 : i32
    %dma_wait3A_981 = arith.constant 0 : i32
    %dma_wait3A_982 = tpu.memref_slice %arg2[%select_n3A_958, %dma_wait3A_980, %dma_wait3A_981, %multiple_of3A_979] : memref<8x81x4x5000xf32, #tpu.memory_space<hbm>> -> memref<1x81x4x128xf32, #tpu.memory_space<hbm>>
    %dma_wait3A_983 = tpu.memref_squeeze %dma_wait3A_982 : memref<1x81x4x128xf32, #tpu.memory_space<hbm>> -> memref<81x4x128xf32, #tpu.memory_space<hbm>>
    %dma_wait3A_984 = arith.constant 0 : i32
    %dma_wait3A_985 = arith.constant 0 : i32
    %dma_wait3A_986 = tpu.memref_slice %arg2[%select_n3A_958, %dma_wait3A_984, %dma_wait3A_985, %multiple_of3A_979] : memref<8x81x4x5000xf32, #tpu.memory_space<hbm>> -> memref<1x81x4x128xf32, #tpu.memory_space<hbm>>
    %dma_wait3A_987 = tpu.memref_squeeze %dma_wait3A_986 : memref<1x81x4x128xf32, #tpu.memory_space<hbm>> -> memref<81x4x128xf32, #tpu.memory_space<hbm>>
    tpu.wait_dma2 semaphore(%arg18 : memref<!tpu.dma_semaphore, #tpu.memory_space<semaphore_mem>>) src(%dma_wait3A_987 : memref<81x4x128xf32, #tpu.memory_space<hbm>>) dst(%arg6 : memref<81x4x128xf32, #tpu.memory_space<vmem>>)
    %dma_wait3A_988 = arith.constant 0 : i32
    %dma_wait3A_989 = tpu.memref_slice %arg4[%select_n3A_958, %dma_wait3A_988, %multiple_of3A_979] : memref<8x4x5000xf32, #tpu.memory_space<hbm>> -> memref<1x4x128xf32, #tpu.memory_space<hbm>>
    %dma_wait3A_990 = tpu.memref_squeeze %dma_wait3A_989 : memref<1x4x128xf32, #tpu.memory_space<hbm>> -> memref<4x128xf32, #tpu.memory_space<hbm>>
    %dma_wait3A_991 = arith.constant 0 : i32
    %dma_wait3A_992 = tpu.memref_slice %arg4[%select_n3A_958, %dma_wait3A_991, %multiple_of3A_979] : memref<8x4x5000xf32, #tpu.memory_space<hbm>> -> memref<1x4x128xf32, #tpu.memory_space<hbm>>
    %dma_wait3A_993 = tpu.memref_squeeze %dma_wait3A_992 : memref<1x4x128xf32, #tpu.memory_space<hbm>> -> memref<4x128xf32, #tpu.memory_space<hbm>>
    tpu.wait_dma2 semaphore(%arg18 : memref<!tpu.dma_semaphore, #tpu.memory_space<semaphore_mem>>) src(%dma_wait3A_993 : memref<4x128xf32, #tpu.memory_space<hbm>>) dst(%arg12 : memref<4x128xf32, #tpu.memory_space<vmem>>)
    %dma_wait3A_994 = arith.constant 0 : i32
    %dma_wait3A_995 = tpu.memref_slice %arg3[%select_n3A_958, %select_n3A_974, %dma_wait3A_994] : memref<8x40x128xi32, #tpu.memory_space<hbm>> -> memref<1x1x128xi32, #tpu.memory_space<hbm>>
    %dma_wait3A_996 = tpu.memref_squeeze %dma_wait3A_995 : memref<1x1x128xi32, #tpu.memory_space<hbm>> -> memref<128xi32, #tpu.memory_space<hbm>>
    %dma_wait3A_997 = arith.constant 0 : i32
    %dma_wait3A_998 = tpu.memref_slice %arg3[%select_n3A_958, %select_n3A_974, %dma_wait3A_997] : memref<8x40x128xi32, #tpu.memory_space<hbm>> -> memref<1x1x128xi32, #tpu.memory_space<hbm>>
    %dma_wait3A_999 = tpu.memref_squeeze %dma_wait3A_998 : memref<1x1x128xi32, #tpu.memory_space<hbm>> -> memref<128xi32, #tpu.memory_space<hbm>>
    tpu.wait_dma2 semaphore(%arg18 : memref<!tpu.dma_semaphore, #tpu.memory_space<semaphore_mem>>) src(%dma_wait3A_999 : memref<128xi32, #tpu.memory_space<hbm>>) dst(%arg9 : memref<128xi32, #tpu.memory_space<vmem>>)
    %mul3A_1000 = arith.constant 10 : i32
    %mul3A_1001 = arith.muli %add3A, %mul3A_1000 : i32
    %add3A_1002 = arith.constant 5 : i32
    %add3A_1003 = arith.addi %mul3A_1001, %add3A_1002 : i32
    %jit3A_1004 = arith.constant 40 : i32
    %div3A_1005 = arith.divsi %add3A_1003, %jit3A_1004 : i32
    %sign3A_1006 = arith.constant 0 : i32
    %sign3A_1007 = arith.cmpi sgt, %add3A_1003, %sign3A_1006 : i32
    %sign3A_1008 = arith.extui %sign3A_1007 : i1 to i32
    %sign3A_1009 = arith.constant 0 : i32
    %sign3A_1010 = arith.cmpi slt, %add3A_1003, %sign3A_1009 : i32
    %sign3A_1011 = arith.extui %sign3A_1010 : i1 to i32
    %sign3A_1012 = arith.subi %sign3A_1008, %sign3A_1011 : i32
    %sign3A_1013 = arith.constant 0 : i32
    %sign3A_1014 = arith.cmpi sgt, %jit3A_1004, %sign3A_1013 : i32
    %sign3A_1015 = arith.extui %sign3A_1014 : i1 to i32
    %sign3A_1016 = arith.constant 0 : i32
    %sign3A_1017 = arith.cmpi slt, %jit3A_1004, %sign3A_1016 : i32
    %sign3A_1018 = arith.extui %sign3A_1017 : i1 to i32
    %sign3A_1019 = arith.subi %sign3A_1015, %sign3A_1018 : i32
    %ne3A_1020 = arith.cmpi ne, %sign3A_1012, %sign3A_1019 : i32
    %rem3A_1021 = arith.remsi %add3A_1003, %jit3A_1004 : i32
    %ne3A_1022 = arith.constant 0 : i32
    %ne3A_1023 = arith.cmpi ne, %rem3A_1021, %ne3A_1022 : i32
    %and3A_1024 = arith.andi %ne3A_1020, %ne3A_1023 : i1
    %sub3A_1025 = arith.constant 1 : i32
    %sub3A_1026 = arith.subi %div3A_1005, %sub3A_1025 : i32
    %select_n3A_1027 = arith.select %and3A_1024, %sub3A_1026, %div3A_1005 : i32
    %jit3A_1028 = arith.constant 40 : i32
    %eq3A_1029 = arith.constant 0 : i32
    %eq3A_1030 = arith.cmpi eq, %jit3A_1028, %eq3A_1029 : i32
    %jit3A_1031 = arith.constant 1 : i32
    %select_n3A_1032 = arith.select %eq3A_1030, %jit3A_1031, %jit3A_1028 : i32
    %rem3A_1033 = arith.remsi %add3A_1003, %select_n3A_1032 : i32
    %ne3A_1034 = arith.constant 0 : i32
    %ne3A_1035 = arith.cmpi ne, %rem3A_1033, %ne3A_1034 : i32
    %lt3A_1036 = arith.constant 0 : i32
    %lt3A_1037 = arith.cmpi slt, %rem3A_1033, %lt3A_1036 : i32
    %lt3A_1038 = arith.constant 0 : i32
    %lt3A_1039 = arith.cmpi slt, %select_n3A_1032, %lt3A_1038 : i32
    %ne3A_1040 = arith.xori %lt3A_1037, %lt3A_1039 : i1
    %and3A_1041 = arith.andi %ne3A_1040, %ne3A_1035 : i1
    %add3A_1042 = arith.addi %rem3A_1033, %select_n3A_1032 : i32
    %select_n3A_1043 = arith.select %and3A_1041, %add3A_1042, %rem3A_1033 : i32
    %add3A_1044 = arith.constant 0 : i32
    %add3A_1045 = arith.addi %add3A_1044, %select_n3A_1043 : i32
    %mul3A_1046 = arith.constant 128 : i32
    %mul3A_1047 = arith.muli %add3A_1045, %mul3A_1046 : i32
    %multiple_of3A_1048 = tpu.assume_multiple %mul3A_1047, 128 : i32
    %dma_start3A_1049 = arith.constant 0 : i32
    %dma_start3A_1050 = arith.constant 0 : i32
    %dma_start3A_1051 = tpu.memref_slice %arg2[%select_n3A_1027, %dma_start3A_1049, %dma_start3A_1050, %multiple_of3A_1048] : memref<8x81x4x5000xf32, #tpu.memory_space<hbm>> -> memref<1x81x4x128xf32, #tpu.memory_space<hbm>>
    %dma_start3A_1052 = tpu.memref_squeeze %dma_start3A_1051 : memref<1x81x4x128xf32, #tpu.memory_space<hbm>> -> memref<81x4x128xf32, #tpu.memory_space<hbm>>
    %dma_start3A_1053 = arith.constant 0 : i32
    %dma_start3A_1054 = arith.constant 0 : i32
    %dma_start3A_1055 = tpu.memref_slice %arg2[%select_n3A_1027, %dma_start3A_1053, %dma_start3A_1054, %multiple_of3A_1048] : memref<8x81x4x5000xf32, #tpu.memory_space<hbm>> -> memref<1x81x4x128xf32, #tpu.memory_space<hbm>>
    %dma_start3A_1056 = tpu.memref_squeeze %dma_start3A_1055 : memref<1x81x4x128xf32, #tpu.memory_space<hbm>> -> memref<81x4x128xf32, #tpu.memory_space<hbm>>
    tpu.enqueue_dma source(%dma_start3A_1056 : memref<81x4x128xf32, #tpu.memory_space<hbm>>) target(%arg8 : memref<81x4x128xf32, #tpu.memory_space<vmem>>) target_semaphore(%arg20 : memref<!tpu.dma_semaphore, #tpu.memory_space<semaphore_mem>>)
    %dma_start3A_1057 = arith.constant 0 : i32
    %dma_start3A_1058 = tpu.memref_slice %arg4[%select_n3A_1027, %dma_start3A_1057, %multiple_of3A_1048] : memref<8x4x5000xf32, #tpu.memory_space<hbm>> -> memref<1x4x128xf32, #tpu.memory_space<hbm>>
    %dma_start3A_1059 = tpu.memref_squeeze %dma_start3A_1058 : memref<1x4x128xf32, #tpu.memory_space<hbm>> -> memref<4x128xf32, #tpu.memory_space<hbm>>
    %dma_start3A_1060 = arith.constant 0 : i32
    %dma_start3A_1061 = tpu.memref_slice %arg4[%select_n3A_1027, %dma_start3A_1060, %multiple_of3A_1048] : memref<8x4x5000xf32, #tpu.memory_space<hbm>> -> memref<1x4x128xf32, #tpu.memory_space<hbm>>
    %dma_start3A_1062 = tpu.memref_squeeze %dma_start3A_1061 : memref<1x4x128xf32, #tpu.memory_space<hbm>> -> memref<4x128xf32, #tpu.memory_space<hbm>>
    tpu.enqueue_dma source(%dma_start3A_1062 : memref<4x128xf32, #tpu.memory_space<hbm>>) target(%arg14 : memref<4x128xf32, #tpu.memory_space<vmem>>) target_semaphore(%arg20 : memref<!tpu.dma_semaphore, #tpu.memory_space<semaphore_mem>>)
    %dma_start3A_1063 = arith.constant 0 : i32
    %dma_start3A_1064 = tpu.memref_slice %arg3[%select_n3A_1027, %select_n3A_1043, %dma_start3A_1063] : memref<8x40x128xi32, #tpu.memory_space<hbm>> -> memref<1x1x128xi32, #tpu.memory_space<hbm>>
    %dma_start3A_1065 = tpu.memref_squeeze %dma_start3A_1064 : memref<1x1x128xi32, #tpu.memory_space<hbm>> -> memref<128xi32, #tpu.memory_space<hbm>>
    %dma_start3A_1066 = arith.constant 0 : i32
    %dma_start3A_1067 = tpu.memref_slice %arg3[%select_n3A_1027, %select_n3A_1043, %dma_start3A_1066] : memref<8x40x128xi32, #tpu.memory_space<hbm>> -> memref<1x1x128xi32, #tpu.memory_space<hbm>>
    %dma_start3A_1068 = tpu.memref_squeeze %dma_start3A_1067 : memref<1x1x128xi32, #tpu.memory_space<hbm>> -> memref<128xi32, #tpu.memory_space<hbm>>
    tpu.enqueue_dma source(%dma_start3A_1068 : memref<128xi32, #tpu.memory_space<hbm>>) target(%arg11 : memref<128xi32, #tpu.memory_space<vmem>>) target_semaphore(%arg20 : memref<!tpu.dma_semaphore, #tpu.memory_space<semaphore_mem>>)
    %mul3A_1069 = arith.constant 10 : i32
    %mul3A_1070 = arith.muli %add3A, %mul3A_1069 : i32
    %add3A_1071 = arith.constant 3 : i32
    %add3A_1072 = arith.addi %mul3A_1070, %add3A_1071 : i32
    %jit3A_1073 = arith.constant 40 : i32
    %div3A_1074 = arith.divsi %add3A_1072, %jit3A_1073 : i32
    %sign3A_1075 = arith.constant 0 : i32
    %sign3A_1076 = arith.cmpi sgt, %add3A_1072, %sign3A_1075 : i32
    %sign3A_1077 = arith.extui %sign3A_1076 : i1 to i32
    %sign3A_1078 = arith.constant 0 : i32
    %sign3A_1079 = arith.cmpi slt, %add3A_1072, %sign3A_1078 : i32
    %sign3A_1080 = arith.extui %sign3A_1079 : i1 to i32
    %sign3A_1081 = arith.subi %sign3A_1077, %sign3A_1080 : i32
    %sign3A_1082 = arith.constant 0 : i32
    %sign3A_1083 = arith.cmpi sgt, %jit3A_1073, %sign3A_1082 : i32
    %sign3A_1084 = arith.extui %sign3A_1083 : i1 to i32
    %sign3A_1085 = arith.constant 0 : i32
    %sign3A_1086 = arith.cmpi slt, %jit3A_1073, %sign3A_1085 : i32
    %sign3A_1087 = arith.extui %sign3A_1086 : i1 to i32
    %sign3A_1088 = arith.subi %sign3A_1084, %sign3A_1087 : i32
    %ne3A_1089 = arith.cmpi ne, %sign3A_1081, %sign3A_1088 : i32
    %rem3A_1090 = arith.remsi %add3A_1072, %jit3A_1073 : i32
    %ne3A_1091 = arith.constant 0 : i32
    %ne3A_1092 = arith.cmpi ne, %rem3A_1090, %ne3A_1091 : i32
    %and3A_1093 = arith.andi %ne3A_1089, %ne3A_1092 : i1
    %sub3A_1094 = arith.constant 1 : i32
    %sub3A_1095 = arith.subi %div3A_1074, %sub3A_1094 : i32
    %select_n3A_1096 = arith.select %and3A_1093, %sub3A_1095, %div3A_1074 : i32
    %jit3A_1097 = arith.constant 40 : i32
    %eq3A_1098 = arith.constant 0 : i32
    %eq3A_1099 = arith.cmpi eq, %jit3A_1097, %eq3A_1098 : i32
    %jit3A_1100 = arith.constant 1 : i32
    %select_n3A_1101 = arith.select %eq3A_1099, %jit3A_1100, %jit3A_1097 : i32
    %rem3A_1102 = arith.remsi %add3A_1072, %select_n3A_1101 : i32
    %ne3A_1103 = arith.constant 0 : i32
    %ne3A_1104 = arith.cmpi ne, %rem3A_1102, %ne3A_1103 : i32
    %lt3A_1105 = arith.constant 0 : i32
    %lt3A_1106 = arith.cmpi slt, %rem3A_1102, %lt3A_1105 : i32
    %lt3A_1107 = arith.constant 0 : i32
    %lt3A_1108 = arith.cmpi slt, %select_n3A_1101, %lt3A_1107 : i32
    %ne3A_1109 = arith.xori %lt3A_1106, %lt3A_1108 : i1
    %and3A_1110 = arith.andi %ne3A_1109, %ne3A_1104 : i1
    %add3A_1111 = arith.addi %rem3A_1102, %select_n3A_1101 : i32
    %select_n3A_1112 = arith.select %and3A_1110, %add3A_1111, %rem3A_1102 : i32
    %add3A_1113 = arith.constant 0 : i32
    %add3A_1114 = arith.addi %add3A_1113, %select_n3A_1112 : i32
    %mul3A_1115 = arith.constant 128 : i32
    %mul3A_1116 = arith.muli %add3A_1114, %mul3A_1115 : i32
    %multiple_of3A_1117 = tpu.assume_multiple %mul3A_1116, 128 : i32
    %scan3A_1118 = arith.constant 0 : i32
    %scan3A_1119 = arith.constant 0 : i32
    %scan3A_1120 = arith.constant 8 : i32
    %scan3A_1121 = arith.addi %scan3A_1119, %scan3A_1120 : i32
    %scan3A_1122 = arith.constant 1 : i32
    scf.for %scan3A_3024 = %scan3A_1119 to %scan3A_1121 step %scan3A_1122  : i32 {
      %mul3A_3025 = arith.constant 16 : i32
      %mul3A_3026 = arith.muli %scan3A_3024, %mul3A_3025 : i32
      %get3A = arith.index_cast %mul3A_3026 : i32 to index
      %get3A_3027 = tpu.vector_load %arg9[%get3A] {strides = array<i32>} : memref<128xi32, #tpu.memory_space<vmem>>, vector<16xi32>,
      %add3A_3028 = vector.broadcast %mul3A_3026 : i32 to vector<16xi32>
      %add3A_3029 = arith.addi %add3A_3028, %iota3A : vector<16xi32>
      %gather3A = tpu.vector_load_idx %arg6[%get3A_3027, %broadcast_in_dim3A_1, %add3A_3029] : memref<81x4x128xf32, #tpu.memory_space<vmem>>[vector<16xi32>, vector<16xi32>, vector<16xi32>], vector<16xf32>,
      %gather3A_3030 = tpu.vector_load_idx %arg6[%get3A_3027, %broadcast_in_dim3A_3, %add3A_3029] : memref<81x4x128xf32, #tpu.memory_space<vmem>>[vector<16xi32>, vector<16xi32>, vector<16xi32>], vector<16xf32>,
      %gather3A_3031 = tpu.vector_load_idx %arg6[%get3A_3027, %broadcast_in_dim3A_5, %add3A_3029] : memref<81x4x128xf32, #tpu.memory_space<vmem>>[vector<16xi32>, vector<16xi32>, vector<16xi32>], vector<16xf32>,
      %gather3A_3032 = tpu.vector_load_idx %arg6[%get3A_3027, %broadcast_in_dim3A_7, %add3A_3029] : memref<81x4x128xf32, #tpu.memory_space<vmem>>[vector<16xi32>, vector<16xi32>, vector<16xi32>], vector<16xf32>,
      %get3A_3033 = arith.constant 0 : i32
      %get3A_3034 = arith.index_cast %get3A_3033 : i32 to index
      %get3A_3035 = arith.index_cast %mul3A_3026 : i32 to index
      %get3A_3036 = tpu.vector_load %arg12[%get3A_3034, %get3A_3035] {strides = array<i32>} : memref<4x128xf32, #tpu.memory_space<vmem>>, vector<16xf32>,
      %get3A_3037 = arith.constant 1 : i32
      %get3A_3038 = arith.index_cast %get3A_3037 : i32 to index
      %get3A_3039 = arith.index_cast %mul3A_3026 : i32 to index
      %get3A_3040 = tpu.vector_load %arg12[%get3A_3038, %get3A_3039] {strides = array<i32>} : memref<4x128xf32, #tpu.memory_space<vmem>>, vector<16xf32>,
      %get3A_3041 = arith.constant 2 : i32
      %get3A_3042 = arith.index_cast %get3A_3041 : i32 to index
      %get3A_3043 = arith.index_cast %mul3A_3026 : i32 to index
      %get3A_3044 = tpu.vector_load %arg12[%get3A_3042, %get3A_3043] {strides = array<i32>} : memref<4x128xf32, #tpu.memory_space<vmem>>, vector<16xf32>,
      %get3A_3045 = arith.constant 3 : i32
      %get3A_3046 = arith.index_cast %get3A_3045 : i32 to index
      %get3A_3047 = arith.index_cast %mul3A_3026 : i32 to index
      %get3A_3048 = tpu.vector_load %arg12[%get3A_3046, %get3A_3047] {strides = array<i32>} : memref<4x128xf32, #tpu.memory_space<vmem>>, vector<16xf32>,
      %sub3A_3049 = arith.subf %get3A_3044, %get3A_3036 : vector<16xf32>
      %sub3A_3050 = arith.subf %get3A_3048, %get3A_3040 : vector<16xf32>
      %mul3A_3051 = arith.constant 5.000000e-01 : f32
      %mul3A_3052 = vector.broadcast %mul3A_3051 : f32 to vector<16xf32>
      %mul3A_3053 = arith.mulf %mul3A_3052, %sub3A_3049 : vector<16xf32>
      %add3A_3054 = arith.addf %get3A_3036, %mul3A_3053 : vector<16xf32>
      %mul3A_3055 = arith.constant 5.000000e-01 : f32
      %mul3A_3056 = vector.broadcast %mul3A_3055 : f32 to vector<16xf32>
      %mul3A_3057 = arith.mulf %mul3A_3056, %sub3A_3050 : vector<16xf32>
      %add3A_3058 = arith.addf %get3A_3040, %mul3A_3057 : vector<16xf32>
      %mul3A_3059 = arith.constant 2.000000e-01 : f32
      %mul3A_3060 = vector.broadcast %mul3A_3059 : f32 to vector<16xf32>
      %mul3A_3061 = arith.mulf %gather3A_3031, %mul3A_3060 : vector<16xf32>
      %jit3A_3062 = arith.constant -4.13516665 : f32
      %jit3A_3063 = arith.constant 4.13516665 : f32
      %max3A = vector.broadcast %jit3A_3062 : f32 to vector<16xf32>
      %max3A_3064 = arith.maximumf %max3A, %mul3A_3061 : vector<16xf32>
      %min3A = vector.broadcast %jit3A_3063 : f32 to vector<16xf32>
      %min3A_3065 = arith.minimumf %min3A, %max3A_3064 : vector<16xf32>
      %mul3A_3066 = arith.constant 2.000000e-01 : f32
      %mul3A_3067 = vector.broadcast %mul3A_3066 : f32 to vector<16xf32>
      %mul3A_3068 = arith.mulf %gather3A_3032, %mul3A_3067 : vector<16xf32>
      %jit3A_3069 = arith.constant -4.13516665 : f32
      %jit3A_3070 = arith.constant 4.13516665 : f32
      %max3A_3071 = vector.broadcast %jit3A_3069 : f32 to vector<16xf32>
      %max3A_3072 = arith.maximumf %max3A_3071, %mul3A_3068 : vector<16xf32>
      %min3A_3073 = vector.broadcast %jit3A_3070 : f32 to vector<16xf32>
      %min3A_3074 = arith.minimumf %min3A_3073, %max3A_3072 : vector<16xf32>
      %exp3A = math.exp %min3A_3065 : vector<16xf32>
      %mul3A_3075 = arith.mulf %sub3A_3049, %exp3A : vector<16xf32>
      %mul3A_3076 = arith.constant 5.000000e-01 : f32
      %mul3A_3077 = vector.broadcast %mul3A_3076 : f32 to vector<16xf32>
      %mul3A_3078 = arith.mulf %mul3A_3077, %mul3A_3075 : vector<16xf32>
      %exp3A_3079 = math.exp %min3A_3074 : vector<16xf32>
      %mul3A_3080 = arith.mulf %sub3A_3050, %exp3A_3079 : vector<16xf32>
      %mul3A_3081 = arith.constant 5.000000e-01 : f32
      %mul3A_3082 = vector.broadcast %mul3A_3081 : f32 to vector<16xf32>
      %mul3A_3083 = arith.mulf %mul3A_3082, %mul3A_3080 : vector<16xf32>
      %mul3A_3084 = arith.constant 1.000000e-01 : f32
      %mul3A_3085 = vector.broadcast %mul3A_3084 : f32 to vector<16xf32>
      %mul3A_3086 = arith.mulf %gather3A, %mul3A_3085 : vector<16xf32>
      %mul3A_3087 = arith.mulf %mul3A_3086, %sub3A_3049 : vector<16xf32>
      %add3A_3088 = arith.addf %add3A_3054, %mul3A_3087 : vector<16xf32>
      %mul3A_3089 = arith.constant 1.000000e-01 : f32
      %mul3A_3090 = vector.broadcast %mul3A_3089 : f32 to vector<16xf32>
      %mul3A_3091 = arith.mulf %gather3A_3030, %mul3A_3090 : vector<16xf32>
      %mul3A_3092 = arith.mulf %mul3A_3091, %sub3A_3050 : vector<16xf32>
      %add3A_3093 = arith.addf %add3A_3058, %mul3A_3092 : vector<16xf32>
      %sub3A_3094 = arith.subf %add3A_3088, %mul3A_3078 : vector<16xf32>
      %jit3A_3095 = arith.constant 0.000000e+00 : f32
      %jit3A_3096 = arith.constant 1.000000e+00 : f32
      %max3A_3097 = vector.broadcast %jit3A_3095 : f32 to vector<16xf32>
      %max3A_3098 = arith.maximumf %max3A_3097, %sub3A_3094 : vector<16xf32>
      %min3A_3099 = vector.broadcast %jit3A_3096 : f32 to vector<16xf32>
      %min3A_3100 = arith.minimumf %min3A_3099, %max3A_3098 : vector<16xf32>
      %swap3A = arith.constant 0 : i32
      %swap3A_3101 = arith.index_cast %swap3A : i32 to index
      %swap3A_3102 = arith.index_cast %mul3A_3026 : i32 to index
      %swap3A_3103 = tpu.vector_load %arg15[%swap3A_3101, %swap3A_3102] {strides = array<i32>} : memref<4x128xf32, #tpu.memory_space<vmem>>, vector<16xf32>,
      tpu.vector_store %arg15[%swap3A_3101, %swap3A_3102], %min3A_3100 {strides = array<i32>} : memref<4x128xf32, #tpu.memory_space<vmem>>, vector<16xf32>,
      %sub3A_3104 = arith.subf %add3A_3093, %mul3A_3083 : vector<16xf32>
      %jit3A_3105 = arith.constant 0.000000e+00 : f32
      %jit3A_3106 = arith.constant 1.000000e+00 : f32
      %max3A_3107 = vector.broadcast %jit3A_3105 : f32 to vector<16xf32>
      %max3A_3108 = arith.maximumf %max3A_3107, %sub3A_3104 : vector<16xf32>
      %min3A_3109 = vector.broadcast %jit3A_3106 : f32 to vector<16xf32>
      %min3A_3110 = arith.minimumf %min3A_3109, %max3A_3108 : vector<16xf32>
      %swap3A_3111 = arith.constant 1 : i32
      %swap3A_3112 = arith.index_cast %swap3A_3111 : i32 to index
      %swap3A_3113 = arith.index_cast %mul3A_3026 : i32 to index
      %swap3A_3114 = tpu.vector_load %arg15[%swap3A_3112, %swap3A_3113] {strides = array<i32>} : memref<4x128xf32, #tpu.memory_space<vmem>>, vector<16xf32>,
      tpu.vector_store %arg15[%swap3A_3112, %swap3A_3113], %min3A_3110 {strides = array<i32>} : memref<4x128xf32, #tpu.memory_space<vmem>>, vector<16xf32>,
      %add3A_3115 = arith.addf %add3A_3088, %mul3A_3078 : vector<16xf32>
      %jit3A_3116 = arith.constant 0.000000e+00 : f32
      %jit3A_3117 = arith.constant 1.000000e+00 : f32
      %max3A_3118 = vector.broadcast %jit3A_3116 : f32 to vector<16xf32>
      %max3A_3119 = arith.maximumf %max3A_3118, %add3A_3115 : vector<16xf32>
      %min3A_3120 = vector.broadcast %jit3A_3117 : f32 to vector<16xf32>
      %min3A_3121 = arith.minimumf %min3A_3120, %max3A_3119 : vector<16xf32>
      %swap3A_3122 = arith.constant 2 : i32
      %swap3A_3123 = arith.index_cast %swap3A_3122 : i32 to index
      %swap3A_3124 = arith.index_cast %mul3A_3026 : i32 to index
      %swap3A_3125 = tpu.vector_load %arg15[%swap3A_3123, %swap3A_3124] {strides = array<i32>} : memref<4x128xf32, #tpu.memory_space<vmem>>, vector<16xf32>,
      tpu.vector_store %arg15[%swap3A_3123, %swap3A_3124], %min3A_3121 {strides = array<i32>} : memref<4x128xf32, #tpu.memory_space<vmem>>, vector<16xf32>,
      %add3A_3126 = arith.addf %add3A_3093, %mul3A_3083 : vector<16xf32>
      %jit3A_3127 = arith.constant 0.000000e+00 : f32
      %jit3A_3128 = arith.constant 1.000000e+00 : f32
      %max3A_3129 = vector.broadcast %jit3A_3127 : f32 to vector<16xf32>
      %max3A_3130 = arith.maximumf %max3A_3129, %add3A_3126 : vector<16xf32>
      %min3A_3131 = vector.broadcast %jit3A_3128 : f32 to vector<16xf32>
      %min3A_3132 = arith.minimumf %min3A_3131, %max3A_3130 : vector<16xf32>
      %swap3A_3133 = arith.constant 3 : i32
      %swap3A_3134 = arith.index_cast %swap3A_3133 : i32 to index
      %swap3A_3135 = arith.index_cast %mul3A_3026 : i32 to index
      %swap3A_3136 = tpu.vector_load %arg15[%swap3A_3134, %swap3A_3135] {strides = array<i32>} : memref<4x128xf32, #tpu.memory_space<vmem>>, vector<16xf32>,
      tpu.vector_store %arg15[%swap3A_3134, %swap3A_3135], %min3A_3132 {strides = array<i32>} : memref<4x128xf32, #tpu.memory_space<vmem>>, vector<16xf32>,
    }
    %scan3A_1123 = arith.constant 8 : i32
    %mul3A_1124 = arith.constant 10 : i32
    %mul3A_1125 = arith.muli %add3A, %mul3A_1124 : i32
    %add3A_1126 = arith.constant 3 : i32
    %add3A_1127 = arith.addi %mul3A_1125, %add3A_1126 : i32
    %jit3A_1128 = arith.constant 40 : i32
    %div3A_1129 = arith.divsi %add3A_1127, %jit3A_1128 : i32
    %sign3A_1130 = arith.constant 0 : i32
    %sign3A_1131 = arith.cmpi sgt, %add3A_1127, %sign3A_1130 : i32
    %sign3A_1132 = arith.extui %sign3A_1131 : i1 to i32
    %sign3A_1133 = arith.constant 0 : i32
    %sign3A_1134 = arith.cmpi slt, %add3A_1127, %sign3A_1133 : i32
    %sign3A_1135 = arith.extui %sign3A_1134 : i1 to i32
    %sign3A_1136 = arith.subi %sign3A_1132, %sign3A_1135 : i32
    %sign3A_1137 = arith.constant 0 : i32
    %sign3A_1138 = arith.cmpi sgt, %jit3A_1128, %sign3A_1137 : i32
    %sign3A_1139 = arith.extui %sign3A_1138 : i1 to i32
    %sign3A_1140 = arith.constant 0 : i32
    %sign3A_1141 = arith.cmpi slt, %jit3A_1128, %sign3A_1140 : i32
    %sign3A_1142 = arith.extui %sign3A_1141 : i1 to i32
    %sign3A_1143 = arith.subi %sign3A_1139, %sign3A_1142 : i32
    %ne3A_1144 = arith.cmpi ne, %sign3A_1136, %sign3A_1143 : i32
    %rem3A_1145 = arith.remsi %add3A_1127, %jit3A_1128 : i32
    %ne3A_1146 = arith.constant 0 : i32
    %ne3A_1147 = arith.cmpi ne, %rem3A_1145, %ne3A_1146 : i32
    %and3A_1148 = arith.andi %ne3A_1144, %ne3A_1147 : i1
    %sub3A_1149 = arith.constant 1 : i32
    %sub3A_1150 = arith.subi %div3A_1129, %sub3A_1149 : i32
    %select_n3A_1151 = arith.select %and3A_1148, %sub3A_1150, %div3A_1129 : i32
    %jit3A_1152 = arith.constant 40 : i32
    %eq3A_1153 = arith.constant 0 : i32
    %eq3A_1154 = arith.cmpi eq, %jit3A_1152, %eq3A_1153 : i32
    %jit3A_1155 = arith.constant 1 : i32
    %select_n3A_1156 = arith.select %eq3A_1154, %jit3A_1155, %jit3A_1152 : i32
    %rem3A_1157 = arith.remsi %add3A_1127, %select_n3A_1156 : i32
    %ne3A_1158 = arith.constant 0 : i32
    %ne3A_1159 = arith.cmpi ne, %rem3A_1157, %ne3A_1158 : i32
    %lt3A_1160 = arith.constant 0 : i32
    %lt3A_1161 = arith.cmpi slt, %rem3A_1157, %lt3A_1160 : i32
    %lt3A_1162 = arith.constant 0 : i32
    %lt3A_1163 = arith.cmpi slt, %select_n3A_1156, %lt3A_1162 : i32
    %ne3A_1164 = arith.xori %lt3A_1161, %lt3A_1163 : i1
    %and3A_1165 = arith.andi %ne3A_1164, %ne3A_1159 : i1
    %add3A_1166 = arith.addi %rem3A_1157, %select_n3A_1156 : i32
    %select_n3A_1167 = arith.select %and3A_1165, %add3A_1166, %rem3A_1157 : i32
    %add3A_1168 = arith.constant 0 : i32
    %add3A_1169 = arith.addi %add3A_1168, %select_n3A_1167 : i32
    %mul3A_1170 = arith.constant 128 : i32
    %mul3A_1171 = arith.muli %add3A_1169, %mul3A_1170 : i32
    %multiple_of3A_1172 = tpu.assume_multiple %mul3A_1171, 128 : i32
    %dma_start3A_1173 = arith.constant 0 : i32
    %dma_start3A_1174 = tpu.memref_slice %arg5[%select_n3A_1096, %dma_start3A_1173, %multiple_of3A_1172] : memref<8x4x5000xf32, #tpu.memory_space<hbm>> -> memref<1x4x128xf32, #tpu.memory_space<hbm>>
    %dma_start3A_1175 = tpu.memref_squeeze %dma_start3A_1174 : memref<1x4x128xf32, #tpu.memory_space<hbm>> -> memref<4x128xf32, #tpu.memory_space<hbm>>
    %dma_start3A_1176 = arith.constant 0 : i32
    %dma_start3A_1177 = tpu.memref_slice %arg5[%select_n3A_1096, %dma_start3A_1176, %multiple_of3A_1172] : memref<8x4x5000xf32, #tpu.memory_space<hbm>> -> memref<1x4x128xf32, #tpu.memory_space<hbm>>
    %dma_start3A_1178 = tpu.memref_squeeze %dma_start3A_1177 : memref<1x4x128xf32, #tpu.memory_space<hbm>> -> memref<4x128xf32, #tpu.memory_space<hbm>>
    tpu.enqueue_dma source(%arg15 : memref<4x128xf32, #tpu.memory_space<vmem>>) target(%dma_start3A_1178 : memref<4x128xf32, #tpu.memory_space<hbm>>) target_semaphore(%arg21 : memref<!tpu.dma_semaphore, #tpu.memory_space<semaphore_mem>>)
    %mul3A_1179 = arith.constant 10 : i32
    %mul3A_1180 = arith.muli %add3A, %mul3A_1179 : i32
    %add3A_1181 = arith.constant 1 : i32
    %add3A_1182 = arith.addi %mul3A_1180, %add3A_1181 : i32
    %jit3A_1183 = arith.constant 40 : i32
    %div3A_1184 = arith.divsi %add3A_1182, %jit3A_1183 : i32
    %sign3A_1185 = arith.constant 0 : i32
    %sign3A_1186 = arith.cmpi sgt, %add3A_1182, %sign3A_1185 : i32
    %sign3A_1187 = arith.extui %sign3A_1186 : i1 to i32
    %sign3A_1188 = arith.constant 0 : i32
    %sign3A_1189 = arith.cmpi slt, %add3A_1182, %sign3A_1188 : i32
    %sign3A_1190 = arith.extui %sign3A_1189 : i1 to i32
    %sign3A_1191 = arith.subi %sign3A_1187, %sign3A_1190 : i32
    %sign3A_1192 = arith.constant 0 : i32
    %sign3A_1193 = arith.cmpi sgt, %jit3A_1183, %sign3A_1192 : i32
    %sign3A_1194 = arith.extui %sign3A_1193 : i1 to i32
    %sign3A_1195 = arith.constant 0 : i32
    %sign3A_1196 = arith.cmpi slt, %jit3A_1183, %sign3A_1195 : i32
    %sign3A_1197 = arith.extui %sign3A_1196 : i1 to i32
    %sign3A_1198 = arith.subi %sign3A_1194, %sign3A_1197 : i32
    %ne3A_1199 = arith.cmpi ne, %sign3A_1191, %sign3A_1198 : i32
    %rem3A_1200 = arith.remsi %add3A_1182, %jit3A_1183 : i32
    %ne3A_1201 = arith.constant 0 : i32
    %ne3A_1202 = arith.cmpi ne, %rem3A_1200, %ne3A_1201 : i32
    %and3A_1203 = arith.andi %ne3A_1199, %ne3A_1202 : i1
    %sub3A_1204 = arith.constant 1 : i32
    %sub3A_1205 = arith.subi %div3A_1184, %sub3A_1204 : i32
    %select_n3A_1206 = arith.select %and3A_1203, %sub3A_1205, %div3A_1184 : i32
    %jit3A_1207 = arith.constant 40 : i32
    %eq3A_1208 = arith.constant 0 : i32
    %eq3A_1209 = arith.cmpi eq, %jit3A_1207, %eq3A_1208 : i32
    %jit3A_1210 = arith.constant 1 : i32
    %select_n3A_1211 = arith.select %eq3A_1209, %jit3A_1210, %jit3A_1207 : i32
    %rem3A_1212 = arith.remsi %add3A_1182, %select_n3A_1211 : i32
    %ne3A_1213 = arith.constant 0 : i32
    %ne3A_1214 = arith.cmpi ne, %rem3A_1212, %ne3A_1213 : i32
    %lt3A_1215 = arith.constant 0 : i32
    %lt3A_1216 = arith.cmpi slt, %rem3A_1212, %lt3A_1215 : i32
    %lt3A_1217 = arith.constant 0 : i32
    %lt3A_1218 = arith.cmpi slt, %select_n3A_1211, %lt3A_1217 : i32
    %ne3A_1219 = arith.xori %lt3A_1216, %lt3A_1218 : i1
    %and3A_1220 = arith.andi %ne3A_1219, %ne3A_1214 : i1
    %add3A_1221 = arith.addi %rem3A_1212, %select_n3A_1211 : i32
    %select_n3A_1222 = arith.select %and3A_1220, %add3A_1221, %rem3A_1212 : i32
    %add3A_1223 = arith.constant 0 : i32
    %add3A_1224 = arith.addi %add3A_1223, %select_n3A_1222 : i32
    %mul3A_1225 = arith.constant 128 : i32
    %mul3A_1226 = arith.muli %add3A_1224, %mul3A_1225 : i32
    %multiple_of3A_1227 = tpu.assume_multiple %mul3A_1226, 128 : i32
    %dma_wait3A_1228 = arith.constant 0 : i32
    %dma_wait3A_1229 = tpu.memref_slice %arg5[%select_n3A_1206, %dma_wait3A_1228, %multiple_of3A_1227] : memref<8x4x5000xf32, #tpu.memory_space<hbm>> -> memref<1x4x128xf32, #tpu.memory_space<hbm>>
    %dma_wait3A_1230 = tpu.memref_squeeze %dma_wait3A_1229 : memref<1x4x128xf32, #tpu.memory_space<hbm>> -> memref<4x128xf32, #tpu.memory_space<hbm>>
    %dma_wait3A_1231 = arith.constant 0 : i32
    %dma_wait3A_1232 = tpu.memref_slice %arg5[%select_n3A_1206, %dma_wait3A_1231, %multiple_of3A_1227] : memref<8x4x5000xf32, #tpu.memory_space<hbm>> -> memref<1x4x128xf32, #tpu.memory_space<hbm>>
    %dma_wait3A_1233 = tpu.memref_squeeze %dma_wait3A_1232 : memref<1x4x128xf32, #tpu.memory_space<hbm>> -> memref<4x128xf32, #tpu.memory_space<hbm>>
    tpu.wait_dma2 semaphore(%arg22 : memref<!tpu.dma_semaphore, #tpu.memory_space<semaphore_mem>>) src(%arg16 : memref<4x128xf32, #tpu.memory_space<vmem>>) dst(%dma_wait3A_1233 : memref<4x128xf32, #tpu.memory_space<hbm>>)
    %mul3A_1234 = arith.constant 10 : i32
    %mul3A_1235 = arith.muli %add3A, %mul3A_1234 : i32
    %add3A_1236 = arith.constant 4 : i32
    %add3A_1237 = arith.addi %mul3A_1235, %add3A_1236 : i32
    %jit3A_1238 = arith.constant 40 : i32
    %div3A_1239 = arith.divsi %add3A_1237, %jit3A_1238 : i32
    %sign3A_1240 = arith.constant 0 : i32
    %sign3A_1241 = arith.cmpi sgt, %add3A_1237, %sign3A_1240 : i32
    %sign3A_1242 = arith.extui %sign3A_1241 : i1 to i32
    %sign3A_1243 = arith.constant 0 : i32
    %sign3A_1244 = arith.cmpi slt, %add3A_1237, %sign3A_1243 : i32
    %sign3A_1245 = arith.extui %sign3A_1244 : i1 to i32
    %sign3A_1246 = arith.subi %sign3A_1242, %sign3A_1245 : i32
    %sign3A_1247 = arith.constant 0 : i32
    %sign3A_1248 = arith.cmpi sgt, %jit3A_1238, %sign3A_1247 : i32
    %sign3A_1249 = arith.extui %sign3A_1248 : i1 to i32
    %sign3A_1250 = arith.constant 0 : i32
    %sign3A_1251 = arith.cmpi slt, %jit3A_1238, %sign3A_1250 : i32
    %sign3A_1252 = arith.extui %sign3A_1251 : i1 to i32
    %sign3A_1253 = arith.subi %sign3A_1249, %sign3A_1252 : i32
    %ne3A_1254 = arith.cmpi ne, %sign3A_1246, %sign3A_1253 : i32
    %rem3A_1255 = arith.remsi %add3A_1237, %jit3A_1238 : i32
    %ne3A_1256 = arith.constant 0 : i32
    %ne3A_1257 = arith.cmpi ne, %rem3A_1255, %ne3A_1256 : i32
    %and3A_1258 = arith.andi %ne3A_1254, %ne3A_1257 : i1
    %sub3A_1259 = arith.constant 1 : i32
    %sub3A_1260 = arith.subi %div3A_1239, %sub3A_1259 : i32
    %select_n3A_1261 = arith.select %and3A_1258, %sub3A_1260, %div3A_1239 : i32
    %jit3A_1262 = arith.constant 40 : i32
    %eq3A_1263 = arith.constant 0 : i32
    %eq3A_1264 = arith.cmpi eq, %jit3A_1262, %eq3A_1263 : i32
    %jit3A_1265 = arith.constant 1 : i32
    %select_n3A_1266 = arith.select %eq3A_1264, %jit3A_1265, %jit3A_1262 : i32
    %rem3A_1267 = arith.remsi %add3A_1237, %select_n3A_1266 : i32
    %ne3A_1268 = arith.constant 0 : i32
    %ne3A_1269 = arith.cmpi ne, %rem3A_1267, %ne3A_1268 : i32
    %lt3A_1270 = arith.constant 0 : i32
    %lt3A_1271 = arith.cmpi slt, %rem3A_1267, %lt3A_1270 : i32
    %lt3A_1272 = arith.constant 0 : i32
    %lt3A_1273 = arith.cmpi slt, %select_n3A_1266, %lt3A_1272 : i32
    %ne3A_1274 = arith.xori %lt3A_1271, %lt3A_1273 : i1
    %and3A_1275 = arith.andi %ne3A_1274, %ne3A_1269 : i1
    %add3A_1276 = arith.addi %rem3A_1267, %select_n3A_1266 : i32
    %select_n3A_1277 = arith.select %and3A_1275, %add3A_1276, %rem3A_1267 : i32
    %add3A_1278 = arith.constant 0 : i32
    %add3A_1279 = arith.addi %add3A_1278, %select_n3A_1277 : i32
    %mul3A_1280 = arith.constant 128 : i32
    %mul3A_1281 = arith.muli %add3A_1279, %mul3A_1280 : i32
    %multiple_of3A_1282 = tpu.assume_multiple %mul3A_1281, 128 : i32
    %dma_wait3A_1283 = arith.constant 0 : i32
    %dma_wait3A_1284 = arith.constant 0 : i32
    %dma_wait3A_1285 = tpu.memref_slice %arg2[%select_n3A_1261, %dma_wait3A_1283, %dma_wait3A_1284, %multiple_of3A_1282] : memref<8x81x4x5000xf32, #tpu.memory_space<hbm>> -> memref<1x81x4x128xf32, #tpu.memory_space<hbm>>
    %dma_wait3A_1286 = tpu.memref_squeeze %dma_wait3A_1285 : memref<1x81x4x128xf32, #tpu.memory_space<hbm>> -> memref<81x4x128xf32, #tpu.memory_space<hbm>>
    %dma_wait3A_1287 = arith.constant 0 : i32
    %dma_wait3A_1288 = arith.constant 0 : i32
    %dma_wait3A_1289 = tpu.memref_slice %arg2[%select_n3A_1261, %dma_wait3A_1287, %dma_wait3A_1288, %multiple_of3A_1282] : memref<8x81x4x5000xf32, #tpu.memory_space<hbm>> -> memref<1x81x4x128xf32, #tpu.memory_space<hbm>>
    %dma_wait3A_1290 = tpu.memref_squeeze %dma_wait3A_1289 : memref<1x81x4x128xf32, #tpu.memory_space<hbm>> -> memref<81x4x128xf32, #tpu.memory_space<hbm>>
    tpu.wait_dma2 semaphore(%arg19 : memref<!tpu.dma_semaphore, #tpu.memory_space<semaphore_mem>>) src(%dma_wait3A_1290 : memref<81x4x128xf32, #tpu.memory_space<hbm>>) dst(%arg7 : memref<81x4x128xf32, #tpu.memory_space<vmem>>)
    %dma_wait3A_1291 = arith.constant 0 : i32
    %dma_wait3A_1292 = tpu.memref_slice %arg4[%select_n3A_1261, %dma_wait3A_1291, %multiple_of3A_1282] : memref<8x4x5000xf32, #tpu.memory_space<hbm>> -> memref<1x4x128xf32, #tpu.memory_space<hbm>>
    %dma_wait3A_1293 = tpu.memref_squeeze %dma_wait3A_1292 : memref<1x4x128xf32, #tpu.memory_space<hbm>> -> memref<4x128xf32, #tpu.memory_space<hbm>>
    %dma_wait3A_1294 = arith.constant 0 : i32
    %dma_wait3A_1295 = tpu.memref_slice %arg4[%select_n3A_1261, %dma_wait3A_1294, %multiple_of3A_1282] : memref<8x4x5000xf32, #tpu.memory_space<hbm>> -> memref<1x4x128xf32, #tpu.memory_space<hbm>>
    %dma_wait3A_1296 = tpu.memref_squeeze %dma_wait3A_1295 : memref<1x4x128xf32, #tpu.memory_space<hbm>> -> memref<4x128xf32, #tpu.memory_space<hbm>>
    tpu.wait_dma2 semaphore(%arg19 : memref<!tpu.dma_semaphore, #tpu.memory_space<semaphore_mem>>) src(%dma_wait3A_1296 : memref<4x128xf32, #tpu.memory_space<hbm>>) dst(%arg13 : memref<4x128xf32, #tpu.memory_space<vmem>>)
    %dma_wait3A_1297 = arith.constant 0 : i32
    %dma_wait3A_1298 = tpu.memref_slice %arg3[%select_n3A_1261, %select_n3A_1277, %dma_wait3A_1297] : memref<8x40x128xi32, #tpu.memory_space<hbm>> -> memref<1x1x128xi32, #tpu.memory_space<hbm>>
    %dma_wait3A_1299 = tpu.memref_squeeze %dma_wait3A_1298 : memref<1x1x128xi32, #tpu.memory_space<hbm>> -> memref<128xi32, #tpu.memory_space<hbm>>
    %dma_wait3A_1300 = arith.constant 0 : i32
    %dma_wait3A_1301 = tpu.memref_slice %arg3[%select_n3A_1261, %select_n3A_1277, %dma_wait3A_1300] : memref<8x40x128xi32, #tpu.memory_space<hbm>> -> memref<1x1x128xi32, #tpu.memory_space<hbm>>
    %dma_wait3A_1302 = tpu.memref_squeeze %dma_wait3A_1301 : memref<1x1x128xi32, #tpu.memory_space<hbm>> -> memref<128xi32, #tpu.memory_space<hbm>>
    tpu.wait_dma2 semaphore(%arg19 : memref<!tpu.dma_semaphore, #tpu.memory_space<semaphore_mem>>) src(%dma_wait3A_1302 : memref<128xi32, #tpu.memory_space<hbm>>) dst(%arg10 : memref<128xi32, #tpu.memory_space<vmem>>)
    %mul3A_1303 = arith.constant 10 : i32
    %mul3A_1304 = arith.muli %add3A, %mul3A_1303 : i32
    %add3A_1305 = arith.constant 6 : i32
    %add3A_1306 = arith.addi %mul3A_1304, %add3A_1305 : i32
    %jit3A_1307 = arith.constant 40 : i32
    %div3A_1308 = arith.divsi %add3A_1306, %jit3A_1307 : i32
    %sign3A_1309 = arith.constant 0 : i32
    %sign3A_1310 = arith.cmpi sgt, %add3A_1306, %sign3A_1309 : i32
    %sign3A_1311 = arith.extui %sign3A_1310 : i1 to i32
    %sign3A_1312 = arith.constant 0 : i32
    %sign3A_1313 = arith.cmpi slt, %add3A_1306, %sign3A_1312 : i32
    %sign3A_1314 = arith.extui %sign3A_1313 : i1 to i32
    %sign3A_1315 = arith.subi %sign3A_1311, %sign3A_1314 : i32
    %sign3A_1316 = arith.constant 0 : i32
    %sign3A_1317 = arith.cmpi sgt, %jit3A_1307, %sign3A_1316 : i32
    %sign3A_1318 = arith.extui %sign3A_1317 : i1 to i32
    %sign3A_1319 = arith.constant 0 : i32
    %sign3A_1320 = arith.cmpi slt, %jit3A_1307, %sign3A_1319 : i32
    %sign3A_1321 = arith.extui %sign3A_1320 : i1 to i32
    %sign3A_1322 = arith.subi %sign3A_1318, %sign3A_1321 : i32
    %ne3A_1323 = arith.cmpi ne, %sign3A_1315, %sign3A_1322 : i32
    %rem3A_1324 = arith.remsi %add3A_1306, %jit3A_1307 : i32
    %ne3A_1325 = arith.constant 0 : i32
    %ne3A_1326 = arith.cmpi ne, %rem3A_1324, %ne3A_1325 : i32
    %and3A_1327 = arith.andi %ne3A_1323, %ne3A_1326 : i1
    %sub3A_1328 = arith.constant 1 : i32
    %sub3A_1329 = arith.subi %div3A_1308, %sub3A_1328 : i32
    %select_n3A_1330 = arith.select %and3A_1327, %sub3A_1329, %div3A_1308 : i32
    %jit3A_1331 = arith.constant 40 : i32
    %eq3A_1332 = arith.constant 0 : i32
    %eq3A_1333 = arith.cmpi eq, %jit3A_1331, %eq3A_1332 : i32
    %jit3A_1334 = arith.constant 1 : i32
    %select_n3A_1335 = arith.select %eq3A_1333, %jit3A_1334, %jit3A_1331 : i32
    %rem3A_1336 = arith.remsi %add3A_1306, %select_n3A_1335 : i32
    %ne3A_1337 = arith.constant 0 : i32
    %ne3A_1338 = arith.cmpi ne, %rem3A_1336, %ne3A_1337 : i32
    %lt3A_1339 = arith.constant 0 : i32
    %lt3A_1340 = arith.cmpi slt, %rem3A_1336, %lt3A_1339 : i32
    %lt3A_1341 = arith.constant 0 : i32
    %lt3A_1342 = arith.cmpi slt, %select_n3A_1335, %lt3A_1341 : i32
    %ne3A_1343 = arith.xori %lt3A_1340, %lt3A_1342 : i1
    %and3A_1344 = arith.andi %ne3A_1343, %ne3A_1338 : i1
    %add3A_1345 = arith.addi %rem3A_1336, %select_n3A_1335 : i32
    %select_n3A_1346 = arith.select %and3A_1344, %add3A_1345, %rem3A_1336 : i32
    %add3A_1347 = arith.constant 0 : i32
    %add3A_1348 = arith.addi %add3A_1347, %select_n3A_1346 : i32
    %mul3A_1349 = arith.constant 128 : i32
    %mul3A_1350 = arith.muli %add3A_1348, %mul3A_1349 : i32
    %multiple_of3A_1351 = tpu.assume_multiple %mul3A_1350, 128 : i32
    %dma_start3A_1352 = arith.constant 0 : i32
    %dma_start3A_1353 = arith.constant 0 : i32
    %dma_start3A_1354 = tpu.memref_slice %arg2[%select_n3A_1330, %dma_start3A_1352, %dma_start3A_1353, %multiple_of3A_1351] : memref<8x81x4x5000xf32, #tpu.memory_space<hbm>> -> memref<1x81x4x128xf32, #tpu.memory_space<hbm>>
    %dma_start3A_1355 = tpu.memref_squeeze %dma_start3A_1354 : memref<1x81x4x128xf32, #tpu.memory_space<hbm>> -> memref<81x4x128xf32, #tpu.memory_space<hbm>>
    %dma_start3A_1356 = arith.constant 0 : i32
    %dma_start3A_1357 = arith.constant 0 : i32
    %dma_start3A_1358 = tpu.memref_slice %arg2[%select_n3A_1330, %dma_start3A_1356, %dma_start3A_1357, %multiple_of3A_1351] : memref<8x81x4x5000xf32, #tpu.memory_space<hbm>> -> memref<1x81x4x128xf32, #tpu.memory_space<hbm>>
    %dma_start3A_1359 = tpu.memref_squeeze %dma_start3A_1358 : memref<1x81x4x128xf32, #tpu.memory_space<hbm>> -> memref<81x4x128xf32, #tpu.memory_space<hbm>>
    tpu.enqueue_dma source(%dma_start3A_1359 : memref<81x4x128xf32, #tpu.memory_space<hbm>>) target(%arg6 : memref<81x4x128xf32, #tpu.memory_space<vmem>>) target_semaphore(%arg18 : memref<!tpu.dma_semaphore, #tpu.memory_space<semaphore_mem>>)
    %dma_start3A_1360 = arith.constant 0 : i32
    %dma_start3A_1361 = tpu.memref_slice %arg4[%select_n3A_1330, %dma_start3A_1360, %multiple_of3A_1351] : memref<8x4x5000xf32, #tpu.memory_space<hbm>> -> memref<1x4x128xf32, #tpu.memory_space<hbm>>
    %dma_start3A_1362 = tpu.memref_squeeze %dma_start3A_1361 : memref<1x4x128xf32, #tpu.memory_space<hbm>> -> memref<4x128xf32, #tpu.memory_space<hbm>>
    %dma_start3A_1363 = arith.constant 0 : i32
    %dma_start3A_1364 = tpu.memref_slice %arg4[%select_n3A_1330, %dma_start3A_1363, %multiple_of3A_1351] : memref<8x4x5000xf32, #tpu.memory_space<hbm>> -> memref<1x4x128xf32, #tpu.memory_space<hbm>>
    %dma_start3A_1365 = tpu.memref_squeeze %dma_start3A_1364 : memref<1x4x128xf32, #tpu.memory_space<hbm>> -> memref<4x128xf32, #tpu.memory_space<hbm>>
    tpu.enqueue_dma source(%dma_start3A_1365 : memref<4x128xf32, #tpu.memory_space<hbm>>) target(%arg12 : memref<4x128xf32, #tpu.memory_space<vmem>>) target_semaphore(%arg18 : memref<!tpu.dma_semaphore, #tpu.memory_space<semaphore_mem>>)
    %dma_start3A_1366 = arith.constant 0 : i32
    %dma_start3A_1367 = tpu.memref_slice %arg3[%select_n3A_1330, %select_n3A_1346, %dma_start3A_1366] : memref<8x40x128xi32, #tpu.memory_space<hbm>> -> memref<1x1x128xi32, #tpu.memory_space<hbm>>
    %dma_start3A_1368 = tpu.memref_squeeze %dma_start3A_1367 : memref<1x1x128xi32, #tpu.memory_space<hbm>> -> memref<128xi32, #tpu.memory_space<hbm>>
    %dma_start3A_1369 = arith.constant 0 : i32
    %dma_start3A_1370 = tpu.memref_slice %arg3[%select_n3A_1330, %select_n3A_1346, %dma_start3A_1369] : memref<8x40x128xi32, #tpu.memory_space<hbm>> -> memref<1x1x128xi32, #tpu.memory_space<hbm>>
    %dma_start3A_1371 = tpu.memref_squeeze %dma_start3A_1370 : memref<1x1x128xi32, #tpu.memory_space<hbm>> -> memref<128xi32, #tpu.memory_space<hbm>>
    tpu.enqueue_dma source(%dma_start3A_1371 : memref<128xi32, #tpu.memory_space<hbm>>) target(%arg9 : memref<128xi32, #tpu.memory_space<vmem>>) target_semaphore(%arg18 : memref<!tpu.dma_semaphore, #tpu.memory_space<semaphore_mem>>)
    %mul3A_1372 = arith.constant 10 : i32
    %mul3A_1373 = arith.muli %add3A, %mul3A_1372 : i32
    %add3A_1374 = arith.constant 4 : i32
    %add3A_1375 = arith.addi %mul3A_1373, %add3A_1374 : i32
    %jit3A_1376 = arith.constant 40 : i32
    %div3A_1377 = arith.divsi %add3A_1375, %jit3A_1376 : i32
    %sign3A_1378 = arith.constant 0 : i32
    %sign3A_1379 = arith.cmpi sgt, %add3A_1375, %sign3A_1378 : i32
    %sign3A_1380 = arith.extui %sign3A_1379 : i1 to i32
    %sign3A_1381 = arith.constant 0 : i32
    %sign3A_1382 = arith.cmpi slt, %add3A_1375, %sign3A_1381 : i32
    %sign3A_1383 = arith.extui %sign3A_1382 : i1 to i32
    %sign3A_1384 = arith.subi %sign3A_1380, %sign3A_1383 : i32
    %sign3A_1385 = arith.constant 0 : i32
    %sign3A_1386 = arith.cmpi sgt, %jit3A_1376, %sign3A_1385 : i32
    %sign3A_1387 = arith.extui %sign3A_1386 : i1 to i32
    %sign3A_1388 = arith.constant 0 : i32
    %sign3A_1389 = arith.cmpi slt, %jit3A_1376, %sign3A_1388 : i32
    %sign3A_1390 = arith.extui %sign3A_1389 : i1 to i32
    %sign3A_1391 = arith.subi %sign3A_1387, %sign3A_1390 : i32
    %ne3A_1392 = arith.cmpi ne, %sign3A_1384, %sign3A_1391 : i32
    %rem3A_1393 = arith.remsi %add3A_1375, %jit3A_1376 : i32
    %ne3A_1394 = arith.constant 0 : i32
    %ne3A_1395 = arith.cmpi ne, %rem3A_1393, %ne3A_1394 : i32
    %and3A_1396 = arith.andi %ne3A_1392, %ne3A_1395 : i1
    %sub3A_1397 = arith.constant 1 : i32
    %sub3A_1398 = arith.subi %div3A_1377, %sub3A_1397 : i32
    %select_n3A_1399 = arith.select %and3A_1396, %sub3A_1398, %div3A_1377 : i32
    %jit3A_1400 = arith.constant 40 : i32
    %eq3A_1401 = arith.constant 0 : i32
    %eq3A_1402 = arith.cmpi eq, %jit3A_1400, %eq3A_1401 : i32
    %jit3A_1403 = arith.constant 1 : i32
    %select_n3A_1404 = arith.select %eq3A_1402, %jit3A_1403, %jit3A_1400 : i32
    %rem3A_1405 = arith.remsi %add3A_1375, %select_n3A_1404 : i32
    %ne3A_1406 = arith.constant 0 : i32
    %ne3A_1407 = arith.cmpi ne, %rem3A_1405, %ne3A_1406 : i32
    %lt3A_1408 = arith.constant 0 : i32
    %lt3A_1409 = arith.cmpi slt, %rem3A_1405, %lt3A_1408 : i32
    %lt3A_1410 = arith.constant 0 : i32
    %lt3A_1411 = arith.cmpi slt, %select_n3A_1404, %lt3A_1410 : i32
    %ne3A_1412 = arith.xori %lt3A_1409, %lt3A_1411 : i1
    %and3A_1413 = arith.andi %ne3A_1412, %ne3A_1407 : i1
    %add3A_1414 = arith.addi %rem3A_1405, %select_n3A_1404 : i32
    %select_n3A_1415 = arith.select %and3A_1413, %add3A_1414, %rem3A_1405 : i32
    %add3A_1416 = arith.constant 0 : i32
    %add3A_1417 = arith.addi %add3A_1416, %select_n3A_1415 : i32
    %mul3A_1418 = arith.constant 128 : i32
    %mul3A_1419 = arith.muli %add3A_1417, %mul3A_1418 : i32
    %multiple_of3A_1420 = tpu.assume_multiple %mul3A_1419, 128 : i32
    %scan3A_1421 = arith.constant 0 : i32
    %scan3A_1422 = arith.constant 0 : i32
    %scan3A_1423 = arith.constant 8 : i32
    %scan3A_1424 = arith.addi %scan3A_1422, %scan3A_1423 : i32
    %scan3A_1425 = arith.constant 1 : i32
    scf.for %scan3A_3024 = %scan3A_1422 to %scan3A_1424 step %scan3A_1425  : i32 {
      %mul3A_3025 = arith.constant 16 : i32
      %mul3A_3026 = arith.muli %scan3A_3024, %mul3A_3025 : i32
      %get3A = arith.index_cast %mul3A_3026 : i32 to index
      %get3A_3027 = tpu.vector_load %arg10[%get3A] {strides = array<i32>} : memref<128xi32, #tpu.memory_space<vmem>>, vector<16xi32>,
      %add3A_3028 = vector.broadcast %mul3A_3026 : i32 to vector<16xi32>
      %add3A_3029 = arith.addi %add3A_3028, %iota3A : vector<16xi32>
      %gather3A = tpu.vector_load_idx %arg7[%get3A_3027, %broadcast_in_dim3A_1, %add3A_3029] : memref<81x4x128xf32, #tpu.memory_space<vmem>>[vector<16xi32>, vector<16xi32>, vector<16xi32>], vector<16xf32>,
      %gather3A_3030 = tpu.vector_load_idx %arg7[%get3A_3027, %broadcast_in_dim3A_3, %add3A_3029] : memref<81x4x128xf32, #tpu.memory_space<vmem>>[vector<16xi32>, vector<16xi32>, vector<16xi32>], vector<16xf32>,
      %gather3A_3031 = tpu.vector_load_idx %arg7[%get3A_3027, %broadcast_in_dim3A_5, %add3A_3029] : memref<81x4x128xf32, #tpu.memory_space<vmem>>[vector<16xi32>, vector<16xi32>, vector<16xi32>], vector<16xf32>,
      %gather3A_3032 = tpu.vector_load_idx %arg7[%get3A_3027, %broadcast_in_dim3A_7, %add3A_3029] : memref<81x4x128xf32, #tpu.memory_space<vmem>>[vector<16xi32>, vector<16xi32>, vector<16xi32>], vector<16xf32>,
      %get3A_3033 = arith.constant 0 : i32
      %get3A_3034 = arith.index_cast %get3A_3033 : i32 to index
      %get3A_3035 = arith.index_cast %mul3A_3026 : i32 to index
      %get3A_3036 = tpu.vector_load %arg13[%get3A_3034, %get3A_3035] {strides = array<i32>} : memref<4x128xf32, #tpu.memory_space<vmem>>, vector<16xf32>,
      %get3A_3037 = arith.constant 1 : i32
      %get3A_3038 = arith.index_cast %get3A_3037 : i32 to index
      %get3A_3039 = arith.index_cast %mul3A_3026 : i32 to index
      %get3A_3040 = tpu.vector_load %arg13[%get3A_3038, %get3A_3039] {strides = array<i32>} : memref<4x128xf32, #tpu.memory_space<vmem>>, vector<16xf32>,
      %get3A_3041 = arith.constant 2 : i32
      %get3A_3042 = arith.index_cast %get3A_3041 : i32 to index
      %get3A_3043 = arith.index_cast %mul3A_3026 : i32 to index
      %get3A_3044 = tpu.vector_load %arg13[%get3A_3042, %get3A_3043] {strides = array<i32>} : memref<4x128xf32, #tpu.memory_space<vmem>>, vector<16xf32>,
      %get3A_3045 = arith.constant 3 : i32
      %get3A_3046 = arith.index_cast %get3A_3045 : i32 to index
      %get3A_3047 = arith.index_cast %mul3A_3026 : i32 to index
      %get3A_3048 = tpu.vector_load %arg13[%get3A_3046, %get3A_3047] {strides = array<i32>} : memref<4x128xf32, #tpu.memory_space<vmem>>, vector<16xf32>,
      %sub3A_3049 = arith.subf %get3A_3044, %get3A_3036 : vector<16xf32>
      %sub3A_3050 = arith.subf %get3A_3048, %get3A_3040 : vector<16xf32>
      %mul3A_3051 = arith.constant 5.000000e-01 : f32
      %mul3A_3052 = vector.broadcast %mul3A_3051 : f32 to vector<16xf32>
      %mul3A_3053 = arith.mulf %mul3A_3052, %sub3A_3049 : vector<16xf32>
      %add3A_3054 = arith.addf %get3A_3036, %mul3A_3053 : vector<16xf32>
      %mul3A_3055 = arith.constant 5.000000e-01 : f32
      %mul3A_3056 = vector.broadcast %mul3A_3055 : f32 to vector<16xf32>
      %mul3A_3057 = arith.mulf %mul3A_3056, %sub3A_3050 : vector<16xf32>
      %add3A_3058 = arith.addf %get3A_3040, %mul3A_3057 : vector<16xf32>
      %mul3A_3059 = arith.constant 2.000000e-01 : f32
      %mul3A_3060 = vector.broadcast %mul3A_3059 : f32 to vector<16xf32>
      %mul3A_3061 = arith.mulf %gather3A_3031, %mul3A_3060 : vector<16xf32>
      %jit3A_3062 = arith.constant -4.13516665 : f32
      %jit3A_3063 = arith.constant 4.13516665 : f32
      %max3A = vector.broadcast %jit3A_3062 : f32 to vector<16xf32>
      %max3A_3064 = arith.maximumf %max3A, %mul3A_3061 : vector<16xf32>
      %min3A = vector.broadcast %jit3A_3063 : f32 to vector<16xf32>
      %min3A_3065 = arith.minimumf %min3A, %max3A_3064 : vector<16xf32>
      %mul3A_3066 = arith.constant 2.000000e-01 : f32
      %mul3A_3067 = vector.broadcast %mul3A_3066 : f32 to vector<16xf32>
      %mul3A_3068 = arith.mulf %gather3A_3032, %mul3A_3067 : vector<16xf32>
      %jit3A_3069 = arith.constant -4.13516665 : f32
      %jit3A_3070 = arith.constant 4.13516665 : f32
      %max3A_3071 = vector.broadcast %jit3A_3069 : f32 to vector<16xf32>
      %max3A_3072 = arith.maximumf %max3A_3071, %mul3A_3068 : vector<16xf32>
      %min3A_3073 = vector.broadcast %jit3A_3070 : f32 to vector<16xf32>
      %min3A_3074 = arith.minimumf %min3A_3073, %max3A_3072 : vector<16xf32>
      %exp3A = math.exp %min3A_3065 : vector<16xf32>
      %mul3A_3075 = arith.mulf %sub3A_3049, %exp3A : vector<16xf32>
      %mul3A_3076 = arith.constant 5.000000e-01 : f32
      %mul3A_3077 = vector.broadcast %mul3A_3076 : f32 to vector<16xf32>
      %mul3A_3078 = arith.mulf %mul3A_3077, %mul3A_3075 : vector<16xf32>
      %exp3A_3079 = math.exp %min3A_3074 : vector<16xf32>
      %mul3A_3080 = arith.mulf %sub3A_3050, %exp3A_3079 : vector<16xf32>
      %mul3A_3081 = arith.constant 5.000000e-01 : f32
      %mul3A_3082 = vector.broadcast %mul3A_3081 : f32 to vector<16xf32>
      %mul3A_3083 = arith.mulf %mul3A_3082, %mul3A_3080 : vector<16xf32>
      %mul3A_3084 = arith.constant 1.000000e-01 : f32
      %mul3A_3085 = vector.broadcast %mul3A_3084 : f32 to vector<16xf32>
      %mul3A_3086 = arith.mulf %gather3A, %mul3A_3085 : vector<16xf32>
      %mul3A_3087 = arith.mulf %mul3A_3086, %sub3A_3049 : vector<16xf32>
      %add3A_3088 = arith.addf %add3A_3054, %mul3A_3087 : vector<16xf32>
      %mul3A_3089 = arith.constant 1.000000e-01 : f32
      %mul3A_3090 = vector.broadcast %mul3A_3089 : f32 to vector<16xf32>
      %mul3A_3091 = arith.mulf %gather3A_3030, %mul3A_3090 : vector<16xf32>
      %mul3A_3092 = arith.mulf %mul3A_3091, %sub3A_3050 : vector<16xf32>
      %add3A_3093 = arith.addf %add3A_3058, %mul3A_3092 : vector<16xf32>
      %sub3A_3094 = arith.subf %add3A_3088, %mul3A_3078 : vector<16xf32>
      %jit3A_3095 = arith.constant 0.000000e+00 : f32
      %jit3A_3096 = arith.constant 1.000000e+00 : f32
      %max3A_3097 = vector.broadcast %jit3A_3095 : f32 to vector<16xf32>
      %max3A_3098 = arith.maximumf %max3A_3097, %sub3A_3094 : vector<16xf32>
      %min3A_3099 = vector.broadcast %jit3A_3096 : f32 to vector<16xf32>
      %min3A_3100 = arith.minimumf %min3A_3099, %max3A_3098 : vector<16xf32>
      %swap3A = arith.constant 0 : i32
      %swap3A_3101 = arith.index_cast %swap3A : i32 to index
      %swap3A_3102 = arith.index_cast %mul3A_3026 : i32 to index
      %swap3A_3103 = tpu.vector_load %arg16[%swap3A_3101, %swap3A_3102] {strides = array<i32>} : memref<4x128xf32, #tpu.memory_space<vmem>>, vector<16xf32>,
      tpu.vector_store %arg16[%swap3A_3101, %swap3A_3102], %min3A_3100 {strides = array<i32>} : memref<4x128xf32, #tpu.memory_space<vmem>>, vector<16xf32>,
      %sub3A_3104 = arith.subf %add3A_3093, %mul3A_3083 : vector<16xf32>
      %jit3A_3105 = arith.constant 0.000000e+00 : f32
      %jit3A_3106 = arith.constant 1.000000e+00 : f32
      %max3A_3107 = vector.broadcast %jit3A_3105 : f32 to vector<16xf32>
      %max3A_3108 = arith.maximumf %max3A_3107, %sub3A_3104 : vector<16xf32>
      %min3A_3109 = vector.broadcast %jit3A_3106 : f32 to vector<16xf32>
      %min3A_3110 = arith.minimumf %min3A_3109, %max3A_3108 : vector<16xf32>
      %swap3A_3111 = arith.constant 1 : i32
      %swap3A_3112 = arith.index_cast %swap3A_3111 : i32 to index
      %swap3A_3113 = arith.index_cast %mul3A_3026 : i32 to index
      %swap3A_3114 = tpu.vector_load %arg16[%swap3A_3112, %swap3A_3113] {strides = array<i32>} : memref<4x128xf32, #tpu.memory_space<vmem>>, vector<16xf32>,
      tpu.vector_store %arg16[%swap3A_3112, %swap3A_3113], %min3A_3110 {strides = array<i32>} : memref<4x128xf32, #tpu.memory_space<vmem>>, vector<16xf32>,
      %add3A_3115 = arith.addf %add3A_3088, %mul3A_3078 : vector<16xf32>
      %jit3A_3116 = arith.constant 0.000000e+00 : f32
      %jit3A_3117 = arith.constant 1.000000e+00 : f32
      %max3A_3118 = vector.broadcast %jit3A_3116 : f32 to vector<16xf32>
      %max3A_3119 = arith.maximumf %max3A_3118, %add3A_3115 : vector<16xf32>
      %min3A_3120 = vector.broadcast %jit3A_3117 : f32 to vector<16xf32>
      %min3A_3121 = arith.minimumf %min3A_3120, %max3A_3119 : vector<16xf32>
      %swap3A_3122 = arith.constant 2 : i32
      %swap3A_3123 = arith.index_cast %swap3A_3122 : i32 to index
      %swap3A_3124 = arith.index_cast %mul3A_3026 : i32 to index
      %swap3A_3125 = tpu.vector_load %arg16[%swap3A_3123, %swap3A_3124] {strides = array<i32>} : memref<4x128xf32, #tpu.memory_space<vmem>>, vector<16xf32>,
      tpu.vector_store %arg16[%swap3A_3123, %swap3A_3124], %min3A_3121 {strides = array<i32>} : memref<4x128xf32, #tpu.memory_space<vmem>>, vector<16xf32>,
      %add3A_3126 = arith.addf %add3A_3093, %mul3A_3083 : vector<16xf32>
      %jit3A_3127 = arith.constant 0.000000e+00 : f32
      %jit3A_3128 = arith.constant 1.000000e+00 : f32
      %max3A_3129 = vector.broadcast %jit3A_3127 : f32 to vector<16xf32>
      %max3A_3130 = arith.maximumf %max3A_3129, %add3A_3126 : vector<16xf32>
      %min3A_3131 = vector.broadcast %jit3A_3128 : f32 to vector<16xf32>
      %min3A_3132 = arith.minimumf %min3A_3131, %max3A_3130 : vector<16xf32>
      %swap3A_3133 = arith.constant 3 : i32
      %swap3A_3134 = arith.index_cast %swap3A_3133 : i32 to index
      %swap3A_3135 = arith.index_cast %mul3A_3026 : i32 to index
      %swap3A_3136 = tpu.vector_load %arg16[%swap3A_3134, %swap3A_3135] {strides = array<i32>} : memref<4x128xf32, #tpu.memory_space<vmem>>, vector<16xf32>,
      tpu.vector_store %arg16[%swap3A_3134, %swap3A_3135], %min3A_3132 {strides = array<i32>} : memref<4x128xf32, #tpu.memory_space<vmem>>, vector<16xf32>,
    }
    %scan3A_1426 = arith.constant 8 : i32
    %mul3A_1427 = arith.constant 10 : i32
    %mul3A_1428 = arith.muli %add3A, %mul3A_1427 : i32
    %add3A_1429 = arith.constant 4 : i32
    %add3A_1430 = arith.addi %mul3A_1428, %add3A_1429 : i32
    %jit3A_1431 = arith.constant 40 : i32
    %div3A_1432 = arith.divsi %add3A_1430, %jit3A_1431 : i32
    %sign3A_1433 = arith.constant 0 : i32
    %sign3A_1434 = arith.cmpi sgt, %add3A_1430, %sign3A_1433 : i32
    %sign3A_1435 = arith.extui %sign3A_1434 : i1 to i32
    %sign3A_1436 = arith.constant 0 : i32
    %sign3A_1437 = arith.cmpi slt, %add3A_1430, %sign3A_1436 : i32
    %sign3A_1438 = arith.extui %sign3A_1437 : i1 to i32
    %sign3A_1439 = arith.subi %sign3A_1435, %sign3A_1438 : i32
    %sign3A_1440 = arith.constant 0 : i32
    %sign3A_1441 = arith.cmpi sgt, %jit3A_1431, %sign3A_1440 : i32
    %sign3A_1442 = arith.extui %sign3A_1441 : i1 to i32
    %sign3A_1443 = arith.constant 0 : i32
    %sign3A_1444 = arith.cmpi slt, %jit3A_1431, %sign3A_1443 : i32
    %sign3A_1445 = arith.extui %sign3A_1444 : i1 to i32
    %sign3A_1446 = arith.subi %sign3A_1442, %sign3A_1445 : i32
    %ne3A_1447 = arith.cmpi ne, %sign3A_1439, %sign3A_1446 : i32
    %rem3A_1448 = arith.remsi %add3A_1430, %jit3A_1431 : i32
    %ne3A_1449 = arith.constant 0 : i32
    %ne3A_1450 = arith.cmpi ne, %rem3A_1448, %ne3A_1449 : i32
    %and3A_1451 = arith.andi %ne3A_1447, %ne3A_1450 : i1
    %sub3A_1452 = arith.constant 1 : i32
    %sub3A_1453 = arith.subi %div3A_1432, %sub3A_1452 : i32
    %select_n3A_1454 = arith.select %and3A_1451, %sub3A_1453, %div3A_1432 : i32
    %jit3A_1455 = arith.constant 40 : i32
    %eq3A_1456 = arith.constant 0 : i32
    %eq3A_1457 = arith.cmpi eq, %jit3A_1455, %eq3A_1456 : i32
    %jit3A_1458 = arith.constant 1 : i32
    %select_n3A_1459 = arith.select %eq3A_1457, %jit3A_1458, %jit3A_1455 : i32
    %rem3A_1460 = arith.remsi %add3A_1430, %select_n3A_1459 : i32
    %ne3A_1461 = arith.constant 0 : i32
    %ne3A_1462 = arith.cmpi ne, %rem3A_1460, %ne3A_1461 : i32
    %lt3A_1463 = arith.constant 0 : i32
    %lt3A_1464 = arith.cmpi slt, %rem3A_1460, %lt3A_1463 : i32
    %lt3A_1465 = arith.constant 0 : i32
    %lt3A_1466 = arith.cmpi slt, %select_n3A_1459, %lt3A_1465 : i32
    %ne3A_1467 = arith.xori %lt3A_1464, %lt3A_1466 : i1
    %and3A_1468 = arith.andi %ne3A_1467, %ne3A_1462 : i1
    %add3A_1469 = arith.addi %rem3A_1460, %select_n3A_1459 : i32
    %select_n3A_1470 = arith.select %and3A_1468, %add3A_1469, %rem3A_1460 : i32
    %add3A_1471 = arith.constant 0 : i32
    %add3A_1472 = arith.addi %add3A_1471, %select_n3A_1470 : i32
    %mul3A_1473 = arith.constant 128 : i32
    %mul3A_1474 = arith.muli %add3A_1472, %mul3A_1473 : i32
    %multiple_of3A_1475 = tpu.assume_multiple %mul3A_1474, 128 : i32
    %dma_start3A_1476 = arith.constant 0 : i32
    %dma_start3A_1477 = tpu.memref_slice %arg5[%select_n3A_1399, %dma_start3A_1476, %multiple_of3A_1475] : memref<8x4x5000xf32, #tpu.memory_space<hbm>> -> memref<1x4x128xf32, #tpu.memory_space<hbm>>
    %dma_start3A_1478 = tpu.memref_squeeze %dma_start3A_1477 : memref<1x4x128xf32, #tpu.memory_space<hbm>> -> memref<4x128xf32, #tpu.memory_space<hbm>>
    %dma_start3A_1479 = arith.constant 0 : i32
    %dma_start3A_1480 = tpu.memref_slice %arg5[%select_n3A_1399, %dma_start3A_1479, %multiple_of3A_1475] : memref<8x4x5000xf32, #tpu.memory_space<hbm>> -> memref<1x4x128xf32, #tpu.memory_space<hbm>>
    %dma_start3A_1481 = tpu.memref_squeeze %dma_start3A_1480 : memref<1x4x128xf32, #tpu.memory_space<hbm>> -> memref<4x128xf32, #tpu.memory_space<hbm>>
    tpu.enqueue_dma source(%arg16 : memref<4x128xf32, #tpu.memory_space<vmem>>) target(%dma_start3A_1481 : memref<4x128xf32, #tpu.memory_space<hbm>>) target_semaphore(%arg22 : memref<!tpu.dma_semaphore, #tpu.memory_space<semaphore_mem>>)
    %mul3A_1482 = arith.constant 10 : i32
    %mul3A_1483 = arith.muli %add3A, %mul3A_1482 : i32
    %add3A_1484 = arith.constant 2 : i32
    %add3A_1485 = arith.addi %mul3A_1483, %add3A_1484 : i32
    %jit3A_1486 = arith.constant 40 : i32
    %div3A_1487 = arith.divsi %add3A_1485, %jit3A_1486 : i32
    %sign3A_1488 = arith.constant 0 : i32
    %sign3A_1489 = arith.cmpi sgt, %add3A_1485, %sign3A_1488 : i32
    %sign3A_1490 = arith.extui %sign3A_1489 : i1 to i32
    %sign3A_1491 = arith.constant 0 : i32
    %sign3A_1492 = arith.cmpi slt, %add3A_1485, %sign3A_1491 : i32
    %sign3A_1493 = arith.extui %sign3A_1492 : i1 to i32
    %sign3A_1494 = arith.subi %sign3A_1490, %sign3A_1493 : i32
    %sign3A_1495 = arith.constant 0 : i32
    %sign3A_1496 = arith.cmpi sgt, %jit3A_1486, %sign3A_1495 : i32
    %sign3A_1497 = arith.extui %sign3A_1496 : i1 to i32
    %sign3A_1498 = arith.constant 0 : i32
    %sign3A_1499 = arith.cmpi slt, %jit3A_1486, %sign3A_1498 : i32
    %sign3A_1500 = arith.extui %sign3A_1499 : i1 to i32
    %sign3A_1501 = arith.subi %sign3A_1497, %sign3A_1500 : i32
    %ne3A_1502 = arith.cmpi ne, %sign3A_1494, %sign3A_1501 : i32
    %rem3A_1503 = arith.remsi %add3A_1485, %jit3A_1486 : i32
    %ne3A_1504 = arith.constant 0 : i32
    %ne3A_1505 = arith.cmpi ne, %rem3A_1503, %ne3A_1504 : i32
    %and3A_1506 = arith.andi %ne3A_1502, %ne3A_1505 : i1
    %sub3A_1507 = arith.constant 1 : i32
    %sub3A_1508 = arith.subi %div3A_1487, %sub3A_1507 : i32
    %select_n3A_1509 = arith.select %and3A_1506, %sub3A_1508, %div3A_1487 : i32
    %jit3A_1510 = arith.constant 40 : i32
    %eq3A_1511 = arith.constant 0 : i32
    %eq3A_1512 = arith.cmpi eq, %jit3A_1510, %eq3A_1511 : i32
    %jit3A_1513 = arith.constant 1 : i32
    %select_n3A_1514 = arith.select %eq3A_1512, %jit3A_1513, %jit3A_1510 : i32
    %rem3A_1515 = arith.remsi %add3A_1485, %select_n3A_1514 : i32
    %ne3A_1516 = arith.constant 0 : i32
    %ne3A_1517 = arith.cmpi ne, %rem3A_1515, %ne3A_1516 : i32
    %lt3A_1518 = arith.constant 0 : i32
    %lt3A_1519 = arith.cmpi slt, %rem3A_1515, %lt3A_1518 : i32
    %lt3A_1520 = arith.constant 0 : i32
    %lt3A_1521 = arith.cmpi slt, %select_n3A_1514, %lt3A_1520 : i32
    %ne3A_1522 = arith.xori %lt3A_1519, %lt3A_1521 : i1
    %and3A_1523 = arith.andi %ne3A_1522, %ne3A_1517 : i1
    %add3A_1524 = arith.addi %rem3A_1515, %select_n3A_1514 : i32
    %select_n3A_1525 = arith.select %and3A_1523, %add3A_1524, %rem3A_1515 : i32
    %add3A_1526 = arith.constant 0 : i32
    %add3A_1527 = arith.addi %add3A_1526, %select_n3A_1525 : i32
    %mul3A_1528 = arith.constant 128 : i32
    %mul3A_1529 = arith.muli %add3A_1527, %mul3A_1528 : i32
    %multiple_of3A_1530 = tpu.assume_multiple %mul3A_1529, 128 : i32
    %dma_wait3A_1531 = arith.constant 0 : i32
    %dma_wait3A_1532 = tpu.memref_slice %arg5[%select_n3A_1509, %dma_wait3A_1531, %multiple_of3A_1530] : memref<8x4x5000xf32, #tpu.memory_space<hbm>> -> memref<1x4x128xf32, #tpu.memory_space<hbm>>
    %dma_wait3A_1533 = tpu.memref_squeeze %dma_wait3A_1532 : memref<1x4x128xf32, #tpu.memory_space<hbm>> -> memref<4x128xf32, #tpu.memory_space<hbm>>
    %dma_wait3A_1534 = arith.constant 0 : i32
    %dma_wait3A_1535 = tpu.memref_slice %arg5[%select_n3A_1509, %dma_wait3A_1534, %multiple_of3A_1530] : memref<8x4x5000xf32, #tpu.memory_space<hbm>> -> memref<1x4x128xf32, #tpu.memory_space<hbm>>
    %dma_wait3A_1536 = tpu.memref_squeeze %dma_wait3A_1535 : memref<1x4x128xf32, #tpu.memory_space<hbm>> -> memref<4x128xf32, #tpu.memory_space<hbm>>
    tpu.wait_dma2 semaphore(%arg23 : memref<!tpu.dma_semaphore, #tpu.memory_space<semaphore_mem>>) src(%arg17 : memref<4x128xf32, #tpu.memory_space<vmem>>) dst(%dma_wait3A_1536 : memref<4x128xf32, #tpu.memory_space<hbm>>)
    %mul3A_1537 = arith.constant 10 : i32
    %mul3A_1538 = arith.muli %add3A, %mul3A_1537 : i32
    %add3A_1539 = arith.constant 5 : i32
    %add3A_1540 = arith.addi %mul3A_1538, %add3A_1539 : i32
    %jit3A_1541 = arith.constant 40 : i32
    %div3A_1542 = arith.divsi %add3A_1540, %jit3A_1541 : i32
    %sign3A_1543 = arith.constant 0 : i32
    %sign3A_1544 = arith.cmpi sgt, %add3A_1540, %sign3A_1543 : i32
    %sign3A_1545 = arith.extui %sign3A_1544 : i1 to i32
    %sign3A_1546 = arith.constant 0 : i32
    %sign3A_1547 = arith.cmpi slt, %add3A_1540, %sign3A_1546 : i32
    %sign3A_1548 = arith.extui %sign3A_1547 : i1 to i32
    %sign3A_1549 = arith.subi %sign3A_1545, %sign3A_1548 : i32
    %sign3A_1550 = arith.constant 0 : i32
    %sign3A_1551 = arith.cmpi sgt, %jit3A_1541, %sign3A_1550 : i32
    %sign3A_1552 = arith.extui %sign3A_1551 : i1 to i32
    %sign3A_1553 = arith.constant 0 : i32
    %sign3A_1554 = arith.cmpi slt, %jit3A_1541, %sign3A_1553 : i32
    %sign3A_1555 = arith.extui %sign3A_1554 : i1 to i32
    %sign3A_1556 = arith.subi %sign3A_1552, %sign3A_1555 : i32
    %ne3A_1557 = arith.cmpi ne, %sign3A_1549, %sign3A_1556 : i32
    %rem3A_1558 = arith.remsi %add3A_1540, %jit3A_1541 : i32
    %ne3A_1559 = arith.constant 0 : i32
    %ne3A_1560 = arith.cmpi ne, %rem3A_1558, %ne3A_1559 : i32
    %and3A_1561 = arith.andi %ne3A_1557, %ne3A_1560 : i1
    %sub3A_1562 = arith.constant 1 : i32
    %sub3A_1563 = arith.subi %div3A_1542, %sub3A_1562 : i32
    %select_n3A_1564 = arith.select %and3A_1561, %sub3A_1563, %div3A_1542 : i32
    %jit3A_1565 = arith.constant 40 : i32
    %eq3A_1566 = arith.constant 0 : i32
    %eq3A_1567 = arith.cmpi eq, %jit3A_1565, %eq3A_1566 : i32
    %jit3A_1568 = arith.constant 1 : i32
    %select_n3A_1569 = arith.select %eq3A_1567, %jit3A_1568, %jit3A_1565 : i32
    %rem3A_1570 = arith.remsi %add3A_1540, %select_n3A_1569 : i32
    %ne3A_1571 = arith.constant 0 : i32
    %ne3A_1572 = arith.cmpi ne, %rem3A_1570, %ne3A_1571 : i32
    %lt3A_1573 = arith.constant 0 : i32
    %lt3A_1574 = arith.cmpi slt, %rem3A_1570, %lt3A_1573 : i32
    %lt3A_1575 = arith.constant 0 : i32
    %lt3A_1576 = arith.cmpi slt, %select_n3A_1569, %lt3A_1575 : i32
    %ne3A_1577 = arith.xori %lt3A_1574, %lt3A_1576 : i1
    %and3A_1578 = arith.andi %ne3A_1577, %ne3A_1572 : i1
    %add3A_1579 = arith.addi %rem3A_1570, %select_n3A_1569 : i32
    %select_n3A_1580 = arith.select %and3A_1578, %add3A_1579, %rem3A_1570 : i32
    %add3A_1581 = arith.constant 0 : i32
    %add3A_1582 = arith.addi %add3A_1581, %select_n3A_1580 : i32
    %mul3A_1583 = arith.constant 128 : i32
    %mul3A_1584 = arith.muli %add3A_1582, %mul3A_1583 : i32
    %multiple_of3A_1585 = tpu.assume_multiple %mul3A_1584, 128 : i32
    %dma_wait3A_1586 = arith.constant 0 : i32
    %dma_wait3A_1587 = arith.constant 0 : i32
    %dma_wait3A_1588 = tpu.memref_slice %arg2[%select_n3A_1564, %dma_wait3A_1586, %dma_wait3A_1587, %multiple_of3A_1585] : memref<8x81x4x5000xf32, #tpu.memory_space<hbm>> -> memref<1x81x4x128xf32, #tpu.memory_space<hbm>>
    %dma_wait3A_1589 = tpu.memref_squeeze %dma_wait3A_1588 : memref<1x81x4x128xf32, #tpu.memory_space<hbm>> -> memref<81x4x128xf32, #tpu.memory_space<hbm>>
    %dma_wait3A_1590 = arith.constant 0 : i32
    %dma_wait3A_1591 = arith.constant 0 : i32
    %dma_wait3A_1592 = tpu.memref_slice %arg2[%select_n3A_1564, %dma_wait3A_1590, %dma_wait3A_1591, %multiple_of3A_1585] : memref<8x81x4x5000xf32, #tpu.memory_space<hbm>> -> memref<1x81x4x128xf32, #tpu.memory_space<hbm>>
    %dma_wait3A_1593 = tpu.memref_squeeze %dma_wait3A_1592 : memref<1x81x4x128xf32, #tpu.memory_space<hbm>> -> memref<81x4x128xf32, #tpu.memory_space<hbm>>
    tpu.wait_dma2 semaphore(%arg20 : memref<!tpu.dma_semaphore, #tpu.memory_space<semaphore_mem>>) src(%dma_wait3A_1593 : memref<81x4x128xf32, #tpu.memory_space<hbm>>) dst(%arg8 : memref<81x4x128xf32, #tpu.memory_space<vmem>>)
    %dma_wait3A_1594 = arith.constant 0 : i32
    %dma_wait3A_1595 = tpu.memref_slice %arg4[%select_n3A_1564, %dma_wait3A_1594, %multiple_of3A_1585] : memref<8x4x5000xf32, #tpu.memory_space<hbm>> -> memref<1x4x128xf32, #tpu.memory_space<hbm>>
    %dma_wait3A_1596 = tpu.memref_squeeze %dma_wait3A_1595 : memref<1x4x128xf32, #tpu.memory_space<hbm>> -> memref<4x128xf32, #tpu.memory_space<hbm>>
    %dma_wait3A_1597 = arith.constant 0 : i32
    %dma_wait3A_1598 = tpu.memref_slice %arg4[%select_n3A_1564, %dma_wait3A_1597, %multiple_of3A_1585] : memref<8x4x5000xf32, #tpu.memory_space<hbm>> -> memref<1x4x128xf32, #tpu.memory_space<hbm>>
    %dma_wait3A_1599 = tpu.memref_squeeze %dma_wait3A_1598 : memref<1x4x128xf32, #tpu.memory_space<hbm>> -> memref<4x128xf32, #tpu.memory_space<hbm>>
    tpu.wait_dma2 semaphore(%arg20 : memref<!tpu.dma_semaphore, #tpu.memory_space<semaphore_mem>>) src(%dma_wait3A_1599 : memref<4x128xf32, #tpu.memory_space<hbm>>) dst(%arg14 : memref<4x128xf32, #tpu.memory_space<vmem>>)
    %dma_wait3A_1600 = arith.constant 0 : i32
    %dma_wait3A_1601 = tpu.memref_slice %arg3[%select_n3A_1564, %select_n3A_1580, %dma_wait3A_1600] : memref<8x40x128xi32, #tpu.memory_space<hbm>> -> memref<1x1x128xi32, #tpu.memory_space<hbm>>
    %dma_wait3A_1602 = tpu.memref_squeeze %dma_wait3A_1601 : memref<1x1x128xi32, #tpu.memory_space<hbm>> -> memref<128xi32, #tpu.memory_space<hbm>>
    %dma_wait3A_1603 = arith.constant 0 : i32
    %dma_wait3A_1604 = tpu.memref_slice %arg3[%select_n3A_1564, %select_n3A_1580, %dma_wait3A_1603] : memref<8x40x128xi32, #tpu.memory_space<hbm>> -> memref<1x1x128xi32, #tpu.memory_space<hbm>>
    %dma_wait3A_1605 = tpu.memref_squeeze %dma_wait3A_1604 : memref<1x1x128xi32, #tpu.memory_space<hbm>> -> memref<128xi32, #tpu.memory_space<hbm>>
    tpu.wait_dma2 semaphore(%arg20 : memref<!tpu.dma_semaphore, #tpu.memory_space<semaphore_mem>>) src(%dma_wait3A_1605 : memref<128xi32, #tpu.memory_space<hbm>>) dst(%arg11 : memref<128xi32, #tpu.memory_space<vmem>>)
    %mul3A_1606 = arith.constant 10 : i32
    %mul3A_1607 = arith.muli %add3A, %mul3A_1606 : i32
    %add3A_1608 = arith.constant 7 : i32
    %add3A_1609 = arith.addi %mul3A_1607, %add3A_1608 : i32
    %jit3A_1610 = arith.constant 40 : i32
    %div3A_1611 = arith.divsi %add3A_1609, %jit3A_1610 : i32
    %sign3A_1612 = arith.constant 0 : i32
    %sign3A_1613 = arith.cmpi sgt, %add3A_1609, %sign3A_1612 : i32
    %sign3A_1614 = arith.extui %sign3A_1613 : i1 to i32
    %sign3A_1615 = arith.constant 0 : i32
    %sign3A_1616 = arith.cmpi slt, %add3A_1609, %sign3A_1615 : i32
    %sign3A_1617 = arith.extui %sign3A_1616 : i1 to i32
    %sign3A_1618 = arith.subi %sign3A_1614, %sign3A_1617 : i32
    %sign3A_1619 = arith.constant 0 : i32
    %sign3A_1620 = arith.cmpi sgt, %jit3A_1610, %sign3A_1619 : i32
    %sign3A_1621 = arith.extui %sign3A_1620 : i1 to i32
    %sign3A_1622 = arith.constant 0 : i32
    %sign3A_1623 = arith.cmpi slt, %jit3A_1610, %sign3A_1622 : i32
    %sign3A_1624 = arith.extui %sign3A_1623 : i1 to i32
    %sign3A_1625 = arith.subi %sign3A_1621, %sign3A_1624 : i32
    %ne3A_1626 = arith.cmpi ne, %sign3A_1618, %sign3A_1625 : i32
    %rem3A_1627 = arith.remsi %add3A_1609, %jit3A_1610 : i32
    %ne3A_1628 = arith.constant 0 : i32
    %ne3A_1629 = arith.cmpi ne, %rem3A_1627, %ne3A_1628 : i32
    %and3A_1630 = arith.andi %ne3A_1626, %ne3A_1629 : i1
    %sub3A_1631 = arith.constant 1 : i32
    %sub3A_1632 = arith.subi %div3A_1611, %sub3A_1631 : i32
    %select_n3A_1633 = arith.select %and3A_1630, %sub3A_1632, %div3A_1611 : i32
    %jit3A_1634 = arith.constant 40 : i32
    %eq3A_1635 = arith.constant 0 : i32
    %eq3A_1636 = arith.cmpi eq, %jit3A_1634, %eq3A_1635 : i32
    %jit3A_1637 = arith.constant 1 : i32
    %select_n3A_1638 = arith.select %eq3A_1636, %jit3A_1637, %jit3A_1634 : i32
    %rem3A_1639 = arith.remsi %add3A_1609, %select_n3A_1638 : i32
    %ne3A_1640 = arith.constant 0 : i32
    %ne3A_1641 = arith.cmpi ne, %rem3A_1639, %ne3A_1640 : i32
    %lt3A_1642 = arith.constant 0 : i32
    %lt3A_1643 = arith.cmpi slt, %rem3A_1639, %lt3A_1642 : i32
    %lt3A_1644 = arith.constant 0 : i32
    %lt3A_1645 = arith.cmpi slt, %select_n3A_1638, %lt3A_1644 : i32
    %ne3A_1646 = arith.xori %lt3A_1643, %lt3A_1645 : i1
    %and3A_1647 = arith.andi %ne3A_1646, %ne3A_1641 : i1
    %add3A_1648 = arith.addi %rem3A_1639, %select_n3A_1638 : i32
    %select_n3A_1649 = arith.select %and3A_1647, %add3A_1648, %rem3A_1639 : i32
    %add3A_1650 = arith.constant 0 : i32
    %add3A_1651 = arith.addi %add3A_1650, %select_n3A_1649 : i32
    %mul3A_1652 = arith.constant 128 : i32
    %mul3A_1653 = arith.muli %add3A_1651, %mul3A_1652 : i32
    %multiple_of3A_1654 = tpu.assume_multiple %mul3A_1653, 128 : i32
    %dma_start3A_1655 = arith.constant 0 : i32
    %dma_start3A_1656 = arith.constant 0 : i32
    %dma_start3A_1657 = tpu.memref_slice %arg2[%select_n3A_1633, %dma_start3A_1655, %dma_start3A_1656, %multiple_of3A_1654] : memref<8x81x4x5000xf32, #tpu.memory_space<hbm>> -> memref<1x81x4x128xf32, #tpu.memory_space<hbm>>
    %dma_start3A_1658 = tpu.memref_squeeze %dma_start3A_1657 : memref<1x81x4x128xf32, #tpu.memory_space<hbm>> -> memref<81x4x128xf32, #tpu.memory_space<hbm>>
    %dma_start3A_1659 = arith.constant 0 : i32
    %dma_start3A_1660 = arith.constant 0 : i32
    %dma_start3A_1661 = tpu.memref_slice %arg2[%select_n3A_1633, %dma_start3A_1659, %dma_start3A_1660, %multiple_of3A_1654] : memref<8x81x4x5000xf32, #tpu.memory_space<hbm>> -> memref<1x81x4x128xf32, #tpu.memory_space<hbm>>
    %dma_start3A_1662 = tpu.memref_squeeze %dma_start3A_1661 : memref<1x81x4x128xf32, #tpu.memory_space<hbm>> -> memref<81x4x128xf32, #tpu.memory_space<hbm>>
    tpu.enqueue_dma source(%dma_start3A_1662 : memref<81x4x128xf32, #tpu.memory_space<hbm>>) target(%arg7 : memref<81x4x128xf32, #tpu.memory_space<vmem>>) target_semaphore(%arg19 : memref<!tpu.dma_semaphore, #tpu.memory_space<semaphore_mem>>)
    %dma_start3A_1663 = arith.constant 0 : i32
    %dma_start3A_1664 = tpu.memref_slice %arg4[%select_n3A_1633, %dma_start3A_1663, %multiple_of3A_1654] : memref<8x4x5000xf32, #tpu.memory_space<hbm>> -> memref<1x4x128xf32, #tpu.memory_space<hbm>>
    %dma_start3A_1665 = tpu.memref_squeeze %dma_start3A_1664 : memref<1x4x128xf32, #tpu.memory_space<hbm>> -> memref<4x128xf32, #tpu.memory_space<hbm>>
    %dma_start3A_1666 = arith.constant 0 : i32
    %dma_start3A_1667 = tpu.memref_slice %arg4[%select_n3A_1633, %dma_start3A_1666, %multiple_of3A_1654] : memref<8x4x5000xf32, #tpu.memory_space<hbm>> -> memref<1x4x128xf32, #tpu.memory_space<hbm>>
    %dma_start3A_1668 = tpu.memref_squeeze %dma_start3A_1667 : memref<1x4x128xf32, #tpu.memory_space<hbm>> -> memref<4x128xf32, #tpu.memory_space<hbm>>
    tpu.enqueue_dma source(%dma_start3A_1668 : memref<4x128xf32, #tpu.memory_space<hbm>>) target(%arg13 : memref<4x128xf32, #tpu.memory_space<vmem>>) target_semaphore(%arg19 : memref<!tpu.dma_semaphore, #tpu.memory_space<semaphore_mem>>)
    %dma_start3A_1669 = arith.constant 0 : i32
    %dma_start3A_1670 = tpu.memref_slice %arg3[%select_n3A_1633, %select_n3A_1649, %dma_start3A_1669] : memref<8x40x128xi32, #tpu.memory_space<hbm>> -> memref<1x1x128xi32, #tpu.memory_space<hbm>>
    %dma_start3A_1671 = tpu.memref_squeeze %dma_start3A_1670 : memref<1x1x128xi32, #tpu.memory_space<hbm>> -> memref<128xi32, #tpu.memory_space<hbm>>
    %dma_start3A_1672 = arith.constant 0 : i32
    %dma_start3A_1673 = tpu.memref_slice %arg3[%select_n3A_1633, %select_n3A_1649, %dma_start3A_1672] : memref<8x40x128xi32, #tpu.memory_space<hbm>> -> memref<1x1x128xi32, #tpu.memory_space<hbm>>
    %dma_start3A_1674 = tpu.memref_squeeze %dma_start3A_1673 : memref<1x1x128xi32, #tpu.memory_space<hbm>> -> memref<128xi32, #tpu.memory_space<hbm>>
    tpu.enqueue_dma source(%dma_start3A_1674 : memref<128xi32, #tpu.memory_space<hbm>>) target(%arg10 : memref<128xi32, #tpu.memory_space<vmem>>) target_semaphore(%arg19 : memref<!tpu.dma_semaphore, #tpu.memory_space<semaphore_mem>>)
    %mul3A_1675 = arith.constant 10 : i32
    %mul3A_1676 = arith.muli %add3A, %mul3A_1675 : i32
    %add3A_1677 = arith.constant 5 : i32
    %add3A_1678 = arith.addi %mul3A_1676, %add3A_1677 : i32
    %jit3A_1679 = arith.constant 40 : i32
    %div3A_1680 = arith.divsi %add3A_1678, %jit3A_1679 : i32
    %sign3A_1681 = arith.constant 0 : i32
    %sign3A_1682 = arith.cmpi sgt, %add3A_1678, %sign3A_1681 : i32
    %sign3A_1683 = arith.extui %sign3A_1682 : i1 to i32
    %sign3A_1684 = arith.constant 0 : i32
    %sign3A_1685 = arith.cmpi slt, %add3A_1678, %sign3A_1684 : i32
    %sign3A_1686 = arith.extui %sign3A_1685 : i1 to i32
    %sign3A_1687 = arith.subi %sign3A_1683, %sign3A_1686 : i32
    %sign3A_1688 = arith.constant 0 : i32
    %sign3A_1689 = arith.cmpi sgt, %jit3A_1679, %sign3A_1688 : i32
    %sign3A_1690 = arith.extui %sign3A_1689 : i1 to i32
    %sign3A_1691 = arith.constant 0 : i32
    %sign3A_1692 = arith.cmpi slt, %jit3A_1679, %sign3A_1691 : i32
    %sign3A_1693 = arith.extui %sign3A_1692 : i1 to i32
    %sign3A_1694 = arith.subi %sign3A_1690, %sign3A_1693 : i32
    %ne3A_1695 = arith.cmpi ne, %sign3A_1687, %sign3A_1694 : i32
    %rem3A_1696 = arith.remsi %add3A_1678, %jit3A_1679 : i32
    %ne3A_1697 = arith.constant 0 : i32
    %ne3A_1698 = arith.cmpi ne, %rem3A_1696, %ne3A_1697 : i32
    %and3A_1699 = arith.andi %ne3A_1695, %ne3A_1698 : i1
    %sub3A_1700 = arith.constant 1 : i32
    %sub3A_1701 = arith.subi %div3A_1680, %sub3A_1700 : i32
    %select_n3A_1702 = arith.select %and3A_1699, %sub3A_1701, %div3A_1680 : i32
    %jit3A_1703 = arith.constant 40 : i32
    %eq3A_1704 = arith.constant 0 : i32
    %eq3A_1705 = arith.cmpi eq, %jit3A_1703, %eq3A_1704 : i32
    %jit3A_1706 = arith.constant 1 : i32
    %select_n3A_1707 = arith.select %eq3A_1705, %jit3A_1706, %jit3A_1703 : i32
    %rem3A_1708 = arith.remsi %add3A_1678, %select_n3A_1707 : i32
    %ne3A_1709 = arith.constant 0 : i32
    %ne3A_1710 = arith.cmpi ne, %rem3A_1708, %ne3A_1709 : i32
    %lt3A_1711 = arith.constant 0 : i32
    %lt3A_1712 = arith.cmpi slt, %rem3A_1708, %lt3A_1711 : i32
    %lt3A_1713 = arith.constant 0 : i32
    %lt3A_1714 = arith.cmpi slt, %select_n3A_1707, %lt3A_1713 : i32
    %ne3A_1715 = arith.xori %lt3A_1712, %lt3A_1714 : i1
    %and3A_1716 = arith.andi %ne3A_1715, %ne3A_1710 : i1
    %add3A_1717 = arith.addi %rem3A_1708, %select_n3A_1707 : i32
    %select_n3A_1718 = arith.select %and3A_1716, %add3A_1717, %rem3A_1708 : i32
    %add3A_1719 = arith.constant 0 : i32
    %add3A_1720 = arith.addi %add3A_1719, %select_n3A_1718 : i32
    %mul3A_1721 = arith.constant 128 : i32
    %mul3A_1722 = arith.muli %add3A_1720, %mul3A_1721 : i32
    %multiple_of3A_1723 = tpu.assume_multiple %mul3A_1722, 128 : i32
    %scan3A_1724 = arith.constant 0 : i32
    %scan3A_1725 = arith.constant 0 : i32
    %scan3A_1726 = arith.constant 8 : i32
    %scan3A_1727 = arith.addi %scan3A_1725, %scan3A_1726 : i32
    %scan3A_1728 = arith.constant 1 : i32
    scf.for %scan3A_3024 = %scan3A_1725 to %scan3A_1727 step %scan3A_1728  : i32 {
      %mul3A_3025 = arith.constant 16 : i32
      %mul3A_3026 = arith.muli %scan3A_3024, %mul3A_3025 : i32
      %get3A = arith.index_cast %mul3A_3026 : i32 to index
      %get3A_3027 = tpu.vector_load %arg11[%get3A] {strides = array<i32>} : memref<128xi32, #tpu.memory_space<vmem>>, vector<16xi32>,
      %add3A_3028 = vector.broadcast %mul3A_3026 : i32 to vector<16xi32>
      %add3A_3029 = arith.addi %add3A_3028, %iota3A : vector<16xi32>
      %gather3A = tpu.vector_load_idx %arg8[%get3A_3027, %broadcast_in_dim3A_1, %add3A_3029] : memref<81x4x128xf32, #tpu.memory_space<vmem>>[vector<16xi32>, vector<16xi32>, vector<16xi32>], vector<16xf32>,
      %gather3A_3030 = tpu.vector_load_idx %arg8[%get3A_3027, %broadcast_in_dim3A_3, %add3A_3029] : memref<81x4x128xf32, #tpu.memory_space<vmem>>[vector<16xi32>, vector<16xi32>, vector<16xi32>], vector<16xf32>,
      %gather3A_3031 = tpu.vector_load_idx %arg8[%get3A_3027, %broadcast_in_dim3A_5, %add3A_3029] : memref<81x4x128xf32, #tpu.memory_space<vmem>>[vector<16xi32>, vector<16xi32>, vector<16xi32>], vector<16xf32>,
      %gather3A_3032 = tpu.vector_load_idx %arg8[%get3A_3027, %broadcast_in_dim3A_7, %add3A_3029] : memref<81x4x128xf32, #tpu.memory_space<vmem>>[vector<16xi32>, vector<16xi32>, vector<16xi32>], vector<16xf32>,
      %get3A_3033 = arith.constant 0 : i32
      %get3A_3034 = arith.index_cast %get3A_3033 : i32 to index
      %get3A_3035 = arith.index_cast %mul3A_3026 : i32 to index
      %get3A_3036 = tpu.vector_load %arg14[%get3A_3034, %get3A_3035] {strides = array<i32>} : memref<4x128xf32, #tpu.memory_space<vmem>>, vector<16xf32>,
      %get3A_3037 = arith.constant 1 : i32
      %get3A_3038 = arith.index_cast %get3A_3037 : i32 to index
      %get3A_3039 = arith.index_cast %mul3A_3026 : i32 to index
      %get3A_3040 = tpu.vector_load %arg14[%get3A_3038, %get3A_3039] {strides = array<i32>} : memref<4x128xf32, #tpu.memory_space<vmem>>, vector<16xf32>,
      %get3A_3041 = arith.constant 2 : i32
      %get3A_3042 = arith.index_cast %get3A_3041 : i32 to index
      %get3A_3043 = arith.index_cast %mul3A_3026 : i32 to index
      %get3A_3044 = tpu.vector_load %arg14[%get3A_3042, %get3A_3043] {strides = array<i32>} : memref<4x128xf32, #tpu.memory_space<vmem>>, vector<16xf32>,
      %get3A_3045 = arith.constant 3 : i32
      %get3A_3046 = arith.index_cast %get3A_3045 : i32 to index
      %get3A_3047 = arith.index_cast %mul3A_3026 : i32 to index
      %get3A_3048 = tpu.vector_load %arg14[%get3A_3046, %get3A_3047] {strides = array<i32>} : memref<4x128xf32, #tpu.memory_space<vmem>>, vector<16xf32>,
      %sub3A_3049 = arith.subf %get3A_3044, %get3A_3036 : vector<16xf32>
      %sub3A_3050 = arith.subf %get3A_3048, %get3A_3040 : vector<16xf32>
      %mul3A_3051 = arith.constant 5.000000e-01 : f32
      %mul3A_3052 = vector.broadcast %mul3A_3051 : f32 to vector<16xf32>
      %mul3A_3053 = arith.mulf %mul3A_3052, %sub3A_3049 : vector<16xf32>
      %add3A_3054 = arith.addf %get3A_3036, %mul3A_3053 : vector<16xf32>
      %mul3A_3055 = arith.constant 5.000000e-01 : f32
      %mul3A_3056 = vector.broadcast %mul3A_3055 : f32 to vector<16xf32>
      %mul3A_3057 = arith.mulf %mul3A_3056, %sub3A_3050 : vector<16xf32>
      %add3A_3058 = arith.addf %get3A_3040, %mul3A_3057 : vector<16xf32>
      %mul3A_3059 = arith.constant 2.000000e-01 : f32
      %mul3A_3060 = vector.broadcast %mul3A_3059 : f32 to vector<16xf32>
      %mul3A_3061 = arith.mulf %gather3A_3031, %mul3A_3060 : vector<16xf32>
      %jit3A_3062 = arith.constant -4.13516665 : f32
      %jit3A_3063 = arith.constant 4.13516665 : f32
      %max3A = vector.broadcast %jit3A_3062 : f32 to vector<16xf32>
      %max3A_3064 = arith.maximumf %max3A, %mul3A_3061 : vector<16xf32>
      %min3A = vector.broadcast %jit3A_3063 : f32 to vector<16xf32>
      %min3A_3065 = arith.minimumf %min3A, %max3A_3064 : vector<16xf32>
      %mul3A_3066 = arith.constant 2.000000e-01 : f32
      %mul3A_3067 = vector.broadcast %mul3A_3066 : f32 to vector<16xf32>
      %mul3A_3068 = arith.mulf %gather3A_3032, %mul3A_3067 : vector<16xf32>
      %jit3A_3069 = arith.constant -4.13516665 : f32
      %jit3A_3070 = arith.constant 4.13516665 : f32
      %max3A_3071 = vector.broadcast %jit3A_3069 : f32 to vector<16xf32>
      %max3A_3072 = arith.maximumf %max3A_3071, %mul3A_3068 : vector<16xf32>
      %min3A_3073 = vector.broadcast %jit3A_3070 : f32 to vector<16xf32>
      %min3A_3074 = arith.minimumf %min3A_3073, %max3A_3072 : vector<16xf32>
      %exp3A = math.exp %min3A_3065 : vector<16xf32>
      %mul3A_3075 = arith.mulf %sub3A_3049, %exp3A : vector<16xf32>
      %mul3A_3076 = arith.constant 5.000000e-01 : f32
      %mul3A_3077 = vector.broadcast %mul3A_3076 : f32 to vector<16xf32>
      %mul3A_3078 = arith.mulf %mul3A_3077, %mul3A_3075 : vector<16xf32>
      %exp3A_3079 = math.exp %min3A_3074 : vector<16xf32>
      %mul3A_3080 = arith.mulf %sub3A_3050, %exp3A_3079 : vector<16xf32>
      %mul3A_3081 = arith.constant 5.000000e-01 : f32
      %mul3A_3082 = vector.broadcast %mul3A_3081 : f32 to vector<16xf32>
      %mul3A_3083 = arith.mulf %mul3A_3082, %mul3A_3080 : vector<16xf32>
      %mul3A_3084 = arith.constant 1.000000e-01 : f32
      %mul3A_3085 = vector.broadcast %mul3A_3084 : f32 to vector<16xf32>
      %mul3A_3086 = arith.mulf %gather3A, %mul3A_3085 : vector<16xf32>
      %mul3A_3087 = arith.mulf %mul3A_3086, %sub3A_3049 : vector<16xf32>
      %add3A_3088 = arith.addf %add3A_3054, %mul3A_3087 : vector<16xf32>
      %mul3A_3089 = arith.constant 1.000000e-01 : f32
      %mul3A_3090 = vector.broadcast %mul3A_3089 : f32 to vector<16xf32>
      %mul3A_3091 = arith.mulf %gather3A_3030, %mul3A_3090 : vector<16xf32>
      %mul3A_3092 = arith.mulf %mul3A_3091, %sub3A_3050 : vector<16xf32>
      %add3A_3093 = arith.addf %add3A_3058, %mul3A_3092 : vector<16xf32>
      %sub3A_3094 = arith.subf %add3A_3088, %mul3A_3078 : vector<16xf32>
      %jit3A_3095 = arith.constant 0.000000e+00 : f32
      %jit3A_3096 = arith.constant 1.000000e+00 : f32
      %max3A_3097 = vector.broadcast %jit3A_3095 : f32 to vector<16xf32>
      %max3A_3098 = arith.maximumf %max3A_3097, %sub3A_3094 : vector<16xf32>
      %min3A_3099 = vector.broadcast %jit3A_3096 : f32 to vector<16xf32>
      %min3A_3100 = arith.minimumf %min3A_3099, %max3A_3098 : vector<16xf32>
      %swap3A = arith.constant 0 : i32
      %swap3A_3101 = arith.index_cast %swap3A : i32 to index
      %swap3A_3102 = arith.index_cast %mul3A_3026 : i32 to index
      %swap3A_3103 = tpu.vector_load %arg17[%swap3A_3101, %swap3A_3102] {strides = array<i32>} : memref<4x128xf32, #tpu.memory_space<vmem>>, vector<16xf32>,
      tpu.vector_store %arg17[%swap3A_3101, %swap3A_3102], %min3A_3100 {strides = array<i32>} : memref<4x128xf32, #tpu.memory_space<vmem>>, vector<16xf32>,
      %sub3A_3104 = arith.subf %add3A_3093, %mul3A_3083 : vector<16xf32>
      %jit3A_3105 = arith.constant 0.000000e+00 : f32
      %jit3A_3106 = arith.constant 1.000000e+00 : f32
      %max3A_3107 = vector.broadcast %jit3A_3105 : f32 to vector<16xf32>
      %max3A_3108 = arith.maximumf %max3A_3107, %sub3A_3104 : vector<16xf32>
      %min3A_3109 = vector.broadcast %jit3A_3106 : f32 to vector<16xf32>
      %min3A_3110 = arith.minimumf %min3A_3109, %max3A_3108 : vector<16xf32>
      %swap3A_3111 = arith.constant 1 : i32
      %swap3A_3112 = arith.index_cast %swap3A_3111 : i32 to index
      %swap3A_3113 = arith.index_cast %mul3A_3026 : i32 to index
      %swap3A_3114 = tpu.vector_load %arg17[%swap3A_3112, %swap3A_3113] {strides = array<i32>} : memref<4x128xf32, #tpu.memory_space<vmem>>, vector<16xf32>,
      tpu.vector_store %arg17[%swap3A_3112, %swap3A_3113], %min3A_3110 {strides = array<i32>} : memref<4x128xf32, #tpu.memory_space<vmem>>, vector<16xf32>,
      %add3A_3115 = arith.addf %add3A_3088, %mul3A_3078 : vector<16xf32>
      %jit3A_3116 = arith.constant 0.000000e+00 : f32
      %jit3A_3117 = arith.constant 1.000000e+00 : f32
      %max3A_3118 = vector.broadcast %jit3A_3116 : f32 to vector<16xf32>
      %max3A_3119 = arith.maximumf %max3A_3118, %add3A_3115 : vector<16xf32>
      %min3A_3120 = vector.broadcast %jit3A_3117 : f32 to vector<16xf32>
      %min3A_3121 = arith.minimumf %min3A_3120, %max3A_3119 : vector<16xf32>
      %swap3A_3122 = arith.constant 2 : i32
      %swap3A_3123 = arith.index_cast %swap3A_3122 : i32 to index
      %swap3A_3124 = arith.index_cast %mul3A_3026 : i32 to index
      %swap3A_3125 = tpu.vector_load %arg17[%swap3A_3123, %swap3A_3124] {strides = array<i32>} : memref<4x128xf32, #tpu.memory_space<vmem>>, vector<16xf32>,
      tpu.vector_store %arg17[%swap3A_3123, %swap3A_3124], %min3A_3121 {strides = array<i32>} : memref<4x128xf32, #tpu.memory_space<vmem>>, vector<16xf32>,
      %add3A_3126 = arith.addf %add3A_3093, %mul3A_3083 : vector<16xf32>
      %jit3A_3127 = arith.constant 0.000000e+00 : f32
      %jit3A_3128 = arith.constant 1.000000e+00 : f32
      %max3A_3129 = vector.broadcast %jit3A_3127 : f32 to vector<16xf32>
      %max3A_3130 = arith.maximumf %max3A_3129, %add3A_3126 : vector<16xf32>
      %min3A_3131 = vector.broadcast %jit3A_3128 : f32 to vector<16xf32>
      %min3A_3132 = arith.minimumf %min3A_3131, %max3A_3130 : vector<16xf32>
      %swap3A_3133 = arith.constant 3 : i32
      %swap3A_3134 = arith.index_cast %swap3A_3133 : i32 to index
      %swap3A_3135 = arith.index_cast %mul3A_3026 : i32 to index
      %swap3A_3136 = tpu.vector_load %arg17[%swap3A_3134, %swap3A_3135] {strides = array<i32>} : memref<4x128xf32, #tpu.memory_space<vmem>>, vector<16xf32>,
      tpu.vector_store %arg17[%swap3A_3134, %swap3A_3135], %min3A_3132 {strides = array<i32>} : memref<4x128xf32, #tpu.memory_space<vmem>>, vector<16xf32>,
    }
    %scan3A_1729 = arith.constant 8 : i32
    %mul3A_1730 = arith.constant 10 : i32
    %mul3A_1731 = arith.muli %add3A, %mul3A_1730 : i32
    %add3A_1732 = arith.constant 5 : i32
    %add3A_1733 = arith.addi %mul3A_1731, %add3A_1732 : i32
    %jit3A_1734 = arith.constant 40 : i32
    %div3A_1735 = arith.divsi %add3A_1733, %jit3A_1734 : i32
    %sign3A_1736 = arith.constant 0 : i32
    %sign3A_1737 = arith.cmpi sgt, %add3A_1733, %sign3A_1736 : i32
    %sign3A_1738 = arith.extui %sign3A_1737 : i1 to i32
    %sign3A_1739 = arith.constant 0 : i32
    %sign3A_1740 = arith.cmpi slt, %add3A_1733, %sign3A_1739 : i32
    %sign3A_1741 = arith.extui %sign3A_1740 : i1 to i32
    %sign3A_1742 = arith.subi %sign3A_1738, %sign3A_1741 : i32
    %sign3A_1743 = arith.constant 0 : i32
    %sign3A_1744 = arith.cmpi sgt, %jit3A_1734, %sign3A_1743 : i32
    %sign3A_1745 = arith.extui %sign3A_1744 : i1 to i32
    %sign3A_1746 = arith.constant 0 : i32
    %sign3A_1747 = arith.cmpi slt, %jit3A_1734, %sign3A_1746 : i32
    %sign3A_1748 = arith.extui %sign3A_1747 : i1 to i32
    %sign3A_1749 = arith.subi %sign3A_1745, %sign3A_1748 : i32
    %ne3A_1750 = arith.cmpi ne, %sign3A_1742, %sign3A_1749 : i32
    %rem3A_1751 = arith.remsi %add3A_1733, %jit3A_1734 : i32
    %ne3A_1752 = arith.constant 0 : i32
    %ne3A_1753 = arith.cmpi ne, %rem3A_1751, %ne3A_1752 : i32
    %and3A_1754 = arith.andi %ne3A_1750, %ne3A_1753 : i1
    %sub3A_1755 = arith.constant 1 : i32
    %sub3A_1756 = arith.subi %div3A_1735, %sub3A_1755 : i32
    %select_n3A_1757 = arith.select %and3A_1754, %sub3A_1756, %div3A_1735 : i32
    %jit3A_1758 = arith.constant 40 : i32
    %eq3A_1759 = arith.constant 0 : i32
    %eq3A_1760 = arith.cmpi eq, %jit3A_1758, %eq3A_1759 : i32
    %jit3A_1761 = arith.constant 1 : i32
    %select_n3A_1762 = arith.select %eq3A_1760, %jit3A_1761, %jit3A_1758 : i32
    %rem3A_1763 = arith.remsi %add3A_1733, %select_n3A_1762 : i32
    %ne3A_1764 = arith.constant 0 : i32
    %ne3A_1765 = arith.cmpi ne, %rem3A_1763, %ne3A_1764 : i32
    %lt3A_1766 = arith.constant 0 : i32
    %lt3A_1767 = arith.cmpi slt, %rem3A_1763, %lt3A_1766 : i32
    %lt3A_1768 = arith.constant 0 : i32
    %lt3A_1769 = arith.cmpi slt, %select_n3A_1762, %lt3A_1768 : i32
    %ne3A_1770 = arith.xori %lt3A_1767, %lt3A_1769 : i1
    %and3A_1771 = arith.andi %ne3A_1770, %ne3A_1765 : i1
    %add3A_1772 = arith.addi %rem3A_1763, %select_n3A_1762 : i32
    %select_n3A_1773 = arith.select %and3A_1771, %add3A_1772, %rem3A_1763 : i32
    %add3A_1774 = arith.constant 0 : i32
    %add3A_1775 = arith.addi %add3A_1774, %select_n3A_1773 : i32
    %mul3A_1776 = arith.constant 128 : i32
    %mul3A_1777 = arith.muli %add3A_1775, %mul3A_1776 : i32
    %multiple_of3A_1778 = tpu.assume_multiple %mul3A_1777, 128 : i32
    %dma_start3A_1779 = arith.constant 0 : i32
    %dma_start3A_1780 = tpu.memref_slice %arg5[%select_n3A_1702, %dma_start3A_1779, %multiple_of3A_1778] : memref<8x4x5000xf32, #tpu.memory_space<hbm>> -> memref<1x4x128xf32, #tpu.memory_space<hbm>>
    %dma_start3A_1781 = tpu.memref_squeeze %dma_start3A_1780 : memref<1x4x128xf32, #tpu.memory_space<hbm>> -> memref<4x128xf32, #tpu.memory_space<hbm>>
    %dma_start3A_1782 = arith.constant 0 : i32
    %dma_start3A_1783 = tpu.memref_slice %arg5[%select_n3A_1702, %dma_start3A_1782, %multiple_of3A_1778] : memref<8x4x5000xf32, #tpu.memory_space<hbm>> -> memref<1x4x128xf32, #tpu.memory_space<hbm>>
    %dma_start3A_1784 = tpu.memref_squeeze %dma_start3A_1783 : memref<1x4x128xf32, #tpu.memory_space<hbm>> -> memref<4x128xf32, #tpu.memory_space<hbm>>
    tpu.enqueue_dma source(%arg17 : memref<4x128xf32, #tpu.memory_space<vmem>>) target(%dma_start3A_1784 : memref<4x128xf32, #tpu.memory_space<hbm>>) target_semaphore(%arg23 : memref<!tpu.dma_semaphore, #tpu.memory_space<semaphore_mem>>)
    %mul3A_1785 = arith.constant 10 : i32
    %mul3A_1786 = arith.muli %add3A, %mul3A_1785 : i32
    %add3A_1787 = arith.constant 3 : i32
    %add3A_1788 = arith.addi %mul3A_1786, %add3A_1787 : i32
    %jit3A_1789 = arith.constant 40 : i32
    %div3A_1790 = arith.divsi %add3A_1788, %jit3A_1789 : i32
    %sign3A_1791 = arith.constant 0 : i32
    %sign3A_1792 = arith.cmpi sgt, %add3A_1788, %sign3A_1791 : i32
    %sign3A_1793 = arith.extui %sign3A_1792 : i1 to i32
    %sign3A_1794 = arith.constant 0 : i32
    %sign3A_1795 = arith.cmpi slt, %add3A_1788, %sign3A_1794 : i32
    %sign3A_1796 = arith.extui %sign3A_1795 : i1 to i32
    %sign3A_1797 = arith.subi %sign3A_1793, %sign3A_1796 : i32
    %sign3A_1798 = arith.constant 0 : i32
    %sign3A_1799 = arith.cmpi sgt, %jit3A_1789, %sign3A_1798 : i32
    %sign3A_1800 = arith.extui %sign3A_1799 : i1 to i32
    %sign3A_1801 = arith.constant 0 : i32
    %sign3A_1802 = arith.cmpi slt, %jit3A_1789, %sign3A_1801 : i32
    %sign3A_1803 = arith.extui %sign3A_1802 : i1 to i32
    %sign3A_1804 = arith.subi %sign3A_1800, %sign3A_1803 : i32
    %ne3A_1805 = arith.cmpi ne, %sign3A_1797, %sign3A_1804 : i32
    %rem3A_1806 = arith.remsi %add3A_1788, %jit3A_1789 : i32
    %ne3A_1807 = arith.constant 0 : i32
    %ne3A_1808 = arith.cmpi ne, %rem3A_1806, %ne3A_1807 : i32
    %and3A_1809 = arith.andi %ne3A_1805, %ne3A_1808 : i1
    %sub3A_1810 = arith.constant 1 : i32
    %sub3A_1811 = arith.subi %div3A_1790, %sub3A_1810 : i32
    %select_n3A_1812 = arith.select %and3A_1809, %sub3A_1811, %div3A_1790 : i32
    %jit3A_1813 = arith.constant 40 : i32
    %eq3A_1814 = arith.constant 0 : i32
    %eq3A_1815 = arith.cmpi eq, %jit3A_1813, %eq3A_1814 : i32
    %jit3A_1816 = arith.constant 1 : i32
    %select_n3A_1817 = arith.select %eq3A_1815, %jit3A_1816, %jit3A_1813 : i32
    %rem3A_1818 = arith.remsi %add3A_1788, %select_n3A_1817 : i32
    %ne3A_1819 = arith.constant 0 : i32
    %ne3A_1820 = arith.cmpi ne, %rem3A_1818, %ne3A_1819 : i32
    %lt3A_1821 = arith.constant 0 : i32
    %lt3A_1822 = arith.cmpi slt, %rem3A_1818, %lt3A_1821 : i32
    %lt3A_1823 = arith.constant 0 : i32
    %lt3A_1824 = arith.cmpi slt, %select_n3A_1817, %lt3A_1823 : i32
    %ne3A_1825 = arith.xori %lt3A_1822, %lt3A_1824 : i1
    %and3A_1826 = arith.andi %ne3A_1825, %ne3A_1820 : i1
    %add3A_1827 = arith.addi %rem3A_1818, %select_n3A_1817 : i32
    %select_n3A_1828 = arith.select %and3A_1826, %add3A_1827, %rem3A_1818 : i32
    %add3A_1829 = arith.constant 0 : i32
    %add3A_1830 = arith.addi %add3A_1829, %select_n3A_1828 : i32
    %mul3A_1831 = arith.constant 128 : i32
    %mul3A_1832 = arith.muli %add3A_1830, %mul3A_1831 : i32
    %multiple_of3A_1833 = tpu.assume_multiple %mul3A_1832, 128 : i32
    %dma_wait3A_1834 = arith.constant 0 : i32
    %dma_wait3A_1835 = tpu.memref_slice %arg5[%select_n3A_1812, %dma_wait3A_1834, %multiple_of3A_1833] : memref<8x4x5000xf32, #tpu.memory_space<hbm>> -> memref<1x4x128xf32, #tpu.memory_space<hbm>>
    %dma_wait3A_1836 = tpu.memref_squeeze %dma_wait3A_1835 : memref<1x4x128xf32, #tpu.memory_space<hbm>> -> memref<4x128xf32, #tpu.memory_space<hbm>>
    %dma_wait3A_1837 = arith.constant 0 : i32
    %dma_wait3A_1838 = tpu.memref_slice %arg5[%select_n3A_1812, %dma_wait3A_1837, %multiple_of3A_1833] : memref<8x4x5000xf32, #tpu.memory_space<hbm>> -> memref<1x4x128xf32, #tpu.memory_space<hbm>>
    %dma_wait3A_1839 = tpu.memref_squeeze %dma_wait3A_1838 : memref<1x4x128xf32, #tpu.memory_space<hbm>> -> memref<4x128xf32, #tpu.memory_space<hbm>>
    tpu.wait_dma2 semaphore(%arg21 : memref<!tpu.dma_semaphore, #tpu.memory_space<semaphore_mem>>) src(%arg15 : memref<4x128xf32, #tpu.memory_space<vmem>>) dst(%dma_wait3A_1839 : memref<4x128xf32, #tpu.memory_space<hbm>>)
    %mul3A_1840 = arith.constant 10 : i32
    %mul3A_1841 = arith.muli %add3A, %mul3A_1840 : i32
    %add3A_1842 = arith.constant 6 : i32
    %add3A_1843 = arith.addi %mul3A_1841, %add3A_1842 : i32
    %jit3A_1844 = arith.constant 40 : i32
    %div3A_1845 = arith.divsi %add3A_1843, %jit3A_1844 : i32
    %sign3A_1846 = arith.constant 0 : i32
    %sign3A_1847 = arith.cmpi sgt, %add3A_1843, %sign3A_1846 : i32
    %sign3A_1848 = arith.extui %sign3A_1847 : i1 to i32
    %sign3A_1849 = arith.constant 0 : i32
    %sign3A_1850 = arith.cmpi slt, %add3A_1843, %sign3A_1849 : i32
    %sign3A_1851 = arith.extui %sign3A_1850 : i1 to i32
    %sign3A_1852 = arith.subi %sign3A_1848, %sign3A_1851 : i32
    %sign3A_1853 = arith.constant 0 : i32
    %sign3A_1854 = arith.cmpi sgt, %jit3A_1844, %sign3A_1853 : i32
    %sign3A_1855 = arith.extui %sign3A_1854 : i1 to i32
    %sign3A_1856 = arith.constant 0 : i32
    %sign3A_1857 = arith.cmpi slt, %jit3A_1844, %sign3A_1856 : i32
    %sign3A_1858 = arith.extui %sign3A_1857 : i1 to i32
    %sign3A_1859 = arith.subi %sign3A_1855, %sign3A_1858 : i32
    %ne3A_1860 = arith.cmpi ne, %sign3A_1852, %sign3A_1859 : i32
    %rem3A_1861 = arith.remsi %add3A_1843, %jit3A_1844 : i32
    %ne3A_1862 = arith.constant 0 : i32
    %ne3A_1863 = arith.cmpi ne, %rem3A_1861, %ne3A_1862 : i32
    %and3A_1864 = arith.andi %ne3A_1860, %ne3A_1863 : i1
    %sub3A_1865 = arith.constant 1 : i32
    %sub3A_1866 = arith.subi %div3A_1845, %sub3A_1865 : i32
    %select_n3A_1867 = arith.select %and3A_1864, %sub3A_1866, %div3A_1845 : i32
    %jit3A_1868 = arith.constant 40 : i32
    %eq3A_1869 = arith.constant 0 : i32
    %eq3A_1870 = arith.cmpi eq, %jit3A_1868, %eq3A_1869 : i32
    %jit3A_1871 = arith.constant 1 : i32
    %select_n3A_1872 = arith.select %eq3A_1870, %jit3A_1871, %jit3A_1868 : i32
    %rem3A_1873 = arith.remsi %add3A_1843, %select_n3A_1872 : i32
    %ne3A_1874 = arith.constant 0 : i32
    %ne3A_1875 = arith.cmpi ne, %rem3A_1873, %ne3A_1874 : i32
    %lt3A_1876 = arith.constant 0 : i32
    %lt3A_1877 = arith.cmpi slt, %rem3A_1873, %lt3A_1876 : i32
    %lt3A_1878 = arith.constant 0 : i32
    %lt3A_1879 = arith.cmpi slt, %select_n3A_1872, %lt3A_1878 : i32
    %ne3A_1880 = arith.xori %lt3A_1877, %lt3A_1879 : i1
    %and3A_1881 = arith.andi %ne3A_1880, %ne3A_1875 : i1
    %add3A_1882 = arith.addi %rem3A_1873, %select_n3A_1872 : i32
    %select_n3A_1883 = arith.select %and3A_1881, %add3A_1882, %rem3A_1873 : i32
    %add3A_1884 = arith.constant 0 : i32
    %add3A_1885 = arith.addi %add3A_1884, %select_n3A_1883 : i32
    %mul3A_1886 = arith.constant 128 : i32
    %mul3A_1887 = arith.muli %add3A_1885, %mul3A_1886 : i32
    %multiple_of3A_1888 = tpu.assume_multiple %mul3A_1887, 128 : i32
    %dma_wait3A_1889 = arith.constant 0 : i32
    %dma_wait3A_1890 = arith.constant 0 : i32
    %dma_wait3A_1891 = tpu.memref_slice %arg2[%select_n3A_1867, %dma_wait3A_1889, %dma_wait3A_1890, %multiple_of3A_1888] : memref<8x81x4x5000xf32, #tpu.memory_space<hbm>> -> memref<1x81x4x128xf32, #tpu.memory_space<hbm>>
    %dma_wait3A_1892 = tpu.memref_squeeze %dma_wait3A_1891 : memref<1x81x4x128xf32, #tpu.memory_space<hbm>> -> memref<81x4x128xf32, #tpu.memory_space<hbm>>
    %dma_wait3A_1893 = arith.constant 0 : i32
    %dma_wait3A_1894 = arith.constant 0 : i32
    %dma_wait3A_1895 = tpu.memref_slice %arg2[%select_n3A_1867, %dma_wait3A_1893, %dma_wait3A_1894, %multiple_of3A_1888] : memref<8x81x4x5000xf32, #tpu.memory_space<hbm>> -> memref<1x81x4x128xf32, #tpu.memory_space<hbm>>
    %dma_wait3A_1896 = tpu.memref_squeeze %dma_wait3A_1895 : memref<1x81x4x128xf32, #tpu.memory_space<hbm>> -> memref<81x4x128xf32, #tpu.memory_space<hbm>>
    tpu.wait_dma2 semaphore(%arg18 : memref<!tpu.dma_semaphore, #tpu.memory_space<semaphore_mem>>) src(%dma_wait3A_1896 : memref<81x4x128xf32, #tpu.memory_space<hbm>>) dst(%arg6 : memref<81x4x128xf32, #tpu.memory_space<vmem>>)
    %dma_wait3A_1897 = arith.constant 0 : i32
    %dma_wait3A_1898 = tpu.memref_slice %arg4[%select_n3A_1867, %dma_wait3A_1897, %multiple_of3A_1888] : memref<8x4x5000xf32, #tpu.memory_space<hbm>> -> memref<1x4x128xf32, #tpu.memory_space<hbm>>
    %dma_wait3A_1899 = tpu.memref_squeeze %dma_wait3A_1898 : memref<1x4x128xf32, #tpu.memory_space<hbm>> -> memref<4x128xf32, #tpu.memory_space<hbm>>
    %dma_wait3A_1900 = arith.constant 0 : i32
    %dma_wait3A_1901 = tpu.memref_slice %arg4[%select_n3A_1867, %dma_wait3A_1900, %multiple_of3A_1888] : memref<8x4x5000xf32, #tpu.memory_space<hbm>> -> memref<1x4x128xf32, #tpu.memory_space<hbm>>
    %dma_wait3A_1902 = tpu.memref_squeeze %dma_wait3A_1901 : memref<1x4x128xf32, #tpu.memory_space<hbm>> -> memref<4x128xf32, #tpu.memory_space<hbm>>
    tpu.wait_dma2 semaphore(%arg18 : memref<!tpu.dma_semaphore, #tpu.memory_space<semaphore_mem>>) src(%dma_wait3A_1902 : memref<4x128xf32, #tpu.memory_space<hbm>>) dst(%arg12 : memref<4x128xf32, #tpu.memory_space<vmem>>)
    %dma_wait3A_1903 = arith.constant 0 : i32
    %dma_wait3A_1904 = tpu.memref_slice %arg3[%select_n3A_1867, %select_n3A_1883, %dma_wait3A_1903] : memref<8x40x128xi32, #tpu.memory_space<hbm>> -> memref<1x1x128xi32, #tpu.memory_space<hbm>>
    %dma_wait3A_1905 = tpu.memref_squeeze %dma_wait3A_1904 : memref<1x1x128xi32, #tpu.memory_space<hbm>> -> memref<128xi32, #tpu.memory_space<hbm>>
    %dma_wait3A_1906 = arith.constant 0 : i32
    %dma_wait3A_1907 = tpu.memref_slice %arg3[%select_n3A_1867, %select_n3A_1883, %dma_wait3A_1906] : memref<8x40x128xi32, #tpu.memory_space<hbm>> -> memref<1x1x128xi32, #tpu.memory_space<hbm>>
    %dma_wait3A_1908 = tpu.memref_squeeze %dma_wait3A_1907 : memref<1x1x128xi32, #tpu.memory_space<hbm>> -> memref<128xi32, #tpu.memory_space<hbm>>
    tpu.wait_dma2 semaphore(%arg18 : memref<!tpu.dma_semaphore, #tpu.memory_space<semaphore_mem>>) src(%dma_wait3A_1908 : memref<128xi32, #tpu.memory_space<hbm>>) dst(%arg9 : memref<128xi32, #tpu.memory_space<vmem>>)
    %mul3A_1909 = arith.constant 10 : i32
    %mul3A_1910 = arith.muli %add3A, %mul3A_1909 : i32
    %add3A_1911 = arith.constant 8 : i32
    %add3A_1912 = arith.addi %mul3A_1910, %add3A_1911 : i32
    %jit3A_1913 = arith.constant 40 : i32
    %div3A_1914 = arith.divsi %add3A_1912, %jit3A_1913 : i32
    %sign3A_1915 = arith.constant 0 : i32
    %sign3A_1916 = arith.cmpi sgt, %add3A_1912, %sign3A_1915 : i32
    %sign3A_1917 = arith.extui %sign3A_1916 : i1 to i32
    %sign3A_1918 = arith.constant 0 : i32
    %sign3A_1919 = arith.cmpi slt, %add3A_1912, %sign3A_1918 : i32
    %sign3A_1920 = arith.extui %sign3A_1919 : i1 to i32
    %sign3A_1921 = arith.subi %sign3A_1917, %sign3A_1920 : i32
    %sign3A_1922 = arith.constant 0 : i32
    %sign3A_1923 = arith.cmpi sgt, %jit3A_1913, %sign3A_1922 : i32
    %sign3A_1924 = arith.extui %sign3A_1923 : i1 to i32
    %sign3A_1925 = arith.constant 0 : i32
    %sign3A_1926 = arith.cmpi slt, %jit3A_1913, %sign3A_1925 : i32
    %sign3A_1927 = arith.extui %sign3A_1926 : i1 to i32
    %sign3A_1928 = arith.subi %sign3A_1924, %sign3A_1927 : i32
    %ne3A_1929 = arith.cmpi ne, %sign3A_1921, %sign3A_1928 : i32
    %rem3A_1930 = arith.remsi %add3A_1912, %jit3A_1913 : i32
    %ne3A_1931 = arith.constant 0 : i32
    %ne3A_1932 = arith.cmpi ne, %rem3A_1930, %ne3A_1931 : i32
    %and3A_1933 = arith.andi %ne3A_1929, %ne3A_1932 : i1
    %sub3A_1934 = arith.constant 1 : i32
    %sub3A_1935 = arith.subi %div3A_1914, %sub3A_1934 : i32
    %select_n3A_1936 = arith.select %and3A_1933, %sub3A_1935, %div3A_1914 : i32
    %jit3A_1937 = arith.constant 40 : i32
    %eq3A_1938 = arith.constant 0 : i32
    %eq3A_1939 = arith.cmpi eq, %jit3A_1937, %eq3A_1938 : i32
    %jit3A_1940 = arith.constant 1 : i32
    %select_n3A_1941 = arith.select %eq3A_1939, %jit3A_1940, %jit3A_1937 : i32
    %rem3A_1942 = arith.remsi %add3A_1912, %select_n3A_1941 : i32
    %ne3A_1943 = arith.constant 0 : i32
    %ne3A_1944 = arith.cmpi ne, %rem3A_1942, %ne3A_1943 : i32
    %lt3A_1945 = arith.constant 0 : i32
    %lt3A_1946 = arith.cmpi slt, %rem3A_1942, %lt3A_1945 : i32
    %lt3A_1947 = arith.constant 0 : i32
    %lt3A_1948 = arith.cmpi slt, %select_n3A_1941, %lt3A_1947 : i32
    %ne3A_1949 = arith.xori %lt3A_1946, %lt3A_1948 : i1
    %and3A_1950 = arith.andi %ne3A_1949, %ne3A_1944 : i1
    %add3A_1951 = arith.addi %rem3A_1942, %select_n3A_1941 : i32
    %select_n3A_1952 = arith.select %and3A_1950, %add3A_1951, %rem3A_1942 : i32
    %add3A_1953 = arith.constant 0 : i32
    %add3A_1954 = arith.addi %add3A_1953, %select_n3A_1952 : i32
    %mul3A_1955 = arith.constant 128 : i32
    %mul3A_1956 = arith.muli %add3A_1954, %mul3A_1955 : i32
    %multiple_of3A_1957 = tpu.assume_multiple %mul3A_1956, 128 : i32
    %dma_start3A_1958 = arith.constant 0 : i32
    %dma_start3A_1959 = arith.constant 0 : i32
    %dma_start3A_1960 = tpu.memref_slice %arg2[%select_n3A_1936, %dma_start3A_1958, %dma_start3A_1959, %multiple_of3A_1957] : memref<8x81x4x5000xf32, #tpu.memory_space<hbm>> -> memref<1x81x4x128xf32, #tpu.memory_space<hbm>>
    %dma_start3A_1961 = tpu.memref_squeeze %dma_start3A_1960 : memref<1x81x4x128xf32, #tpu.memory_space<hbm>> -> memref<81x4x128xf32, #tpu.memory_space<hbm>>
    %dma_start3A_1962 = arith.constant 0 : i32
    %dma_start3A_1963 = arith.constant 0 : i32
    %dma_start3A_1964 = tpu.memref_slice %arg2[%select_n3A_1936, %dma_start3A_1962, %dma_start3A_1963, %multiple_of3A_1957] : memref<8x81x4x5000xf32, #tpu.memory_space<hbm>> -> memref<1x81x4x128xf32, #tpu.memory_space<hbm>>
    %dma_start3A_1965 = tpu.memref_squeeze %dma_start3A_1964 : memref<1x81x4x128xf32, #tpu.memory_space<hbm>> -> memref<81x4x128xf32, #tpu.memory_space<hbm>>
    tpu.enqueue_dma source(%dma_start3A_1965 : memref<81x4x128xf32, #tpu.memory_space<hbm>>) target(%arg8 : memref<81x4x128xf32, #tpu.memory_space<vmem>>) target_semaphore(%arg20 : memref<!tpu.dma_semaphore, #tpu.memory_space<semaphore_mem>>)
    %dma_start3A_1966 = arith.constant 0 : i32
    %dma_start3A_1967 = tpu.memref_slice %arg4[%select_n3A_1936, %dma_start3A_1966, %multiple_of3A_1957] : memref<8x4x5000xf32, #tpu.memory_space<hbm>> -> memref<1x4x128xf32, #tpu.memory_space<hbm>>
    %dma_start3A_1968 = tpu.memref_squeeze %dma_start3A_1967 : memref<1x4x128xf32, #tpu.memory_space<hbm>> -> memref<4x128xf32, #tpu.memory_space<hbm>>
    %dma_start3A_1969 = arith.constant 0 : i32
    %dma_start3A_1970 = tpu.memref_slice %arg4[%select_n3A_1936, %dma_start3A_1969, %multiple_of3A_1957] : memref<8x4x5000xf32, #tpu.memory_space<hbm>> -> memref<1x4x128xf32, #tpu.memory_space<hbm>>
    %dma_start3A_1971 = tpu.memref_squeeze %dma_start3A_1970 : memref<1x4x128xf32, #tpu.memory_space<hbm>> -> memref<4x128xf32, #tpu.memory_space<hbm>>
    tpu.enqueue_dma source(%dma_start3A_1971 : memref<4x128xf32, #tpu.memory_space<hbm>>) target(%arg14 : memref<4x128xf32, #tpu.memory_space<vmem>>) target_semaphore(%arg20 : memref<!tpu.dma_semaphore, #tpu.memory_space<semaphore_mem>>)
    %dma_start3A_1972 = arith.constant 0 : i32
    %dma_start3A_1973 = tpu.memref_slice %arg3[%select_n3A_1936, %select_n3A_1952, %dma_start3A_1972] : memref<8x40x128xi32, #tpu.memory_space<hbm>> -> memref<1x1x128xi32, #tpu.memory_space<hbm>>
    %dma_start3A_1974 = tpu.memref_squeeze %dma_start3A_1973 : memref<1x1x128xi32, #tpu.memory_space<hbm>> -> memref<128xi32, #tpu.memory_space<hbm>>
    %dma_start3A_1975 = arith.constant 0 : i32
    %dma_start3A_1976 = tpu.memref_slice %arg3[%select_n3A_1936, %select_n3A_1952, %dma_start3A_1975] : memref<8x40x128xi32, #tpu.memory_space<hbm>> -> memref<1x1x128xi32, #tpu.memory_space<hbm>>
    %dma_start3A_1977 = tpu.memref_squeeze %dma_start3A_1976 : memref<1x1x128xi32, #tpu.memory_space<hbm>> -> memref<128xi32, #tpu.memory_space<hbm>>
    tpu.enqueue_dma source(%dma_start3A_1977 : memref<128xi32, #tpu.memory_space<hbm>>) target(%arg11 : memref<128xi32, #tpu.memory_space<vmem>>) target_semaphore(%arg20 : memref<!tpu.dma_semaphore, #tpu.memory_space<semaphore_mem>>)
    %mul3A_1978 = arith.constant 10 : i32
    %mul3A_1979 = arith.muli %add3A, %mul3A_1978 : i32
    %add3A_1980 = arith.constant 6 : i32
    %add3A_1981 = arith.addi %mul3A_1979, %add3A_1980 : i32
    %jit3A_1982 = arith.constant 40 : i32
    %div3A_1983 = arith.divsi %add3A_1981, %jit3A_1982 : i32
    %sign3A_1984 = arith.constant 0 : i32
    %sign3A_1985 = arith.cmpi sgt, %add3A_1981, %sign3A_1984 : i32
    %sign3A_1986 = arith.extui %sign3A_1985 : i1 to i32
    %sign3A_1987 = arith.constant 0 : i32
    %sign3A_1988 = arith.cmpi slt, %add3A_1981, %sign3A_1987 : i32
    %sign3A_1989 = arith.extui %sign3A_1988 : i1 to i32
    %sign3A_1990 = arith.subi %sign3A_1986, %sign3A_1989 : i32
    %sign3A_1991 = arith.constant 0 : i32
    %sign3A_1992 = arith.cmpi sgt, %jit3A_1982, %sign3A_1991 : i32
    %sign3A_1993 = arith.extui %sign3A_1992 : i1 to i32
    %sign3A_1994 = arith.constant 0 : i32
    %sign3A_1995 = arith.cmpi slt, %jit3A_1982, %sign3A_1994 : i32
    %sign3A_1996 = arith.extui %sign3A_1995 : i1 to i32
    %sign3A_1997 = arith.subi %sign3A_1993, %sign3A_1996 : i32
    %ne3A_1998 = arith.cmpi ne, %sign3A_1990, %sign3A_1997 : i32
    %rem3A_1999 = arith.remsi %add3A_1981, %jit3A_1982 : i32
    %ne3A_2000 = arith.constant 0 : i32
    %ne3A_2001 = arith.cmpi ne, %rem3A_1999, %ne3A_2000 : i32
    %and3A_2002 = arith.andi %ne3A_1998, %ne3A_2001 : i1
    %sub3A_2003 = arith.constant 1 : i32
    %sub3A_2004 = arith.subi %div3A_1983, %sub3A_2003 : i32
    %select_n3A_2005 = arith.select %and3A_2002, %sub3A_2004, %div3A_1983 : i32
    %jit3A_2006 = arith.constant 40 : i32
    %eq3A_2007 = arith.constant 0 : i32
    %eq3A_2008 = arith.cmpi eq, %jit3A_2006, %eq3A_2007 : i32
    %jit3A_2009 = arith.constant 1 : i32
    %select_n3A_2010 = arith.select %eq3A_2008, %jit3A_2009, %jit3A_2006 : i32
    %rem3A_2011 = arith.remsi %add3A_1981, %select_n3A_2010 : i32
    %ne3A_2012 = arith.constant 0 : i32
    %ne3A_2013 = arith.cmpi ne, %rem3A_2011, %ne3A_2012 : i32
    %lt3A_2014 = arith.constant 0 : i32
    %lt3A_2015 = arith.cmpi slt, %rem3A_2011, %lt3A_2014 : i32
    %lt3A_2016 = arith.constant 0 : i32
    %lt3A_2017 = arith.cmpi slt, %select_n3A_2010, %lt3A_2016 : i32
    %ne3A_2018 = arith.xori %lt3A_2015, %lt3A_2017 : i1
    %and3A_2019 = arith.andi %ne3A_2018, %ne3A_2013 : i1
    %add3A_2020 = arith.addi %rem3A_2011, %select_n3A_2010 : i32
    %select_n3A_2021 = arith.select %and3A_2019, %add3A_2020, %rem3A_2011 : i32
    %add3A_2022 = arith.constant 0 : i32
    %add3A_2023 = arith.addi %add3A_2022, %select_n3A_2021 : i32
    %mul3A_2024 = arith.constant 128 : i32
    %mul3A_2025 = arith.muli %add3A_2023, %mul3A_2024 : i32
    %multiple_of3A_2026 = tpu.assume_multiple %mul3A_2025, 128 : i32
    %scan3A_2027 = arith.constant 0 : i32
    %scan3A_2028 = arith.constant 0 : i32
    %scan3A_2029 = arith.constant 8 : i32
    %scan3A_2030 = arith.addi %scan3A_2028, %scan3A_2029 : i32
    %scan3A_2031 = arith.constant 1 : i32
    scf.for %scan3A_3024 = %scan3A_2028 to %scan3A_2030 step %scan3A_2031  : i32 {
      %mul3A_3025 = arith.constant 16 : i32
      %mul3A_3026 = arith.muli %scan3A_3024, %mul3A_3025 : i32
      %get3A = arith.index_cast %mul3A_3026 : i32 to index
      %get3A_3027 = tpu.vector_load %arg9[%get3A] {strides = array<i32>} : memref<128xi32, #tpu.memory_space<vmem>>, vector<16xi32>,
      %add3A_3028 = vector.broadcast %mul3A_3026 : i32 to vector<16xi32>
      %add3A_3029 = arith.addi %add3A_3028, %iota3A : vector<16xi32>
      %gather3A = tpu.vector_load_idx %arg6[%get3A_3027, %broadcast_in_dim3A_1, %add3A_3029] : memref<81x4x128xf32, #tpu.memory_space<vmem>>[vector<16xi32>, vector<16xi32>, vector<16xi32>], vector<16xf32>,
      %gather3A_3030 = tpu.vector_load_idx %arg6[%get3A_3027, %broadcast_in_dim3A_3, %add3A_3029] : memref<81x4x128xf32, #tpu.memory_space<vmem>>[vector<16xi32>, vector<16xi32>, vector<16xi32>], vector<16xf32>,
      %gather3A_3031 = tpu.vector_load_idx %arg6[%get3A_3027, %broadcast_in_dim3A_5, %add3A_3029] : memref<81x4x128xf32, #tpu.memory_space<vmem>>[vector<16xi32>, vector<16xi32>, vector<16xi32>], vector<16xf32>,
      %gather3A_3032 = tpu.vector_load_idx %arg6[%get3A_3027, %broadcast_in_dim3A_7, %add3A_3029] : memref<81x4x128xf32, #tpu.memory_space<vmem>>[vector<16xi32>, vector<16xi32>, vector<16xi32>], vector<16xf32>,
      %get3A_3033 = arith.constant 0 : i32
      %get3A_3034 = arith.index_cast %get3A_3033 : i32 to index
      %get3A_3035 = arith.index_cast %mul3A_3026 : i32 to index
      %get3A_3036 = tpu.vector_load %arg12[%get3A_3034, %get3A_3035] {strides = array<i32>} : memref<4x128xf32, #tpu.memory_space<vmem>>, vector<16xf32>,
      %get3A_3037 = arith.constant 1 : i32
      %get3A_3038 = arith.index_cast %get3A_3037 : i32 to index
      %get3A_3039 = arith.index_cast %mul3A_3026 : i32 to index
      %get3A_3040 = tpu.vector_load %arg12[%get3A_3038, %get3A_3039] {strides = array<i32>} : memref<4x128xf32, #tpu.memory_space<vmem>>, vector<16xf32>,
      %get3A_3041 = arith.constant 2 : i32
      %get3A_3042 = arith.index_cast %get3A_3041 : i32 to index
      %get3A_3043 = arith.index_cast %mul3A_3026 : i32 to index
      %get3A_3044 = tpu.vector_load %arg12[%get3A_3042, %get3A_3043] {strides = array<i32>} : memref<4x128xf32, #tpu.memory_space<vmem>>, vector<16xf32>,
      %get3A_3045 = arith.constant 3 : i32
      %get3A_3046 = arith.index_cast %get3A_3045 : i32 to index
      %get3A_3047 = arith.index_cast %mul3A_3026 : i32 to index
      %get3A_3048 = tpu.vector_load %arg12[%get3A_3046, %get3A_3047] {strides = array<i32>} : memref<4x128xf32, #tpu.memory_space<vmem>>, vector<16xf32>,
      %sub3A_3049 = arith.subf %get3A_3044, %get3A_3036 : vector<16xf32>
      %sub3A_3050 = arith.subf %get3A_3048, %get3A_3040 : vector<16xf32>
      %mul3A_3051 = arith.constant 5.000000e-01 : f32
      %mul3A_3052 = vector.broadcast %mul3A_3051 : f32 to vector<16xf32>
      %mul3A_3053 = arith.mulf %mul3A_3052, %sub3A_3049 : vector<16xf32>
      %add3A_3054 = arith.addf %get3A_3036, %mul3A_3053 : vector<16xf32>
      %mul3A_3055 = arith.constant 5.000000e-01 : f32
      %mul3A_3056 = vector.broadcast %mul3A_3055 : f32 to vector<16xf32>
      %mul3A_3057 = arith.mulf %mul3A_3056, %sub3A_3050 : vector<16xf32>
      %add3A_3058 = arith.addf %get3A_3040, %mul3A_3057 : vector<16xf32>
      %mul3A_3059 = arith.constant 2.000000e-01 : f32
      %mul3A_3060 = vector.broadcast %mul3A_3059 : f32 to vector<16xf32>
      %mul3A_3061 = arith.mulf %gather3A_3031, %mul3A_3060 : vector<16xf32>
      %jit3A_3062 = arith.constant -4.13516665 : f32
      %jit3A_3063 = arith.constant 4.13516665 : f32
      %max3A = vector.broadcast %jit3A_3062 : f32 to vector<16xf32>
      %max3A_3064 = arith.maximumf %max3A, %mul3A_3061 : vector<16xf32>
      %min3A = vector.broadcast %jit3A_3063 : f32 to vector<16xf32>
      %min3A_3065 = arith.minimumf %min3A, %max3A_3064 : vector<16xf32>
      %mul3A_3066 = arith.constant 2.000000e-01 : f32
      %mul3A_3067 = vector.broadcast %mul3A_3066 : f32 to vector<16xf32>
      %mul3A_3068 = arith.mulf %gather3A_3032, %mul3A_3067 : vector<16xf32>
      %jit3A_3069 = arith.constant -4.13516665 : f32
      %jit3A_3070 = arith.constant 4.13516665 : f32
      %max3A_3071 = vector.broadcast %jit3A_3069 : f32 to vector<16xf32>
      %max3A_3072 = arith.maximumf %max3A_3071, %mul3A_3068 : vector<16xf32>
      %min3A_3073 = vector.broadcast %jit3A_3070 : f32 to vector<16xf32>
      %min3A_3074 = arith.minimumf %min3A_3073, %max3A_3072 : vector<16xf32>
      %exp3A = math.exp %min3A_3065 : vector<16xf32>
      %mul3A_3075 = arith.mulf %sub3A_3049, %exp3A : vector<16xf32>
      %mul3A_3076 = arith.constant 5.000000e-01 : f32
      %mul3A_3077 = vector.broadcast %mul3A_3076 : f32 to vector<16xf32>
      %mul3A_3078 = arith.mulf %mul3A_3077, %mul3A_3075 : vector<16xf32>
      %exp3A_3079 = math.exp %min3A_3074 : vector<16xf32>
      %mul3A_3080 = arith.mulf %sub3A_3050, %exp3A_3079 : vector<16xf32>
      %mul3A_3081 = arith.constant 5.000000e-01 : f32
      %mul3A_3082 = vector.broadcast %mul3A_3081 : f32 to vector<16xf32>
      %mul3A_3083 = arith.mulf %mul3A_3082, %mul3A_3080 : vector<16xf32>
      %mul3A_3084 = arith.constant 1.000000e-01 : f32
      %mul3A_3085 = vector.broadcast %mul3A_3084 : f32 to vector<16xf32>
      %mul3A_3086 = arith.mulf %gather3A, %mul3A_3085 : vector<16xf32>
      %mul3A_3087 = arith.mulf %mul3A_3086, %sub3A_3049 : vector<16xf32>
      %add3A_3088 = arith.addf %add3A_3054, %mul3A_3087 : vector<16xf32>
      %mul3A_3089 = arith.constant 1.000000e-01 : f32
      %mul3A_3090 = vector.broadcast %mul3A_3089 : f32 to vector<16xf32>
      %mul3A_3091 = arith.mulf %gather3A_3030, %mul3A_3090 : vector<16xf32>
      %mul3A_3092 = arith.mulf %mul3A_3091, %sub3A_3050 : vector<16xf32>
      %add3A_3093 = arith.addf %add3A_3058, %mul3A_3092 : vector<16xf32>
      %sub3A_3094 = arith.subf %add3A_3088, %mul3A_3078 : vector<16xf32>
      %jit3A_3095 = arith.constant 0.000000e+00 : f32
      %jit3A_3096 = arith.constant 1.000000e+00 : f32
      %max3A_3097 = vector.broadcast %jit3A_3095 : f32 to vector<16xf32>
      %max3A_3098 = arith.maximumf %max3A_3097, %sub3A_3094 : vector<16xf32>
      %min3A_3099 = vector.broadcast %jit3A_3096 : f32 to vector<16xf32>
      %min3A_3100 = arith.minimumf %min3A_3099, %max3A_3098 : vector<16xf32>
      %swap3A = arith.constant 0 : i32
      %swap3A_3101 = arith.index_cast %swap3A : i32 to index
      %swap3A_3102 = arith.index_cast %mul3A_3026 : i32 to index
      %swap3A_3103 = tpu.vector_load %arg15[%swap3A_3101, %swap3A_3102] {strides = array<i32>} : memref<4x128xf32, #tpu.memory_space<vmem>>, vector<16xf32>,
      tpu.vector_store %arg15[%swap3A_3101, %swap3A_3102], %min3A_3100 {strides = array<i32>} : memref<4x128xf32, #tpu.memory_space<vmem>>, vector<16xf32>,
      %sub3A_3104 = arith.subf %add3A_3093, %mul3A_3083 : vector<16xf32>
      %jit3A_3105 = arith.constant 0.000000e+00 : f32
      %jit3A_3106 = arith.constant 1.000000e+00 : f32
      %max3A_3107 = vector.broadcast %jit3A_3105 : f32 to vector<16xf32>
      %max3A_3108 = arith.maximumf %max3A_3107, %sub3A_3104 : vector<16xf32>
      %min3A_3109 = vector.broadcast %jit3A_3106 : f32 to vector<16xf32>
      %min3A_3110 = arith.minimumf %min3A_3109, %max3A_3108 : vector<16xf32>
      %swap3A_3111 = arith.constant 1 : i32
      %swap3A_3112 = arith.index_cast %swap3A_3111 : i32 to index
      %swap3A_3113 = arith.index_cast %mul3A_3026 : i32 to index
      %swap3A_3114 = tpu.vector_load %arg15[%swap3A_3112, %swap3A_3113] {strides = array<i32>} : memref<4x128xf32, #tpu.memory_space<vmem>>, vector<16xf32>,
      tpu.vector_store %arg15[%swap3A_3112, %swap3A_3113], %min3A_3110 {strides = array<i32>} : memref<4x128xf32, #tpu.memory_space<vmem>>, vector<16xf32>,
      %add3A_3115 = arith.addf %add3A_3088, %mul3A_3078 : vector<16xf32>
      %jit3A_3116 = arith.constant 0.000000e+00 : f32
      %jit3A_3117 = arith.constant 1.000000e+00 : f32
      %max3A_3118 = vector.broadcast %jit3A_3116 : f32 to vector<16xf32>
      %max3A_3119 = arith.maximumf %max3A_3118, %add3A_3115 : vector<16xf32>
      %min3A_3120 = vector.broadcast %jit3A_3117 : f32 to vector<16xf32>
      %min3A_3121 = arith.minimumf %min3A_3120, %max3A_3119 : vector<16xf32>
      %swap3A_3122 = arith.constant 2 : i32
      %swap3A_3123 = arith.index_cast %swap3A_3122 : i32 to index
      %swap3A_3124 = arith.index_cast %mul3A_3026 : i32 to index
      %swap3A_3125 = tpu.vector_load %arg15[%swap3A_3123, %swap3A_3124] {strides = array<i32>} : memref<4x128xf32, #tpu.memory_space<vmem>>, vector<16xf32>,
      tpu.vector_store %arg15[%swap3A_3123, %swap3A_3124], %min3A_3121 {strides = array<i32>} : memref<4x128xf32, #tpu.memory_space<vmem>>, vector<16xf32>,
      %add3A_3126 = arith.addf %add3A_3093, %mul3A_3083 : vector<16xf32>
      %jit3A_3127 = arith.constant 0.000000e+00 : f32
      %jit3A_3128 = arith.constant 1.000000e+00 : f32
      %max3A_3129 = vector.broadcast %jit3A_3127 : f32 to vector<16xf32>
      %max3A_3130 = arith.maximumf %max3A_3129, %add3A_3126 : vector<16xf32>
      %min3A_3131 = vector.broadcast %jit3A_3128 : f32 to vector<16xf32>
      %min3A_3132 = arith.minimumf %min3A_3131, %max3A_3130 : vector<16xf32>
      %swap3A_3133 = arith.constant 3 : i32
      %swap3A_3134 = arith.index_cast %swap3A_3133 : i32 to index
      %swap3A_3135 = arith.index_cast %mul3A_3026 : i32 to index
      %swap3A_3136 = tpu.vector_load %arg15[%swap3A_3134, %swap3A_3135] {strides = array<i32>} : memref<4x128xf32, #tpu.memory_space<vmem>>, vector<16xf32>,
      tpu.vector_store %arg15[%swap3A_3134, %swap3A_3135], %min3A_3132 {strides = array<i32>} : memref<4x128xf32, #tpu.memory_space<vmem>>, vector<16xf32>,
    }
    %scan3A_2032 = arith.constant 8 : i32
    %mul3A_2033 = arith.constant 10 : i32
    %mul3A_2034 = arith.muli %add3A, %mul3A_2033 : i32
    %add3A_2035 = arith.constant 6 : i32
    %add3A_2036 = arith.addi %mul3A_2034, %add3A_2035 : i32
    %jit3A_2037 = arith.constant 40 : i32
    %div3A_2038 = arith.divsi %add3A_2036, %jit3A_2037 : i32
    %sign3A_2039 = arith.constant 0 : i32
    %sign3A_2040 = arith.cmpi sgt, %add3A_2036, %sign3A_2039 : i32
    %sign3A_2041 = arith.extui %sign3A_2040 : i1 to i32
    %sign3A_2042 = arith.constant 0 : i32
    %sign3A_2043 = arith.cmpi slt, %add3A_2036, %sign3A_2042 : i32
    %sign3A_2044 = arith.extui %sign3A_2043 : i1 to i32
    %sign3A_2045 = arith.subi %sign3A_2041, %sign3A_2044 : i32
    %sign3A_2046 = arith.constant 0 : i32
    %sign3A_2047 = arith.cmpi sgt, %jit3A_2037, %sign3A_2046 : i32
    %sign3A_2048 = arith.extui %sign3A_2047 : i1 to i32
    %sign3A_2049 = arith.constant 0 : i32
    %sign3A_2050 = arith.cmpi slt, %jit3A_2037, %sign3A_2049 : i32
    %sign3A_2051 = arith.extui %sign3A_2050 : i1 to i32
    %sign3A_2052 = arith.subi %sign3A_2048, %sign3A_2051 : i32
    %ne3A_2053 = arith.cmpi ne, %sign3A_2045, %sign3A_2052 : i32
    %rem3A_2054 = arith.remsi %add3A_2036, %jit3A_2037 : i32
    %ne3A_2055 = arith.constant 0 : i32
    %ne3A_2056 = arith.cmpi ne, %rem3A_2054, %ne3A_2055 : i32
    %and3A_2057 = arith.andi %ne3A_2053, %ne3A_2056 : i1
    %sub3A_2058 = arith.constant 1 : i32
    %sub3A_2059 = arith.subi %div3A_2038, %sub3A_2058 : i32
    %select_n3A_2060 = arith.select %and3A_2057, %sub3A_2059, %div3A_2038 : i32
    %jit3A_2061 = arith.constant 40 : i32
    %eq3A_2062 = arith.constant 0 : i32
    %eq3A_2063 = arith.cmpi eq, %jit3A_2061, %eq3A_2062 : i32
    %jit3A_2064 = arith.constant 1 : i32
    %select_n3A_2065 = arith.select %eq3A_2063, %jit3A_2064, %jit3A_2061 : i32
    %rem3A_2066 = arith.remsi %add3A_2036, %select_n3A_2065 : i32
    %ne3A_2067 = arith.constant 0 : i32
    %ne3A_2068 = arith.cmpi ne, %rem3A_2066, %ne3A_2067 : i32
    %lt3A_2069 = arith.constant 0 : i32
    %lt3A_2070 = arith.cmpi slt, %rem3A_2066, %lt3A_2069 : i32
    %lt3A_2071 = arith.constant 0 : i32
    %lt3A_2072 = arith.cmpi slt, %select_n3A_2065, %lt3A_2071 : i32
    %ne3A_2073 = arith.xori %lt3A_2070, %lt3A_2072 : i1
    %and3A_2074 = arith.andi %ne3A_2073, %ne3A_2068 : i1
    %add3A_2075 = arith.addi %rem3A_2066, %select_n3A_2065 : i32
    %select_n3A_2076 = arith.select %and3A_2074, %add3A_2075, %rem3A_2066 : i32
    %add3A_2077 = arith.constant 0 : i32
    %add3A_2078 = arith.addi %add3A_2077, %select_n3A_2076 : i32
    %mul3A_2079 = arith.constant 128 : i32
    %mul3A_2080 = arith.muli %add3A_2078, %mul3A_2079 : i32
    %multiple_of3A_2081 = tpu.assume_multiple %mul3A_2080, 128 : i32
    %dma_start3A_2082 = arith.constant 0 : i32
    %dma_start3A_2083 = tpu.memref_slice %arg5[%select_n3A_2005, %dma_start3A_2082, %multiple_of3A_2081] : memref<8x4x5000xf32, #tpu.memory_space<hbm>> -> memref<1x4x128xf32, #tpu.memory_space<hbm>>
    %dma_start3A_2084 = tpu.memref_squeeze %dma_start3A_2083 : memref<1x4x128xf32, #tpu.memory_space<hbm>> -> memref<4x128xf32, #tpu.memory_space<hbm>>
    %dma_start3A_2085 = arith.constant 0 : i32
    %dma_start3A_2086 = tpu.memref_slice %arg5[%select_n3A_2005, %dma_start3A_2085, %multiple_of3A_2081] : memref<8x4x5000xf32, #tpu.memory_space<hbm>> -> memref<1x4x128xf32, #tpu.memory_space<hbm>>
    %dma_start3A_2087 = tpu.memref_squeeze %dma_start3A_2086 : memref<1x4x128xf32, #tpu.memory_space<hbm>> -> memref<4x128xf32, #tpu.memory_space<hbm>>
    tpu.enqueue_dma source(%arg15 : memref<4x128xf32, #tpu.memory_space<vmem>>) target(%dma_start3A_2087 : memref<4x128xf32, #tpu.memory_space<hbm>>) target_semaphore(%arg21 : memref<!tpu.dma_semaphore, #tpu.memory_space<semaphore_mem>>)
    %mul3A_2088 = arith.constant 10 : i32
    %mul3A_2089 = arith.muli %add3A, %mul3A_2088 : i32
    %add3A_2090 = arith.constant 4 : i32
    %add3A_2091 = arith.addi %mul3A_2089, %add3A_2090 : i32
    %jit3A_2092 = arith.constant 40 : i32
    %div3A_2093 = arith.divsi %add3A_2091, %jit3A_2092 : i32
    %sign3A_2094 = arith.constant 0 : i32
    %sign3A_2095 = arith.cmpi sgt, %add3A_2091, %sign3A_2094 : i32
    %sign3A_2096 = arith.extui %sign3A_2095 : i1 to i32
    %sign3A_2097 = arith.constant 0 : i32
    %sign3A_2098 = arith.cmpi slt, %add3A_2091, %sign3A_2097 : i32
    %sign3A_2099 = arith.extui %sign3A_2098 : i1 to i32
    %sign3A_2100 = arith.subi %sign3A_2096, %sign3A_2099 : i32
    %sign3A_2101 = arith.constant 0 : i32
    %sign3A_2102 = arith.cmpi sgt, %jit3A_2092, %sign3A_2101 : i32
    %sign3A_2103 = arith.extui %sign3A_2102 : i1 to i32
    %sign3A_2104 = arith.constant 0 : i32
    %sign3A_2105 = arith.cmpi slt, %jit3A_2092, %sign3A_2104 : i32
    %sign3A_2106 = arith.extui %sign3A_2105 : i1 to i32
    %sign3A_2107 = arith.subi %sign3A_2103, %sign3A_2106 : i32
    %ne3A_2108 = arith.cmpi ne, %sign3A_2100, %sign3A_2107 : i32
    %rem3A_2109 = arith.remsi %add3A_2091, %jit3A_2092 : i32
    %ne3A_2110 = arith.constant 0 : i32
    %ne3A_2111 = arith.cmpi ne, %rem3A_2109, %ne3A_2110 : i32
    %and3A_2112 = arith.andi %ne3A_2108, %ne3A_2111 : i1
    %sub3A_2113 = arith.constant 1 : i32
    %sub3A_2114 = arith.subi %div3A_2093, %sub3A_2113 : i32
    %select_n3A_2115 = arith.select %and3A_2112, %sub3A_2114, %div3A_2093 : i32
    %jit3A_2116 = arith.constant 40 : i32
    %eq3A_2117 = arith.constant 0 : i32
    %eq3A_2118 = arith.cmpi eq, %jit3A_2116, %eq3A_2117 : i32
    %jit3A_2119 = arith.constant 1 : i32
    %select_n3A_2120 = arith.select %eq3A_2118, %jit3A_2119, %jit3A_2116 : i32
    %rem3A_2121 = arith.remsi %add3A_2091, %select_n3A_2120 : i32
    %ne3A_2122 = arith.constant 0 : i32
    %ne3A_2123 = arith.cmpi ne, %rem3A_2121, %ne3A_2122 : i32
    %lt3A_2124 = arith.constant 0 : i32
    %lt3A_2125 = arith.cmpi slt, %rem3A_2121, %lt3A_2124 : i32
    %lt3A_2126 = arith.constant 0 : i32
    %lt3A_2127 = arith.cmpi slt, %select_n3A_2120, %lt3A_2126 : i32
    %ne3A_2128 = arith.xori %lt3A_2125, %lt3A_2127 : i1
    %and3A_2129 = arith.andi %ne3A_2128, %ne3A_2123 : i1
    %add3A_2130 = arith.addi %rem3A_2121, %select_n3A_2120 : i32
    %select_n3A_2131 = arith.select %and3A_2129, %add3A_2130, %rem3A_2121 : i32
    %add3A_2132 = arith.constant 0 : i32
    %add3A_2133 = arith.addi %add3A_2132, %select_n3A_2131 : i32
    %mul3A_2134 = arith.constant 128 : i32
    %mul3A_2135 = arith.muli %add3A_2133, %mul3A_2134 : i32
    %multiple_of3A_2136 = tpu.assume_multiple %mul3A_2135, 128 : i32
    %dma_wait3A_2137 = arith.constant 0 : i32
    %dma_wait3A_2138 = tpu.memref_slice %arg5[%select_n3A_2115, %dma_wait3A_2137, %multiple_of3A_2136] : memref<8x4x5000xf32, #tpu.memory_space<hbm>> -> memref<1x4x128xf32, #tpu.memory_space<hbm>>
    %dma_wait3A_2139 = tpu.memref_squeeze %dma_wait3A_2138 : memref<1x4x128xf32, #tpu.memory_space<hbm>> -> memref<4x128xf32, #tpu.memory_space<hbm>>
    %dma_wait3A_2140 = arith.constant 0 : i32
    %dma_wait3A_2141 = tpu.memref_slice %arg5[%select_n3A_2115, %dma_wait3A_2140, %multiple_of3A_2136] : memref<8x4x5000xf32, #tpu.memory_space<hbm>> -> memref<1x4x128xf32, #tpu.memory_space<hbm>>
    %dma_wait3A_2142 = tpu.memref_squeeze %dma_wait3A_2141 : memref<1x4x128xf32, #tpu.memory_space<hbm>> -> memref<4x128xf32, #tpu.memory_space<hbm>>
    tpu.wait_dma2 semaphore(%arg22 : memref<!tpu.dma_semaphore, #tpu.memory_space<semaphore_mem>>) src(%arg16 : memref<4x128xf32, #tpu.memory_space<vmem>>) dst(%dma_wait3A_2142 : memref<4x128xf32, #tpu.memory_space<hbm>>)
    %mul3A_2143 = arith.constant 10 : i32
    %mul3A_2144 = arith.muli %add3A, %mul3A_2143 : i32
    %add3A_2145 = arith.constant 7 : i32
    %add3A_2146 = arith.addi %mul3A_2144, %add3A_2145 : i32
    %jit3A_2147 = arith.constant 40 : i32
    %div3A_2148 = arith.divsi %add3A_2146, %jit3A_2147 : i32
    %sign3A_2149 = arith.constant 0 : i32
    %sign3A_2150 = arith.cmpi sgt, %add3A_2146, %sign3A_2149 : i32
    %sign3A_2151 = arith.extui %sign3A_2150 : i1 to i32
    %sign3A_2152 = arith.constant 0 : i32
    %sign3A_2153 = arith.cmpi slt, %add3A_2146, %sign3A_2152 : i32
    %sign3A_2154 = arith.extui %sign3A_2153 : i1 to i32
    %sign3A_2155 = arith.subi %sign3A_2151, %sign3A_2154 : i32
    %sign3A_2156 = arith.constant 0 : i32
    %sign3A_2157 = arith.cmpi sgt, %jit3A_2147, %sign3A_2156 : i32
    %sign3A_2158 = arith.extui %sign3A_2157 : i1 to i32
    %sign3A_2159 = arith.constant 0 : i32
    %sign3A_2160 = arith.cmpi slt, %jit3A_2147, %sign3A_2159 : i32
    %sign3A_2161 = arith.extui %sign3A_2160 : i1 to i32
    %sign3A_2162 = arith.subi %sign3A_2158, %sign3A_2161 : i32
    %ne3A_2163 = arith.cmpi ne, %sign3A_2155, %sign3A_2162 : i32
    %rem3A_2164 = arith.remsi %add3A_2146, %jit3A_2147 : i32
    %ne3A_2165 = arith.constant 0 : i32
    %ne3A_2166 = arith.cmpi ne, %rem3A_2164, %ne3A_2165 : i32
    %and3A_2167 = arith.andi %ne3A_2163, %ne3A_2166 : i1
    %sub3A_2168 = arith.constant 1 : i32
    %sub3A_2169 = arith.subi %div3A_2148, %sub3A_2168 : i32
    %select_n3A_2170 = arith.select %and3A_2167, %sub3A_2169, %div3A_2148 : i32
    %jit3A_2171 = arith.constant 40 : i32
    %eq3A_2172 = arith.constant 0 : i32
    %eq3A_2173 = arith.cmpi eq, %jit3A_2171, %eq3A_2172 : i32
    %jit3A_2174 = arith.constant 1 : i32
    %select_n3A_2175 = arith.select %eq3A_2173, %jit3A_2174, %jit3A_2171 : i32
    %rem3A_2176 = arith.remsi %add3A_2146, %select_n3A_2175 : i32
    %ne3A_2177 = arith.constant 0 : i32
    %ne3A_2178 = arith.cmpi ne, %rem3A_2176, %ne3A_2177 : i32
    %lt3A_2179 = arith.constant 0 : i32
    %lt3A_2180 = arith.cmpi slt, %rem3A_2176, %lt3A_2179 : i32
    %lt3A_2181 = arith.constant 0 : i32
    %lt3A_2182 = arith.cmpi slt, %select_n3A_2175, %lt3A_2181 : i32
    %ne3A_2183 = arith.xori %lt3A_2180, %lt3A_2182 : i1
    %and3A_2184 = arith.andi %ne3A_2183, %ne3A_2178 : i1
    %add3A_2185 = arith.addi %rem3A_2176, %select_n3A_2175 : i32
    %select_n3A_2186 = arith.select %and3A_2184, %add3A_2185, %rem3A_2176 : i32
    %add3A_2187 = arith.constant 0 : i32
    %add3A_2188 = arith.addi %add3A_2187, %select_n3A_2186 : i32
    %mul3A_2189 = arith.constant 128 : i32
    %mul3A_2190 = arith.muli %add3A_2188, %mul3A_2189 : i32
    %multiple_of3A_2191 = tpu.assume_multiple %mul3A_2190, 128 : i32
    %dma_wait3A_2192 = arith.constant 0 : i32
    %dma_wait3A_2193 = arith.constant 0 : i32
    %dma_wait3A_2194 = tpu.memref_slice %arg2[%select_n3A_2170, %dma_wait3A_2192, %dma_wait3A_2193, %multiple_of3A_2191] : memref<8x81x4x5000xf32, #tpu.memory_space<hbm>> -> memref<1x81x4x128xf32, #tpu.memory_space<hbm>>
    %dma_wait3A_2195 = tpu.memref_squeeze %dma_wait3A_2194 : memref<1x81x4x128xf32, #tpu.memory_space<hbm>> -> memref<81x4x128xf32, #tpu.memory_space<hbm>>
    %dma_wait3A_2196 = arith.constant 0 : i32
    %dma_wait3A_2197 = arith.constant 0 : i32
    %dma_wait3A_2198 = tpu.memref_slice %arg2[%select_n3A_2170, %dma_wait3A_2196, %dma_wait3A_2197, %multiple_of3A_2191] : memref<8x81x4x5000xf32, #tpu.memory_space<hbm>> -> memref<1x81x4x128xf32, #tpu.memory_space<hbm>>
    %dma_wait3A_2199 = tpu.memref_squeeze %dma_wait3A_2198 : memref<1x81x4x128xf32, #tpu.memory_space<hbm>> -> memref<81x4x128xf32, #tpu.memory_space<hbm>>
    tpu.wait_dma2 semaphore(%arg19 : memref<!tpu.dma_semaphore, #tpu.memory_space<semaphore_mem>>) src(%dma_wait3A_2199 : memref<81x4x128xf32, #tpu.memory_space<hbm>>) dst(%arg7 : memref<81x4x128xf32, #tpu.memory_space<vmem>>)
    %dma_wait3A_2200 = arith.constant 0 : i32
    %dma_wait3A_2201 = tpu.memref_slice %arg4[%select_n3A_2170, %dma_wait3A_2200, %multiple_of3A_2191] : memref<8x4x5000xf32, #tpu.memory_space<hbm>> -> memref<1x4x128xf32, #tpu.memory_space<hbm>>
    %dma_wait3A_2202 = tpu.memref_squeeze %dma_wait3A_2201 : memref<1x4x128xf32, #tpu.memory_space<hbm>> -> memref<4x128xf32, #tpu.memory_space<hbm>>
    %dma_wait3A_2203 = arith.constant 0 : i32
    %dma_wait3A_2204 = tpu.memref_slice %arg4[%select_n3A_2170, %dma_wait3A_2203, %multiple_of3A_2191] : memref<8x4x5000xf32, #tpu.memory_space<hbm>> -> memref<1x4x128xf32, #tpu.memory_space<hbm>>
    %dma_wait3A_2205 = tpu.memref_squeeze %dma_wait3A_2204 : memref<1x4x128xf32, #tpu.memory_space<hbm>> -> memref<4x128xf32, #tpu.memory_space<hbm>>
    tpu.wait_dma2 semaphore(%arg19 : memref<!tpu.dma_semaphore, #tpu.memory_space<semaphore_mem>>) src(%dma_wait3A_2205 : memref<4x128xf32, #tpu.memory_space<hbm>>) dst(%arg13 : memref<4x128xf32, #tpu.memory_space<vmem>>)
    %dma_wait3A_2206 = arith.constant 0 : i32
    %dma_wait3A_2207 = tpu.memref_slice %arg3[%select_n3A_2170, %select_n3A_2186, %dma_wait3A_2206] : memref<8x40x128xi32, #tpu.memory_space<hbm>> -> memref<1x1x128xi32, #tpu.memory_space<hbm>>
    %dma_wait3A_2208 = tpu.memref_squeeze %dma_wait3A_2207 : memref<1x1x128xi32, #tpu.memory_space<hbm>> -> memref<128xi32, #tpu.memory_space<hbm>>
    %dma_wait3A_2209 = arith.constant 0 : i32
    %dma_wait3A_2210 = tpu.memref_slice %arg3[%select_n3A_2170, %select_n3A_2186, %dma_wait3A_2209] : memref<8x40x128xi32, #tpu.memory_space<hbm>> -> memref<1x1x128xi32, #tpu.memory_space<hbm>>
    %dma_wait3A_2211 = tpu.memref_squeeze %dma_wait3A_2210 : memref<1x1x128xi32, #tpu.memory_space<hbm>> -> memref<128xi32, #tpu.memory_space<hbm>>
    tpu.wait_dma2 semaphore(%arg19 : memref<!tpu.dma_semaphore, #tpu.memory_space<semaphore_mem>>) src(%dma_wait3A_2211 : memref<128xi32, #tpu.memory_space<hbm>>) dst(%arg10 : memref<128xi32, #tpu.memory_space<vmem>>)
    %mul3A_2212 = arith.constant 10 : i32
    %mul3A_2213 = arith.muli %add3A, %mul3A_2212 : i32
    %add3A_2214 = arith.constant 9 : i32
    %add3A_2215 = arith.addi %mul3A_2213, %add3A_2214 : i32
    %jit3A_2216 = arith.constant 40 : i32
    %div3A_2217 = arith.divsi %add3A_2215, %jit3A_2216 : i32
    %sign3A_2218 = arith.constant 0 : i32
    %sign3A_2219 = arith.cmpi sgt, %add3A_2215, %sign3A_2218 : i32
    %sign3A_2220 = arith.extui %sign3A_2219 : i1 to i32
    %sign3A_2221 = arith.constant 0 : i32
    %sign3A_2222 = arith.cmpi slt, %add3A_2215, %sign3A_2221 : i32
    %sign3A_2223 = arith.extui %sign3A_2222 : i1 to i32
    %sign3A_2224 = arith.subi %sign3A_2220, %sign3A_2223 : i32
    %sign3A_2225 = arith.constant 0 : i32
    %sign3A_2226 = arith.cmpi sgt, %jit3A_2216, %sign3A_2225 : i32
    %sign3A_2227 = arith.extui %sign3A_2226 : i1 to i32
    %sign3A_2228 = arith.constant 0 : i32
    %sign3A_2229 = arith.cmpi slt, %jit3A_2216, %sign3A_2228 : i32
    %sign3A_2230 = arith.extui %sign3A_2229 : i1 to i32
    %sign3A_2231 = arith.subi %sign3A_2227, %sign3A_2230 : i32
    %ne3A_2232 = arith.cmpi ne, %sign3A_2224, %sign3A_2231 : i32
    %rem3A_2233 = arith.remsi %add3A_2215, %jit3A_2216 : i32
    %ne3A_2234 = arith.constant 0 : i32
    %ne3A_2235 = arith.cmpi ne, %rem3A_2233, %ne3A_2234 : i32
    %and3A_2236 = arith.andi %ne3A_2232, %ne3A_2235 : i1
    %sub3A_2237 = arith.constant 1 : i32
    %sub3A_2238 = arith.subi %div3A_2217, %sub3A_2237 : i32
    %select_n3A_2239 = arith.select %and3A_2236, %sub3A_2238, %div3A_2217 : i32
    %jit3A_2240 = arith.constant 40 : i32
    %eq3A_2241 = arith.constant 0 : i32
    %eq3A_2242 = arith.cmpi eq, %jit3A_2240, %eq3A_2241 : i32
    %jit3A_2243 = arith.constant 1 : i32
    %select_n3A_2244 = arith.select %eq3A_2242, %jit3A_2243, %jit3A_2240 : i32
    %rem3A_2245 = arith.remsi %add3A_2215, %select_n3A_2244 : i32
    %ne3A_2246 = arith.constant 0 : i32
    %ne3A_2247 = arith.cmpi ne, %rem3A_2245, %ne3A_2246 : i32
    %lt3A_2248 = arith.constant 0 : i32
    %lt3A_2249 = arith.cmpi slt, %rem3A_2245, %lt3A_2248 : i32
    %lt3A_2250 = arith.constant 0 : i32
    %lt3A_2251 = arith.cmpi slt, %select_n3A_2244, %lt3A_2250 : i32
    %ne3A_2252 = arith.xori %lt3A_2249, %lt3A_2251 : i1
    %and3A_2253 = arith.andi %ne3A_2252, %ne3A_2247 : i1
    %add3A_2254 = arith.addi %rem3A_2245, %select_n3A_2244 : i32
    %select_n3A_2255 = arith.select %and3A_2253, %add3A_2254, %rem3A_2245 : i32
    %add3A_2256 = arith.constant 0 : i32
    %add3A_2257 = arith.addi %add3A_2256, %select_n3A_2255 : i32
    %mul3A_2258 = arith.constant 128 : i32
    %mul3A_2259 = arith.muli %add3A_2257, %mul3A_2258 : i32
    %multiple_of3A_2260 = tpu.assume_multiple %mul3A_2259, 128 : i32
    %dma_start3A_2261 = arith.constant 0 : i32
    %dma_start3A_2262 = arith.constant 0 : i32
    %dma_start3A_2263 = tpu.memref_slice %arg2[%select_n3A_2239, %dma_start3A_2261, %dma_start3A_2262, %multiple_of3A_2260] : memref<8x81x4x5000xf32, #tpu.memory_space<hbm>> -> memref<1x81x4x128xf32, #tpu.memory_space<hbm>>
    %dma_start3A_2264 = tpu.memref_squeeze %dma_start3A_2263 : memref<1x81x4x128xf32, #tpu.memory_space<hbm>> -> memref<81x4x128xf32, #tpu.memory_space<hbm>>
    %dma_start3A_2265 = arith.constant 0 : i32
    %dma_start3A_2266 = arith.constant 0 : i32
    %dma_start3A_2267 = tpu.memref_slice %arg2[%select_n3A_2239, %dma_start3A_2265, %dma_start3A_2266, %multiple_of3A_2260] : memref<8x81x4x5000xf32, #tpu.memory_space<hbm>> -> memref<1x81x4x128xf32, #tpu.memory_space<hbm>>
    %dma_start3A_2268 = tpu.memref_squeeze %dma_start3A_2267 : memref<1x81x4x128xf32, #tpu.memory_space<hbm>> -> memref<81x4x128xf32, #tpu.memory_space<hbm>>
    tpu.enqueue_dma source(%dma_start3A_2268 : memref<81x4x128xf32, #tpu.memory_space<hbm>>) target(%arg6 : memref<81x4x128xf32, #tpu.memory_space<vmem>>) target_semaphore(%arg18 : memref<!tpu.dma_semaphore, #tpu.memory_space<semaphore_mem>>)
    %dma_start3A_2269 = arith.constant 0 : i32
    %dma_start3A_2270 = tpu.memref_slice %arg4[%select_n3A_2239, %dma_start3A_2269, %multiple_of3A_2260] : memref<8x4x5000xf32, #tpu.memory_space<hbm>> -> memref<1x4x128xf32, #tpu.memory_space<hbm>>
    %dma_start3A_2271 = tpu.memref_squeeze %dma_start3A_2270 : memref<1x4x128xf32, #tpu.memory_space<hbm>> -> memref<4x128xf32, #tpu.memory_space<hbm>>
    %dma_start3A_2272 = arith.constant 0 : i32
    %dma_start3A_2273 = tpu.memref_slice %arg4[%select_n3A_2239, %dma_start3A_2272, %multiple_of3A_2260] : memref<8x4x5000xf32, #tpu.memory_space<hbm>> -> memref<1x4x128xf32, #tpu.memory_space<hbm>>
    %dma_start3A_2274 = tpu.memref_squeeze %dma_start3A_2273 : memref<1x4x128xf32, #tpu.memory_space<hbm>> -> memref<4x128xf32, #tpu.memory_space<hbm>>
    tpu.enqueue_dma source(%dma_start3A_2274 : memref<4x128xf32, #tpu.memory_space<hbm>>) target(%arg12 : memref<4x128xf32, #tpu.memory_space<vmem>>) target_semaphore(%arg18 : memref<!tpu.dma_semaphore, #tpu.memory_space<semaphore_mem>>)
    %dma_start3A_2275 = arith.constant 0 : i32
    %dma_start3A_2276 = tpu.memref_slice %arg3[%select_n3A_2239, %select_n3A_2255, %dma_start3A_2275] : memref<8x40x128xi32, #tpu.memory_space<hbm>> -> memref<1x1x128xi32, #tpu.memory_space<hbm>>
    %dma_start3A_2277 = tpu.memref_squeeze %dma_start3A_2276 : memref<1x1x128xi32, #tpu.memory_space<hbm>> -> memref<128xi32, #tpu.memory_space<hbm>>
    %dma_start3A_2278 = arith.constant 0 : i32
    %dma_start3A_2279 = tpu.memref_slice %arg3[%select_n3A_2239, %select_n3A_2255, %dma_start3A_2278] : memref<8x40x128xi32, #tpu.memory_space<hbm>> -> memref<1x1x128xi32, #tpu.memory_space<hbm>>
    %dma_start3A_2280 = tpu.memref_squeeze %dma_start3A_2279 : memref<1x1x128xi32, #tpu.memory_space<hbm>> -> memref<128xi32, #tpu.memory_space<hbm>>
    tpu.enqueue_dma source(%dma_start3A_2280 : memref<128xi32, #tpu.memory_space<hbm>>) target(%arg9 : memref<128xi32, #tpu.memory_space<vmem>>) target_semaphore(%arg18 : memref<!tpu.dma_semaphore, #tpu.memory_space<semaphore_mem>>)
    %mul3A_2281 = arith.constant 10 : i32
    %mul3A_2282 = arith.muli %add3A, %mul3A_2281 : i32
    %add3A_2283 = arith.constant 7 : i32
    %add3A_2284 = arith.addi %mul3A_2282, %add3A_2283 : i32
    %jit3A_2285 = arith.constant 40 : i32
    %div3A_2286 = arith.divsi %add3A_2284, %jit3A_2285 : i32
    %sign3A_2287 = arith.constant 0 : i32
    %sign3A_2288 = arith.cmpi sgt, %add3A_2284, %sign3A_2287 : i32
    %sign3A_2289 = arith.extui %sign3A_2288 : i1 to i32
    %sign3A_2290 = arith.constant 0 : i32
    %sign3A_2291 = arith.cmpi slt, %add3A_2284, %sign3A_2290 : i32
    %sign3A_2292 = arith.extui %sign3A_2291 : i1 to i32
    %sign3A_2293 = arith.subi %sign3A_2289, %sign3A_2292 : i32
    %sign3A_2294 = arith.constant 0 : i32
    %sign3A_2295 = arith.cmpi sgt, %jit3A_2285, %sign3A_2294 : i32
    %sign3A_2296 = arith.extui %sign3A_2295 : i1 to i32
    %sign3A_2297 = arith.constant 0 : i32
    %sign3A_2298 = arith.cmpi slt, %jit3A_2285, %sign3A_2297 : i32
    %sign3A_2299 = arith.extui %sign3A_2298 : i1 to i32
    %sign3A_2300 = arith.subi %sign3A_2296, %sign3A_2299 : i32
    %ne3A_2301 = arith.cmpi ne, %sign3A_2293, %sign3A_2300 : i32
    %rem3A_2302 = arith.remsi %add3A_2284, %jit3A_2285 : i32
    %ne3A_2303 = arith.constant 0 : i32
    %ne3A_2304 = arith.cmpi ne, %rem3A_2302, %ne3A_2303 : i32
    %and3A_2305 = arith.andi %ne3A_2301, %ne3A_2304 : i1
    %sub3A_2306 = arith.constant 1 : i32
    %sub3A_2307 = arith.subi %div3A_2286, %sub3A_2306 : i32
    %select_n3A_2308 = arith.select %and3A_2305, %sub3A_2307, %div3A_2286 : i32
    %jit3A_2309 = arith.constant 40 : i32
    %eq3A_2310 = arith.constant 0 : i32
    %eq3A_2311 = arith.cmpi eq, %jit3A_2309, %eq3A_2310 : i32
    %jit3A_2312 = arith.constant 1 : i32
    %select_n3A_2313 = arith.select %eq3A_2311, %jit3A_2312, %jit3A_2309 : i32
    %rem3A_2314 = arith.remsi %add3A_2284, %select_n3A_2313 : i32
    %ne3A_2315 = arith.constant 0 : i32
    %ne3A_2316 = arith.cmpi ne, %rem3A_2314, %ne3A_2315 : i32
    %lt3A_2317 = arith.constant 0 : i32
    %lt3A_2318 = arith.cmpi slt, %rem3A_2314, %lt3A_2317 : i32
    %lt3A_2319 = arith.constant 0 : i32
    %lt3A_2320 = arith.cmpi slt, %select_n3A_2313, %lt3A_2319 : i32
    %ne3A_2321 = arith.xori %lt3A_2318, %lt3A_2320 : i1
    %and3A_2322 = arith.andi %ne3A_2321, %ne3A_2316 : i1
    %add3A_2323 = arith.addi %rem3A_2314, %select_n3A_2313 : i32
    %select_n3A_2324 = arith.select %and3A_2322, %add3A_2323, %rem3A_2314 : i32
    %add3A_2325 = arith.constant 0 : i32
    %add3A_2326 = arith.addi %add3A_2325, %select_n3A_2324 : i32
    %mul3A_2327 = arith.constant 128 : i32
    %mul3A_2328 = arith.muli %add3A_2326, %mul3A_2327 : i32
    %multiple_of3A_2329 = tpu.assume_multiple %mul3A_2328, 128 : i32
    %scan3A_2330 = arith.constant 0 : i32
    %scan3A_2331 = arith.constant 0 : i32
    %scan3A_2332 = arith.constant 8 : i32
    %scan3A_2333 = arith.addi %scan3A_2331, %scan3A_2332 : i32
    %scan3A_2334 = arith.constant 1 : i32
    scf.for %scan3A_3024 = %scan3A_2331 to %scan3A_2333 step %scan3A_2334  : i32 {
      %mul3A_3025 = arith.constant 16 : i32
      %mul3A_3026 = arith.muli %scan3A_3024, %mul3A_3025 : i32
      %get3A = arith.index_cast %mul3A_3026 : i32 to index
      %get3A_3027 = tpu.vector_load %arg10[%get3A] {strides = array<i32>} : memref<128xi32, #tpu.memory_space<vmem>>, vector<16xi32>,
      %add3A_3028 = vector.broadcast %mul3A_3026 : i32 to vector<16xi32>
      %add3A_3029 = arith.addi %add3A_3028, %iota3A : vector<16xi32>
      %gather3A = tpu.vector_load_idx %arg7[%get3A_3027, %broadcast_in_dim3A_1, %add3A_3029] : memref<81x4x128xf32, #tpu.memory_space<vmem>>[vector<16xi32>, vector<16xi32>, vector<16xi32>], vector<16xf32>,
      %gather3A_3030 = tpu.vector_load_idx %arg7[%get3A_3027, %broadcast_in_dim3A_3, %add3A_3029] : memref<81x4x128xf32, #tpu.memory_space<vmem>>[vector<16xi32>, vector<16xi32>, vector<16xi32>], vector<16xf32>,
      %gather3A_3031 = tpu.vector_load_idx %arg7[%get3A_3027, %broadcast_in_dim3A_5, %add3A_3029] : memref<81x4x128xf32, #tpu.memory_space<vmem>>[vector<16xi32>, vector<16xi32>, vector<16xi32>], vector<16xf32>,
      %gather3A_3032 = tpu.vector_load_idx %arg7[%get3A_3027, %broadcast_in_dim3A_7, %add3A_3029] : memref<81x4x128xf32, #tpu.memory_space<vmem>>[vector<16xi32>, vector<16xi32>, vector<16xi32>], vector<16xf32>,
      %get3A_3033 = arith.constant 0 : i32
      %get3A_3034 = arith.index_cast %get3A_3033 : i32 to index
      %get3A_3035 = arith.index_cast %mul3A_3026 : i32 to index
      %get3A_3036 = tpu.vector_load %arg13[%get3A_3034, %get3A_3035] {strides = array<i32>} : memref<4x128xf32, #tpu.memory_space<vmem>>, vector<16xf32>,
      %get3A_3037 = arith.constant 1 : i32
      %get3A_3038 = arith.index_cast %get3A_3037 : i32 to index
      %get3A_3039 = arith.index_cast %mul3A_3026 : i32 to index
      %get3A_3040 = tpu.vector_load %arg13[%get3A_3038, %get3A_3039] {strides = array<i32>} : memref<4x128xf32, #tpu.memory_space<vmem>>, vector<16xf32>,
      %get3A_3041 = arith.constant 2 : i32
      %get3A_3042 = arith.index_cast %get3A_3041 : i32 to index
      %get3A_3043 = arith.index_cast %mul3A_3026 : i32 to index
      %get3A_3044 = tpu.vector_load %arg13[%get3A_3042, %get3A_3043] {strides = array<i32>} : memref<4x128xf32, #tpu.memory_space<vmem>>, vector<16xf32>,
      %get3A_3045 = arith.constant 3 : i32
      %get3A_3046 = arith.index_cast %get3A_3045 : i32 to index
      %get3A_3047 = arith.index_cast %mul3A_3026 : i32 to index
      %get3A_3048 = tpu.vector_load %arg13[%get3A_3046, %get3A_3047] {strides = array<i32>} : memref<4x128xf32, #tpu.memory_space<vmem>>, vector<16xf32>,
      %sub3A_3049 = arith.subf %get3A_3044, %get3A_3036 : vector<16xf32>
      %sub3A_3050 = arith.subf %get3A_3048, %get3A_3040 : vector<16xf32>
      %mul3A_3051 = arith.constant 5.000000e-01 : f32
      %mul3A_3052 = vector.broadcast %mul3A_3051 : f32 to vector<16xf32>
      %mul3A_3053 = arith.mulf %mul3A_3052, %sub3A_3049 : vector<16xf32>
      %add3A_3054 = arith.addf %get3A_3036, %mul3A_3053 : vector<16xf32>
      %mul3A_3055 = arith.constant 5.000000e-01 : f32
      %mul3A_3056 = vector.broadcast %mul3A_3055 : f32 to vector<16xf32>
      %mul3A_3057 = arith.mulf %mul3A_3056, %sub3A_3050 : vector<16xf32>
      %add3A_3058 = arith.addf %get3A_3040, %mul3A_3057 : vector<16xf32>
      %mul3A_3059 = arith.constant 2.000000e-01 : f32
      %mul3A_3060 = vector.broadcast %mul3A_3059 : f32 to vector<16xf32>
      %mul3A_3061 = arith.mulf %gather3A_3031, %mul3A_3060 : vector<16xf32>
      %jit3A_3062 = arith.constant -4.13516665 : f32
      %jit3A_3063 = arith.constant 4.13516665 : f32
      %max3A = vector.broadcast %jit3A_3062 : f32 to vector<16xf32>
      %max3A_3064 = arith.maximumf %max3A, %mul3A_3061 : vector<16xf32>
      %min3A = vector.broadcast %jit3A_3063 : f32 to vector<16xf32>
      %min3A_3065 = arith.minimumf %min3A, %max3A_3064 : vector<16xf32>
      %mul3A_3066 = arith.constant 2.000000e-01 : f32
      %mul3A_3067 = vector.broadcast %mul3A_3066 : f32 to vector<16xf32>
      %mul3A_3068 = arith.mulf %gather3A_3032, %mul3A_3067 : vector<16xf32>
      %jit3A_3069 = arith.constant -4.13516665 : f32
      %jit3A_3070 = arith.constant 4.13516665 : f32
      %max3A_3071 = vector.broadcast %jit3A_3069 : f32 to vector<16xf32>
      %max3A_3072 = arith.maximumf %max3A_3071, %mul3A_3068 : vector<16xf32>
      %min3A_3073 = vector.broadcast %jit3A_3070 : f32 to vector<16xf32>
      %min3A_3074 = arith.minimumf %min3A_3073, %max3A_3072 : vector<16xf32>
      %exp3A = math.exp %min3A_3065 : vector<16xf32>
      %mul3A_3075 = arith.mulf %sub3A_3049, %exp3A : vector<16xf32>
      %mul3A_3076 = arith.constant 5.000000e-01 : f32
      %mul3A_3077 = vector.broadcast %mul3A_3076 : f32 to vector<16xf32>
      %mul3A_3078 = arith.mulf %mul3A_3077, %mul3A_3075 : vector<16xf32>
      %exp3A_3079 = math.exp %min3A_3074 : vector<16xf32>
      %mul3A_3080 = arith.mulf %sub3A_3050, %exp3A_3079 : vector<16xf32>
      %mul3A_3081 = arith.constant 5.000000e-01 : f32
      %mul3A_3082 = vector.broadcast %mul3A_3081 : f32 to vector<16xf32>
      %mul3A_3083 = arith.mulf %mul3A_3082, %mul3A_3080 : vector<16xf32>
      %mul3A_3084 = arith.constant 1.000000e-01 : f32
      %mul3A_3085 = vector.broadcast %mul3A_3084 : f32 to vector<16xf32>
      %mul3A_3086 = arith.mulf %gather3A, %mul3A_3085 : vector<16xf32>
      %mul3A_3087 = arith.mulf %mul3A_3086, %sub3A_3049 : vector<16xf32>
      %add3A_3088 = arith.addf %add3A_3054, %mul3A_3087 : vector<16xf32>
      %mul3A_3089 = arith.constant 1.000000e-01 : f32
      %mul3A_3090 = vector.broadcast %mul3A_3089 : f32 to vector<16xf32>
      %mul3A_3091 = arith.mulf %gather3A_3030, %mul3A_3090 : vector<16xf32>
      %mul3A_3092 = arith.mulf %mul3A_3091, %sub3A_3050 : vector<16xf32>
      %add3A_3093 = arith.addf %add3A_3058, %mul3A_3092 : vector<16xf32>
      %sub3A_3094 = arith.subf %add3A_3088, %mul3A_3078 : vector<16xf32>
      %jit3A_3095 = arith.constant 0.000000e+00 : f32
      %jit3A_3096 = arith.constant 1.000000e+00 : f32
      %max3A_3097 = vector.broadcast %jit3A_3095 : f32 to vector<16xf32>
      %max3A_3098 = arith.maximumf %max3A_3097, %sub3A_3094 : vector<16xf32>
      %min3A_3099 = vector.broadcast %jit3A_3096 : f32 to vector<16xf32>
      %min3A_3100 = arith.minimumf %min3A_3099, %max3A_3098 : vector<16xf32>
      %swap3A = arith.constant 0 : i32
      %swap3A_3101 = arith.index_cast %swap3A : i32 to index
      %swap3A_3102 = arith.index_cast %mul3A_3026 : i32 to index
      %swap3A_3103 = tpu.vector_load %arg16[%swap3A_3101, %swap3A_3102] {strides = array<i32>} : memref<4x128xf32, #tpu.memory_space<vmem>>, vector<16xf32>,
      tpu.vector_store %arg16[%swap3A_3101, %swap3A_3102], %min3A_3100 {strides = array<i32>} : memref<4x128xf32, #tpu.memory_space<vmem>>, vector<16xf32>,
      %sub3A_3104 = arith.subf %add3A_3093, %mul3A_3083 : vector<16xf32>
      %jit3A_3105 = arith.constant 0.000000e+00 : f32
      %jit3A_3106 = arith.constant 1.000000e+00 : f32
      %max3A_3107 = vector.broadcast %jit3A_3105 : f32 to vector<16xf32>
      %max3A_3108 = arith.maximumf %max3A_3107, %sub3A_3104 : vector<16xf32>
      %min3A_3109 = vector.broadcast %jit3A_3106 : f32 to vector<16xf32>
      %min3A_3110 = arith.minimumf %min3A_3109, %max3A_3108 : vector<16xf32>
      %swap3A_3111 = arith.constant 1 : i32
      %swap3A_3112 = arith.index_cast %swap3A_3111 : i32 to index
      %swap3A_3113 = arith.index_cast %mul3A_3026 : i32 to index
      %swap3A_3114 = tpu.vector_load %arg16[%swap3A_3112, %swap3A_3113] {strides = array<i32>} : memref<4x128xf32, #tpu.memory_space<vmem>>, vector<16xf32>,
      tpu.vector_store %arg16[%swap3A_3112, %swap3A_3113], %min3A_3110 {strides = array<i32>} : memref<4x128xf32, #tpu.memory_space<vmem>>, vector<16xf32>,
      %add3A_3115 = arith.addf %add3A_3088, %mul3A_3078 : vector<16xf32>
      %jit3A_3116 = arith.constant 0.000000e+00 : f32
      %jit3A_3117 = arith.constant 1.000000e+00 : f32
      %max3A_3118 = vector.broadcast %jit3A_3116 : f32 to vector<16xf32>
      %max3A_3119 = arith.maximumf %max3A_3118, %add3A_3115 : vector<16xf32>
      %min3A_3120 = vector.broadcast %jit3A_3117 : f32 to vector<16xf32>
      %min3A_3121 = arith.minimumf %min3A_3120, %max3A_3119 : vector<16xf32>
      %swap3A_3122 = arith.constant 2 : i32
      %swap3A_3123 = arith.index_cast %swap3A_3122 : i32 to index
      %swap3A_3124 = arith.index_cast %mul3A_3026 : i32 to index
      %swap3A_3125 = tpu.vector_load %arg16[%swap3A_3123, %swap3A_3124] {strides = array<i32>} : memref<4x128xf32, #tpu.memory_space<vmem>>, vector<16xf32>,
      tpu.vector_store %arg16[%swap3A_3123, %swap3A_3124], %min3A_3121 {strides = array<i32>} : memref<4x128xf32, #tpu.memory_space<vmem>>, vector<16xf32>,
      %add3A_3126 = arith.addf %add3A_3093, %mul3A_3083 : vector<16xf32>
      %jit3A_3127 = arith.constant 0.000000e+00 : f32
      %jit3A_3128 = arith.constant 1.000000e+00 : f32
      %max3A_3129 = vector.broadcast %jit3A_3127 : f32 to vector<16xf32>
      %max3A_3130 = arith.maximumf %max3A_3129, %add3A_3126 : vector<16xf32>
      %min3A_3131 = vector.broadcast %jit3A_3128 : f32 to vector<16xf32>
      %min3A_3132 = arith.minimumf %min3A_3131, %max3A_3130 : vector<16xf32>
      %swap3A_3133 = arith.constant 3 : i32
      %swap3A_3134 = arith.index_cast %swap3A_3133 : i32 to index
      %swap3A_3135 = arith.index_cast %mul3A_3026 : i32 to index
      %swap3A_3136 = tpu.vector_load %arg16[%swap3A_3134, %swap3A_3135] {strides = array<i32>} : memref<4x128xf32, #tpu.memory_space<vmem>>, vector<16xf32>,
      tpu.vector_store %arg16[%swap3A_3134, %swap3A_3135], %min3A_3132 {strides = array<i32>} : memref<4x128xf32, #tpu.memory_space<vmem>>, vector<16xf32>,
    }
    %scan3A_2335 = arith.constant 8 : i32
    %mul3A_2336 = arith.constant 10 : i32
    %mul3A_2337 = arith.muli %add3A, %mul3A_2336 : i32
    %add3A_2338 = arith.constant 7 : i32
    %add3A_2339 = arith.addi %mul3A_2337, %add3A_2338 : i32
    %jit3A_2340 = arith.constant 40 : i32
    %div3A_2341 = arith.divsi %add3A_2339, %jit3A_2340 : i32
    %sign3A_2342 = arith.constant 0 : i32
    %sign3A_2343 = arith.cmpi sgt, %add3A_2339, %sign3A_2342 : i32
    %sign3A_2344 = arith.extui %sign3A_2343 : i1 to i32
    %sign3A_2345 = arith.constant 0 : i32
    %sign3A_2346 = arith.cmpi slt, %add3A_2339, %sign3A_2345 : i32
    %sign3A_2347 = arith.extui %sign3A_2346 : i1 to i32
    %sign3A_2348 = arith.subi %sign3A_2344, %sign3A_2347 : i32
    %sign3A_2349 = arith.constant 0 : i32
    %sign3A_2350 = arith.cmpi sgt, %jit3A_2340, %sign3A_2349 : i32
    %sign3A_2351 = arith.extui %sign3A_2350 : i1 to i32
    %sign3A_2352 = arith.constant 0 : i32
    %sign3A_2353 = arith.cmpi slt, %jit3A_2340, %sign3A_2352 : i32
    %sign3A_2354 = arith.extui %sign3A_2353 : i1 to i32
    %sign3A_2355 = arith.subi %sign3A_2351, %sign3A_2354 : i32
    %ne3A_2356 = arith.cmpi ne, %sign3A_2348, %sign3A_2355 : i32
    %rem3A_2357 = arith.remsi %add3A_2339, %jit3A_2340 : i32
    %ne3A_2358 = arith.constant 0 : i32
    %ne3A_2359 = arith.cmpi ne, %rem3A_2357, %ne3A_2358 : i32
    %and3A_2360 = arith.andi %ne3A_2356, %ne3A_2359 : i1
    %sub3A_2361 = arith.constant 1 : i32
    %sub3A_2362 = arith.subi %div3A_2341, %sub3A_2361 : i32
    %select_n3A_2363 = arith.select %and3A_2360, %sub3A_2362, %div3A_2341 : i32
    %jit3A_2364 = arith.constant 40 : i32
    %eq3A_2365 = arith.constant 0 : i32
    %eq3A_2366 = arith.cmpi eq, %jit3A_2364, %eq3A_2365 : i32
    %jit3A_2367 = arith.constant 1 : i32
    %select_n3A_2368 = arith.select %eq3A_2366, %jit3A_2367, %jit3A_2364 : i32
    %rem3A_2369 = arith.remsi %add3A_2339, %select_n3A_2368 : i32
    %ne3A_2370 = arith.constant 0 : i32
    %ne3A_2371 = arith.cmpi ne, %rem3A_2369, %ne3A_2370 : i32
    %lt3A_2372 = arith.constant 0 : i32
    %lt3A_2373 = arith.cmpi slt, %rem3A_2369, %lt3A_2372 : i32
    %lt3A_2374 = arith.constant 0 : i32
    %lt3A_2375 = arith.cmpi slt, %select_n3A_2368, %lt3A_2374 : i32
    %ne3A_2376 = arith.xori %lt3A_2373, %lt3A_2375 : i1
    %and3A_2377 = arith.andi %ne3A_2376, %ne3A_2371 : i1
    %add3A_2378 = arith.addi %rem3A_2369, %select_n3A_2368 : i32
    %select_n3A_2379 = arith.select %and3A_2377, %add3A_2378, %rem3A_2369 : i32
    %add3A_2380 = arith.constant 0 : i32
    %add3A_2381 = arith.addi %add3A_2380, %select_n3A_2379 : i32
    %mul3A_2382 = arith.constant 128 : i32
    %mul3A_2383 = arith.muli %add3A_2381, %mul3A_2382 : i32
    %multiple_of3A_2384 = tpu.assume_multiple %mul3A_2383, 128 : i32
    %dma_start3A_2385 = arith.constant 0 : i32
    %dma_start3A_2386 = tpu.memref_slice %arg5[%select_n3A_2308, %dma_start3A_2385, %multiple_of3A_2384] : memref<8x4x5000xf32, #tpu.memory_space<hbm>> -> memref<1x4x128xf32, #tpu.memory_space<hbm>>
    %dma_start3A_2387 = tpu.memref_squeeze %dma_start3A_2386 : memref<1x4x128xf32, #tpu.memory_space<hbm>> -> memref<4x128xf32, #tpu.memory_space<hbm>>
    %dma_start3A_2388 = arith.constant 0 : i32
    %dma_start3A_2389 = tpu.memref_slice %arg5[%select_n3A_2308, %dma_start3A_2388, %multiple_of3A_2384] : memref<8x4x5000xf32, #tpu.memory_space<hbm>> -> memref<1x4x128xf32, #tpu.memory_space<hbm>>
    %dma_start3A_2390 = tpu.memref_squeeze %dma_start3A_2389 : memref<1x4x128xf32, #tpu.memory_space<hbm>> -> memref<4x128xf32, #tpu.memory_space<hbm>>
    tpu.enqueue_dma source(%arg16 : memref<4x128xf32, #tpu.memory_space<vmem>>) target(%dma_start3A_2390 : memref<4x128xf32, #tpu.memory_space<hbm>>) target_semaphore(%arg22 : memref<!tpu.dma_semaphore, #tpu.memory_space<semaphore_mem>>)
    %mul3A_2391 = arith.constant 10 : i32
    %mul3A_2392 = arith.muli %add3A, %mul3A_2391 : i32
    %add3A_2393 = arith.constant 5 : i32
    %add3A_2394 = arith.addi %mul3A_2392, %add3A_2393 : i32
    %jit3A_2395 = arith.constant 40 : i32
    %div3A_2396 = arith.divsi %add3A_2394, %jit3A_2395 : i32
    %sign3A_2397 = arith.constant 0 : i32
    %sign3A_2398 = arith.cmpi sgt, %add3A_2394, %sign3A_2397 : i32
    %sign3A_2399 = arith.extui %sign3A_2398 : i1 to i32
    %sign3A_2400 = arith.constant 0 : i32
    %sign3A_2401 = arith.cmpi slt, %add3A_2394, %sign3A_2400 : i32
    %sign3A_2402 = arith.extui %sign3A_2401 : i1 to i32
    %sign3A_2403 = arith.subi %sign3A_2399, %sign3A_2402 : i32
    %sign3A_2404 = arith.constant 0 : i32
    %sign3A_2405 = arith.cmpi sgt, %jit3A_2395, %sign3A_2404 : i32
    %sign3A_2406 = arith.extui %sign3A_2405 : i1 to i32
    %sign3A_2407 = arith.constant 0 : i32
    %sign3A_2408 = arith.cmpi slt, %jit3A_2395, %sign3A_2407 : i32
    %sign3A_2409 = arith.extui %sign3A_2408 : i1 to i32
    %sign3A_2410 = arith.subi %sign3A_2406, %sign3A_2409 : i32
    %ne3A_2411 = arith.cmpi ne, %sign3A_2403, %sign3A_2410 : i32
    %rem3A_2412 = arith.remsi %add3A_2394, %jit3A_2395 : i32
    %ne3A_2413 = arith.constant 0 : i32
    %ne3A_2414 = arith.cmpi ne, %rem3A_2412, %ne3A_2413 : i32
    %and3A_2415 = arith.andi %ne3A_2411, %ne3A_2414 : i1
    %sub3A_2416 = arith.constant 1 : i32
    %sub3A_2417 = arith.subi %div3A_2396, %sub3A_2416 : i32
    %select_n3A_2418 = arith.select %and3A_2415, %sub3A_2417, %div3A_2396 : i32
    %jit3A_2419 = arith.constant 40 : i32
    %eq3A_2420 = arith.constant 0 : i32
    %eq3A_2421 = arith.cmpi eq, %jit3A_2419, %eq3A_2420 : i32
    %jit3A_2422 = arith.constant 1 : i32
    %select_n3A_2423 = arith.select %eq3A_2421, %jit3A_2422, %jit3A_2419 : i32
    %rem3A_2424 = arith.remsi %add3A_2394, %select_n3A_2423 : i32
    %ne3A_2425 = arith.constant 0 : i32
    %ne3A_2426 = arith.cmpi ne, %rem3A_2424, %ne3A_2425 : i32
    %lt3A_2427 = arith.constant 0 : i32
    %lt3A_2428 = arith.cmpi slt, %rem3A_2424, %lt3A_2427 : i32
    %lt3A_2429 = arith.constant 0 : i32
    %lt3A_2430 = arith.cmpi slt, %select_n3A_2423, %lt3A_2429 : i32
    %ne3A_2431 = arith.xori %lt3A_2428, %lt3A_2430 : i1
    %and3A_2432 = arith.andi %ne3A_2431, %ne3A_2426 : i1
    %add3A_2433 = arith.addi %rem3A_2424, %select_n3A_2423 : i32
    %select_n3A_2434 = arith.select %and3A_2432, %add3A_2433, %rem3A_2424 : i32
    %add3A_2435 = arith.constant 0 : i32
    %add3A_2436 = arith.addi %add3A_2435, %select_n3A_2434 : i32
    %mul3A_2437 = arith.constant 128 : i32
    %mul3A_2438 = arith.muli %add3A_2436, %mul3A_2437 : i32
    %multiple_of3A_2439 = tpu.assume_multiple %mul3A_2438, 128 : i32
    %dma_wait3A_2440 = arith.constant 0 : i32
    %dma_wait3A_2441 = tpu.memref_slice %arg5[%select_n3A_2418, %dma_wait3A_2440, %multiple_of3A_2439] : memref<8x4x5000xf32, #tpu.memory_space<hbm>> -> memref<1x4x128xf32, #tpu.memory_space<hbm>>
    %dma_wait3A_2442 = tpu.memref_squeeze %dma_wait3A_2441 : memref<1x4x128xf32, #tpu.memory_space<hbm>> -> memref<4x128xf32, #tpu.memory_space<hbm>>
    %dma_wait3A_2443 = arith.constant 0 : i32
    %dma_wait3A_2444 = tpu.memref_slice %arg5[%select_n3A_2418, %dma_wait3A_2443, %multiple_of3A_2439] : memref<8x4x5000xf32, #tpu.memory_space<hbm>> -> memref<1x4x128xf32, #tpu.memory_space<hbm>>
    %dma_wait3A_2445 = tpu.memref_squeeze %dma_wait3A_2444 : memref<1x4x128xf32, #tpu.memory_space<hbm>> -> memref<4x128xf32, #tpu.memory_space<hbm>>
    tpu.wait_dma2 semaphore(%arg23 : memref<!tpu.dma_semaphore, #tpu.memory_space<semaphore_mem>>) src(%arg17 : memref<4x128xf32, #tpu.memory_space<vmem>>) dst(%dma_wait3A_2445 : memref<4x128xf32, #tpu.memory_space<hbm>>)
    %mul3A_2446 = arith.constant 10 : i32
    %mul3A_2447 = arith.muli %add3A, %mul3A_2446 : i32
    %add3A_2448 = arith.constant 8 : i32
    %add3A_2449 = arith.addi %mul3A_2447, %add3A_2448 : i32
    %jit3A_2450 = arith.constant 40 : i32
    %div3A_2451 = arith.divsi %add3A_2449, %jit3A_2450 : i32
    %sign3A_2452 = arith.constant 0 : i32
    %sign3A_2453 = arith.cmpi sgt, %add3A_2449, %sign3A_2452 : i32
    %sign3A_2454 = arith.extui %sign3A_2453 : i1 to i32
    %sign3A_2455 = arith.constant 0 : i32
    %sign3A_2456 = arith.cmpi slt, %add3A_2449, %sign3A_2455 : i32
    %sign3A_2457 = arith.extui %sign3A_2456 : i1 to i32
    %sign3A_2458 = arith.subi %sign3A_2454, %sign3A_2457 : i32
    %sign3A_2459 = arith.constant 0 : i32
    %sign3A_2460 = arith.cmpi sgt, %jit3A_2450, %sign3A_2459 : i32
    %sign3A_2461 = arith.extui %sign3A_2460 : i1 to i32
    %sign3A_2462 = arith.constant 0 : i32
    %sign3A_2463 = arith.cmpi slt, %jit3A_2450, %sign3A_2462 : i32
    %sign3A_2464 = arith.extui %sign3A_2463 : i1 to i32
    %sign3A_2465 = arith.subi %sign3A_2461, %sign3A_2464 : i32
    %ne3A_2466 = arith.cmpi ne, %sign3A_2458, %sign3A_2465 : i32
    %rem3A_2467 = arith.remsi %add3A_2449, %jit3A_2450 : i32
    %ne3A_2468 = arith.constant 0 : i32
    %ne3A_2469 = arith.cmpi ne, %rem3A_2467, %ne3A_2468 : i32
    %and3A_2470 = arith.andi %ne3A_2466, %ne3A_2469 : i1
    %sub3A_2471 = arith.constant 1 : i32
    %sub3A_2472 = arith.subi %div3A_2451, %sub3A_2471 : i32
    %select_n3A_2473 = arith.select %and3A_2470, %sub3A_2472, %div3A_2451 : i32
    %jit3A_2474 = arith.constant 40 : i32
    %eq3A_2475 = arith.constant 0 : i32
    %eq3A_2476 = arith.cmpi eq, %jit3A_2474, %eq3A_2475 : i32
    %jit3A_2477 = arith.constant 1 : i32
    %select_n3A_2478 = arith.select %eq3A_2476, %jit3A_2477, %jit3A_2474 : i32
    %rem3A_2479 = arith.remsi %add3A_2449, %select_n3A_2478 : i32
    %ne3A_2480 = arith.constant 0 : i32
    %ne3A_2481 = arith.cmpi ne, %rem3A_2479, %ne3A_2480 : i32
    %lt3A_2482 = arith.constant 0 : i32
    %lt3A_2483 = arith.cmpi slt, %rem3A_2479, %lt3A_2482 : i32
    %lt3A_2484 = arith.constant 0 : i32
    %lt3A_2485 = arith.cmpi slt, %select_n3A_2478, %lt3A_2484 : i32
    %ne3A_2486 = arith.xori %lt3A_2483, %lt3A_2485 : i1
    %and3A_2487 = arith.andi %ne3A_2486, %ne3A_2481 : i1
    %add3A_2488 = arith.addi %rem3A_2479, %select_n3A_2478 : i32
    %select_n3A_2489 = arith.select %and3A_2487, %add3A_2488, %rem3A_2479 : i32
    %add3A_2490 = arith.constant 0 : i32
    %add3A_2491 = arith.addi %add3A_2490, %select_n3A_2489 : i32
    %mul3A_2492 = arith.constant 128 : i32
    %mul3A_2493 = arith.muli %add3A_2491, %mul3A_2492 : i32
    %multiple_of3A_2494 = tpu.assume_multiple %mul3A_2493, 128 : i32
    %dma_wait3A_2495 = arith.constant 0 : i32
    %dma_wait3A_2496 = arith.constant 0 : i32
    %dma_wait3A_2497 = tpu.memref_slice %arg2[%select_n3A_2473, %dma_wait3A_2495, %dma_wait3A_2496, %multiple_of3A_2494] : memref<8x81x4x5000xf32, #tpu.memory_space<hbm>> -> memref<1x81x4x128xf32, #tpu.memory_space<hbm>>
    %dma_wait3A_2498 = tpu.memref_squeeze %dma_wait3A_2497 : memref<1x81x4x128xf32, #tpu.memory_space<hbm>> -> memref<81x4x128xf32, #tpu.memory_space<hbm>>
    %dma_wait3A_2499 = arith.constant 0 : i32
    %dma_wait3A_2500 = arith.constant 0 : i32
    %dma_wait3A_2501 = tpu.memref_slice %arg2[%select_n3A_2473, %dma_wait3A_2499, %dma_wait3A_2500, %multiple_of3A_2494] : memref<8x81x4x5000xf32, #tpu.memory_space<hbm>> -> memref<1x81x4x128xf32, #tpu.memory_space<hbm>>
    %dma_wait3A_2502 = tpu.memref_squeeze %dma_wait3A_2501 : memref<1x81x4x128xf32, #tpu.memory_space<hbm>> -> memref<81x4x128xf32, #tpu.memory_space<hbm>>
    tpu.wait_dma2 semaphore(%arg20 : memref<!tpu.dma_semaphore, #tpu.memory_space<semaphore_mem>>) src(%dma_wait3A_2502 : memref<81x4x128xf32, #tpu.memory_space<hbm>>) dst(%arg8 : memref<81x4x128xf32, #tpu.memory_space<vmem>>)
    %dma_wait3A_2503 = arith.constant 0 : i32
    %dma_wait3A_2504 = tpu.memref_slice %arg4[%select_n3A_2473, %dma_wait3A_2503, %multiple_of3A_2494] : memref<8x4x5000xf32, #tpu.memory_space<hbm>> -> memref<1x4x128xf32, #tpu.memory_space<hbm>>
    %dma_wait3A_2505 = tpu.memref_squeeze %dma_wait3A_2504 : memref<1x4x128xf32, #tpu.memory_space<hbm>> -> memref<4x128xf32, #tpu.memory_space<hbm>>
    %dma_wait3A_2506 = arith.constant 0 : i32
    %dma_wait3A_2507 = tpu.memref_slice %arg4[%select_n3A_2473, %dma_wait3A_2506, %multiple_of3A_2494] : memref<8x4x5000xf32, #tpu.memory_space<hbm>> -> memref<1x4x128xf32, #tpu.memory_space<hbm>>
    %dma_wait3A_2508 = tpu.memref_squeeze %dma_wait3A_2507 : memref<1x4x128xf32, #tpu.memory_space<hbm>> -> memref<4x128xf32, #tpu.memory_space<hbm>>
    tpu.wait_dma2 semaphore(%arg20 : memref<!tpu.dma_semaphore, #tpu.memory_space<semaphore_mem>>) src(%dma_wait3A_2508 : memref<4x128xf32, #tpu.memory_space<hbm>>) dst(%arg14 : memref<4x128xf32, #tpu.memory_space<vmem>>)
    %dma_wait3A_2509 = arith.constant 0 : i32
    %dma_wait3A_2510 = tpu.memref_slice %arg3[%select_n3A_2473, %select_n3A_2489, %dma_wait3A_2509] : memref<8x40x128xi32, #tpu.memory_space<hbm>> -> memref<1x1x128xi32, #tpu.memory_space<hbm>>
    %dma_wait3A_2511 = tpu.memref_squeeze %dma_wait3A_2510 : memref<1x1x128xi32, #tpu.memory_space<hbm>> -> memref<128xi32, #tpu.memory_space<hbm>>
    %dma_wait3A_2512 = arith.constant 0 : i32
    %dma_wait3A_2513 = tpu.memref_slice %arg3[%select_n3A_2473, %select_n3A_2489, %dma_wait3A_2512] : memref<8x40x128xi32, #tpu.memory_space<hbm>> -> memref<1x1x128xi32, #tpu.memory_space<hbm>>
    %dma_wait3A_2514 = tpu.memref_squeeze %dma_wait3A_2513 : memref<1x1x128xi32, #tpu.memory_space<hbm>> -> memref<128xi32, #tpu.memory_space<hbm>>
    tpu.wait_dma2 semaphore(%arg20 : memref<!tpu.dma_semaphore, #tpu.memory_space<semaphore_mem>>) src(%dma_wait3A_2514 : memref<128xi32, #tpu.memory_space<hbm>>) dst(%arg11 : memref<128xi32, #tpu.memory_space<vmem>>)
    %mul3A_2515 = arith.constant 10 : i32
    %mul3A_2516 = arith.muli %add3A, %mul3A_2515 : i32
    %add3A_2517 = arith.constant 8 : i32
    %add3A_2518 = arith.addi %mul3A_2516, %add3A_2517 : i32
    %jit3A_2519 = arith.constant 40 : i32
    %div3A_2520 = arith.divsi %add3A_2518, %jit3A_2519 : i32
    %sign3A_2521 = arith.constant 0 : i32
    %sign3A_2522 = arith.cmpi sgt, %add3A_2518, %sign3A_2521 : i32
    %sign3A_2523 = arith.extui %sign3A_2522 : i1 to i32
    %sign3A_2524 = arith.constant 0 : i32
    %sign3A_2525 = arith.cmpi slt, %add3A_2518, %sign3A_2524 : i32
    %sign3A_2526 = arith.extui %sign3A_2525 : i1 to i32
    %sign3A_2527 = arith.subi %sign3A_2523, %sign3A_2526 : i32
    %sign3A_2528 = arith.constant 0 : i32
    %sign3A_2529 = arith.cmpi sgt, %jit3A_2519, %sign3A_2528 : i32
    %sign3A_2530 = arith.extui %sign3A_2529 : i1 to i32
    %sign3A_2531 = arith.constant 0 : i32
    %sign3A_2532 = arith.cmpi slt, %jit3A_2519, %sign3A_2531 : i32
    %sign3A_2533 = arith.extui %sign3A_2532 : i1 to i32
    %sign3A_2534 = arith.subi %sign3A_2530, %sign3A_2533 : i32
    %ne3A_2535 = arith.cmpi ne, %sign3A_2527, %sign3A_2534 : i32
    %rem3A_2536 = arith.remsi %add3A_2518, %jit3A_2519 : i32
    %ne3A_2537 = arith.constant 0 : i32
    %ne3A_2538 = arith.cmpi ne, %rem3A_2536, %ne3A_2537 : i32
    %and3A_2539 = arith.andi %ne3A_2535, %ne3A_2538 : i1
    %sub3A_2540 = arith.constant 1 : i32
    %sub3A_2541 = arith.subi %div3A_2520, %sub3A_2540 : i32
    %select_n3A_2542 = arith.select %and3A_2539, %sub3A_2541, %div3A_2520 : i32
    %jit3A_2543 = arith.constant 40 : i32
    %eq3A_2544 = arith.constant 0 : i32
    %eq3A_2545 = arith.cmpi eq, %jit3A_2543, %eq3A_2544 : i32
    %jit3A_2546 = arith.constant 1 : i32
    %select_n3A_2547 = arith.select %eq3A_2545, %jit3A_2546, %jit3A_2543 : i32
    %rem3A_2548 = arith.remsi %add3A_2518, %select_n3A_2547 : i32
    %ne3A_2549 = arith.constant 0 : i32
    %ne3A_2550 = arith.cmpi ne, %rem3A_2548, %ne3A_2549 : i32
    %lt3A_2551 = arith.constant 0 : i32
    %lt3A_2552 = arith.cmpi slt, %rem3A_2548, %lt3A_2551 : i32
    %lt3A_2553 = arith.constant 0 : i32
    %lt3A_2554 = arith.cmpi slt, %select_n3A_2547, %lt3A_2553 : i32
    %ne3A_2555 = arith.xori %lt3A_2552, %lt3A_2554 : i1
    %and3A_2556 = arith.andi %ne3A_2555, %ne3A_2550 : i1
    %add3A_2557 = arith.addi %rem3A_2548, %select_n3A_2547 : i32
    %select_n3A_2558 = arith.select %and3A_2556, %add3A_2557, %rem3A_2548 : i32
    %add3A_2559 = arith.constant 0 : i32
    %add3A_2560 = arith.addi %add3A_2559, %select_n3A_2558 : i32
    %mul3A_2561 = arith.constant 128 : i32
    %mul3A_2562 = arith.muli %add3A_2560, %mul3A_2561 : i32
    %multiple_of3A_2563 = tpu.assume_multiple %mul3A_2562, 128 : i32
    %scan3A_2564 = arith.constant 0 : i32
    %scan3A_2565 = arith.constant 0 : i32
    %scan3A_2566 = arith.constant 8 : i32
    %scan3A_2567 = arith.addi %scan3A_2565, %scan3A_2566 : i32
    %scan3A_2568 = arith.constant 1 : i32
    scf.for %scan3A_3024 = %scan3A_2565 to %scan3A_2567 step %scan3A_2568  : i32 {
      %mul3A_3025 = arith.constant 16 : i32
      %mul3A_3026 = arith.muli %scan3A_3024, %mul3A_3025 : i32
      %get3A = arith.index_cast %mul3A_3026 : i32 to index
      %get3A_3027 = tpu.vector_load %arg11[%get3A] {strides = array<i32>} : memref<128xi32, #tpu.memory_space<vmem>>, vector<16xi32>,
      %add3A_3028 = vector.broadcast %mul3A_3026 : i32 to vector<16xi32>
      %add3A_3029 = arith.addi %add3A_3028, %iota3A : vector<16xi32>
      %gather3A = tpu.vector_load_idx %arg8[%get3A_3027, %broadcast_in_dim3A_1, %add3A_3029] : memref<81x4x128xf32, #tpu.memory_space<vmem>>[vector<16xi32>, vector<16xi32>, vector<16xi32>], vector<16xf32>,
      %gather3A_3030 = tpu.vector_load_idx %arg8[%get3A_3027, %broadcast_in_dim3A_3, %add3A_3029] : memref<81x4x128xf32, #tpu.memory_space<vmem>>[vector<16xi32>, vector<16xi32>, vector<16xi32>], vector<16xf32>,
      %gather3A_3031 = tpu.vector_load_idx %arg8[%get3A_3027, %broadcast_in_dim3A_5, %add3A_3029] : memref<81x4x128xf32, #tpu.memory_space<vmem>>[vector<16xi32>, vector<16xi32>, vector<16xi32>], vector<16xf32>,
      %gather3A_3032 = tpu.vector_load_idx %arg8[%get3A_3027, %broadcast_in_dim3A_7, %add3A_3029] : memref<81x4x128xf32, #tpu.memory_space<vmem>>[vector<16xi32>, vector<16xi32>, vector<16xi32>], vector<16xf32>,
      %get3A_3033 = arith.constant 0 : i32
      %get3A_3034 = arith.index_cast %get3A_3033 : i32 to index
      %get3A_3035 = arith.index_cast %mul3A_3026 : i32 to index
      %get3A_3036 = tpu.vector_load %arg14[%get3A_3034, %get3A_3035] {strides = array<i32>} : memref<4x128xf32, #tpu.memory_space<vmem>>, vector<16xf32>,
      %get3A_3037 = arith.constant 1 : i32
      %get3A_3038 = arith.index_cast %get3A_3037 : i32 to index
      %get3A_3039 = arith.index_cast %mul3A_3026 : i32 to index
      %get3A_3040 = tpu.vector_load %arg14[%get3A_3038, %get3A_3039] {strides = array<i32>} : memref<4x128xf32, #tpu.memory_space<vmem>>, vector<16xf32>,
      %get3A_3041 = arith.constant 2 : i32
      %get3A_3042 = arith.index_cast %get3A_3041 : i32 to index
      %get3A_3043 = arith.index_cast %mul3A_3026 : i32 to index
      %get3A_3044 = tpu.vector_load %arg14[%get3A_3042, %get3A_3043] {strides = array<i32>} : memref<4x128xf32, #tpu.memory_space<vmem>>, vector<16xf32>,
      %get3A_3045 = arith.constant 3 : i32
      %get3A_3046 = arith.index_cast %get3A_3045 : i32 to index
      %get3A_3047 = arith.index_cast %mul3A_3026 : i32 to index
      %get3A_3048 = tpu.vector_load %arg14[%get3A_3046, %get3A_3047] {strides = array<i32>} : memref<4x128xf32, #tpu.memory_space<vmem>>, vector<16xf32>,
      %sub3A_3049 = arith.subf %get3A_3044, %get3A_3036 : vector<16xf32>
      %sub3A_3050 = arith.subf %get3A_3048, %get3A_3040 : vector<16xf32>
      %mul3A_3051 = arith.constant 5.000000e-01 : f32
      %mul3A_3052 = vector.broadcast %mul3A_3051 : f32 to vector<16xf32>
      %mul3A_3053 = arith.mulf %mul3A_3052, %sub3A_3049 : vector<16xf32>
      %add3A_3054 = arith.addf %get3A_3036, %mul3A_3053 : vector<16xf32>
      %mul3A_3055 = arith.constant 5.000000e-01 : f32
      %mul3A_3056 = vector.broadcast %mul3A_3055 : f32 to vector<16xf32>
      %mul3A_3057 = arith.mulf %mul3A_3056, %sub3A_3050 : vector<16xf32>
      %add3A_3058 = arith.addf %get3A_3040, %mul3A_3057 : vector<16xf32>
      %mul3A_3059 = arith.constant 2.000000e-01 : f32
      %mul3A_3060 = vector.broadcast %mul3A_3059 : f32 to vector<16xf32>
      %mul3A_3061 = arith.mulf %gather3A_3031, %mul3A_3060 : vector<16xf32>
      %jit3A_3062 = arith.constant -4.13516665 : f32
      %jit3A_3063 = arith.constant 4.13516665 : f32
      %max3A = vector.broadcast %jit3A_3062 : f32 to vector<16xf32>
      %max3A_3064 = arith.maximumf %max3A, %mul3A_3061 : vector<16xf32>
      %min3A = vector.broadcast %jit3A_3063 : f32 to vector<16xf32>
      %min3A_3065 = arith.minimumf %min3A, %max3A_3064 : vector<16xf32>
      %mul3A_3066 = arith.constant 2.000000e-01 : f32
      %mul3A_3067 = vector.broadcast %mul3A_3066 : f32 to vector<16xf32>
      %mul3A_3068 = arith.mulf %gather3A_3032, %mul3A_3067 : vector<16xf32>
      %jit3A_3069 = arith.constant -4.13516665 : f32
      %jit3A_3070 = arith.constant 4.13516665 : f32
      %max3A_3071 = vector.broadcast %jit3A_3069 : f32 to vector<16xf32>
      %max3A_3072 = arith.maximumf %max3A_3071, %mul3A_3068 : vector<16xf32>
      %min3A_3073 = vector.broadcast %jit3A_3070 : f32 to vector<16xf32>
      %min3A_3074 = arith.minimumf %min3A_3073, %max3A_3072 : vector<16xf32>
      %exp3A = math.exp %min3A_3065 : vector<16xf32>
      %mul3A_3075 = arith.mulf %sub3A_3049, %exp3A : vector<16xf32>
      %mul3A_3076 = arith.constant 5.000000e-01 : f32
      %mul3A_3077 = vector.broadcast %mul3A_3076 : f32 to vector<16xf32>
      %mul3A_3078 = arith.mulf %mul3A_3077, %mul3A_3075 : vector<16xf32>
      %exp3A_3079 = math.exp %min3A_3074 : vector<16xf32>
      %mul3A_3080 = arith.mulf %sub3A_3050, %exp3A_3079 : vector<16xf32>
      %mul3A_3081 = arith.constant 5.000000e-01 : f32
      %mul3A_3082 = vector.broadcast %mul3A_3081 : f32 to vector<16xf32>
      %mul3A_3083 = arith.mulf %mul3A_3082, %mul3A_3080 : vector<16xf32>
      %mul3A_3084 = arith.constant 1.000000e-01 : f32
      %mul3A_3085 = vector.broadcast %mul3A_3084 : f32 to vector<16xf32>
      %mul3A_3086 = arith.mulf %gather3A, %mul3A_3085 : vector<16xf32>
      %mul3A_3087 = arith.mulf %mul3A_3086, %sub3A_3049 : vector<16xf32>
      %add3A_3088 = arith.addf %add3A_3054, %mul3A_3087 : vector<16xf32>
      %mul3A_3089 = arith.constant 1.000000e-01 : f32
      %mul3A_3090 = vector.broadcast %mul3A_3089 : f32 to vector<16xf32>
      %mul3A_3091 = arith.mulf %gather3A_3030, %mul3A_3090 : vector<16xf32>
      %mul3A_3092 = arith.mulf %mul3A_3091, %sub3A_3050 : vector<16xf32>
      %add3A_3093 = arith.addf %add3A_3058, %mul3A_3092 : vector<16xf32>
      %sub3A_3094 = arith.subf %add3A_3088, %mul3A_3078 : vector<16xf32>
      %jit3A_3095 = arith.constant 0.000000e+00 : f32
      %jit3A_3096 = arith.constant 1.000000e+00 : f32
      %max3A_3097 = vector.broadcast %jit3A_3095 : f32 to vector<16xf32>
      %max3A_3098 = arith.maximumf %max3A_3097, %sub3A_3094 : vector<16xf32>
      %min3A_3099 = vector.broadcast %jit3A_3096 : f32 to vector<16xf32>
      %min3A_3100 = arith.minimumf %min3A_3099, %max3A_3098 : vector<16xf32>
      %swap3A = arith.constant 0 : i32
      %swap3A_3101 = arith.index_cast %swap3A : i32 to index
      %swap3A_3102 = arith.index_cast %mul3A_3026 : i32 to index
      %swap3A_3103 = tpu.vector_load %arg17[%swap3A_3101, %swap3A_3102] {strides = array<i32>} : memref<4x128xf32, #tpu.memory_space<vmem>>, vector<16xf32>,
      tpu.vector_store %arg17[%swap3A_3101, %swap3A_3102], %min3A_3100 {strides = array<i32>} : memref<4x128xf32, #tpu.memory_space<vmem>>, vector<16xf32>,
      %sub3A_3104 = arith.subf %add3A_3093, %mul3A_3083 : vector<16xf32>
      %jit3A_3105 = arith.constant 0.000000e+00 : f32
      %jit3A_3106 = arith.constant 1.000000e+00 : f32
      %max3A_3107 = vector.broadcast %jit3A_3105 : f32 to vector<16xf32>
      %max3A_3108 = arith.maximumf %max3A_3107, %sub3A_3104 : vector<16xf32>
      %min3A_3109 = vector.broadcast %jit3A_3106 : f32 to vector<16xf32>
      %min3A_3110 = arith.minimumf %min3A_3109, %max3A_3108 : vector<16xf32>
      %swap3A_3111 = arith.constant 1 : i32
      %swap3A_3112 = arith.index_cast %swap3A_3111 : i32 to index
      %swap3A_3113 = arith.index_cast %mul3A_3026 : i32 to index
      %swap3A_3114 = tpu.vector_load %arg17[%swap3A_3112, %swap3A_3113] {strides = array<i32>} : memref<4x128xf32, #tpu.memory_space<vmem>>, vector<16xf32>,
      tpu.vector_store %arg17[%swap3A_3112, %swap3A_3113], %min3A_3110 {strides = array<i32>} : memref<4x128xf32, #tpu.memory_space<vmem>>, vector<16xf32>,
      %add3A_3115 = arith.addf %add3A_3088, %mul3A_3078 : vector<16xf32>
      %jit3A_3116 = arith.constant 0.000000e+00 : f32
      %jit3A_3117 = arith.constant 1.000000e+00 : f32
      %max3A_3118 = vector.broadcast %jit3A_3116 : f32 to vector<16xf32>
      %max3A_3119 = arith.maximumf %max3A_3118, %add3A_3115 : vector<16xf32>
      %min3A_3120 = vector.broadcast %jit3A_3117 : f32 to vector<16xf32>
      %min3A_3121 = arith.minimumf %min3A_3120, %max3A_3119 : vector<16xf32>
      %swap3A_3122 = arith.constant 2 : i32
      %swap3A_3123 = arith.index_cast %swap3A_3122 : i32 to index
      %swap3A_3124 = arith.index_cast %mul3A_3026 : i32 to index
      %swap3A_3125 = tpu.vector_load %arg17[%swap3A_3123, %swap3A_3124] {strides = array<i32>} : memref<4x128xf32, #tpu.memory_space<vmem>>, vector<16xf32>,
      tpu.vector_store %arg17[%swap3A_3123, %swap3A_3124], %min3A_3121 {strides = array<i32>} : memref<4x128xf32, #tpu.memory_space<vmem>>, vector<16xf32>,
      %add3A_3126 = arith.addf %add3A_3093, %mul3A_3083 : vector<16xf32>
      %jit3A_3127 = arith.constant 0.000000e+00 : f32
      %jit3A_3128 = arith.constant 1.000000e+00 : f32
      %max3A_3129 = vector.broadcast %jit3A_3127 : f32 to vector<16xf32>
      %max3A_3130 = arith.maximumf %max3A_3129, %add3A_3126 : vector<16xf32>
      %min3A_3131 = vector.broadcast %jit3A_3128 : f32 to vector<16xf32>
      %min3A_3132 = arith.minimumf %min3A_3131, %max3A_3130 : vector<16xf32>
      %swap3A_3133 = arith.constant 3 : i32
      %swap3A_3134 = arith.index_cast %swap3A_3133 : i32 to index
      %swap3A_3135 = arith.index_cast %mul3A_3026 : i32 to index
      %swap3A_3136 = tpu.vector_load %arg17[%swap3A_3134, %swap3A_3135] {strides = array<i32>} : memref<4x128xf32, #tpu.memory_space<vmem>>, vector<16xf32>,
      tpu.vector_store %arg17[%swap3A_3134, %swap3A_3135], %min3A_3132 {strides = array<i32>} : memref<4x128xf32, #tpu.memory_space<vmem>>, vector<16xf32>,
    }
    %scan3A_2569 = arith.constant 8 : i32
    %mul3A_2570 = arith.constant 10 : i32
    %mul3A_2571 = arith.muli %add3A, %mul3A_2570 : i32
    %add3A_2572 = arith.constant 8 : i32
    %add3A_2573 = arith.addi %mul3A_2571, %add3A_2572 : i32
    %jit3A_2574 = arith.constant 40 : i32
    %div3A_2575 = arith.divsi %add3A_2573, %jit3A_2574 : i32
    %sign3A_2576 = arith.constant 0 : i32
    %sign3A_2577 = arith.cmpi sgt, %add3A_2573, %sign3A_2576 : i32
    %sign3A_2578 = arith.extui %sign3A_2577 : i1 to i32
    %sign3A_2579 = arith.constant 0 : i32
    %sign3A_2580 = arith.cmpi slt, %add3A_2573, %sign3A_2579 : i32
    %sign3A_2581 = arith.extui %sign3A_2580 : i1 to i32
    %sign3A_2582 = arith.subi %sign3A_2578, %sign3A_2581 : i32
    %sign3A_2583 = arith.constant 0 : i32
    %sign3A_2584 = arith.cmpi sgt, %jit3A_2574, %sign3A_2583 : i32
    %sign3A_2585 = arith.extui %sign3A_2584 : i1 to i32
    %sign3A_2586 = arith.constant 0 : i32
    %sign3A_2587 = arith.cmpi slt, %jit3A_2574, %sign3A_2586 : i32
    %sign3A_2588 = arith.extui %sign3A_2587 : i1 to i32
    %sign3A_2589 = arith.subi %sign3A_2585, %sign3A_2588 : i32
    %ne3A_2590 = arith.cmpi ne, %sign3A_2582, %sign3A_2589 : i32
    %rem3A_2591 = arith.remsi %add3A_2573, %jit3A_2574 : i32
    %ne3A_2592 = arith.constant 0 : i32
    %ne3A_2593 = arith.cmpi ne, %rem3A_2591, %ne3A_2592 : i32
    %and3A_2594 = arith.andi %ne3A_2590, %ne3A_2593 : i1
    %sub3A_2595 = arith.constant 1 : i32
    %sub3A_2596 = arith.subi %div3A_2575, %sub3A_2595 : i32
    %select_n3A_2597 = arith.select %and3A_2594, %sub3A_2596, %div3A_2575 : i32
    %jit3A_2598 = arith.constant 40 : i32
    %eq3A_2599 = arith.constant 0 : i32
    %eq3A_2600 = arith.cmpi eq, %jit3A_2598, %eq3A_2599 : i32
    %jit3A_2601 = arith.constant 1 : i32
    %select_n3A_2602 = arith.select %eq3A_2600, %jit3A_2601, %jit3A_2598 : i32
    %rem3A_2603 = arith.remsi %add3A_2573, %select_n3A_2602 : i32
    %ne3A_2604 = arith.constant 0 : i32
    %ne3A_2605 = arith.cmpi ne, %rem3A_2603, %ne3A_2604 : i32
    %lt3A_2606 = arith.constant 0 : i32
    %lt3A_2607 = arith.cmpi slt, %rem3A_2603, %lt3A_2606 : i32
    %lt3A_2608 = arith.constant 0 : i32
    %lt3A_2609 = arith.cmpi slt, %select_n3A_2602, %lt3A_2608 : i32
    %ne3A_2610 = arith.xori %lt3A_2607, %lt3A_2609 : i1
    %and3A_2611 = arith.andi %ne3A_2610, %ne3A_2605 : i1
    %add3A_2612 = arith.addi %rem3A_2603, %select_n3A_2602 : i32
    %select_n3A_2613 = arith.select %and3A_2611, %add3A_2612, %rem3A_2603 : i32
    %add3A_2614 = arith.constant 0 : i32
    %add3A_2615 = arith.addi %add3A_2614, %select_n3A_2613 : i32
    %mul3A_2616 = arith.constant 128 : i32
    %mul3A_2617 = arith.muli %add3A_2615, %mul3A_2616 : i32
    %multiple_of3A_2618 = tpu.assume_multiple %mul3A_2617, 128 : i32
    %dma_start3A_2619 = arith.constant 0 : i32
    %dma_start3A_2620 = tpu.memref_slice %arg5[%select_n3A_2542, %dma_start3A_2619, %multiple_of3A_2618] : memref<8x4x5000xf32, #tpu.memory_space<hbm>> -> memref<1x4x128xf32, #tpu.memory_space<hbm>>
    %dma_start3A_2621 = tpu.memref_squeeze %dma_start3A_2620 : memref<1x4x128xf32, #tpu.memory_space<hbm>> -> memref<4x128xf32, #tpu.memory_space<hbm>>
    %dma_start3A_2622 = arith.constant 0 : i32
    %dma_start3A_2623 = tpu.memref_slice %arg5[%select_n3A_2542, %dma_start3A_2622, %multiple_of3A_2618] : memref<8x4x5000xf32, #tpu.memory_space<hbm>> -> memref<1x4x128xf32, #tpu.memory_space<hbm>>
    %dma_start3A_2624 = tpu.memref_squeeze %dma_start3A_2623 : memref<1x4x128xf32, #tpu.memory_space<hbm>> -> memref<4x128xf32, #tpu.memory_space<hbm>>
    tpu.enqueue_dma source(%arg17 : memref<4x128xf32, #tpu.memory_space<vmem>>) target(%dma_start3A_2624 : memref<4x128xf32, #tpu.memory_space<hbm>>) target_semaphore(%arg23 : memref<!tpu.dma_semaphore, #tpu.memory_space<semaphore_mem>>)
    %mul3A_2625 = arith.constant 10 : i32
    %mul3A_2626 = arith.muli %add3A, %mul3A_2625 : i32
    %add3A_2627 = arith.constant 6 : i32
    %add3A_2628 = arith.addi %mul3A_2626, %add3A_2627 : i32
    %jit3A_2629 = arith.constant 40 : i32
    %div3A_2630 = arith.divsi %add3A_2628, %jit3A_2629 : i32
    %sign3A_2631 = arith.constant 0 : i32
    %sign3A_2632 = arith.cmpi sgt, %add3A_2628, %sign3A_2631 : i32
    %sign3A_2633 = arith.extui %sign3A_2632 : i1 to i32
    %sign3A_2634 = arith.constant 0 : i32
    %sign3A_2635 = arith.cmpi slt, %add3A_2628, %sign3A_2634 : i32
    %sign3A_2636 = arith.extui %sign3A_2635 : i1 to i32
    %sign3A_2637 = arith.subi %sign3A_2633, %sign3A_2636 : i32
    %sign3A_2638 = arith.constant 0 : i32
    %sign3A_2639 = arith.cmpi sgt, %jit3A_2629, %sign3A_2638 : i32
    %sign3A_2640 = arith.extui %sign3A_2639 : i1 to i32
    %sign3A_2641 = arith.constant 0 : i32
    %sign3A_2642 = arith.cmpi slt, %jit3A_2629, %sign3A_2641 : i32
    %sign3A_2643 = arith.extui %sign3A_2642 : i1 to i32
    %sign3A_2644 = arith.subi %sign3A_2640, %sign3A_2643 : i32
    %ne3A_2645 = arith.cmpi ne, %sign3A_2637, %sign3A_2644 : i32
    %rem3A_2646 = arith.remsi %add3A_2628, %jit3A_2629 : i32
    %ne3A_2647 = arith.constant 0 : i32
    %ne3A_2648 = arith.cmpi ne, %rem3A_2646, %ne3A_2647 : i32
    %and3A_2649 = arith.andi %ne3A_2645, %ne3A_2648 : i1
    %sub3A_2650 = arith.constant 1 : i32
    %sub3A_2651 = arith.subi %div3A_2630, %sub3A_2650 : i32
    %select_n3A_2652 = arith.select %and3A_2649, %sub3A_2651, %div3A_2630 : i32
    %jit3A_2653 = arith.constant 40 : i32
    %eq3A_2654 = arith.constant 0 : i32
    %eq3A_2655 = arith.cmpi eq, %jit3A_2653, %eq3A_2654 : i32
    %jit3A_2656 = arith.constant 1 : i32
    %select_n3A_2657 = arith.select %eq3A_2655, %jit3A_2656, %jit3A_2653 : i32
    %rem3A_2658 = arith.remsi %add3A_2628, %select_n3A_2657 : i32
    %ne3A_2659 = arith.constant 0 : i32
    %ne3A_2660 = arith.cmpi ne, %rem3A_2658, %ne3A_2659 : i32
    %lt3A_2661 = arith.constant 0 : i32
    %lt3A_2662 = arith.cmpi slt, %rem3A_2658, %lt3A_2661 : i32
    %lt3A_2663 = arith.constant 0 : i32
    %lt3A_2664 = arith.cmpi slt, %select_n3A_2657, %lt3A_2663 : i32
    %ne3A_2665 = arith.xori %lt3A_2662, %lt3A_2664 : i1
    %and3A_2666 = arith.andi %ne3A_2665, %ne3A_2660 : i1
    %add3A_2667 = arith.addi %rem3A_2658, %select_n3A_2657 : i32
    %select_n3A_2668 = arith.select %and3A_2666, %add3A_2667, %rem3A_2658 : i32
    %add3A_2669 = arith.constant 0 : i32
    %add3A_2670 = arith.addi %add3A_2669, %select_n3A_2668 : i32
    %mul3A_2671 = arith.constant 128 : i32
    %mul3A_2672 = arith.muli %add3A_2670, %mul3A_2671 : i32
    %multiple_of3A_2673 = tpu.assume_multiple %mul3A_2672, 128 : i32
    %dma_wait3A_2674 = arith.constant 0 : i32
    %dma_wait3A_2675 = tpu.memref_slice %arg5[%select_n3A_2652, %dma_wait3A_2674, %multiple_of3A_2673] : memref<8x4x5000xf32, #tpu.memory_space<hbm>> -> memref<1x4x128xf32, #tpu.memory_space<hbm>>
    %dma_wait3A_2676 = tpu.memref_squeeze %dma_wait3A_2675 : memref<1x4x128xf32, #tpu.memory_space<hbm>> -> memref<4x128xf32, #tpu.memory_space<hbm>>
    %dma_wait3A_2677 = arith.constant 0 : i32
    %dma_wait3A_2678 = tpu.memref_slice %arg5[%select_n3A_2652, %dma_wait3A_2677, %multiple_of3A_2673] : memref<8x4x5000xf32, #tpu.memory_space<hbm>> -> memref<1x4x128xf32, #tpu.memory_space<hbm>>
    %dma_wait3A_2679 = tpu.memref_squeeze %dma_wait3A_2678 : memref<1x4x128xf32, #tpu.memory_space<hbm>> -> memref<4x128xf32, #tpu.memory_space<hbm>>
    tpu.wait_dma2 semaphore(%arg21 : memref<!tpu.dma_semaphore, #tpu.memory_space<semaphore_mem>>) src(%arg15 : memref<4x128xf32, #tpu.memory_space<vmem>>) dst(%dma_wait3A_2679 : memref<4x128xf32, #tpu.memory_space<hbm>>)
    %mul3A_2680 = arith.constant 10 : i32
    %mul3A_2681 = arith.muli %add3A, %mul3A_2680 : i32
    %add3A_2682 = arith.constant 9 : i32
    %add3A_2683 = arith.addi %mul3A_2681, %add3A_2682 : i32
    %jit3A_2684 = arith.constant 40 : i32
    %div3A_2685 = arith.divsi %add3A_2683, %jit3A_2684 : i32
    %sign3A_2686 = arith.constant 0 : i32
    %sign3A_2687 = arith.cmpi sgt, %add3A_2683, %sign3A_2686 : i32
    %sign3A_2688 = arith.extui %sign3A_2687 : i1 to i32
    %sign3A_2689 = arith.constant 0 : i32
    %sign3A_2690 = arith.cmpi slt, %add3A_2683, %sign3A_2689 : i32
    %sign3A_2691 = arith.extui %sign3A_2690 : i1 to i32
    %sign3A_2692 = arith.subi %sign3A_2688, %sign3A_2691 : i32
    %sign3A_2693 = arith.constant 0 : i32
    %sign3A_2694 = arith.cmpi sgt, %jit3A_2684, %sign3A_2693 : i32
    %sign3A_2695 = arith.extui %sign3A_2694 : i1 to i32
    %sign3A_2696 = arith.constant 0 : i32
    %sign3A_2697 = arith.cmpi slt, %jit3A_2684, %sign3A_2696 : i32
    %sign3A_2698 = arith.extui %sign3A_2697 : i1 to i32
    %sign3A_2699 = arith.subi %sign3A_2695, %sign3A_2698 : i32
    %ne3A_2700 = arith.cmpi ne, %sign3A_2692, %sign3A_2699 : i32
    %rem3A_2701 = arith.remsi %add3A_2683, %jit3A_2684 : i32
    %ne3A_2702 = arith.constant 0 : i32
    %ne3A_2703 = arith.cmpi ne, %rem3A_2701, %ne3A_2702 : i32
    %and3A_2704 = arith.andi %ne3A_2700, %ne3A_2703 : i1
    %sub3A_2705 = arith.constant 1 : i32
    %sub3A_2706 = arith.subi %div3A_2685, %sub3A_2705 : i32
    %select_n3A_2707 = arith.select %and3A_2704, %sub3A_2706, %div3A_2685 : i32
    %jit3A_2708 = arith.constant 40 : i32
    %eq3A_2709 = arith.constant 0 : i32
    %eq3A_2710 = arith.cmpi eq, %jit3A_2708, %eq3A_2709 : i32
    %jit3A_2711 = arith.constant 1 : i32
    %select_n3A_2712 = arith.select %eq3A_2710, %jit3A_2711, %jit3A_2708 : i32
    %rem3A_2713 = arith.remsi %add3A_2683, %select_n3A_2712 : i32
    %ne3A_2714 = arith.constant 0 : i32
    %ne3A_2715 = arith.cmpi ne, %rem3A_2713, %ne3A_2714 : i32
    %lt3A_2716 = arith.constant 0 : i32
    %lt3A_2717 = arith.cmpi slt, %rem3A_2713, %lt3A_2716 : i32
    %lt3A_2718 = arith.constant 0 : i32
    %lt3A_2719 = arith.cmpi slt, %select_n3A_2712, %lt3A_2718 : i32
    %ne3A_2720 = arith.xori %lt3A_2717, %lt3A_2719 : i1
    %and3A_2721 = arith.andi %ne3A_2720, %ne3A_2715 : i1
    %add3A_2722 = arith.addi %rem3A_2713, %select_n3A_2712 : i32
    %select_n3A_2723 = arith.select %and3A_2721, %add3A_2722, %rem3A_2713 : i32
    %add3A_2724 = arith.constant 0 : i32
    %add3A_2725 = arith.addi %add3A_2724, %select_n3A_2723 : i32
    %mul3A_2726 = arith.constant 128 : i32
    %mul3A_2727 = arith.muli %add3A_2725, %mul3A_2726 : i32
    %multiple_of3A_2728 = tpu.assume_multiple %mul3A_2727, 128 : i32
    %dma_wait3A_2729 = arith.constant 0 : i32
    %dma_wait3A_2730 = arith.constant 0 : i32
    %dma_wait3A_2731 = tpu.memref_slice %arg2[%select_n3A_2707, %dma_wait3A_2729, %dma_wait3A_2730, %multiple_of3A_2728] : memref<8x81x4x5000xf32, #tpu.memory_space<hbm>> -> memref<1x81x4x128xf32, #tpu.memory_space<hbm>>
    %dma_wait3A_2732 = tpu.memref_squeeze %dma_wait3A_2731 : memref<1x81x4x128xf32, #tpu.memory_space<hbm>> -> memref<81x4x128xf32, #tpu.memory_space<hbm>>
    %dma_wait3A_2733 = arith.constant 0 : i32
    %dma_wait3A_2734 = arith.constant 0 : i32
    %dma_wait3A_2735 = tpu.memref_slice %arg2[%select_n3A_2707, %dma_wait3A_2733, %dma_wait3A_2734, %multiple_of3A_2728] : memref<8x81x4x5000xf32, #tpu.memory_space<hbm>> -> memref<1x81x4x128xf32, #tpu.memory_space<hbm>>
    %dma_wait3A_2736 = tpu.memref_squeeze %dma_wait3A_2735 : memref<1x81x4x128xf32, #tpu.memory_space<hbm>> -> memref<81x4x128xf32, #tpu.memory_space<hbm>>
    tpu.wait_dma2 semaphore(%arg18 : memref<!tpu.dma_semaphore, #tpu.memory_space<semaphore_mem>>) src(%dma_wait3A_2736 : memref<81x4x128xf32, #tpu.memory_space<hbm>>) dst(%arg6 : memref<81x4x128xf32, #tpu.memory_space<vmem>>)
    %dma_wait3A_2737 = arith.constant 0 : i32
    %dma_wait3A_2738 = tpu.memref_slice %arg4[%select_n3A_2707, %dma_wait3A_2737, %multiple_of3A_2728] : memref<8x4x5000xf32, #tpu.memory_space<hbm>> -> memref<1x4x128xf32, #tpu.memory_space<hbm>>
    %dma_wait3A_2739 = tpu.memref_squeeze %dma_wait3A_2738 : memref<1x4x128xf32, #tpu.memory_space<hbm>> -> memref<4x128xf32, #tpu.memory_space<hbm>>
    %dma_wait3A_2740 = arith.constant 0 : i32
    %dma_wait3A_2741 = tpu.memref_slice %arg4[%select_n3A_2707, %dma_wait3A_2740, %multiple_of3A_2728] : memref<8x4x5000xf32, #tpu.memory_space<hbm>> -> memref<1x4x128xf32, #tpu.memory_space<hbm>>
    %dma_wait3A_2742 = tpu.memref_squeeze %dma_wait3A_2741 : memref<1x4x128xf32, #tpu.memory_space<hbm>> -> memref<4x128xf32, #tpu.memory_space<hbm>>
    tpu.wait_dma2 semaphore(%arg18 : memref<!tpu.dma_semaphore, #tpu.memory_space<semaphore_mem>>) src(%dma_wait3A_2742 : memref<4x128xf32, #tpu.memory_space<hbm>>) dst(%arg12 : memref<4x128xf32, #tpu.memory_space<vmem>>)
    %dma_wait3A_2743 = arith.constant 0 : i32
    %dma_wait3A_2744 = tpu.memref_slice %arg3[%select_n3A_2707, %select_n3A_2723, %dma_wait3A_2743] : memref<8x40x128xi32, #tpu.memory_space<hbm>> -> memref<1x1x128xi32, #tpu.memory_space<hbm>>
    %dma_wait3A_2745 = tpu.memref_squeeze %dma_wait3A_2744 : memref<1x1x128xi32, #tpu.memory_space<hbm>> -> memref<128xi32, #tpu.memory_space<hbm>>
    %dma_wait3A_2746 = arith.constant 0 : i32
    %dma_wait3A_2747 = tpu.memref_slice %arg3[%select_n3A_2707, %select_n3A_2723, %dma_wait3A_2746] : memref<8x40x128xi32, #tpu.memory_space<hbm>> -> memref<1x1x128xi32, #tpu.memory_space<hbm>>
    %dma_wait3A_2748 = tpu.memref_squeeze %dma_wait3A_2747 : memref<1x1x128xi32, #tpu.memory_space<hbm>> -> memref<128xi32, #tpu.memory_space<hbm>>
    tpu.wait_dma2 semaphore(%arg18 : memref<!tpu.dma_semaphore, #tpu.memory_space<semaphore_mem>>) src(%dma_wait3A_2748 : memref<128xi32, #tpu.memory_space<hbm>>) dst(%arg9 : memref<128xi32, #tpu.memory_space<vmem>>)
    %mul3A_2749 = arith.constant 10 : i32
    %mul3A_2750 = arith.muli %add3A, %mul3A_2749 : i32
    %add3A_2751 = arith.constant 9 : i32
    %add3A_2752 = arith.addi %mul3A_2750, %add3A_2751 : i32
    %jit3A_2753 = arith.constant 40 : i32
    %div3A_2754 = arith.divsi %add3A_2752, %jit3A_2753 : i32
    %sign3A_2755 = arith.constant 0 : i32
    %sign3A_2756 = arith.cmpi sgt, %add3A_2752, %sign3A_2755 : i32
    %sign3A_2757 = arith.extui %sign3A_2756 : i1 to i32
    %sign3A_2758 = arith.constant 0 : i32
    %sign3A_2759 = arith.cmpi slt, %add3A_2752, %sign3A_2758 : i32
    %sign3A_2760 = arith.extui %sign3A_2759 : i1 to i32
    %sign3A_2761 = arith.subi %sign3A_2757, %sign3A_2760 : i32
    %sign3A_2762 = arith.constant 0 : i32
    %sign3A_2763 = arith.cmpi sgt, %jit3A_2753, %sign3A_2762 : i32
    %sign3A_2764 = arith.extui %sign3A_2763 : i1 to i32
    %sign3A_2765 = arith.constant 0 : i32
    %sign3A_2766 = arith.cmpi slt, %jit3A_2753, %sign3A_2765 : i32
    %sign3A_2767 = arith.extui %sign3A_2766 : i1 to i32
    %sign3A_2768 = arith.subi %sign3A_2764, %sign3A_2767 : i32
    %ne3A_2769 = arith.cmpi ne, %sign3A_2761, %sign3A_2768 : i32
    %rem3A_2770 = arith.remsi %add3A_2752, %jit3A_2753 : i32
    %ne3A_2771 = arith.constant 0 : i32
    %ne3A_2772 = arith.cmpi ne, %rem3A_2770, %ne3A_2771 : i32
    %and3A_2773 = arith.andi %ne3A_2769, %ne3A_2772 : i1
    %sub3A_2774 = arith.constant 1 : i32
    %sub3A_2775 = arith.subi %div3A_2754, %sub3A_2774 : i32
    %select_n3A_2776 = arith.select %and3A_2773, %sub3A_2775, %div3A_2754 : i32
    %jit3A_2777 = arith.constant 40 : i32
    %eq3A_2778 = arith.constant 0 : i32
    %eq3A_2779 = arith.cmpi eq, %jit3A_2777, %eq3A_2778 : i32
    %jit3A_2780 = arith.constant 1 : i32
    %select_n3A_2781 = arith.select %eq3A_2779, %jit3A_2780, %jit3A_2777 : i32
    %rem3A_2782 = arith.remsi %add3A_2752, %select_n3A_2781 : i32
    %ne3A_2783 = arith.constant 0 : i32
    %ne3A_2784 = arith.cmpi ne, %rem3A_2782, %ne3A_2783 : i32
    %lt3A_2785 = arith.constant 0 : i32
    %lt3A_2786 = arith.cmpi slt, %rem3A_2782, %lt3A_2785 : i32
    %lt3A_2787 = arith.constant 0 : i32
    %lt3A_2788 = arith.cmpi slt, %select_n3A_2781, %lt3A_2787 : i32
    %ne3A_2789 = arith.xori %lt3A_2786, %lt3A_2788 : i1
    %and3A_2790 = arith.andi %ne3A_2789, %ne3A_2784 : i1
    %add3A_2791 = arith.addi %rem3A_2782, %select_n3A_2781 : i32
    %select_n3A_2792 = arith.select %and3A_2790, %add3A_2791, %rem3A_2782 : i32
    %add3A_2793 = arith.constant 0 : i32
    %add3A_2794 = arith.addi %add3A_2793, %select_n3A_2792 : i32
    %mul3A_2795 = arith.constant 128 : i32
    %mul3A_2796 = arith.muli %add3A_2794, %mul3A_2795 : i32
    %multiple_of3A_2797 = tpu.assume_multiple %mul3A_2796, 128 : i32
    %scan3A_2798 = arith.constant 0 : i32
    %scan3A_2799 = arith.constant 0 : i32
    %scan3A_2800 = arith.constant 8 : i32
    %scan3A_2801 = arith.addi %scan3A_2799, %scan3A_2800 : i32
    %scan3A_2802 = arith.constant 1 : i32
    scf.for %scan3A_3024 = %scan3A_2799 to %scan3A_2801 step %scan3A_2802  : i32 {
      %mul3A_3025 = arith.constant 16 : i32
      %mul3A_3026 = arith.muli %scan3A_3024, %mul3A_3025 : i32
      %get3A = arith.index_cast %mul3A_3026 : i32 to index
      %get3A_3027 = tpu.vector_load %arg9[%get3A] {strides = array<i32>} : memref<128xi32, #tpu.memory_space<vmem>>, vector<16xi32>,
      %add3A_3028 = vector.broadcast %mul3A_3026 : i32 to vector<16xi32>
      %add3A_3029 = arith.addi %add3A_3028, %iota3A : vector<16xi32>
      %gather3A = tpu.vector_load_idx %arg6[%get3A_3027, %broadcast_in_dim3A_1, %add3A_3029] : memref<81x4x128xf32, #tpu.memory_space<vmem>>[vector<16xi32>, vector<16xi32>, vector<16xi32>], vector<16xf32>,
      %gather3A_3030 = tpu.vector_load_idx %arg6[%get3A_3027, %broadcast_in_dim3A_3, %add3A_3029] : memref<81x4x128xf32, #tpu.memory_space<vmem>>[vector<16xi32>, vector<16xi32>, vector<16xi32>], vector<16xf32>,
      %gather3A_3031 = tpu.vector_load_idx %arg6[%get3A_3027, %broadcast_in_dim3A_5, %add3A_3029] : memref<81x4x128xf32, #tpu.memory_space<vmem>>[vector<16xi32>, vector<16xi32>, vector<16xi32>], vector<16xf32>,
      %gather3A_3032 = tpu.vector_load_idx %arg6[%get3A_3027, %broadcast_in_dim3A_7, %add3A_3029] : memref<81x4x128xf32, #tpu.memory_space<vmem>>[vector<16xi32>, vector<16xi32>, vector<16xi32>], vector<16xf32>,
      %get3A_3033 = arith.constant 0 : i32
      %get3A_3034 = arith.index_cast %get3A_3033 : i32 to index
      %get3A_3035 = arith.index_cast %mul3A_3026 : i32 to index
      %get3A_3036 = tpu.vector_load %arg12[%get3A_3034, %get3A_3035] {strides = array<i32>} : memref<4x128xf32, #tpu.memory_space<vmem>>, vector<16xf32>,
      %get3A_3037 = arith.constant 1 : i32
      %get3A_3038 = arith.index_cast %get3A_3037 : i32 to index
      %get3A_3039 = arith.index_cast %mul3A_3026 : i32 to index
      %get3A_3040 = tpu.vector_load %arg12[%get3A_3038, %get3A_3039] {strides = array<i32>} : memref<4x128xf32, #tpu.memory_space<vmem>>, vector<16xf32>,
      %get3A_3041 = arith.constant 2 : i32
      %get3A_3042 = arith.index_cast %get3A_3041 : i32 to index
      %get3A_3043 = arith.index_cast %mul3A_3026 : i32 to index
      %get3A_3044 = tpu.vector_load %arg12[%get3A_3042, %get3A_3043] {strides = array<i32>} : memref<4x128xf32, #tpu.memory_space<vmem>>, vector<16xf32>,
      %get3A_3045 = arith.constant 3 : i32
      %get3A_3046 = arith.index_cast %get3A_3045 : i32 to index
      %get3A_3047 = arith.index_cast %mul3A_3026 : i32 to index
      %get3A_3048 = tpu.vector_load %arg12[%get3A_3046, %get3A_3047] {strides = array<i32>} : memref<4x128xf32, #tpu.memory_space<vmem>>, vector<16xf32>,
      %sub3A_3049 = arith.subf %get3A_3044, %get3A_3036 : vector<16xf32>
      %sub3A_3050 = arith.subf %get3A_3048, %get3A_3040 : vector<16xf32>
      %mul3A_3051 = arith.constant 5.000000e-01 : f32
      %mul3A_3052 = vector.broadcast %mul3A_3051 : f32 to vector<16xf32>
      %mul3A_3053 = arith.mulf %mul3A_3052, %sub3A_3049 : vector<16xf32>
      %add3A_3054 = arith.addf %get3A_3036, %mul3A_3053 : vector<16xf32>
      %mul3A_3055 = arith.constant 5.000000e-01 : f32
      %mul3A_3056 = vector.broadcast %mul3A_3055 : f32 to vector<16xf32>
      %mul3A_3057 = arith.mulf %mul3A_3056, %sub3A_3050 : vector<16xf32>
      %add3A_3058 = arith.addf %get3A_3040, %mul3A_3057 : vector<16xf32>
      %mul3A_3059 = arith.constant 2.000000e-01 : f32
      %mul3A_3060 = vector.broadcast %mul3A_3059 : f32 to vector<16xf32>
      %mul3A_3061 = arith.mulf %gather3A_3031, %mul3A_3060 : vector<16xf32>
      %jit3A_3062 = arith.constant -4.13516665 : f32
      %jit3A_3063 = arith.constant 4.13516665 : f32
      %max3A = vector.broadcast %jit3A_3062 : f32 to vector<16xf32>
      %max3A_3064 = arith.maximumf %max3A, %mul3A_3061 : vector<16xf32>
      %min3A = vector.broadcast %jit3A_3063 : f32 to vector<16xf32>
      %min3A_3065 = arith.minimumf %min3A, %max3A_3064 : vector<16xf32>
      %mul3A_3066 = arith.constant 2.000000e-01 : f32
      %mul3A_3067 = vector.broadcast %mul3A_3066 : f32 to vector<16xf32>
      %mul3A_3068 = arith.mulf %gather3A_3032, %mul3A_3067 : vector<16xf32>
      %jit3A_3069 = arith.constant -4.13516665 : f32
      %jit3A_3070 = arith.constant 4.13516665 : f32
      %max3A_3071 = vector.broadcast %jit3A_3069 : f32 to vector<16xf32>
      %max3A_3072 = arith.maximumf %max3A_3071, %mul3A_3068 : vector<16xf32>
      %min3A_3073 = vector.broadcast %jit3A_3070 : f32 to vector<16xf32>
      %min3A_3074 = arith.minimumf %min3A_3073, %max3A_3072 : vector<16xf32>
      %exp3A = math.exp %min3A_3065 : vector<16xf32>
      %mul3A_3075 = arith.mulf %sub3A_3049, %exp3A : vector<16xf32>
      %mul3A_3076 = arith.constant 5.000000e-01 : f32
      %mul3A_3077 = vector.broadcast %mul3A_3076 : f32 to vector<16xf32>
      %mul3A_3078 = arith.mulf %mul3A_3077, %mul3A_3075 : vector<16xf32>
      %exp3A_3079 = math.exp %min3A_3074 : vector<16xf32>
      %mul3A_3080 = arith.mulf %sub3A_3050, %exp3A_3079 : vector<16xf32>
      %mul3A_3081 = arith.constant 5.000000e-01 : f32
      %mul3A_3082 = vector.broadcast %mul3A_3081 : f32 to vector<16xf32>
      %mul3A_3083 = arith.mulf %mul3A_3082, %mul3A_3080 : vector<16xf32>
      %mul3A_3084 = arith.constant 1.000000e-01 : f32
      %mul3A_3085 = vector.broadcast %mul3A_3084 : f32 to vector<16xf32>
      %mul3A_3086 = arith.mulf %gather3A, %mul3A_3085 : vector<16xf32>
      %mul3A_3087 = arith.mulf %mul3A_3086, %sub3A_3049 : vector<16xf32>
      %add3A_3088 = arith.addf %add3A_3054, %mul3A_3087 : vector<16xf32>
      %mul3A_3089 = arith.constant 1.000000e-01 : f32
      %mul3A_3090 = vector.broadcast %mul3A_3089 : f32 to vector<16xf32>
      %mul3A_3091 = arith.mulf %gather3A_3030, %mul3A_3090 : vector<16xf32>
      %mul3A_3092 = arith.mulf %mul3A_3091, %sub3A_3050 : vector<16xf32>
      %add3A_3093 = arith.addf %add3A_3058, %mul3A_3092 : vector<16xf32>
      %sub3A_3094 = arith.subf %add3A_3088, %mul3A_3078 : vector<16xf32>
      %jit3A_3095 = arith.constant 0.000000e+00 : f32
      %jit3A_3096 = arith.constant 1.000000e+00 : f32
      %max3A_3097 = vector.broadcast %jit3A_3095 : f32 to vector<16xf32>
      %max3A_3098 = arith.maximumf %max3A_3097, %sub3A_3094 : vector<16xf32>
      %min3A_3099 = vector.broadcast %jit3A_3096 : f32 to vector<16xf32>
      %min3A_3100 = arith.minimumf %min3A_3099, %max3A_3098 : vector<16xf32>
      %swap3A = arith.constant 0 : i32
      %swap3A_3101 = arith.index_cast %swap3A : i32 to index
      %swap3A_3102 = arith.index_cast %mul3A_3026 : i32 to index
      %swap3A_3103 = tpu.vector_load %arg15[%swap3A_3101, %swap3A_3102] {strides = array<i32>} : memref<4x128xf32, #tpu.memory_space<vmem>>, vector<16xf32>,
      tpu.vector_store %arg15[%swap3A_3101, %swap3A_3102], %min3A_3100 {strides = array<i32>} : memref<4x128xf32, #tpu.memory_space<vmem>>, vector<16xf32>,
      %sub3A_3104 = arith.subf %add3A_3093, %mul3A_3083 : vector<16xf32>
      %jit3A_3105 = arith.constant 0.000000e+00 : f32
      %jit3A_3106 = arith.constant 1.000000e+00 : f32
      %max3A_3107 = vector.broadcast %jit3A_3105 : f32 to vector<16xf32>
      %max3A_3108 = arith.maximumf %max3A_3107, %sub3A_3104 : vector<16xf32>
      %min3A_3109 = vector.broadcast %jit3A_3106 : f32 to vector<16xf32>
      %min3A_3110 = arith.minimumf %min3A_3109, %max3A_3108 : vector<16xf32>
      %swap3A_3111 = arith.constant 1 : i32
      %swap3A_3112 = arith.index_cast %swap3A_3111 : i32 to index
      %swap3A_3113 = arith.index_cast %mul3A_3026 : i32 to index
      %swap3A_3114 = tpu.vector_load %arg15[%swap3A_3112, %swap3A_3113] {strides = array<i32>} : memref<4x128xf32, #tpu.memory_space<vmem>>, vector<16xf32>,
      tpu.vector_store %arg15[%swap3A_3112, %swap3A_3113], %min3A_3110 {strides = array<i32>} : memref<4x128xf32, #tpu.memory_space<vmem>>, vector<16xf32>,
      %add3A_3115 = arith.addf %add3A_3088, %mul3A_3078 : vector<16xf32>
      %jit3A_3116 = arith.constant 0.000000e+00 : f32
      %jit3A_3117 = arith.constant 1.000000e+00 : f32
      %max3A_3118 = vector.broadcast %jit3A_3116 : f32 to vector<16xf32>
      %max3A_3119 = arith.maximumf %max3A_3118, %add3A_3115 : vector<16xf32>
      %min3A_3120 = vector.broadcast %jit3A_3117 : f32 to vector<16xf32>
      %min3A_3121 = arith.minimumf %min3A_3120, %max3A_3119 : vector<16xf32>
      %swap3A_3122 = arith.constant 2 : i32
      %swap3A_3123 = arith.index_cast %swap3A_3122 : i32 to index
      %swap3A_3124 = arith.index_cast %mul3A_3026 : i32 to index
      %swap3A_3125 = tpu.vector_load %arg15[%swap3A_3123, %swap3A_3124] {strides = array<i32>} : memref<4x128xf32, #tpu.memory_space<vmem>>, vector<16xf32>,
      tpu.vector_store %arg15[%swap3A_3123, %swap3A_3124], %min3A_3121 {strides = array<i32>} : memref<4x128xf32, #tpu.memory_space<vmem>>, vector<16xf32>,
      %add3A_3126 = arith.addf %add3A_3093, %mul3A_3083 : vector<16xf32>
      %jit3A_3127 = arith.constant 0.000000e+00 : f32
      %jit3A_3128 = arith.constant 1.000000e+00 : f32
      %max3A_3129 = vector.broadcast %jit3A_3127 : f32 to vector<16xf32>
      %max3A_3130 = arith.maximumf %max3A_3129, %add3A_3126 : vector<16xf32>
      %min3A_3131 = vector.broadcast %jit3A_3128 : f32 to vector<16xf32>
      %min3A_3132 = arith.minimumf %min3A_3131, %max3A_3130 : vector<16xf32>
      %swap3A_3133 = arith.constant 3 : i32
      %swap3A_3134 = arith.index_cast %swap3A_3133 : i32 to index
      %swap3A_3135 = arith.index_cast %mul3A_3026 : i32 to index
      %swap3A_3136 = tpu.vector_load %arg15[%swap3A_3134, %swap3A_3135] {strides = array<i32>} : memref<4x128xf32, #tpu.memory_space<vmem>>, vector<16xf32>,
      tpu.vector_store %arg15[%swap3A_3134, %swap3A_3135], %min3A_3132 {strides = array<i32>} : memref<4x128xf32, #tpu.memory_space<vmem>>, vector<16xf32>,
    }
    %scan3A_2803 = arith.constant 8 : i32
    %mul3A_2804 = arith.constant 10 : i32
    %mul3A_2805 = arith.muli %add3A, %mul3A_2804 : i32
    %add3A_2806 = arith.constant 9 : i32
    %add3A_2807 = arith.addi %mul3A_2805, %add3A_2806 : i32
    %jit3A_2808 = arith.constant 40 : i32
    %div3A_2809 = arith.divsi %add3A_2807, %jit3A_2808 : i32
    %sign3A_2810 = arith.constant 0 : i32
    %sign3A_2811 = arith.cmpi sgt, %add3A_2807, %sign3A_2810 : i32
    %sign3A_2812 = arith.extui %sign3A_2811 : i1 to i32
    %sign3A_2813 = arith.constant 0 : i32
    %sign3A_2814 = arith.cmpi slt, %add3A_2807, %sign3A_2813 : i32
    %sign3A_2815 = arith.extui %sign3A_2814 : i1 to i32
    %sign3A_2816 = arith.subi %sign3A_2812, %sign3A_2815 : i32
    %sign3A_2817 = arith.constant 0 : i32
    %sign3A_2818 = arith.cmpi sgt, %jit3A_2808, %sign3A_2817 : i32
    %sign3A_2819 = arith.extui %sign3A_2818 : i1 to i32
    %sign3A_2820 = arith.constant 0 : i32
    %sign3A_2821 = arith.cmpi slt, %jit3A_2808, %sign3A_2820 : i32
    %sign3A_2822 = arith.extui %sign3A_2821 : i1 to i32
    %sign3A_2823 = arith.subi %sign3A_2819, %sign3A_2822 : i32
    %ne3A_2824 = arith.cmpi ne, %sign3A_2816, %sign3A_2823 : i32
    %rem3A_2825 = arith.remsi %add3A_2807, %jit3A_2808 : i32
    %ne3A_2826 = arith.constant 0 : i32
    %ne3A_2827 = arith.cmpi ne, %rem3A_2825, %ne3A_2826 : i32
    %and3A_2828 = arith.andi %ne3A_2824, %ne3A_2827 : i1
    %sub3A_2829 = arith.constant 1 : i32
    %sub3A_2830 = arith.subi %div3A_2809, %sub3A_2829 : i32
    %select_n3A_2831 = arith.select %and3A_2828, %sub3A_2830, %div3A_2809 : i32
    %jit3A_2832 = arith.constant 40 : i32
    %eq3A_2833 = arith.constant 0 : i32
    %eq3A_2834 = arith.cmpi eq, %jit3A_2832, %eq3A_2833 : i32
    %jit3A_2835 = arith.constant 1 : i32
    %select_n3A_2836 = arith.select %eq3A_2834, %jit3A_2835, %jit3A_2832 : i32
    %rem3A_2837 = arith.remsi %add3A_2807, %select_n3A_2836 : i32
    %ne3A_2838 = arith.constant 0 : i32
    %ne3A_2839 = arith.cmpi ne, %rem3A_2837, %ne3A_2838 : i32
    %lt3A_2840 = arith.constant 0 : i32
    %lt3A_2841 = arith.cmpi slt, %rem3A_2837, %lt3A_2840 : i32
    %lt3A_2842 = arith.constant 0 : i32
    %lt3A_2843 = arith.cmpi slt, %select_n3A_2836, %lt3A_2842 : i32
    %ne3A_2844 = arith.xori %lt3A_2841, %lt3A_2843 : i1
    %and3A_2845 = arith.andi %ne3A_2844, %ne3A_2839 : i1
    %add3A_2846 = arith.addi %rem3A_2837, %select_n3A_2836 : i32
    %select_n3A_2847 = arith.select %and3A_2845, %add3A_2846, %rem3A_2837 : i32
    %add3A_2848 = arith.constant 0 : i32
    %add3A_2849 = arith.addi %add3A_2848, %select_n3A_2847 : i32
    %mul3A_2850 = arith.constant 128 : i32
    %mul3A_2851 = arith.muli %add3A_2849, %mul3A_2850 : i32
    %multiple_of3A_2852 = tpu.assume_multiple %mul3A_2851, 128 : i32
    %dma_start3A_2853 = arith.constant 0 : i32
    %dma_start3A_2854 = tpu.memref_slice %arg5[%select_n3A_2776, %dma_start3A_2853, %multiple_of3A_2852] : memref<8x4x5000xf32, #tpu.memory_space<hbm>> -> memref<1x4x128xf32, #tpu.memory_space<hbm>>
    %dma_start3A_2855 = tpu.memref_squeeze %dma_start3A_2854 : memref<1x4x128xf32, #tpu.memory_space<hbm>> -> memref<4x128xf32, #tpu.memory_space<hbm>>
    %dma_start3A_2856 = arith.constant 0 : i32
    %dma_start3A_2857 = tpu.memref_slice %arg5[%select_n3A_2776, %dma_start3A_2856, %multiple_of3A_2852] : memref<8x4x5000xf32, #tpu.memory_space<hbm>> -> memref<1x4x128xf32, #tpu.memory_space<hbm>>
    %dma_start3A_2858 = tpu.memref_squeeze %dma_start3A_2857 : memref<1x4x128xf32, #tpu.memory_space<hbm>> -> memref<4x128xf32, #tpu.memory_space<hbm>>
    tpu.enqueue_dma source(%arg15 : memref<4x128xf32, #tpu.memory_space<vmem>>) target(%dma_start3A_2858 : memref<4x128xf32, #tpu.memory_space<hbm>>) target_semaphore(%arg21 : memref<!tpu.dma_semaphore, #tpu.memory_space<semaphore_mem>>)
    %mul3A_2859 = arith.constant 10 : i32
    %mul3A_2860 = arith.muli %add3A, %mul3A_2859 : i32
    %add3A_2861 = arith.constant 7 : i32
    %add3A_2862 = arith.addi %mul3A_2860, %add3A_2861 : i32
    %jit3A_2863 = arith.constant 40 : i32
    %div3A_2864 = arith.divsi %add3A_2862, %jit3A_2863 : i32
    %sign3A_2865 = arith.constant 0 : i32
    %sign3A_2866 = arith.cmpi sgt, %add3A_2862, %sign3A_2865 : i32
    %sign3A_2867 = arith.extui %sign3A_2866 : i1 to i32
    %sign3A_2868 = arith.constant 0 : i32
    %sign3A_2869 = arith.cmpi slt, %add3A_2862, %sign3A_2868 : i32
    %sign3A_2870 = arith.extui %sign3A_2869 : i1 to i32
    %sign3A_2871 = arith.subi %sign3A_2867, %sign3A_2870 : i32
    %sign3A_2872 = arith.constant 0 : i32
    %sign3A_2873 = arith.cmpi sgt, %jit3A_2863, %sign3A_2872 : i32
    %sign3A_2874 = arith.extui %sign3A_2873 : i1 to i32
    %sign3A_2875 = arith.constant 0 : i32
    %sign3A_2876 = arith.cmpi slt, %jit3A_2863, %sign3A_2875 : i32
    %sign3A_2877 = arith.extui %sign3A_2876 : i1 to i32
    %sign3A_2878 = arith.subi %sign3A_2874, %sign3A_2877 : i32
    %ne3A_2879 = arith.cmpi ne, %sign3A_2871, %sign3A_2878 : i32
    %rem3A_2880 = arith.remsi %add3A_2862, %jit3A_2863 : i32
    %ne3A_2881 = arith.constant 0 : i32
    %ne3A_2882 = arith.cmpi ne, %rem3A_2880, %ne3A_2881 : i32
    %and3A_2883 = arith.andi %ne3A_2879, %ne3A_2882 : i1
    %sub3A_2884 = arith.constant 1 : i32
    %sub3A_2885 = arith.subi %div3A_2864, %sub3A_2884 : i32
    %select_n3A_2886 = arith.select %and3A_2883, %sub3A_2885, %div3A_2864 : i32
    %jit3A_2887 = arith.constant 40 : i32
    %eq3A_2888 = arith.constant 0 : i32
    %eq3A_2889 = arith.cmpi eq, %jit3A_2887, %eq3A_2888 : i32
    %jit3A_2890 = arith.constant 1 : i32
    %select_n3A_2891 = arith.select %eq3A_2889, %jit3A_2890, %jit3A_2887 : i32
    %rem3A_2892 = arith.remsi %add3A_2862, %select_n3A_2891 : i32
    %ne3A_2893 = arith.constant 0 : i32
    %ne3A_2894 = arith.cmpi ne, %rem3A_2892, %ne3A_2893 : i32
    %lt3A_2895 = arith.constant 0 : i32
    %lt3A_2896 = arith.cmpi slt, %rem3A_2892, %lt3A_2895 : i32
    %lt3A_2897 = arith.constant 0 : i32
    %lt3A_2898 = arith.cmpi slt, %select_n3A_2891, %lt3A_2897 : i32
    %ne3A_2899 = arith.xori %lt3A_2896, %lt3A_2898 : i1
    %and3A_2900 = arith.andi %ne3A_2899, %ne3A_2894 : i1
    %add3A_2901 = arith.addi %rem3A_2892, %select_n3A_2891 : i32
    %select_n3A_2902 = arith.select %and3A_2900, %add3A_2901, %rem3A_2892 : i32
    %add3A_2903 = arith.constant 0 : i32
    %add3A_2904 = arith.addi %add3A_2903, %select_n3A_2902 : i32
    %mul3A_2905 = arith.constant 128 : i32
    %mul3A_2906 = arith.muli %add3A_2904, %mul3A_2905 : i32
    %multiple_of3A_2907 = tpu.assume_multiple %mul3A_2906, 128 : i32
    %dma_wait3A_2908 = arith.constant 0 : i32
    %dma_wait3A_2909 = tpu.memref_slice %arg5[%select_n3A_2886, %dma_wait3A_2908, %multiple_of3A_2907] : memref<8x4x5000xf32, #tpu.memory_space<hbm>> -> memref<1x4x128xf32, #tpu.memory_space<hbm>>
    %dma_wait3A_2910 = tpu.memref_squeeze %dma_wait3A_2909 : memref<1x4x128xf32, #tpu.memory_space<hbm>> -> memref<4x128xf32, #tpu.memory_space<hbm>>
    %dma_wait3A_2911 = arith.constant 0 : i32
    %dma_wait3A_2912 = tpu.memref_slice %arg5[%select_n3A_2886, %dma_wait3A_2911, %multiple_of3A_2907] : memref<8x4x5000xf32, #tpu.memory_space<hbm>> -> memref<1x4x128xf32, #tpu.memory_space<hbm>>
    %dma_wait3A_2913 = tpu.memref_squeeze %dma_wait3A_2912 : memref<1x4x128xf32, #tpu.memory_space<hbm>> -> memref<4x128xf32, #tpu.memory_space<hbm>>
    tpu.wait_dma2 semaphore(%arg22 : memref<!tpu.dma_semaphore, #tpu.memory_space<semaphore_mem>>) src(%arg16 : memref<4x128xf32, #tpu.memory_space<vmem>>) dst(%dma_wait3A_2913 : memref<4x128xf32, #tpu.memory_space<hbm>>)
    %mul3A_2914 = arith.constant 10 : i32
    %mul3A_2915 = arith.muli %add3A, %mul3A_2914 : i32
    %add3A_2916 = arith.constant 8 : i32
    %add3A_2917 = arith.addi %mul3A_2915, %add3A_2916 : i32
    %jit3A_2918 = arith.constant 40 : i32
    %div3A_2919 = arith.divsi %add3A_2917, %jit3A_2918 : i32
    %sign3A_2920 = arith.constant 0 : i32
    %sign3A_2921 = arith.cmpi sgt, %add3A_2917, %sign3A_2920 : i32
    %sign3A_2922 = arith.extui %sign3A_2921 : i1 to i32
    %sign3A_2923 = arith.constant 0 : i32
    %sign3A_2924 = arith.cmpi slt, %add3A_2917, %sign3A_2923 : i32
    %sign3A_2925 = arith.extui %sign3A_2924 : i1 to i32
    %sign3A_2926 = arith.subi %sign3A_2922, %sign3A_2925 : i32
    %sign3A_2927 = arith.constant 0 : i32
    %sign3A_2928 = arith.cmpi sgt, %jit3A_2918, %sign3A_2927 : i32
    %sign3A_2929 = arith.extui %sign3A_2928 : i1 to i32
    %sign3A_2930 = arith.constant 0 : i32
    %sign3A_2931 = arith.cmpi slt, %jit3A_2918, %sign3A_2930 : i32
    %sign3A_2932 = arith.extui %sign3A_2931 : i1 to i32
    %sign3A_2933 = arith.subi %sign3A_2929, %sign3A_2932 : i32
    %ne3A_2934 = arith.cmpi ne, %sign3A_2926, %sign3A_2933 : i32
    %rem3A_2935 = arith.remsi %add3A_2917, %jit3A_2918 : i32
    %ne3A_2936 = arith.constant 0 : i32
    %ne3A_2937 = arith.cmpi ne, %rem3A_2935, %ne3A_2936 : i32
    %and3A_2938 = arith.andi %ne3A_2934, %ne3A_2937 : i1
    %sub3A_2939 = arith.constant 1 : i32
    %sub3A_2940 = arith.subi %div3A_2919, %sub3A_2939 : i32
    %select_n3A_2941 = arith.select %and3A_2938, %sub3A_2940, %div3A_2919 : i32
    %jit3A_2942 = arith.constant 40 : i32
    %eq3A_2943 = arith.constant 0 : i32
    %eq3A_2944 = arith.cmpi eq, %jit3A_2942, %eq3A_2943 : i32
    %jit3A_2945 = arith.constant 1 : i32
    %select_n3A_2946 = arith.select %eq3A_2944, %jit3A_2945, %jit3A_2942 : i32
    %rem3A_2947 = arith.remsi %add3A_2917, %select_n3A_2946 : i32
    %ne3A_2948 = arith.constant 0 : i32
    %ne3A_2949 = arith.cmpi ne, %rem3A_2947, %ne3A_2948 : i32
    %lt3A_2950 = arith.constant 0 : i32
    %lt3A_2951 = arith.cmpi slt, %rem3A_2947, %lt3A_2950 : i32
    %lt3A_2952 = arith.constant 0 : i32
    %lt3A_2953 = arith.cmpi slt, %select_n3A_2946, %lt3A_2952 : i32
    %ne3A_2954 = arith.xori %lt3A_2951, %lt3A_2953 : i1
    %and3A_2955 = arith.andi %ne3A_2954, %ne3A_2949 : i1
    %add3A_2956 = arith.addi %rem3A_2947, %select_n3A_2946 : i32
    %select_n3A_2957 = arith.select %and3A_2955, %add3A_2956, %rem3A_2947 : i32
    %add3A_2958 = arith.constant 0 : i32
    %add3A_2959 = arith.addi %add3A_2958, %select_n3A_2957 : i32
    %mul3A_2960 = arith.constant 128 : i32
    %mul3A_2961 = arith.muli %add3A_2959, %mul3A_2960 : i32
    %multiple_of3A_2962 = tpu.assume_multiple %mul3A_2961, 128 : i32
    %dma_wait3A_2963 = arith.constant 0 : i32
    %dma_wait3A_2964 = tpu.memref_slice %arg5[%select_n3A_2941, %dma_wait3A_2963, %multiple_of3A_2962] : memref<8x4x5000xf32, #tpu.memory_space<hbm>> -> memref<1x4x128xf32, #tpu.memory_space<hbm>>
    %dma_wait3A_2965 = tpu.memref_squeeze %dma_wait3A_2964 : memref<1x4x128xf32, #tpu.memory_space<hbm>> -> memref<4x128xf32, #tpu.memory_space<hbm>>
    %dma_wait3A_2966 = arith.constant 0 : i32
    %dma_wait3A_2967 = tpu.memref_slice %arg5[%select_n3A_2941, %dma_wait3A_2966, %multiple_of3A_2962] : memref<8x4x5000xf32, #tpu.memory_space<hbm>> -> memref<1x4x128xf32, #tpu.memory_space<hbm>>
    %dma_wait3A_2968 = tpu.memref_squeeze %dma_wait3A_2967 : memref<1x4x128xf32, #tpu.memory_space<hbm>> -> memref<4x128xf32, #tpu.memory_space<hbm>>
    tpu.wait_dma2 semaphore(%arg23 : memref<!tpu.dma_semaphore, #tpu.memory_space<semaphore_mem>>) src(%arg17 : memref<4x128xf32, #tpu.memory_space<vmem>>) dst(%dma_wait3A_2968 : memref<4x128xf32, #tpu.memory_space<hbm>>)
    %mul3A_2969 = arith.constant 10 : i32
    %mul3A_2970 = arith.muli %add3A, %mul3A_2969 : i32
    %add3A_2971 = arith.constant 9 : i32
    %add3A_2972 = arith.addi %mul3A_2970, %add3A_2971 : i32
    %jit3A_2973 = arith.constant 40 : i32
    %div3A_2974 = arith.divsi %add3A_2972, %jit3A_2973 : i32
    %sign3A_2975 = arith.constant 0 : i32
    %sign3A_2976 = arith.cmpi sgt, %add3A_2972, %sign3A_2975 : i32
    %sign3A_2977 = arith.extui %sign3A_2976 : i1 to i32
    %sign3A_2978 = arith.constant 0 : i32
    %sign3A_2979 = arith.cmpi slt, %add3A_2972, %sign3A_2978 : i32
    %sign3A_2980 = arith.extui %sign3A_2979 : i1 to i32
    %sign3A_2981 = arith.subi %sign3A_2977, %sign3A_2980 : i32
    %sign3A_2982 = arith.constant 0 : i32
    %sign3A_2983 = arith.cmpi sgt, %jit3A_2973, %sign3A_2982 : i32
    %sign3A_2984 = arith.extui %sign3A_2983 : i1 to i32
    %sign3A_2985 = arith.constant 0 : i32
    %sign3A_2986 = arith.cmpi slt, %jit3A_2973, %sign3A_2985 : i32
    %sign3A_2987 = arith.extui %sign3A_2986 : i1 to i32
    %sign3A_2988 = arith.subi %sign3A_2984, %sign3A_2987 : i32
    %ne3A_2989 = arith.cmpi ne, %sign3A_2981, %sign3A_2988 : i32
    %rem3A_2990 = arith.remsi %add3A_2972, %jit3A_2973 : i32
    %ne3A_2991 = arith.constant 0 : i32
    %ne3A_2992 = arith.cmpi ne, %rem3A_2990, %ne3A_2991 : i32
    %and3A_2993 = arith.andi %ne3A_2989, %ne3A_2992 : i1
    %sub3A_2994 = arith.constant 1 : i32
    %sub3A_2995 = arith.subi %div3A_2974, %sub3A_2994 : i32
    %select_n3A_2996 = arith.select %and3A_2993, %sub3A_2995, %div3A_2974 : i32
    %jit3A_2997 = arith.constant 40 : i32
    %eq3A_2998 = arith.constant 0 : i32
    %eq3A_2999 = arith.cmpi eq, %jit3A_2997, %eq3A_2998 : i32
    %jit3A_3000 = arith.constant 1 : i32
    %select_n3A_3001 = arith.select %eq3A_2999, %jit3A_3000, %jit3A_2997 : i32
    %rem3A_3002 = arith.remsi %add3A_2972, %select_n3A_3001 : i32
    %ne3A_3003 = arith.constant 0 : i32
    %ne3A_3004 = arith.cmpi ne, %rem3A_3002, %ne3A_3003 : i32
    %lt3A_3005 = arith.constant 0 : i32
    %lt3A_3006 = arith.cmpi slt, %rem3A_3002, %lt3A_3005 : i32
    %lt3A_3007 = arith.constant 0 : i32
    %lt3A_3008 = arith.cmpi slt, %select_n3A_3001, %lt3A_3007 : i32
    %ne3A_3009 = arith.xori %lt3A_3006, %lt3A_3008 : i1
    %and3A_3010 = arith.andi %ne3A_3009, %ne3A_3004 : i1
    %add3A_3011 = arith.addi %rem3A_3002, %select_n3A_3001 : i32
    %select_n3A_3012 = arith.select %and3A_3010, %add3A_3011, %rem3A_3002 : i32
    %add3A_3013 = arith.constant 0 : i32
    %add3A_3014 = arith.addi %add3A_3013, %select_n3A_3012 : i32
    %mul3A_3015 = arith.constant 128 : i32
    %mul3A_3016 = arith.muli %add3A_3014, %mul3A_3015 : i32
    %multiple_of3A_3017 = tpu.assume_multiple %mul3A_3016, 128 : i32
    %dma_wait3A_3018 = arith.constant 0 : i32
    %dma_wait3A_3019 = tpu.memref_slice %arg5[%select_n3A_2996, %dma_wait3A_3018, %multiple_of3A_3017] : memref<8x4x5000xf32, #tpu.memory_space<hbm>> -> memref<1x4x128xf32, #tpu.memory_space<hbm>>
    %dma_wait3A_3020 = tpu.memref_squeeze %dma_wait3A_3019 : memref<1x4x128xf32, #tpu.memory_space<hbm>> -> memref<4x128xf32, #tpu.memory_space<hbm>>
    %dma_wait3A_3021 = arith.constant 0 : i32
    %dma_wait3A_3022 = tpu.memref_slice %arg5[%select_n3A_2996, %dma_wait3A_3021, %multiple_of3A_3017] : memref<8x4x5000xf32, #tpu.memory_space<hbm>> -> memref<1x4x128xf32, #tpu.memory_space<hbm>>
    %dma_wait3A_3023 = tpu.memref_squeeze %dma_wait3A_3022 : memref<1x4x128xf32, #tpu.memory_space<hbm>> -> memref<4x128xf32, #tpu.memory_space<hbm>>
    tpu.wait_dma2 semaphore(%arg21 : memref<!tpu.dma_semaphore, #tpu.memory_space<semaphore_mem>>) src(%arg15 : memref<4x128xf32, #tpu.memory_space<vmem>>) dst(%dma_wait3A_3023 : memref<4x128xf32, #tpu.memory_space<hbm>>)
    return
  }
}

module attributes {stable_mosaic.version = 14 : i64} {
  func.func @_argmax_body(%arg0: i32, %arg1: memref<81x8x1024xf32, #tpu.memory_space<vmem>>, %arg2: memref<8x8x128xi32, #tpu.memory_space<vmem>>) attributes {dimension_semantics = [#tpu.dimension_semantics<arbitrary>], iteration_bounds = array<i64: 5>, scalar_prefetch = 0 : i64, scratch_operands = 0 : i64, tpu.core_type = #tpu.core_type<tc>, window_params = [{transform_indices = @transform_0, window_bounds = array<i64: 81, 8, 1024>}, {transform_indices = @transform_1, window_bounds = array<i64: 8, 8, 128>}]} {
    %get3A = arith.constant 0 : index
    %get3A_0 = arith.constant 0 : index
    %get3A_1 = arith.constant 0 : index
    %get3A_2 = vector.load %arg1[%get3A, %get3A_0, %get3A_1] : memref<81x8x1024xf32, #tpu.memory_space<vmem>>, vector<81x8x1024xf32>
    %reduce_max3A = arith.constant dense<0xFF800000> : vector<8x1024xf32>
    %reduce_max3A_3 = vector.multi_reduction <maximumf>, %get3A_2, %reduce_max3A [0] : vector<81x8x1024xf32> to vector<8x1024xf32>
    %iota3A = tpu.iota {dimensions = array<i32: 0>} : vector<81x8x1024xi32>
    %broadcast_in_dim3A = vector.shape_cast %reduce_max3A_3 : vector<8x1024xf32> to vector<1x8x1024xf32>
    %eq3A = vector.broadcast %broadcast_in_dim3A : vector<1x8x1024xf32> to vector<81x8x1024xf32>
    %eq3A_4 = arith.cmpf oeq, %get3A_2, %eq3A : vector<81x8x1024xf32>
    %jit3A = arith.constant 81 : i32
    %broadcast_in_dim3A_5 = vector.broadcast %jit3A : i32 to vector<81x8x1024xi32>
    %select_n3A = arith.select %eq3A_4, %iota3A, %broadcast_in_dim3A_5 : vector<81x8x1024xi1>, vector<81x8x1024xi32>
    %reduce_min3A = arith.constant dense<2147483647> : vector<8x1024xi32>
    %reduce_min3A_6 = vector.multi_reduction <minsi>, %select_n3A, %reduce_min3A [0] : vector<81x8x1024xi32> to vector<8x1024xi32>
    %min3A = arith.constant 80 : i32
    %min3A_7 = vector.broadcast %min3A : i32 to vector<8x1024xi32>
    %min3A_8 = arith.minsi %reduce_min3A_6, %min3A_7 : vector<8x1024xi32>
    %reshape3A = vector.shape_cast %min3A_8 : vector<8x1024xi32> to vector<8x8x128xi32>
    %swap3A = arith.constant 0 : index
    %swap3A_9 = arith.constant 0 : index
    %swap3A_10 = arith.constant 0 : index
    %swap3A_11 = vector.load %arg2[%swap3A, %swap3A_9, %swap3A_10] : memref<8x8x128xi32, #tpu.memory_space<vmem>>, vector<8x8x128xi32>
    tpu.vector_store %arg2[%swap3A, %swap3A_9, %swap3A_10], %reshape3A {strides = array<i32>} : memref<8x8x128xi32, #tpu.memory_space<vmem>>, vector<8x8x128xi32>,
    return
  }
  func.func @transform_0(%arg0: i32) -> (i32, i32, i32) {
    %c0_i32 = arith.constant 0 : i32
    %c0_i32_0 = arith.constant 0 : i32
    %c0_i32_1 = arith.constant 0 : i32
    return %c0_i32, %c0_i32_0, %arg0 : i32, i32, i32
  }
  func.func @transform_1(%arg0: i32) -> (i32, i32, i32) {
    %c0_i32 = arith.constant 0 : i32
    %c0_i32_0 = arith.constant 0 : i32
    %c0_i32_1 = arith.constant 0 : i32
    return %c0_i32, %arg0, %c0_i32_0 : i32, i32, i32
  }
}

</mosaic_0001>

<sc_bundles>
// kernel: kernel.4.cloned.1.call-start
scs
__scs_entry_jumppad:
0x0: {  	(pc) =	sbr.rel $0x88, $3  }
0x1: {  	(tag) =	ssettag $0x0;
	lr =	simm.s32 $0x1  }
0x2: {  	[smem:$0x3F9E] =	sst lr;
	_ =	strace $0xD0000000  }
0x3: {  	_ = 	snop  }
0x4: {  	_ = 	snop  }
0x5: {  	_ = 	snop  }
0x6: {  	_ = 	snop  }
0x7: {  	_ = 	snop  }
__scs_overlays_trampoline_lowered:
0x8: {  	[smem:$0x3FAD] =	sst s0  }
0x9: {  	[smem:$0x3FAE] =	sst s1  }
0xa: {  	[smem:$0x3FAF] =	sst s2  }
0xb: {  	[smem:$0x3FB0] =	sst s3  }
0xc: {  	[smem:$0x3FB1] =	sst s4  }
0xd: {  	[smem:$0x3FB2] =	sst s5  }
0xe: {  	[smem:$0x3FB3] =	sst s6  }
0xf: {  	[smem:$0x3FB4] =	sst s7  }
0x10: {  	[smem:$0x3FB5] =	sst s8  }
0x11: {  	[smem:$0x3FB6] =	sst s9;
	s0 =	simm.s32 @!p0 $0x0  }
0x12: {  	s1 =	sld [smem:$0x3F9C];
	s0 =	simm.s32 @p0 $0x1  }
0x13: {  	[smem:$0x3FB7] =	sst s0;
	s0 =	simm.s32 @!p1 $0x0  }
0x14: {  	s2 =	sld [smem:$0x3F9B];
	s0 =	simm.s32 @p1 $0x1  }
0x15: {  	[smem:$0x3FB8] =	sst s0;
	s0 =	simm.s32 @!p2 $0x0  }
0x16: {  	s3 =	sld [smem:$0x3FDB];
	s0 =	simm.s32 @p2 $0x1  }
0x17: {  	s4 =	simm.s32 $0x1BF5;
	[smem:$0x3FBA] =	sst s0  }
0x18: {  	s0 =	sld [smem:$0x3F9D];
	_ =	swait.ge [sflag:s4], $0x0  }
0x19: {  	s7 =	sld [smem:$0x3F9E]  }
0x1a: {  	s8 =	sadd.s32 $0xFFFFE003, lr  }
0x1b: {  	s9 =	sadd.s32 $0xFFFFFEF7, lr;
	s5 =	simm.s32 $0xFFFFFFFF;
	p2 =	slt.u32 s8, $0xFFFFF086  }
0x1c: {  	p1 =	slt.u32 s9, $0xF7A;
	s5 =	simm.s32 @!p2 $0x0  }
0x1d: {  	s5 =	simm.s32 @p1 $0x1;
	p0 =	seq.s32 s7, s2  }
0x1e: {  	s7 =	smul.u32 @!p0 $0xF7A, s2;
	p2 =	seq.s32 @!p0 s5, $0x0  }
0x1f: {  	s9 =	smul.u32 $0xF7A, s1;
	s8 =	simm.s32 @!p0 $0x1BF5;
	p2 =	por !p2, p0  }
0x20: {  	[sflag:s8] =	ssyncset.s32 @!p0 $0xFFFFF086;
	s6 =	sadd.s32 @!p0 s3, s7;
	s7 =	simm.s32 @!p0 $0x108  }
0x21: {  	s3 =	sadd.s32 s3, s9;
	s6 =	sadd.s32 @!p0 $0x88, s6;
	s7 =	simm.s32 @p2 $0x1082  }
0x22: {  	[simem:s7], [sflag:s8] =	dma.local @!p0 [hbm:s6], $0xF7A  }
0x23: {  	s9 =	sor.u32 $0xD0000000, s2;
	s6 =	simm.s32 $0x108;
	_ =	swait.ge @!p0 [sflag:s8], $0x0  }
0x24: {  	s3 =	sadd.s32 $0x88, s3;
	s6 =	simm.s32 @!p1 $0x1082;
	[sflag:s4] =	ssyncset.s32 $0xFFFFF086  }
0x25: {  	[simem:s6], [sflag:s4] =	dma.local [hbm:s3], $0xF7A  }
0x26: {  	[smem:$0x3F9E] =	sst s1;
	(tag) =	ssettag s2;
	_ =	strace s9  }
0x27: {  	s1 =	sld [smem:$0x3FAE]  }
0x28: {  	s2 =	sld [smem:$0x3FAF]  }
0x29: {  	s4 =	sld [smem:$0x3FB1]  }
0x2a: {  	p0 =	seq.s32 s5, $0x0;
	s5 =	sld [smem:$0x3FB2]  }
0x2b: {  	s6 =	sld [smem:$0x3FB3]  }
0x2c: {  	s7 =	sld [smem:$0x3FB4]  }
0x2d: {  	s3 =	simm.s32 $0x108;
	s8 =	sld [smem:$0x3FB5]  }
0x2e: {  	s3 =	simm.s32 @!p0 $0x1082;
	s9 =	sld [smem:$0x3FB6]  }
0x2f: {  	lr =	sadd.s32 s0, s3;
	s0 =	sld [smem:$0x3FAD]  }
0x30: {  	s3 =	sld [smem:$0x3FB0]  }
0x31: {  	[smem:$0x3FB9] =	sst s10  }
0x32: {  	s10 =	sld [smem:$0x3FB7];
	_ =	sdelay $0x3  }
0x33: {  	p0 =	seq.s32 s10, $0x1;
	s10 =	sld [smem:$0x3FB9];
	_ =	sdelay $0x3  }
0x34: {  	[smem:$0x3FB9] =	sst s10  }
0x35: {  	s10 =	sld [smem:$0x3FB8];
	_ =	sdelay $0x3  }
0x36: {  	p1 =	seq.s32 s10, $0x1;
	s10 =	sld [smem:$0x3FB9];
	_ =	sdelay $0x3  }
0x37: {  	[smem:$0x3FB9] =	sst s10  }
0x38: {  	s10 =	sld [smem:$0x3FBA]  }
0x39: {  	_ = 	snop;
	(pc) =	sbr.ind lr, $3  }
0x3a: {  	_ = 	snop  }
0x3b: {  	_ = 	snop  }
0x3c: {  	p2 =	seq.s32 s10, $0x1;
	s10 =	sld [smem:$0x3FB9]  }
0x3d: {  	_ =	shalt  }
0x3e: {  	_ =	shalt  }
0x3f: {  	_ =	shalt  }
0x40: {  	_ =	shalt  }
0x41: {  	_ =	shalt  }
0x42: {  	_ =	shalt  }
0x43: {  	_ =	shalt  }
0x44: {  	_ =	shalt  }
0x45: {  	_ =	shalt  }
0x46: {  	_ =	shalt  }
0x47: {  	_ =	shalt  }
0x48: {  	_ =	shalt  }
0x49: {  	_ =	shalt  }
0x4a: {  	_ =	shalt  }
0x4b: {  	_ =	shalt  }
0x4c: {  	_ =	shalt  }
0x4d: {  	_ =	shalt  }
0x4e: {  	_ =	shalt  }
0x4f: {  	_ =	shalt  }
0x50: {  	_ =	shalt  }
0x51: {  	_ =	shalt  }
0x52: {  	_ =	shalt  }
0x53: {  	_ =	shalt  }
0x54: {  	_ =	shalt  }
0x55: {  	_ =	shalt  }
0x56: {  	_ =	shalt  }
0x57: {  	_ =	shalt  }
0x58: {  	_ =	shalt  }
0x59: {  	_ =	shalt  }
0x5a: {  	_ =	shalt  }
0x5b: {  	_ =	shalt  }
0x5c: {  	_ =	shalt  }
0x5d: {  	_ =	shalt  }
0x5e: {  	_ =	shalt  }
0x5f: {  	_ =	shalt  }
0x60: {  	_ =	shalt  }
0x61: {  	_ =	shalt  }
0x62: {  	_ =	shalt  }
0x63: {  	_ =	shalt  }
0x64: {  	_ =	shalt  }
0x65: {  	_ =	shalt  }
0x66: {  	_ =	shalt  }
0x67: {  	_ =	shalt  }
0x68: {  	_ =	shalt  }
0x69: {  	_ =	shalt  }
0x6a: {  	_ =	shalt  }
0x6b: {  	_ =	shalt  }
0x6c: {  	_ =	shalt  }
0x6d: {  	_ =	shalt  }
0x6e: {  	_ =	shalt  }
0x6f: {  	_ =	shalt  }
0x70: {  	_ =	shalt  }
0x71: {  	_ =	shalt  }
0x72: {  	_ =	shalt  }
0x73: {  	_ =	shalt  }
0x74: {  	_ =	shalt  }
0x75: {  	_ =	shalt  }
0x76: {  	_ =	shalt  }
0x77: {  	_ =	shalt  }
0x78: {  	_ =	shalt  }
0x79: {  	_ =	shalt  }
0x7a: {  	_ =	shalt  }
0x7b: {  	_ =	shalt  }
0x7c: {  	_ =	shalt  }
0x7d: {  	_ =	shalt  }
0x7e: {  	_ =	shalt  }
0x7f: {  	_ =	shalt  }
0x80: {  	_ =	shalt  }
0x81: {  	_ =	shalt  }
0x82: {  	_ =	shalt  }
0x83: {  	_ =	shalt  }
0x84: {  	_ =	shalt  }
0x85: {  	_ =	shalt  }
0x86: {  	_ =	shalt  }
0x87: {  	_ =	shalt  }
.Lfunc_end0:
.L_simem_size_0:
called_computation_lowered:
.L_overlay_start_0:
0x88: {  	s2 =	sld [smem:$0x3FD9]  }
0x89: {  	s3 =	sld [smem:$0x3FFE];
	_ =	sdelay $0x1  }
0x8a: {  	s1 =	srdreg.scid  }
0x8b: {  	s0 =	sand.u32 $0x1, s1  }
0x8c: {  	s17 =	sshll.u32 s0, $0xA;
	s2 =	sadd.s32 s3, s2  }
0x8d: {  	s2 =	sadd.s32 s2, s17  }
0x8e: {  	[smem:$0x3FC5] =	sst s2  }
0x8f: {  	_ = 	snop  }
0x90: {  	s2 =	sld [smem:$0x3FC8]  }
0x91: {  	s18 =	sld [smem:$0x3FC7]  }
0x92: {  	s4 =	sld [smem:$0x3FD0];
	(tm) =	ssettm $0x1  }
0x93: {  	s5 =	sld [smem:$0x3FFB];
	_ =	sdelay $0x3  }
0x94: {  	_ =	strace s5  }
0x95: {  	s5 =	sld [smem:$0x3FFC];
	_ =	sdelay $0x3  }
0x96: {  	_ =	strace s5  }
0x97: {  	s5 =	sld [smem:$0x3FFD];
	_ =	sdelay $0x3  }
0x98: {  	_ =	strace s5  }
0x99: {  	_ =	strace $0x8FFFFFFF  }
0x9a: {  	s19 =	sld [smem:$0x3FDB];
	_ =	sdelay $0x1  }
0x9b: {  	s6 =	simm.s32 $_scs_section_size  }
0x9c: {  	s7 =	simm.s32 $_size__tile_overlayer_lowered;
	s8 =	simm.s32 $_tile_overlayer_lowered  }
0x9d: {  	s22 =	simm.s32 $0x1BFF;
	s21 =	sshll.u32 s8, $0x1;
	s5 =	sadd.s32 s6, s19  }
0x9e: {  	s9 =	simm.s32 $0x0;
	s20 =	sshll.u32 s7, $0x1;
	s7 =	sadd.s32 s21, s5  }
0x9f: {  	[timem:s9], [sflag:s22] =	dma.local [hbm:s7], s20  }
0xa0: {  	_ =	swait.ge [sflag:s22], s20  }
0xa1: {  	s6 =	ssub.s32 $0x0, s20;
	[sflag:s22] =	ssyncset.done $0x0  }
0xa2: {  	[sflag:s22] =	ssyncadd.s32 s6;
	_ =	sdelay $0x1  }
0xa3: {  	s23 =	simm.s32 $0x1B8B  }
0xa4: {  	_ =	swait.ge [sflag:s23], $0x1  }
0xa5: {  	[sflag:s23] =	ssyncset.done $0x0  }
0xa6: {  	s25 =	simm.s32 $0x1B8E;
	s24 =	sld [smem:$0x3FFE];
	[sflag:s23] =	ssyncadd.s32 $0xFFFFFFFF  }
0xa7: {  	s26 =	simm.s32 $execute0_lowered;
	[smem:$0x3FD2] =	sst s25  }
0xa8: {  	s7 =	sshll.u32 s26, $0x1;
	_ =	strace $0x80000046;
	[dreg:$0x1] =	wrdreg $0xFFFFFFFF  }
0xa9: {  	s28 =	simm.s32 $_size_execute0_lowered;
	s5 =	sadd.s32 s5, s7;
	[dreg:$0x0] =	wrdreg $0x0  }
0xaa: {  	s7 =	sshll.u32 s28, $0x1;
	[dreg:$0x2] =	wrdreg s5  }
0xab: {  	[dreg:$0x3] =	wrdreg s7  }
0xac: {  	[dreg:$0x4] =	wrdreg $0xC0  }
0xad: {  	_ =	task [dreg:s9], $0x5FFFF  }
0xae: {  	[dreg:$0x1] =	wrdreg $0xFFFFFFFF  }
0xaf: {  	[dreg:$0x0] =	wrdreg $0x60  }
0xb0: {  	[dreg:$0x2] =	wrdreg s2  }
0xb1: {  	[dreg:$0x3] =	wrdreg s24  }
0xb2: {  	[dreg:$0x4] =	wrdreg s18  }
0xb3: {  	[dreg:$0x5] =	wrdreg s4  }
0xb4: {  	[dreg:$0x6] =	wrdreg $0x9  }
0xb5: {  	_ =	task.clear_ibuf [dreg:s9], $0x7FFFF;
	_ =	strace $0x90000046  }
0xb6: {  	s29 =	simm.s32 $0x9;
	_ =	strace $0x80000048  }
0xb7: {  	_ =	swait.ge [sflag:s29], $0x1  }
0xb8: {  	[sflag:s29] =	ssyncadd.s32 $0xFFFFFFFF  }
0xb9: {  	_ =	strace $0x90000048  }
0xba: {  	_ =	sfence  }
0xbb: {  	s30 =	sld [smem:$0x0];
	_ =	sdelay $0x2  }
0xbc: {  	s31 =	sshll.u32 s1, $0xD;
	s1 =	sshrl.u32 s1, $0x2  }
0xbd: {  	s3 =	sand.u32 $0x4000, s31;
	s1 =	sadd.s32 s1, s30  }
0xbe: {  	s0 =	sor.u32 s3, s0;
	s1 =	sshll.u32 s1, $0x11  }
0xbf: {  	s0 =	sor.u32 s1, s0  }
0xc0: {  	s0 =	sadd.s32 $0x8F2B, s0  }
0xc1: {  	[sflag:s0] =	ssyncadd.remote.s32 $0x1  }
0xc2: {  	_ =	sfence.sel $0xFFFF  }
0xc3: {  	[dreg:$0x0] =	wrdreg $0xFFFFFFFF;
	(pc) =	sbr.abs _section_cstart, $3  }
0xc4: {  	[dreg:$0x1] =	wrdreg $0xFFFFFFFF  }
0xc5: {  	_ =	task.clear_ibuf [dreg:s9], $0x2FFFF;
	_ =	strace $0x9FFFFFFF  }
0xc6: {  	(tm) =	ssettm $0x7FFFFFFF  }
0xc7: {  	_ =	shalt  }
tec
execute0_lowered:
.L_overlay_start_1:
0x0: {  	(tag) =	ssettag $0x1  }
0x1: {  	s0 =	srdreg.scid;
	s2 =	stileid.u32  }
0x2: {  	s0 =	sand.u32 $0x1, s0;
	s1 =	sshll.u32 s2, $0x1;
	s2 =	sshrl.u32 s2, $0x1  }
0x3: {  	s1 =	sor.u32 s0, s1;
	s3 =	smul.u32 $0x195000, s2  }
0x4: {  	s14 =	smul.u32 $0x4006, s1  }
0x5: {  	s22 =	smul.u32 $0x5000, s2  }
0x6: {  	s7 =	smul.u32 $0xA, s1;
	s21 =	sshrl.u32 s14, $0x10  }
0x7: {  	s0 =	ssub.s32 $0x2, s0;
	s1 =	smul.u32 $0x28, s21  }
0x8: {  	s8 =	smul.u32 $0x1400, s2;
	s5 =	sshrl.u32 s0, $0x1;
	s4 =	sor.u32 $0x1, s7  }
0x9: {  	s0 =	ssub.s32 s0, s5;
	s6 =	smul.u32 $0x667, s4;
	s1 =	ssub.s32 s7, s1  }
0xa: {  	[smem:$0x7FD] =	sst s0;
	s26 =	sadd.s32 $0xCCE, s14;
	s1 =	sand.u32 $0xFFFE, s1  }
0xb: {  	s20 =	sadd.s32 $0x1335, s14;
	s23 =	sshrl.u32 s6, $0x10;
	s10 =	sshll.u32 s1, $0x7  }
0xc: {  	s2 =	smul.u32 $0x28, s23;
	s24 =	sshll.u32 s1, $0x9;
	s25 =	sand.u32 $0x1C00, s10  }
0xd: {  	s9 =	sadd.s32 s3, s24;
	s10 =	sand.u32 $0x300, s10;
	s6 =	sadd.s32 s8, s25  }
0xe: {  	s2 =	ssub.s32 s4, s2;
	s4 =	sor.u32 s10, s6;
	s6 =	sshrl.u32 s26, $0x10  }
0xf: {  	s1 =	sadd.s32 s22, s24;
	s2 =	sand.u32 $0xFFFF, s2;
	s13 =	smul.u32 $0x28, s6  }
0x10: {  	s0 =	sshll.u32 s2, $0x9;
	s12 =	sshll.u32 s2, $0x7;
	s18 =	smul.u32 $0x195000, s6  }
0x11: {  	s26 =	sadd.s32 $0x199C, s14;
	s11 =	sadd.s32 s3, s0;
	s19 =	smul.u32 $0x5000, s6  }
0x12: {  	s15 =	sand.u32 $0x1C00, s12;
	s16 =	sand.u32 $0x380, s12;
	s6 =	smul.u32 $0x1400, s6  }
0x13: {  	s12 =	sshrl.u32 s20, $0x10;
	s3 =	sadd.s32 s8, s15;
	s17 =	ssub.s32 s7, s13  }
0x14: {  	s5 =	sor.u32 s16, s3;
	s3 =	sadd.s32 $0x2, s17;
	s17 =	smul.u32 $0x28, s12  }
0x15: {  	s2 =	sadd.s32 s22, s0;
	s25 =	smul.u32 $0x195000, s12;
	s3 =	sand.u32 $0xFFFE, s3  }
0x16: {  	s21 =	sshll.u32 s3, $0x9;
	s15 =	sshll.u32 s3, $0x7;
	s24 =	ssub.s32 s7, s17  }
0x17: {  	s16 =	sadd.s32 s21, s18;
	s3 =	sadd.s32 s21, s19;
	s22 =	sand.u32 $0x1C00, s15  }
0x18: {  	s23 =	sand.u32 $0x300, s15;
	s10 =	sadd.s32 $0x3, s24;
	s19 =	smul.u32 $0x5000, s12  }
0x19: {  	s15 =	sshrl.u32 s26, $0x10;
	s12 =	smul.u32 $0x1400, s12;
	s6 =	sadd.s32 s6, s22  }
0x1a: {  	s0 =	sand.u32 $0xFFFF, s10;
	s21 =	smul.u32 $0x28, s15;
	s10 =	sor.u32 s23, s6  }
0x1b: {  	s20 =	sshll.u32 s0, $0x9;
	s22 =	sshll.u32 s0, $0x7;
	s23 =	smul.u32 $0x195000, s15  }
0x1c: {  	s18 =	sadd.s32 s20, s25;
	s6 =	sadd.s32 s20, s19;
	s17 =	sand.u32 $0x1C00, s22  }
0x1d: {  	s8 =	ssub.s32 s7, s21;
	s13 =	sand.u32 $0x380, s22;
	s25 =	smul.u32 $0x5000, s15  }
0x1e: {  	s20 =	sadd.s32 $0x2003, s14;
	s15 =	smul.u32 $0x1400, s15;
	s8 =	sadd.s32 $0x4, s8  }
0x1f: {  	s12 =	sadd.s32 s12, s17;
	s22 =	sshrl.u32 s20, $0x10;
	s8 =	sand.u32 $0xFFFE, s8  }
0x20: {  	s12 =	sor.u32 s13, s12;
	s19 =	smul.u32 $0x195000, s22;
	s24 =	sshll.u32 s8, $0x9  }
0x21: {  	s21 =	sshll.u32 s8, $0x7;
	s20 =	sadd.s32 s24, s23;
	s23 =	smul.u32 $0x28, s22  }
0x22: {  	s26 =	sand.u32 $0x1C00, s21;
	s8 =	sadd.s32 s24, s25;
	s0 =	sand.u32 $0x300, s21  }
0x23: {  	s13 =	sadd.s32 s15, s26;
	s26 =	sadd.s32 $0x266A, s14;
	s17 =	ssub.s32 s7, s23  }
0x24: {  	s15 =	sor.u32 s0, s13;
	s23 =	smul.u32 $0x5000, s22;
	s13 =	sadd.s32 $0x5, s17  }
0x25: {  	s0 =	smul.u32 $0x1400, s22;
	s21 =	sshrl.u32 s26, $0x10;
	s13 =	sand.u32 $0xFFFF, s13  }
0x26: {  	s26 =	smul.u32 $0x28, s21;
	s24 =	sshll.u32 s13, $0x9;
	s25 =	sshll.u32 s13, $0x7  }
0x27: {  	s22 =	sadd.s32 s24, s19;
	s13 =	sadd.s32 s24, s23;
	s19 =	sand.u32 $0x1C00, s25  }
0x28: {  	s23 =	sand.u32 $0x380, s25;
	s24 =	ssub.s32 s7, s26;
	s26 =	sadd.s32 $0x2CD1, s14  }
0x29: {  	s17 =	sadd.s32 s0, s19;
	s25 =	sadd.s32 $0x6, s24;
	s24 =	smul.u32 $0x5000, s21  }
0x2a: {  	s14 =	sadd.s32 $0x3338, s14;
	s19 =	sor.u32 s23, s17;
	s23 =	smul.u32 $0x195000, s21  }
0x2b: {  	s17 =	sand.u32 $0xFFFE, s25;
	s21 =	smul.u32 $0x1400, s21;
	s25 =	sshrl.u32 s26, $0x10  }
0x2c: {  	s0 =	sshll.u32 s17, $0x7;
	s17 =	sshll.u32 s17, $0x9;
	s29 =	smul.u32 $0x28, s25  }
0x2d: {  	s28 =	sand.u32 $0x1C00, s0;
	s30 =	sadd.s32 s17, s23;
	s17 =	sadd.s32 s17, s24  }
0x2e: {  	s23 =	sand.u32 $0x300, s0;
	s0 =	smul.u32 $0x195000, s25;
	s26 =	ssub.s32 s7, s29  }
0x2f: {  	s21 =	sadd.s32 s21, s28;
	s28 =	smul.u32 $0x5000, s25;
	s24 =	sadd.s32 $0x7, s26  }
0x30: {  	s25 =	smul.u32 $0x1400, s25;
	s29 =	sshrl.u32 s14, $0x10;
	s24 =	sand.u32 $0xFFFF, s24  }
0x31: {  	s9 =	sshrl.u32 s9, $0x3;
	s31 =	smul.u32 $0x28, s29;
	s14 =	sshll.u32 s24, $0x9  }
0x32: {  	s21 =	sor.u32 s23, s21;
	s24 =	sshll.u32 s24, $0x7;
	s26 =	sadd.s32 s14, s0  }
0x33: {  	s0 =	sand.u32 $0x1C00, s24;
	s14 =	sadd.s32 s14, s28;
	s24 =	sand.u32 $0x380, s24  }
0x34: {  	s28 =	smul.u32 $0x195000, s29;
	s23 =	sadd.s32 s25, s0;
	s0 =	ssub.s32 s7, s31  }
0x35: {  	s31 =	sadd.s32 $0x9, s7;
	s7 =	smul.u32 $0x5000, s29;
	s25 =	sadd.s32 $0x8, s0  }
0x36: {  	s29 =	smul.u32 $0x1400, s29;
	s23 =	sor.u32 s24, s23;
	s25 =	sand.u32 $0xFFFE, s25  }
0x37: {  	s0 =	smul.u32 $0x667, s31;
	s24 =	sshll.u32 s25, $0x9;
	s25 =	sshll.u32 s25, $0x7  }
0x38: {  	s28 =	sadd.s32 s24, s28;
	s7 =	sadd.s32 s24, s7;
	s24 =	sand.u32 $0x1C00, s25  }
0x39: {  	s4 =	sshrl.u32 s4, $0x3;
	s25 =	sand.u32 $0x300, s25;
	s24 =	sadd.s32 s29, s24  }
0x3a: {  	s0 =	sshrl.u32 s0, $0x10;
	s24 =	sor.u32 s25, s24;
	s25 =	rddreg [dreg:$0x0]  }
0x3b: {  	s11 =	sshrl.u32 s11, $0x3;
	s29 =	smul.u32 $0x28, s0;
	s9 =	sadd.s32 s25, s9  }
0x3c: {  	s16 =	sshrl.u32 s16, $0x3;
	[dreg:$0x5] =	wrdreg s9;
	s9 =	sadd.s32 s25, s11  }
0x3d: {  	s18 =	sshrl.u32 s18, $0x3;
	s29 =	ssub.s32 s31, s29;
	[dreg:$0x6] =	wrdreg s9  }
0x3e: {  	s9 =	sadd.s32 s25, s16;
	s16 =	sadd.s32 s25, s18;
	s18 =	sshrl.u32 s20, $0x3  }
0x3f: {  	s20 =	sshrl.u32 s22, $0x3;
	s22 =	sshrl.u32 s30, $0x3;
	[dreg:$0x7] =	wrdreg s9  }
0x40: {  	[dreg:$0x8] =	wrdreg s16;
	s9 =	sadd.s32 s25, s18;
	s16 =	sadd.s32 s25, s22  }
0x41: {  	s18 =	sshrl.u32 s26, $0x3;
	s22 =	sand.u32 $0xFFFF, s29;
	[dreg:$0x9] =	wrdreg s9  }
0x42: {  	s26 =	smul.u32 $0x195000, s0;
	s9 =	sadd.s32 s25, s20;
	[dreg:$0xb] =	wrdreg s16  }
0x43: {  	s20 =	sshrl.u32 s28, $0x3;
	[dreg:$0xa] =	wrdreg s9;
	s9 =	sadd.s32 s25, s18  }
0x44: {  	s16 =	sshll.u32 s22, $0x7;
	s11 =	sadd.s32 s25, s20;
	[dreg:$0xc] =	wrdreg s9  }
0x45: {  	s20 =	smul.u32 $0x1400, s0;
	[dreg:$0xd] =	wrdreg s11;
	s9 =	sshll.u32 s22, $0x9  }
0x46: {  	s22 =	sand.u32 $0x1C00, s16;
	s16 =	sand.u32 $0x380, s16;
	s18 =	sadd.s32 s9, s26  }
0x47: {  	s26 =	sadd.s32 s20, s22;
	s22 =	rddreg [dreg:$0x1];
	s11 =	sshrl.u32 s18, $0x3  }
0x48: {  	s16 =	sor.u32 s16, s26;
	s26 =	sshrl.u32 s5, $0x3;
	s5 =	sshrl.u32 s10, $0x3  }
0x49: {  	s10 =	sshrl.u32 s12, $0x3;
	s18 =	sshrl.u32 s19, $0x3;
	s11 =	sadd.s32 s25, s11  }
0x4a: {  	s25 =	sadd.s32 $0x800, s22;
	[dreg:$0xe] =	wrdreg s11;
	s11 =	simm.s32 $0x0  }
0x4b: {  	s19 =	sshrl.u32 s21, $0x3;
	s4 =	sadd.s32 s25, s4;
	[smem:$0x7FF] =	sst s11  }
0x4c: {  	s21 =	sshrl.u32 s23, $0x3;
	s12 =	sadd.s32 s25, s10;
	[dreg:$0xf] =	wrdreg s4  }
0x4d: {  	s23 =	sshrl.u32 s16, $0x3;
	s20 =	sadd.s32 s25, s19;
	[dreg:$0x12] =	wrdreg s12  }
0x4e: {  	s22 =	sshrl.u32 s24, $0x3;
	s24 =	sadd.s32 s25, s23;
	[dreg:$0x15] =	wrdreg s20  }
0x4f: {  	s4 =	sadd.s32 s25, s26;
	[dreg:$0x18] =	wrdreg s24  }
0x50: {  	s15 =	sshrl.u32 s15, $0x3;
	[dreg:$0x10] =	wrdreg s4;
	s4 =	sadd.s32 s25, s5  }
0x51: {  	[dreg:$0x11] =	wrdreg s4;
	s4 =	sadd.s32 s25, s15  }
0x52: {  	[dreg:$0x13] =	wrdreg s4;
	s4 =	sadd.s32 s25, s18  }
0x53: {  	[dreg:$0x14] =	wrdreg s4;
	s4 =	sadd.s32 s25, s21  }
0x54: {  	[dreg:$0x16] =	wrdreg s4;
	s4 =	sadd.s32 s25, s22  }
0x55: {  	s1 =	sshrl.u32 s1, $0x3;
	s2 =	sshrl.u32 s2, $0x3;
	[dreg:$0x17] =	wrdreg s4  }
0x56: {  	s3 =	sshrl.u32 s3, $0x3;
	s17 =	sshrl.u32 s17, $0x3;
	s4 =	rddreg [dreg:$0x2]  }
0x57: {  	s0 =	smul.u32 $0x5000, s0;
	s5 =	rddreg [dreg:$0x3];
	s25 =	sadd.s32 s4, s1  }
0x58: {  	s31 =	simm.s32 $0x5;
	s1 =	sadd.s32 s5, s1;
	[dreg:$0x19] =	wrdreg s25  }
0x59: {  	s0 =	sadd.s32 s9, s0;
	s9 =	sadd.s32 s4, s2;
	[dreg:$0x1a] =	wrdreg s1  }
0x5a: {  	s30 =	simm.s32 $0x4;
	s2 =	sadd.s32 s5, s2;
	[dreg:$0x1b] =	wrdreg s9  }
0x5b: {  	s29 =	simm.s32 $0x1F180;
	s12 =	sadd.s32 s4, s3;
	[dreg:$0x1c] =	wrdreg s2  }
0x5c: {  	s26 =	sshrl.u32 s6, $0x3;
	s3 =	sadd.s32 s5, s3;
	[dreg:$0x1d] =	wrdreg s12  }
0x5d: {  	s10 =	sshrl.u32 s8, $0x3;
	s16 =	sadd.s32 s4, s26;
	[dreg:$0x1e] =	wrdreg s3  }
0x5e: {  	s15 =	sshrl.u32 s13, $0x3;
	s18 =	sadd.s32 s4, s10;
	[dreg:$0x1f] =	wrdreg s16  }
0x5f: {  	s28 =	simm.s32 $0x3;
	s20 =	sadd.s32 s4, s15;
	[smem:$0x7F4] =	sst s18  }
0x60: {  	s19 =	sshrl.u32 s14, $0x3;
	s22 =	sadd.s32 s4, s17;
	[smem:$0x7F6] =	sst s20  }
0x61: {  	s21 =	sshrl.u32 s7, $0x3;
	s23 =	sadd.s32 s4, s19;
	[smem:$0x7F8] =	sst s22  }
0x62: {  	s0 =	sshrl.u32 s0, $0x3;
	s24 =	sadd.s32 s4, s21;
	[smem:$0x7FA] =	sst s23  }
0x63: {  	s14 =	simm.s32 $0x5000;
	s1 =	sadd.s32 s5, s26;
	[smem:$0x7FB] =	sst s24  }
0x64: {  	s8 =	sadd.s32 s5, s19;
	s2 =	sadd.s32 s5, s10;
	[smem:$0x7F3] =	sst s1  }
0x65: {  	s13 =	simm.s32 $0x200;
	s3 =	sadd.s32 s5, s15;
	[smem:$0x7F5] =	sst s2  }
0x66: {  	s19 =	simm.s32 $0x1;
	s25 =	sadd.s32 s4, s0;
	[smem:$0x7F7] =	sst s3  }
0x67: {  	s9 =	sadd.s32 s5, s21;
	s1 =	sadd.s32 s5, s17;
	[smem:$0x7FC] =	sst s25  }
0x68: {  	s10 =	sadd.s32 s5, s0;
	s15 =	simm.s32 $0x1E780;
	[smem:$0x7F9] =	sst s1  }
0x69: {  	s16 =	simm.s32 $0xA200;
	s18 =	simm.s32 $0x1E680;
	_ =	strace $0x80000047  }
0x6a: {  	s20 =	simm.s32 $0x14400;
	s21 =	simm.s32 $0x1EB80;
	s26 =	sld [smem:$0x7FD]  }
0x6b: {  	s22 =	simm.s32 $0x1E700;
	s23 =	simm.s32 $0x1ED80;
	s24 =	simm.s32 $0x2  }
0x6c: {  	s0 =	simm.s32 $0x6;
	s17 =	simm.s32 $0x1E980;
	s25 =	simm.s32 $0x1E600  }
0x6d: {  	v0 =	vlaneseq.u32;
	s1 =	simm.s32 $0x0;
	s12 =	smax.u32 s26, $0x1;
	s26 =	simm.s32 $0x1EF80  }
.LBB2_1:
0x6e: {  	s2 =	rddreg [dreg:$0x5]  }
0x6f: {  	[tilespmem:s11], [sflag:$0x1] =	stream.strided.gather [hbm4b:s2+s13], $0xA200, s14, s13, $0x38;
	[tilespmem:$0x1F380] =	vst v63  }
0x70: {  	s5 =	rddreg [dreg:$0x19]  }
0x71: {  	[tilespmem:s15], [sflag:$0x1] =	stream.linear.gather [hbm4b:s5+s11], $0x200, $0x38;
	[tilespmem:$0x1F380] =	vst v63  }
0x72: {  	s6 =	rddreg [dreg:$0xf]  }
0x73: {  	[tilespmem:s25], [sflag:$0x1] =	stream.linear.gather [hbm4b:s6+s11], $0x80, $0x38;
	[tilespmem:$0x1F380] =	vst v63  }
0x74: {  	s7 =	rddreg [dreg:$0x6]  }
0x75: {  	[tilespmem:s16], [sflag:$0x2] =	stream.strided.gather [hbm4b:s7+s13], $0xA200, s14, s13, $0x38;
	[tilespmem:$0x1F380] =	vst v63  }
0x76: {  	s3 =	rddreg [dreg:$0x1b]  }
0x77: {  	[tilespmem:s17], [sflag:$0x2] =	stream.linear.gather [hbm4b:s3+s11], $0x200, $0x38;
	[tilespmem:$0x1F380] =	vst v63  }
0x78: {  	s4 =	rddreg [dreg:$0x10]  }
0x79: {  	[tilespmem:s18], [sflag:$0x2] =	stream.linear.gather [hbm4b:s4+s11], $0x80, $0x38;
	[tilespmem:$0x1F380] =	vst v63  }
0x7a: {  	_ =	swait.ge [sflag:s19], $0xA200  }
0x7b: {  	[sflag:s19] =	ssyncset.done $0x0  }
0x7c: {  	[sflag:s19] =	ssyncadd.s32 $0xFFFF5E00  }
0x7d: {  	_ =	swait.ge [sflag:s19], $0x200  }
0x7e: {  	[sflag:s19] =	ssyncset.done $0x0  }
0x7f: {  	[sflag:s19] =	ssyncadd.s32 $0xFFFFFE00  }
0x80: {  	_ =	swait.ge [sflag:s19], $0x80  }
0x81: {  	[sflag:s19] =	ssyncset.done $0x0  }
0x82: {  	s5 =	rddreg [dreg:$0x7];
	[sflag:s19] =	ssyncadd.s32 $0xFFFFFF80  }
0x83: {  	[tilespmem:s20], [sflag:$0x3] =	stream.strided.gather [hbm4b:s5+s13], $0xA200, s14, s13, $0x38;
	[tilespmem:$0x1F380] =	vst v63  }
0x84: {  	s6 =	rddreg [dreg:$0x1d]  }
0x85: {  	[tilespmem:s21], [sflag:$0x3] =	stream.linear.gather [hbm4b:s6+s11], $0x200, $0x38;
	[tilespmem:$0x1F380] =	vst v63  }
0x86: {  	s7 =	rddreg [dreg:$0x11]  }
0x87: {  	[tilespmem:s22], [sflag:$0x3] =	stream.linear.gather [hbm4b:s7+s11], $0x80, $0x38;
	[tilespmem:$0x1F380] =	vst v63  }
0x88: {  	v1 =	vld [tilespmem:s25+$0x0];
	_ =	sdelay $0x4  }
0x89: {  	v1 =	vshll.u32 v1, $0x9  }
0x8a: {  	v1 =	vor.u32 s11, v1  }
0x8b: {  	v1 =	vor.u32 v0, v1  }
0x8c: {  	v2 =	vor.u32 $0x180, v1  }
0x8d: {  	v3 =	vor.u32 $0x100, v1;
	_ =	sdelay $0x3  }
0x8e: {  	v2 =	vld.idx.msk [tilespmem:v2+s11+$0x0], $0xffff  }
0x8f: {  	v3 =	vld.idx.msk [tilespmem:v3+s11+$0x0], $0xffff;
	_ =	sdelay $0x3  }
0x90: {  	v2 =	vmul.f32 $2.000000030e-01, v2  }
0x91: {  	v3 =	vmul.f32 $2.000000030e-01, v3  }
0x92: {  	v2 =	vmax.f32 v2, $-4.135166650e+00  }
0x93: {  	v3 =	vmax.f32 v3, $-4.135166650e+00;
	v2 =	vmin.f32 v2, $4.135166650e+00  }
0x94: {  	s2 =	simm.s32 $0x1E880;
	v4 =	vor.u32 $0x80, v1;
	v3 =	vmin.f32 v3, $4.135166650e+00;
	v2 =	vmul.f32 $1.442695020e+00, v2  }
0x95: {  	v5 =	vld [tilespmem:s2+$0x0];
	v3 =	vmul.f32 $1.442695020e+00, v3  }
0x96: {  	v6 =	vld [tilespmem:s2+$0x80];
	(erf) = vpow2.f32 v2  }
0x97: {  	v2 =	vld [tilespmem:s2+$0xFFFFFF80];
	(erf) = vpow2.f32 v3  }
0x98: {  	v3 =	vld [tilespmem:s2+$0xFFFFFF00]  }
0x99: {  	v4 =	vld.idx.msk [tilespmem:v4+s11+$0x0], $0xffff  }
0x9a: {  	v1 =	vld.idx.msk [tilespmem:v1+s11+$0x0], $0xffff;
	_ =	sdelay $0x1  }
0x9b: {  	v6 =	vsub.f32 v6, v2  }
0x9c: {  	v5 =	vsub.f32 v5, v3  }
0x9d: {  	v4 =	vmul.f32 $1.000000010e-01, v4;
	v7 =	vmul.f32 $5.000000000e-01, v6  }
0x9e: {  	v1 =	vmul.f32 $1.000000010e-01, v1;
	v8 =	vmul.f32 $5.000000000e-01, v5;
	v9 =	vpop (erf)  }
0x9f: {  	v4 =	vmul.f32 v6, v4;
	v2 =	vadd.f32 v7, v2;
	v7 =	vmul.f32 v9, v6;
	v6 =	vpop (erf)  }
0xa0: {  	v8 =	vadd.f32 v8, v3;
	v6 =	vmul.f32 v6, v5;
	v5 =	vmul.f32 v5, v1  }
0xa1: {  	v4 =	vadd.f32 v2, v4;
	v3 =	vmul.f32 $5.000000000e-01, v7  }
0xa2: {  	s3 =	simm.s32 $0x1EE80;
	v1 =	vmul.f32 $5.000000000e-01, v6;
	v2 =	vadd.f32 v8, v5  }
0xa3: {  	s4 =	simm.s32 $0x1EE80;
	s5 =	simm.s32 $0x10;
	s6 =	simm.s32 $0x1E600;
	v5 =	vsub.f32 v4, v3  }
.LBB2_2:
0xa4: {  	v6 =	vsub.f32 v2, v1;
	v3 =	vadd.f32 v4, v3;
	s6 =	sadd.s32 $0x10, s6;
	s2 =	sadd.s32 $0x10, s2;
	s4 =	sadd.s32 $0x10, s4  }
0xa5: {  	p0 =	sne.s32 s5, $0x70;
	v1 =	vadd.f32 v2, v1;
	s7 =	smov.u32 s5;
	s5 =	sadd.s32 $0x10, s5;
	v4 =	vmax.f32 v5, $0.0e+00  }
0xa6: {  	v2 =	vmax.f32 v6, $0.0e+00;
	v4 =	vmin.f32 v4, $1.000000000e+00;
	v3 =	vmax.f32 v3, $0.0e+00  }
0xa7: {  	v1 =	vmax.f32 v1, $0.0e+00;
	v2 =	vmin.f32 v2, $1.000000000e+00;
	[tilespmem:s3+$0xFFFFFF80] =	vst v4;
	v3 =	vmin.f32 v3, $1.000000000e+00  }
0xa8: {  	v1 =	vmin.f32 v1, $1.000000000e+00;
	[tilespmem:s3+$0xFFFFFF00] =	vst v2  }
0xa9: {  	[tilespmem:s3+$0x80] =	vst v3  }
0xaa: {  	[tilespmem:s3+$0x0] =	vst v1;
	s3 =	smov.u32 s4  }
0xab: {  	v1 =	vld [tilespmem:s6+$0x0];
	_ =	sdelay $0x4  }
0xac: {  	v1 =	vshll.u32 v1, $0x9  }
0xad: {  	v1 =	vor.u32 s7, v1  }
0xae: {  	v1 =	vor.u32 v0, v1  }
0xaf: {  	v2 =	vor.u32 $0x80, v1;
	v3 =	vor.u32 $0x100, v1;
	v4 =	vor.u32 $0x180, v1;
	_ =	sdelay $0x4  }
0xb0: {  	v4 =	vld.idx.msk [tilespmem:v4+s11+$0x0], $0xffff  }
0xb1: {  	v3 =	vld.idx.msk [tilespmem:v3+s11+$0x0], $0xffff;
	_ =	sdelay $0x4  }
0xb2: {  	v4 =	vmul.f32 $2.000000030e-01, v4  }
0xb3: {  	v3 =	vmul.f32 $2.000000030e-01, v3  }
0xb4: {  	v4 =	vmax.f32 v4, $-4.135166650e+00  }
0xb5: {  	v3 =	vmax.f32 v3, $-4.135166650e+00;
	v4 =	vmin.f32 v4, $4.135166650e+00  }
0xb6: {  	v3 =	vmin.f32 v3, $4.135166650e+00;
	v4 =	vmul.f32 $1.442695020e+00, v4;
	v5 =	vld [tilespmem:s2+$0x0]  }
0xb7: {  	v3 =	vmul.f32 $1.442695020e+00, v3;
	v6 =	vld [tilespmem:s2+$0xFFFFFF00]  }
0xb8: {  	v7 =	vld [tilespmem:s2+$0x80];
	(erf) = vpow2.f32 v4  }
0xb9: {  	v4 =	vld [tilespmem:s2+$0xFFFFFF80];
	(erf) = vpow2.f32 v3  }
0xba: {  	v2 =	vld.idx.msk [tilespmem:v2+s11+$0x0], $0xffff  }
0xbb: {  	v1 =	vld.idx.msk [tilespmem:v1+s11+$0x0], $0xffff;
	_ =	sdelay $0x2  }
0xbc: {  	v3 =	vsub.f32 v7, v4  }
0xbd: {  	v5 =	vsub.f32 v5, v6  }
0xbe: {  	v2 =	vmul.f32 $1.000000010e-01, v2;
	v7 =	vmul.f32 $5.000000000e-01, v3  }
0xbf: {  	v8 =	vmul.f32 $5.000000000e-01, v5;
	v1 =	vmul.f32 $1.000000010e-01, v1;
	v9 =	vpop (erf)  }
.Ltmp0:
0xc0: {  	v2 =	vmul.f32 v3, v2;
	v4 =	vadd.f32 v7, v4;
	v7 =	vmul.f32 v9, v3;
	v3 =	vpop (erf);
	(pc) =	sbr.rel @p0 .LBB2_2-.Ltmp0, $4  }
0xc1: {  	v6 =	vadd.f32 v8, v6;
	v8 =	vmul.f32 v3, v5;
	v5 =	vmul.f32 v5, v1  }
0xc2: {  	v3 =	vmul.f32 $5.000000000e-01, v7;
	v4 =	vadd.f32 v4, v2  }
0xc3: {  	v1 =	vmul.f32 $5.000000000e-01, v8;
	v2 =	vadd.f32 v6, v5  }
0xc4: {  	v5 =	vsub.f32 v4, v3  }
0xc5: {  	v6 =	vsub.f32 v2, v1  }
0xc6: {  	v3 =	vadd.f32 v4, v3;
	v4 =	vmax.f32 v5, $0.0e+00  }
0xc7: {  	v1 =	vadd.f32 v2, v1;
	v2 =	vmax.f32 v6, $0.0e+00;
	v4 =	vmin.f32 v4, $1.000000000e+00  }
0xc8: {  	v3 =	vmax.f32 v3, $0.0e+00;
	v2 =	vmin.f32 v2, $1.000000000e+00;
	[tilespmem:s3+$0xFFFFFF80] =	vst v4  }
0xc9: {  	v1 =	vmax.f32 v1, $0.0e+00;
	v3 =	vmin.f32 v3, $1.000000000e+00;
	[tilespmem:s3+$0xFFFFFF00] =	vst v2  }
0xca: {  	v1 =	vmin.f32 v1, $1.000000000e+00;
	[tilespmem:s3+$0x80] =	vst v3  }
0xcb: {  	s4 =	simm.s32 $0x0;
	s2 =	rddreg [dreg:$0x1a];
	[tilespmem:s3+$0x0] =	vst v1  }
0xcc: {  	[hbm4b:s2+s4] =	stream.linear.scatter [tilespmem:s23], [sflag:$0x4], $0x200, $0x38;
	[tilespmem:$0x1F380] =	vst v63  }
0xcd: {  	_ =	swait.ge [sflag:s24], $0xA200  }
0xce: {  	[sflag:s24] =	ssyncset.done $0x0  }
0xcf: {  	[sflag:s24] =	ssyncadd.s32 $0xFFFF5E00  }
0xd0: {  	_ =	swait.ge [sflag:s24], $0x200  }
0xd1: {  	[sflag:s24] =	ssyncset.done $0x0  }
0xd2: {  	[sflag:s24] =	ssyncadd.s32 $0xFFFFFE00  }
0xd3: {  	_ =	swait.ge [sflag:s24], $0x80  }
0xd4: {  	[sflag:s24] =	ssyncset.done $0x0  }
0xd5: {  	s5 =	rddreg [dreg:$0x8];
	[sflag:s24] =	ssyncadd.s32 $0xFFFFFF80  }
0xd6: {  	[tilespmem:s4], [sflag:$0x1] =	stream.strided.gather [hbm4b:s5+s13], $0xA200, s14, s13, $0x38;
	[tilespmem:$0x1F380] =	vst v63  }
0xd7: {  	s6 =	rddreg [dreg:$0x1f]  }
0xd8: {  	[tilespmem:s15], [sflag:$0x1] =	stream.linear.gather [hbm4b:s6+s4], $0x200, $0x38;
	[tilespmem:$0x1F380] =	vst v63  }
0xd9: {  	s2 =	simm.s32 $0x1E680;
	s7 =	rddreg [dreg:$0x12]  }
0xda: {  	[tilespmem:s25], [sflag:$0x1] =	stream.linear.gather [hbm4b:s7+s4], $0x80, $0x38;
	[tilespmem:$0x1F380] =	vst v63  }
0xdb: {  	v1 =	vld [tilespmem:s2+$0x0];
	_ =	sdelay $0x4  }
0xdc: {  	v1 =	vshll.u32 v1, $0x9  }
0xdd: {  	v1 =	vor.u32 s4, v1  }
0xde: {  	v1 =	vor.u32 v0, v1  }
0xdf: {  	v2 =	vor.u32 $0x180, v1  }
0xe0: {  	v3 =	vor.u32 $0x100, v1;
	_ =	sdelay $0x3  }
0xe1: {  	v2 =	vld.idx.msk [tilespmem:v2+s16+$0x0], $0xffff  }
0xe2: {  	v3 =	vld.idx.msk [tilespmem:v3+s16+$0x0], $0xffff;
	_ =	sdelay $0x3  }
0xe3: {  	v2 =	vmul.f32 $2.000000030e-01, v2  }
0xe4: {  	v3 =	vmul.f32 $2.000000030e-01, v3  }
0xe5: {  	v2 =	vmax.f32 v2, $-4.135166650e+00  }
0xe6: {  	v3 =	vmax.f32 v3, $-4.135166650e+00;
	v2 =	vmin.f32 v2, $4.135166650e+00  }
0xe7: {  	s3 =	simm.s32 $0x1EA80;
	v4 =	vor.u32 $0x80, v1;
	v3 =	vmin.f32 v3, $4.135166650e+00;
	v2 =	vmul.f32 $1.442695020e+00, v2  }
0xe8: {  	v5 =	vld [tilespmem:s3+$0x0];
	v3 =	vmul.f32 $1.442695020e+00, v3  }
0xe9: {  	v6 =	vld [tilespmem:s3+$0x80];
	(erf) = vpow2.f32 v2  }
0xea: {  	v2 =	vld [tilespmem:s3+$0xFFFFFF80];
	(erf) = vpow2.f32 v3  }
0xeb: {  	v3 =	vld [tilespmem:s3+$0xFFFFFF00]  }
0xec: {  	v4 =	vld.idx.msk [tilespmem:v4+s16+$0x0], $0xffff  }
0xed: {  	v1 =	vld.idx.msk [tilespmem:v1+s16+$0x0], $0xffff;
	_ =	sdelay $0x1  }
0xee: {  	v6 =	vsub.f32 v6, v2  }
0xef: {  	v5 =	vsub.f32 v5, v3  }
0xf0: {  	v4 =	vmul.f32 $1.000000010e-01, v4;
	v7 =	vmul.f32 $5.000000000e-01, v6  }
0xf1: {  	v1 =	vmul.f32 $1.000000010e-01, v1;
	v8 =	vmul.f32 $5.000000000e-01, v5;
	v9 =	vpop (erf)  }
0xf2: {  	v4 =	vmul.f32 v6, v4;
	v2 =	vadd.f32 v7, v2;
	v7 =	vmul.f32 v9, v6;
	v6 =	vpop (erf)  }
0xf3: {  	v8 =	vadd.f32 v8, v3;
	v6 =	vmul.f32 v6, v5;
	v5 =	vmul.f32 v5, v1  }
0xf4: {  	v4 =	vadd.f32 v2, v4;
	v3 =	vmul.f32 $5.000000000e-01, v7  }
0xf5: {  	v1 =	vmul.f32 $5.000000000e-01, v6;
	v2 =	vadd.f32 v8, v5  }
0xf6: {  	s5 =	simm.s32 $0x1F080;
	s6 =	simm.s32 $0x10;
	s4 =	simm.s32 $0x1F080;
	v5 =	vsub.f32 v4, v3  }
.LBB2_4:
0xf7: {  	v6 =	vsub.f32 v2, v1;
	v3 =	vadd.f32 v4, v3;
	s2 =	sadd.s32 $0x10, s2;
	s3 =	sadd.s32 $0x10, s3;
	s5 =	sadd.s32 $0x10, s5  }
0xf8: {  	p0 =	sne.s32 s6, $0x70;
	v1 =	vadd.f32 v2, v1;
	s7 =	smov.u32 s6;
	s6 =	sadd.s32 $0x10, s6;
	v4 =	vmax.f32 v5, $0.0e+00  }
0xf9: {  	v2 =	vmax.f32 v6, $0.0e+00;
	v4 =	vmin.f32 v4, $1.000000000e+00;
	v3 =	vmax.f32 v3, $0.0e+00  }
0xfa: {  	v1 =	vmax.f32 v1, $0.0e+00;
	v2 =	vmin.f32 v2, $1.000000000e+00;
	[tilespmem:s4+$0xFFFFFF80] =	vst v4;
	v3 =	vmin.f32 v3, $1.000000000e+00  }
0xfb: {  	v1 =	vmin.f32 v1, $1.000000000e+00;
	[tilespmem:s4+$0xFFFFFF00] =	vst v2  }
0xfc: {  	[tilespmem:s4+$0x80] =	vst v3  }
0xfd: {  	[tilespmem:s4+$0x0] =	vst v1;
	s4 =	smov.u32 s5  }
0xfe: {  	v1 =	vld [tilespmem:s2+$0x0];
	_ =	sdelay $0x4  }
0xff: {  	v1 =	vshll.u32 v1, $0x9  }
0x100: {  	v1 =	vor.u32 s7, v1  }
0x101: {  	v1 =	vor.u32 v0, v1  }
0x102: {  	v2 =	vor.u32 $0x80, v1;
	v3 =	vor.u32 $0x100, v1;
	v4 =	vor.u32 $0x180, v1;
	_ =	sdelay $0x4  }
0x103: {  	v4 =	vld.idx.msk [tilespmem:v4+s16+$0x0], $0xffff  }
0x104: {  	v3 =	vld.idx.msk [tilespmem:v3+s16+$0x0], $0xffff;
	_ =	sdelay $0x4  }
0x105: {  	v4 =	vmul.f32 $2.000000030e-01, v4  }
0x106: {  	v3 =	vmul.f32 $2.000000030e-01, v3  }
0x107: {  	v4 =	vmax.f32 v4, $-4.135166650e+00  }
0x108: {  	v3 =	vmax.f32 v3, $-4.135166650e+00;
	v4 =	vmin.f32 v4, $4.135166650e+00  }
0x109: {  	v3 =	vmin.f32 v3, $4.135166650e+00;
	v4 =	vmul.f32 $1.442695020e+00, v4;
	v5 =	vld [tilespmem:s3+$0x0]  }
0x10a: {  	v3 =	vmul.f32 $1.442695020e+00, v3;
	v6 =	vld [tilespmem:s3+$0xFFFFFF00]  }
0x10b: {  	v7 =	vld [tilespmem:s3+$0x80];
	(erf) = vpow2.f32 v4  }
0x10c: {  	v4 =	vld [tilespmem:s3+$0xFFFFFF80];
	(erf) = vpow2.f32 v3  }
0x10d: {  	v2 =	vld.idx.msk [tilespmem:v2+s16+$0x0], $0xffff  }
0x10e: {  	v1 =	vld.idx.msk [tilespmem:v1+s16+$0x0], $0xffff;
	_ =	sdelay $0x2  }
0x10f: {  	v3 =	vsub.f32 v7, v4  }
0x110: {  	v5 =	vsub.f32 v5, v6  }
0x111: {  	v2 =	vmul.f32 $1.000000010e-01, v2;
	v7 =	vmul.f32 $5.000000000e-01, v3  }
0x112: {  	v8 =	vmul.f32 $5.000000000e-01, v5;
	v1 =	vmul.f32 $1.000000010e-01, v1;
	v9 =	vpop (erf)  }
.Ltmp1:
0x113: {  	v2 =	vmul.f32 v3, v2;
	v4 =	vadd.f32 v7, v4;
	v7 =	vmul.f32 v9, v3;
	v3 =	vpop (erf);
	(pc) =	sbr.rel @p0 .LBB2_4-.Ltmp1, $4  }
0x114: {  	v6 =	vadd.f32 v8, v6;
	v8 =	vmul.f32 v3, v5;
	v5 =	vmul.f32 v5, v1  }
0x115: {  	v3 =	vmul.f32 $5.000000000e-01, v7;
	v4 =	vadd.f32 v4, v2  }
0x116: {  	v1 =	vmul.f32 $5.000000000e-01, v8;
	v2 =	vadd.f32 v6, v5  }
0x117: {  	v5 =	vsub.f32 v4, v3  }
0x118: {  	v6 =	vsub.f32 v2, v1  }
0x119: {  	v3 =	vadd.f32 v4, v3;
	v4 =	vmax.f32 v5, $0.0e+00  }
0x11a: {  	v1 =	vadd.f32 v2, v1;
	v2 =	vmax.f32 v6, $0.0e+00;
	v4 =	vmin.f32 v4, $1.000000000e+00  }
0x11b: {  	v3 =	vmax.f32 v3, $0.0e+00;
	v2 =	vmin.f32 v2, $1.000000000e+00;
	[tilespmem:s4+$0xFFFFFF80] =	vst v4  }
0x11c: {  	v1 =	vmax.f32 v1, $0.0e+00;
	v3 =	vmin.f32 v3, $1.000000000e+00;
	[tilespmem:s4+$0xFFFFFF00] =	vst v2  }
0x11d: {  	v1 =	vmin.f32 v1, $1.000000000e+00;
	[tilespmem:s4+$0x80] =	vst v3  }
0x11e: {  	s3 =	simm.s32 $0x0;
	s2 =	rddreg [dreg:$0x1c];
	[tilespmem:s4+$0x0] =	vst v1  }
0x11f: {  	[hbm4b:s2+s3] =	stream.linear.scatter [tilespmem:s26], [sflag:$0x5], $0x200, $0x38;
	[tilespmem:$0x1F380] =	vst v63  }
0x120: {  	_ =	swait.ge [sflag:s28], $0xA200  }
0x121: {  	[sflag:s28] =	ssyncset.done $0x0  }
0x122: {  	[sflag:s28] =	ssyncadd.s32 $0xFFFF5E00  }
0x123: {  	_ =	swait.ge [sflag:s28], $0x200  }
0x124: {  	[sflag:s28] =	ssyncset.done $0x0  }
0x125: {  	[sflag:s28] =	ssyncadd.s32 $0xFFFFFE00  }
0x126: {  	_ =	swait.ge [sflag:s28], $0x80  }
0x127: {  	[sflag:s28] =	ssyncset.done $0x0;
	s5 =	rddreg [dreg:$0x9]  }
0x128: {  	s6 =	sld [smem:$0x7F4];
	[sflag:s28] =	ssyncadd.s32 $0xFFFFFF80  }
0x129: {  	[tilespmem:s16], [sflag:$0x2] =	stream.strided.gather [hbm4b:s5+s13], $0xA200, s14, s13, $0x38;
	[tilespmem:$0x1F380] =	vst v63  }
0x12a: {  	_ = 	snop  }
0x12b: {  	[tilespmem:s17], [sflag:$0x2] =	stream.linear.gather [hbm4b:s6+s3], $0x200, $0x38;
	[tilespmem:$0x1F380] =	vst v63  }
0x12c: {  	s2 =	simm.s32 $0x1E700;
	s7 =	rddreg [dreg:$0x13]  }
0x12d: {  	[tilespmem:s18], [sflag:$0x2] =	stream.linear.gather [hbm4b:s7+s3], $0x80, $0x38;
	[tilespmem:$0x1F380] =	vst v63  }
0x12e: {  	v1 =	vld [tilespmem:s2+$0x0];
	_ =	sdelay $0x4  }
0x12f: {  	v1 =	vshll.u32 v1, $0x9  }
0x130: {  	v1 =	vor.u32 s3, v1  }
0x131: {  	v1 =	vor.u32 v0, v1  }
0x132: {  	v2 =	vor.u32 $0x180, v1  }
0x133: {  	v3 =	vor.u32 $0x100, v1;
	_ =	sdelay $0x3  }
0x134: {  	v2 =	vld.idx.msk [tilespmem:v2+s20+$0x0], $0xffff  }
0x135: {  	v3 =	vld.idx.msk [tilespmem:v3+s20+$0x0], $0xffff;
	_ =	sdelay $0x3  }
0x136: {  	v2 =	vmul.f32 $2.000000030e-01, v2  }
0x137: {  	v3 =	vmul.f32 $2.000000030e-01, v3  }
0x138: {  	v2 =	vmax.f32 v2, $-4.135166650e+00  }
0x139: {  	v3 =	vmax.f32 v3, $-4.135166650e+00;
	v2 =	vmin.f32 v2, $4.135166650e+00  }
0x13a: {  	s3 =	simm.s32 $0x1EC80;
	v4 =	vor.u32 $0x80, v1;
	v3 =	vmin.f32 v3, $4.135166650e+00;
	v2 =	vmul.f32 $1.442695020e+00, v2  }
0x13b: {  	v5 =	vld [tilespmem:s3+$0x0];
	v3 =	vmul.f32 $1.442695020e+00, v3  }
0x13c: {  	v6 =	vld [tilespmem:s3+$0x80];
	(erf) = vpow2.f32 v2  }
0x13d: {  	v2 =	vld [tilespmem:s3+$0xFFFFFF80];
	(erf) = vpow2.f32 v3  }
0x13e: {  	v3 =	vld [tilespmem:s3+$0xFFFFFF00]  }
0x13f: {  	v4 =	vld.idx.msk [tilespmem:v4+s20+$0x0], $0xffff  }
0x140: {  	v1 =	vld.idx.msk [tilespmem:v1+s20+$0x0], $0xffff;
	_ =	sdelay $0x1  }
0x141: {  	v6 =	vsub.f32 v6, v2  }
0x142: {  	v5 =	vsub.f32 v5, v3  }
0x143: {  	v4 =	vmul.f32 $1.000000010e-01, v4;
	v7 =	vmul.f32 $5.000000000e-01, v6  }
0x144: {  	v1 =	vmul.f32 $1.000000010e-01, v1;
	v8 =	vmul.f32 $5.000000000e-01, v5;
	v9 =	vpop (erf)  }
0x145: {  	v4 =	vmul.f32 v6, v4;
	v2 =	vadd.f32 v7, v2;
	v7 =	vmul.f32 v9, v6;
	v6 =	vpop (erf)  }
0x146: {  	v8 =	vadd.f32 v8, v3;
	v6 =	vmul.f32 v6, v5;
	v5 =	vmul.f32 v5, v1  }
0x147: {  	v4 =	vadd.f32 v2, v4;
	v3 =	vmul.f32 $5.000000000e-01, v7  }
0x148: {  	v1 =	vmul.f32 $5.000000000e-01, v6;
	v2 =	vadd.f32 v8, v5  }
0x149: {  	s4 =	simm.s32 $0x1F280;
	s5 =	simm.s32 $0x1F280;
	s6 =	simm.s32 $0x10;
	v5 =	vsub.f32 v4, v3  }
.LBB2_6:
0x14a: {  	v6 =	vsub.f32 v2, v1;
	v3 =	vadd.f32 v4, v3;
	s2 =	sadd.s32 $0x10, s2;
	s3 =	sadd.s32 $0x10, s3;
	s5 =	sadd.s32 $0x10, s5  }
0x14b: {  	p0 =	sne.s32 s6, $0x70;
	v1 =	vadd.f32 v2, v1;
	s7 =	smov.u32 s6;
	s6 =	sadd.s32 $0x10, s6;
	v4 =	vmax.f32 v5, $0.0e+00  }
0x14c: {  	v2 =	vmax.f32 v6, $0.0e+00;
	v4 =	vmin.f32 v4, $1.000000000e+00;
	v3 =	vmax.f32 v3, $0.0e+00  }
0x14d: {  	v1 =	vmax.f32 v1, $0.0e+00;
	v2 =	vmin.f32 v2, $1.000000000e+00;
	[tilespmem:s4+$0xFFFFFF80] =	vst v4;
	v3 =	vmin.f32 v3, $1.000000000e+00  }
0x14e: {  	v1 =	vmin.f32 v1, $1.000000000e+00;
	[tilespmem:s4+$0xFFFFFF00] =	vst v2  }
0x14f: {  	[tilespmem:s4+$0x80] =	vst v3  }
0x150: {  	[tilespmem:s4+$0x0] =	vst v1;
	s4 =	smov.u32 s5  }
0x151: {  	v1 =	vld [tilespmem:s2+$0x0];
	_ =	sdelay $0x4  }
0x152: {  	v1 =	vshll.u32 v1, $0x9  }
0x153: {  	v1 =	vor.u32 s7, v1  }
0x154: {  	v1 =	vor.u32 v0, v1  }
0x155: {  	v2 =	vor.u32 $0x80, v1;
	v3 =	vor.u32 $0x100, v1;
	v4 =	vor.u32 $0x180, v1;
	_ =	sdelay $0x4  }
0x156: {  	v4 =	vld.idx.msk [tilespmem:v4+s20+$0x0], $0xffff  }
0x157: {  	v3 =	vld.idx.msk [tilespmem:v3+s20+$0x0], $0xffff;
	_ =	sdelay $0x4  }
0x158: {  	v4 =	vmul.f32 $2.000000030e-01, v4  }
0x159: {  	v3 =	vmul.f32 $2.000000030e-01, v3  }
0x15a: {  	v4 =	vmax.f32 v4, $-4.135166650e+00  }
0x15b: {  	v3 =	vmax.f32 v3, $-4.135166650e+00;
	v4 =	vmin.f32 v4, $4.135166650e+00  }
0x15c: {  	v3 =	vmin.f32 v3, $4.135166650e+00;
	v4 =	vmul.f32 $1.442695020e+00, v4;
	v5 =	vld [tilespmem:s3+$0x0]  }
0x15d: {  	v3 =	vmul.f32 $1.442695020e+00, v3;
	v6 =	vld [tilespmem:s3+$0xFFFFFF00]  }
0x15e: {  	v7 =	vld [tilespmem:s3+$0x80];
	(erf) = vpow2.f32 v4  }
0x15f: {  	v4 =	vld [tilespmem:s3+$0xFFFFFF80];
	(erf) = vpow2.f32 v3  }
0x160: {  	v2 =	vld.idx.msk [tilespmem:v2+s20+$0x0], $0xffff  }
0x161: {  	v1 =	vld.idx.msk [tilespmem:v1+s20+$0x0], $0xffff;
	_ =	sdelay $0x2  }
0x162: {  	v3 =	vsub.f32 v7, v4  }
0x163: {  	v5 =	vsub.f32 v5, v6  }
0x164: {  	v2 =	vmul.f32 $1.000000010e-01, v2;
	v7 =	vmul.f32 $5.000000000e-01, v3  }
0x165: {  	v8 =	vmul.f32 $5.000000000e-01, v5;
	v1 =	vmul.f32 $1.000000010e-01, v1;
	v9 =	vpop (erf)  }
.Ltmp2:
0x166: {  	v2 =	vmul.f32 v3, v2;
	v4 =	vadd.f32 v7, v4;
	v7 =	vmul.f32 v9, v3;
	v3 =	vpop (erf);
	(pc) =	sbr.rel @p0 .LBB2_6-.Ltmp2, $4  }
0x167: {  	v6 =	vadd.f32 v8, v6;
	v8 =	vmul.f32 v3, v5;
	v5 =	vmul.f32 v5, v1  }
0x168: {  	v3 =	vmul.f32 $5.000000000e-01, v7;
	v4 =	vadd.f32 v4, v2  }
0x169: {  	v1 =	vmul.f32 $5.000000000e-01, v8;
	v2 =	vadd.f32 v6, v5  }
0x16a: {  	v5 =	vsub.f32 v4, v3  }
0x16b: {  	v6 =	vsub.f32 v2, v1  }
0x16c: {  	v3 =	vadd.f32 v4, v3;
	v4 =	vmax.f32 v5, $0.0e+00  }
0x16d: {  	v1 =	vadd.f32 v2, v1;
	v2 =	vmax.f32 v6, $0.0e+00;
	v4 =	vmin.f32 v4, $1.000000000e+00  }
0x16e: {  	v3 =	vmax.f32 v3, $0.0e+00;
	v2 =	vmin.f32 v2, $1.000000000e+00;
	[tilespmem:s4+$0xFFFFFF80] =	vst v4  }
0x16f: {  	v1 =	vmax.f32 v1, $0.0e+00;
	v3 =	vmin.f32 v3, $1.000000000e+00;
	[tilespmem:s4+$0xFFFFFF00] =	vst v2  }
0x170: {  	v1 =	vmin.f32 v1, $1.000000000e+00;
	[tilespmem:s4+$0x80] =	vst v3  }
0x171: {  	s3 =	simm.s32 $0x0;
	s2 =	rddreg [dreg:$0x1e];
	[tilespmem:s4+$0x0] =	vst v1  }
0x172: {  	[hbm4b:s2+s3] =	stream.linear.scatter [tilespmem:s29], [sflag:$0x6], $0x200, $0x38;
	[tilespmem:$0x1F380] =	vst v63  }
0x173: {  	_ =	swait.ge [sflag:s30], $0x200  }
0x174: {  	[sflag:s30] =	ssyncset.done $0x0  }
0x175: {  	[sflag:s30] =	ssyncadd.s32 $0xFFFFFE00  }
0x176: {  	_ =	swait.ge [sflag:s19], $0xA200  }
0x177: {  	[sflag:s19] =	ssyncset.done $0x0  }
0x178: {  	[sflag:s19] =	ssyncadd.s32 $0xFFFF5E00  }
0x179: {  	_ =	swait.ge [sflag:s19], $0x200  }
0x17a: {  	[sflag:s19] =	ssyncset.done $0x0  }
0x17b: {  	[sflag:s19] =	ssyncadd.s32 $0xFFFFFE00  }
0x17c: {  	_ =	swait.ge [sflag:s19], $0x80  }
0x17d: {  	[sflag:s19] =	ssyncset.done $0x0;
	s5 =	rddreg [dreg:$0xa]  }
0x17e: {  	s6 =	sld [smem:$0x7F6];
	[sflag:s19] =	ssyncadd.s32 $0xFFFFFF80  }
0x17f: {  	[tilespmem:s20], [sflag:$0x3] =	stream.strided.gather [hbm4b:s5+s13], $0xA200, s14, s13, $0x38;
	[tilespmem:$0x1F380] =	vst v63  }
0x180: {  	_ = 	snop  }
0x181: {  	[tilespmem:s21], [sflag:$0x3] =	stream.linear.gather [hbm4b:s6+s3], $0x200, $0x38;
	[tilespmem:$0x1F380] =	vst v63  }
0x182: {  	s2 =	simm.s32 $0x1E600;
	s7 =	rddreg [dreg:$0x14]  }
0x183: {  	[tilespmem:s22], [sflag:$0x3] =	stream.linear.gather [hbm4b:s7+s3], $0x80, $0x38;
	[tilespmem:$0x1F380] =	vst v63  }
0x184: {  	v1 =	vld [tilespmem:s2+$0x0];
	_ =	sdelay $0x4  }
0x185: {  	v1 =	vshll.u32 v1, $0x9  }
0x186: {  	v1 =	vor.u32 s3, v1  }
0x187: {  	v1 =	vor.u32 v0, v1  }
0x188: {  	v2 =	vor.u32 $0x180, v1  }
0x189: {  	v3 =	vor.u32 $0x100, v1;
	_ =	sdelay $0x3  }
0x18a: {  	v2 =	vld.idx.msk [tilespmem:v2+s11+$0x0], $0xffff  }
0x18b: {  	v3 =	vld.idx.msk [tilespmem:v3+s11+$0x0], $0xffff;
	_ =	sdelay $0x3  }
0x18c: {  	v2 =	vmul.f32 $2.000000030e-01, v2  }
0x18d: {  	v3 =	vmul.f32 $2.000000030e-01, v3  }
0x18e: {  	v2 =	vmax.f32 v2, $-4.135166650e+00  }
0x18f: {  	v3 =	vmax.f32 v3, $-4.135166650e+00;
	v2 =	vmin.f32 v2, $4.135166650e+00  }
0x190: {  	s3 =	simm.s32 $0x1E880;
	v4 =	vor.u32 $0x80, v1;
	v3 =	vmin.f32 v3, $4.135166650e+00;
	v2 =	vmul.f32 $1.442695020e+00, v2  }
0x191: {  	v5 =	vld [tilespmem:s3+$0x0];
	v3 =	vmul.f32 $1.442695020e+00, v3  }
0x192: {  	v6 =	vld [tilespmem:s3+$0x80];
	(erf) = vpow2.f32 v2  }
0x193: {  	v2 =	vld [tilespmem:s3+$0xFFFFFF80];
	(erf) = vpow2.f32 v3  }
0x194: {  	v3 =	vld [tilespmem:s3+$0xFFFFFF00]  }
0x195: {  	v4 =	vld.idx.msk [tilespmem:v4+s11+$0x0], $0xffff  }
0x196: {  	v1 =	vld.idx.msk [tilespmem:v1+s11+$0x0], $0xffff;
	_ =	sdelay $0x1  }
0x197: {  	v6 =	vsub.f32 v6, v2  }
0x198: {  	v5 =	vsub.f32 v5, v3  }
0x199: {  	v4 =	vmul.f32 $1.000000010e-01, v4;
	v7 =	vmul.f32 $5.000000000e-01, v6  }
0x19a: {  	v1 =	vmul.f32 $1.000000010e-01, v1;
	v8 =	vmul.f32 $5.000000000e-01, v5;
	v9 =	vpop (erf)  }
0x19b: {  	v4 =	vmul.f32 v6, v4;
	v2 =	vadd.f32 v7, v2;
	v7 =	vmul.f32 v9, v6;
	v6 =	vpop (erf)  }
0x19c: {  	v8 =	vadd.f32 v8, v3;
	v6 =	vmul.f32 v6, v5;
	v5 =	vmul.f32 v5, v1  }
0x19d: {  	v4 =	vadd.f32 v2, v4;
	v3 =	vmul.f32 $5.000000000e-01, v7  }
0x19e: {  	v1 =	vmul.f32 $5.000000000e-01, v6;
	v2 =	vadd.f32 v8, v5  }
0x19f: {  	s4 =	simm.s32 $0x1EE80;
	s5 =	simm.s32 $0x1EE80;
	s6 =	simm.s32 $0x10;
	v5 =	vsub.f32 v4, v3  }
.LBB2_8:
0x1a0: {  	v6 =	vsub.f32 v2, v1;
	v3 =	vadd.f32 v4, v3;
	s2 =	sadd.s32 $0x10, s2;
	s3 =	sadd.s32 $0x10, s3;
	s5 =	sadd.s32 $0x10, s5  }
0x1a1: {  	p0 =	sne.s32 s6, $0x70;
	v1 =	vadd.f32 v2, v1;
	s7 =	smov.u32 s6;
	s6 =	sadd.s32 $0x10, s6;
	v4 =	vmax.f32 v5, $0.0e+00  }
0x1a2: {  	v2 =	vmax.f32 v6, $0.0e+00;
	v4 =	vmin.f32 v4, $1.000000000e+00;
	v3 =	vmax.f32 v3, $0.0e+00  }
0x1a3: {  	v1 =	vmax.f32 v1, $0.0e+00;
	v2 =	vmin.f32 v2, $1.000000000e+00;
	[tilespmem:s4+$0xFFFFFF80] =	vst v4;
	v3 =	vmin.f32 v3, $1.000000000e+00  }
0x1a4: {  	v1 =	vmin.f32 v1, $1.000000000e+00;
	[tilespmem:s4+$0xFFFFFF00] =	vst v2  }
0x1a5: {  	[tilespmem:s4+$0x80] =	vst v3  }
0x1a6: {  	[tilespmem:s4+$0x0] =	vst v1;
	s4 =	smov.u32 s5  }
0x1a7: {  	v1 =	vld [tilespmem:s2+$0x0];
	_ =	sdelay $0x4  }
0x1a8: {  	v1 =	vshll.u32 v1, $0x9  }
0x1a9: {  	v1 =	vor.u32 s7, v1  }
0x1aa: {  	v1 =	vor.u32 v0, v1  }
0x1ab: {  	v2 =	vor.u32 $0x80, v1;
	v3 =	vor.u32 $0x100, v1;
	v4 =	vor.u32 $0x180, v1;
	_ =	sdelay $0x4  }
0x1ac: {  	v4 =	vld.idx.msk [tilespmem:v4+s11+$0x0], $0xffff  }
0x1ad: {  	v3 =	vld.idx.msk [tilespmem:v3+s11+$0x0], $0xffff;
	_ =	sdelay $0x4  }
0x1ae: {  	v4 =	vmul.f32 $2.000000030e-01, v4  }
0x1af: {  	v3 =	vmul.f32 $2.000000030e-01, v3  }
0x1b0: {  	v4 =	vmax.f32 v4, $-4.135166650e+00  }
0x1b1: {  	v3 =	vmax.f32 v3, $-4.135166650e+00;
	v4 =	vmin.f32 v4, $4.135166650e+00  }
0x1b2: {  	v3 =	vmin.f32 v3, $4.135166650e+00;
	v4 =	vmul.f32 $1.442695020e+00, v4;
	v5 =	vld [tilespmem:s3+$0x0]  }
0x1b3: {  	v3 =	vmul.f32 $1.442695020e+00, v3;
	v6 =	vld [tilespmem:s3+$0xFFFFFF00]  }
0x1b4: {  	v7 =	vld [tilespmem:s3+$0x80];
	(erf) = vpow2.f32 v4  }
0x1b5: {  	v4 =	vld [tilespmem:s3+$0xFFFFFF80];
	(erf) = vpow2.f32 v3  }
0x1b6: {  	v2 =	vld.idx.msk [tilespmem:v2+s11+$0x0], $0xffff  }
0x1b7: {  	v1 =	vld.idx.msk [tilespmem:v1+s11+$0x0], $0xffff;
	_ =	sdelay $0x2  }
0x1b8: {  	v3 =	vsub.f32 v7, v4  }
0x1b9: {  	v5 =	vsub.f32 v5, v6  }
0x1ba: {  	v2 =	vmul.f32 $1.000000010e-01, v2;
	v7 =	vmul.f32 $5.000000000e-01, v3  }
0x1bb: {  	v8 =	vmul.f32 $5.000000000e-01, v5;
	v1 =	vmul.f32 $1.000000010e-01, v1;
	v9 =	vpop (erf)  }
.Ltmp3:
0x1bc: {  	v2 =	vmul.f32 v3, v2;
	v4 =	vadd.f32 v7, v4;
	v7 =	vmul.f32 v9, v3;
	v3 =	vpop (erf);
	(pc) =	sbr.rel @p0 .LBB2_8-.Ltmp3, $4  }
0x1bd: {  	v6 =	vadd.f32 v8, v6;
	v8 =	vmul.f32 v3, v5;
	v5 =	vmul.f32 v5, v1  }
0x1be: {  	v3 =	vmul.f32 $5.000000000e-01, v7;
	v4 =	vadd.f32 v4, v2  }
0x1bf: {  	v1 =	vmul.f32 $5.000000000e-01, v8;
	v2 =	vadd.f32 v6, v5  }
0x1c0: {  	v5 =	vsub.f32 v4, v3  }
0x1c1: {  	v6 =	vsub.f32 v2, v1  }
0x1c2: {  	v3 =	vadd.f32 v4, v3;
	v4 =	vmax.f32 v5, $0.0e+00  }
0x1c3: {  	v1 =	vadd.f32 v2, v1;
	v2 =	vmax.f32 v6, $0.0e+00;
	v4 =	vmin.f32 v4, $1.000000000e+00  }
0x1c4: {  	v3 =	vmax.f32 v3, $0.0e+00;
	v2 =	vmin.f32 v2, $1.000000000e+00;
	[tilespmem:s4+$0xFFFFFF80] =	vst v4  }
0x1c5: {  	s2 =	sld [smem:$0x7F3];
	v1 =	vmax.f32 v1, $0.0e+00;
	v3 =	vmin.f32 v3, $1.000000000e+00;
	[tilespmem:s4+$0xFFFFFF00] =	vst v2  }
0x1c6: {  	v1 =	vmin.f32 v1, $1.000000000e+00;
	[tilespmem:s4+$0x80] =	vst v3  }
0x1c7: {  	s3 =	simm.s32 $0x0;
	[tilespmem:s4+$0x0] =	vst v1  }
0x1c8: {  	[hbm4b:s2+s3] =	stream.linear.scatter [tilespmem:s23], [sflag:$0x4], $0x200, $0x38;
	[tilespmem:$0x1F380] =	vst v63  }
0x1c9: {  	_ =	swait.ge [sflag:s31], $0x200  }
0x1ca: {  	[sflag:s31] =	ssyncset.done $0x0  }
0x1cb: {  	[sflag:s31] =	ssyncadd.s32 $0xFFFFFE00  }
0x1cc: {  	_ =	swait.ge [sflag:s24], $0xA200  }
0x1cd: {  	[sflag:s24] =	ssyncset.done $0x0  }
0x1ce: {  	[sflag:s24] =	ssyncadd.s32 $0xFFFF5E00  }
0x1cf: {  	_ =	swait.ge [sflag:s24], $0x200  }
0x1d0: {  	[sflag:s24] =	ssyncset.done $0x0  }
0x1d1: {  	[sflag:s24] =	ssyncadd.s32 $0xFFFFFE00  }
0x1d2: {  	_ =	swait.ge [sflag:s24], $0x80  }
0x1d3: {  	[sflag:s24] =	ssyncset.done $0x0;
	s5 =	rddreg [dreg:$0xb]  }
0x1d4: {  	s6 =	sld [smem:$0x7F8];
	[sflag:s24] =	ssyncadd.s32 $0xFFFFFF80  }
0x1d5: {  	[tilespmem:s3], [sflag:$0x1] =	stream.strided.gather [hbm4b:s5+s13], $0xA200, s14, s13, $0x38;
	[tilespmem:$0x1F380] =	vst v63  }
0x1d6: {  	_ = 	snop  }
0x1d7: {  	[tilespmem:s15], [sflag:$0x1] =	stream.linear.gather [hbm4b:s6+s3], $0x200, $0x38;
	[tilespmem:$0x1F380] =	vst v63  }
0x1d8: {  	s2 =	simm.s32 $0x1E680;
	s7 =	rddreg [dreg:$0x15]  }
0x1d9: {  	[tilespmem:s25], [sflag:$0x1] =	stream.linear.gather [hbm4b:s7+s3], $0x80, $0x38;
	[tilespmem:$0x1F380] =	vst v63  }
0x1da: {  	v1 =	vld [tilespmem:s2+$0x0];
	_ =	sdelay $0x4  }
0x1db: {  	v1 =	vshll.u32 v1, $0x9  }
0x1dc: {  	v1 =	vor.u32 s3, v1  }
0x1dd: {  	v1 =	vor.u32 v0, v1  }
0x1de: {  	v2 =	vor.u32 $0x180, v1  }
0x1df: {  	v3 =	vor.u32 $0x100, v1;
	_ =	sdelay $0x3  }
0x1e0: {  	v2 =	vld.idx.msk [tilespmem:v2+s16+$0x0], $0xffff  }
0x1e1: {  	v3 =	vld.idx.msk [tilespmem:v3+s16+$0x0], $0xffff;
	_ =	sdelay $0x3  }
0x1e2: {  	v2 =	vmul.f32 $2.000000030e-01, v2  }
0x1e3: {  	v3 =	vmul.f32 $2.000000030e-01, v3  }
0x1e4: {  	v2 =	vmax.f32 v2, $-4.135166650e+00  }
0x1e5: {  	v3 =	vmax.f32 v3, $-4.135166650e+00;
	v2 =	vmin.f32 v2, $4.135166650e+00  }
0x1e6: {  	s3 =	simm.s32 $0x1EA80;
	v4 =	vor.u32 $0x80, v1;
	v3 =	vmin.f32 v3, $4.135166650e+00;
	v2 =	vmul.f32 $1.442695020e+00, v2  }
0x1e7: {  	v5 =	vld [tilespmem:s3+$0x0];
	v3 =	vmul.f32 $1.442695020e+00, v3  }
0x1e8: {  	v6 =	vld [tilespmem:s3+$0x80];
	(erf) = vpow2.f32 v2  }
0x1e9: {  	v2 =	vld [tilespmem:s3+$0xFFFFFF80];
	(erf) = vpow2.f32 v3  }
0x1ea: {  	v3 =	vld [tilespmem:s3+$0xFFFFFF00]  }
0x1eb: {  	v4 =	vld.idx.msk [tilespmem:v4+s16+$0x0], $0xffff  }
0x1ec: {  	v1 =	vld.idx.msk [tilespmem:v1+s16+$0x0], $0xffff;
	_ =	sdelay $0x1  }
0x1ed: {  	v6 =	vsub.f32 v6, v2  }
0x1ee: {  	v5 =	vsub.f32 v5, v3  }
0x1ef: {  	v4 =	vmul.f32 $1.000000010e-01, v4;
	v7 =	vmul.f32 $5.000000000e-01, v6  }
0x1f0: {  	v1 =	vmul.f32 $1.000000010e-01, v1;
	v8 =	vmul.f32 $5.000000000e-01, v5;
	v9 =	vpop (erf)  }
0x1f1: {  	v4 =	vmul.f32 v6, v4;
	v2 =	vadd.f32 v7, v2;
	v7 =	vmul.f32 v9, v6;
	v6 =	vpop (erf)  }
0x1f2: {  	v8 =	vadd.f32 v8, v3;
	v6 =	vmul.f32 v6, v5;
	v5 =	vmul.f32 v5, v1  }
0x1f3: {  	v4 =	vadd.f32 v2, v4;
	v3 =	vmul.f32 $5.000000000e-01, v7  }
0x1f4: {  	v1 =	vmul.f32 $5.000000000e-01, v6;
	v2 =	vadd.f32 v8, v5  }
0x1f5: {  	s4 =	simm.s32 $0x1F080;
	s5 =	simm.s32 $0x1F080;
	s6 =	simm.s32 $0x10;
	v5 =	vsub.f32 v4, v3  }
.LBB2_10:
0x1f6: {  	v6 =	vsub.f32 v2, v1;
	v3 =	vadd.f32 v4, v3;
	s2 =	sadd.s32 $0x10, s2;
	s3 =	sadd.s32 $0x10, s3;
	s5 =	sadd.s32 $0x10, s5  }
0x1f7: {  	p0 =	sne.s32 s6, $0x70;
	v1 =	vadd.f32 v2, v1;
	s7 =	smov.u32 s6;
	s6 =	sadd.s32 $0x10, s6;
	v4 =	vmax.f32 v5, $0.0e+00  }
0x1f8: {  	v2 =	vmax.f32 v6, $0.0e+00;
	v4 =	vmin.f32 v4, $1.000000000e+00;
	v3 =	vmax.f32 v3, $0.0e+00  }
0x1f9: {  	v1 =	vmax.f32 v1, $0.0e+00;
	v2 =	vmin.f32 v2, $1.000000000e+00;
	[tilespmem:s4+$0xFFFFFF80] =	vst v4;
	v3 =	vmin.f32 v3, $1.000000000e+00  }
0x1fa: {  	v1 =	vmin.f32 v1, $1.000000000e+00;
	[tilespmem:s4+$0xFFFFFF00] =	vst v2  }
0x1fb: {  	[tilespmem:s4+$0x80] =	vst v3  }
0x1fc: {  	[tilespmem:s4+$0x0] =	vst v1;
	s4 =	smov.u32 s5  }
0x1fd: {  	v1 =	vld [tilespmem:s2+$0x0];
	_ =	sdelay $0x4  }
0x1fe: {  	v1 =	vshll.u32 v1, $0x9  }
0x1ff: {  	v1 =	vor.u32 s7, v1  }
0x200: {  	v1 =	vor.u32 v0, v1  }
0x201: {  	v2 =	vor.u32 $0x80, v1;
	v3 =	vor.u32 $0x100, v1;
	v4 =	vor.u32 $0x180, v1;
	_ =	sdelay $0x4  }
0x202: {  	v4 =	vld.idx.msk [tilespmem:v4+s16+$0x0], $0xffff  }
0x203: {  	v3 =	vld.idx.msk [tilespmem:v3+s16+$0x0], $0xffff;
	_ =	sdelay $0x4  }
0x204: {  	v4 =	vmul.f32 $2.000000030e-01, v4  }
0x205: {  	v3 =	vmul.f32 $2.000000030e-01, v3  }
0x206: {  	v4 =	vmax.f32 v4, $-4.135166650e+00  }
0x207: {  	v3 =	vmax.f32 v3, $-4.135166650e+00;
	v4 =	vmin.f32 v4, $4.135166650e+00  }
0x208: {  	v3 =	vmin.f32 v3, $4.135166650e+00;
	v4 =	vmul.f32 $1.442695020e+00, v4;
	v5 =	vld [tilespmem:s3+$0x0]  }
0x209: {  	v3 =	vmul.f32 $1.442695020e+00, v3;
	v6 =	vld [tilespmem:s3+$0xFFFFFF00]  }
0x20a: {  	v7 =	vld [tilespmem:s3+$0x80];
	(erf) = vpow2.f32 v4  }
0x20b: {  	v4 =	vld [tilespmem:s3+$0xFFFFFF80];
	(erf) = vpow2.f32 v3  }
0x20c: {  	v2 =	vld.idx.msk [tilespmem:v2+s16+$0x0], $0xffff  }
0x20d: {  	v1 =	vld.idx.msk [tilespmem:v1+s16+$0x0], $0xffff;
	_ =	sdelay $0x2  }
0x20e: {  	v3 =	vsub.f32 v7, v4  }
0x20f: {  	v5 =	vsub.f32 v5, v6  }
0x210: {  	v2 =	vmul.f32 $1.000000010e-01, v2;
	v7 =	vmul.f32 $5.000000000e-01, v3  }
0x211: {  	v8 =	vmul.f32 $5.000000000e-01, v5;
	v1 =	vmul.f32 $1.000000010e-01, v1;
	v9 =	vpop (erf)  }
.Ltmp4:
0x212: {  	v2 =	vmul.f32 v3, v2;
	v4 =	vadd.f32 v7, v4;
	v7 =	vmul.f32 v9, v3;
	v3 =	vpop (erf);
	(pc) =	sbr.rel @p0 .LBB2_10-.Ltmp4, $4  }
0x213: {  	v6 =	vadd.f32 v8, v6;
	v8 =	vmul.f32 v3, v5;
	v5 =	vmul.f32 v5, v1  }
0x214: {  	v3 =	vmul.f32 $5.000000000e-01, v7;
	v4 =	vadd.f32 v4, v2  }
0x215: {  	v1 =	vmul.f32 $5.000000000e-01, v8;
	v2 =	vadd.f32 v6, v5  }
0x216: {  	v5 =	vsub.f32 v4, v3  }
0x217: {  	v6 =	vsub.f32 v2, v1  }
0x218: {  	v3 =	vadd.f32 v4, v3;
	v4 =	vmax.f32 v5, $0.0e+00  }
0x219: {  	v1 =	vadd.f32 v2, v1;
	v2 =	vmax.f32 v6, $0.0e+00;
	v4 =	vmin.f32 v4, $1.000000000e+00  }
0x21a: {  	v3 =	vmax.f32 v3, $0.0e+00;
	v2 =	vmin.f32 v2, $1.000000000e+00;
	[tilespmem:s4+$0xFFFFFF80] =	vst v4  }
0x21b: {  	s2 =	sld [smem:$0x7F5];
	v1 =	vmax.f32 v1, $0.0e+00;
	v3 =	vmin.f32 v3, $1.000000000e+00;
	[tilespmem:s4+$0xFFFFFF00] =	vst v2  }
0x21c: {  	v1 =	vmin.f32 v1, $1.000000000e+00;
	[tilespmem:s4+$0x80] =	vst v3  }
0x21d: {  	s3 =	simm.s32 $0x0;
	[tilespmem:s4+$0x0] =	vst v1  }
0x21e: {  	[hbm4b:s2+s3] =	stream.linear.scatter [tilespmem:s26], [sflag:$0x5], $0x200, $0x38;
	[tilespmem:$0x1F380] =	vst v63  }
0x21f: {  	_ =	swait.ge [sflag:s0], $0x200  }
0x220: {  	[sflag:s0] =	ssyncset.done $0x0  }
0x221: {  	[sflag:s0] =	ssyncadd.s32 $0xFFFFFE00  }
0x222: {  	_ =	swait.ge [sflag:s28], $0xA200  }
0x223: {  	[sflag:s28] =	ssyncset.done $0x0  }
0x224: {  	[sflag:s28] =	ssyncadd.s32 $0xFFFF5E00  }
0x225: {  	_ =	swait.ge [sflag:s28], $0x200  }
0x226: {  	[sflag:s28] =	ssyncset.done $0x0  }
0x227: {  	[sflag:s28] =	ssyncadd.s32 $0xFFFFFE00  }
0x228: {  	_ =	swait.ge [sflag:s28], $0x80  }
0x229: {  	[sflag:s28] =	ssyncset.done $0x0;
	s5 =	rddreg [dreg:$0xc]  }
0x22a: {  	s6 =	sld [smem:$0x7FA];
	[sflag:s28] =	ssyncadd.s32 $0xFFFFFF80  }
0x22b: {  	[tilespmem:s16], [sflag:$0x2] =	stream.strided.gather [hbm4b:s5+s13], $0xA200, s14, s13, $0x38;
	[tilespmem:$0x1F380] =	vst v63  }
0x22c: {  	_ = 	snop  }
0x22d: {  	[tilespmem:s17], [sflag:$0x2] =	stream.linear.gather [hbm4b:s6+s3], $0x200, $0x38;
	[tilespmem:$0x1F380] =	vst v63  }
0x22e: {  	s2 =	simm.s32 $0x1E700;
	s7 =	rddreg [dreg:$0x16]  }
0x22f: {  	[tilespmem:s18], [sflag:$0x2] =	stream.linear.gather [hbm4b:s7+s3], $0x80, $0x38;
	[tilespmem:$0x1F380] =	vst v63  }
0x230: {  	v1 =	vld [tilespmem:s2+$0x0];
	_ =	sdelay $0x4  }
0x231: {  	v1 =	vshll.u32 v1, $0x9  }
0x232: {  	v1 =	vor.u32 s3, v1  }
0x233: {  	v1 =	vor.u32 v0, v1  }
0x234: {  	v2 =	vor.u32 $0x180, v1  }
0x235: {  	v3 =	vor.u32 $0x100, v1;
	_ =	sdelay $0x3  }
0x236: {  	v2 =	vld.idx.msk [tilespmem:v2+s20+$0x0], $0xffff  }
0x237: {  	v3 =	vld.idx.msk [tilespmem:v3+s20+$0x0], $0xffff;
	_ =	sdelay $0x3  }
0x238: {  	v2 =	vmul.f32 $2.000000030e-01, v2  }
0x239: {  	v3 =	vmul.f32 $2.000000030e-01, v3  }
0x23a: {  	v2 =	vmax.f32 v2, $-4.135166650e+00  }
0x23b: {  	v3 =	vmax.f32 v3, $-4.135166650e+00;
	v2 =	vmin.f32 v2, $4.135166650e+00  }
0x23c: {  	s3 =	simm.s32 $0x1EC80;
	v4 =	vor.u32 $0x80, v1;
	v3 =	vmin.f32 v3, $4.135166650e+00;
	v2 =	vmul.f32 $1.442695020e+00, v2  }
0x23d: {  	v5 =	vld [tilespmem:s3+$0x0];
	v3 =	vmul.f32 $1.442695020e+00, v3  }
0x23e: {  	v6 =	vld [tilespmem:s3+$0x80];
	(erf) = vpow2.f32 v2  }
0x23f: {  	v2 =	vld [tilespmem:s3+$0xFFFFFF80];
	(erf) = vpow2.f32 v3  }
0x240: {  	v3 =	vld [tilespmem:s3+$0xFFFFFF00]  }
0x241: {  	v4 =	vld.idx.msk [tilespmem:v4+s20+$0x0], $0xffff  }
0x242: {  	v1 =	vld.idx.msk [tilespmem:v1+s20+$0x0], $0xffff;
	_ =	sdelay $0x1  }
0x243: {  	v6 =	vsub.f32 v6, v2  }
0x244: {  	v5 =	vsub.f32 v5, v3  }
0x245: {  	v4 =	vmul.f32 $1.000000010e-01, v4;
	v7 =	vmul.f32 $5.000000000e-01, v6  }
0x246: {  	v1 =	vmul.f32 $1.000000010e-01, v1;
	v8 =	vmul.f32 $5.000000000e-01, v5;
	v9 =	vpop (erf)  }
0x247: {  	v4 =	vmul.f32 v6, v4;
	v2 =	vadd.f32 v7, v2;
	v7 =	vmul.f32 v9, v6;
	v6 =	vpop (erf)  }
0x248: {  	v8 =	vadd.f32 v8, v3;
	v6 =	vmul.f32 v6, v5;
	v5 =	vmul.f32 v5, v1  }
0x249: {  	v4 =	vadd.f32 v2, v4;
	v3 =	vmul.f32 $5.000000000e-01, v7  }
0x24a: {  	v1 =	vmul.f32 $5.000000000e-01, v6;
	v2 =	vadd.f32 v8, v5  }
0x24b: {  	s4 =	simm.s32 $0x1F280;
	s5 =	simm.s32 $0x1F280;
	s6 =	simm.s32 $0x10;
	v5 =	vsub.f32 v4, v3  }
.LBB2_12:
0x24c: {  	v6 =	vsub.f32 v2, v1;
	v3 =	vadd.f32 v4, v3;
	s2 =	sadd.s32 $0x10, s2;
	s3 =	sadd.s32 $0x10, s3;
	s5 =	sadd.s32 $0x10, s5  }
0x24d: {  	p0 =	sne.s32 s6, $0x70;
	v1 =	vadd.f32 v2, v1;
	s7 =	smov.u32 s6;
	s6 =	sadd.s32 $0x10, s6;
	v4 =	vmax.f32 v5, $0.0e+00  }
0x24e: {  	v2 =	vmax.f32 v6, $0.0e+00;
	v4 =	vmin.f32 v4, $1.000000000e+00;
	v3 =	vmax.f32 v3, $0.0e+00  }
0x24f: {  	v1 =	vmax.f32 v1, $0.0e+00;
	v2 =	vmin.f32 v2, $1.000000000e+00;
	[tilespmem:s4+$0xFFFFFF80] =	vst v4;
	v3 =	vmin.f32 v3, $1.000000000e+00  }
0x250: {  	v1 =	vmin.f32 v1, $1.000000000e+00;
	[tilespmem:s4+$0xFFFFFF00] =	vst v2  }
0x251: {  	[tilespmem:s4+$0x80] =	vst v3  }
0x252: {  	[tilespmem:s4+$0x0] =	vst v1;
	s4 =	smov.u32 s5  }
0x253: {  	v1 =	vld [tilespmem:s2+$0x0];
	_ =	sdelay $0x4  }
0x254: {  	v1 =	vshll.u32 v1, $0x9  }
0x255: {  	v1 =	vor.u32 s7, v1  }
0x256: {  	v1 =	vor.u32 v0, v1  }
0x257: {  	v2 =	vor.u32 $0x80, v1;
	v3 =	vor.u32 $0x100, v1;
	v4 =	vor.u32 $0x180, v1;
	_ =	sdelay $0x4  }
0x258: {  	v4 =	vld.idx.msk [tilespmem:v4+s20+$0x0], $0xffff  }
0x259: {  	v3 =	vld.idx.msk [tilespmem:v3+s20+$0x0], $0xffff;
	_ =	sdelay $0x4  }
0x25a: {  	v4 =	vmul.f32 $2.000000030e-01, v4  }
0x25b: {  	v3 =	vmul.f32 $2.000000030e-01, v3  }
0x25c: {  	v4 =	vmax.f32 v4, $-4.135166650e+00  }
0x25d: {  	v3 =	vmax.f32 v3, $-4.135166650e+00;
	v4 =	vmin.f32 v4, $4.135166650e+00  }
0x25e: {  	v3 =	vmin.f32 v3, $4.135166650e+00;
	v4 =	vmul.f32 $1.442695020e+00, v4;
	v5 =	vld [tilespmem:s3+$0x0]  }
0x25f: {  	v3 =	vmul.f32 $1.442695020e+00, v3;
	v6 =	vld [tilespmem:s3+$0xFFFFFF00]  }
0x260: {  	v7 =	vld [tilespmem:s3+$0x80];
	(erf) = vpow2.f32 v4  }
0x261: {  	v4 =	vld [tilespmem:s3+$0xFFFFFF80];
	(erf) = vpow2.f32 v3  }
0x262: {  	v2 =	vld.idx.msk [tilespmem:v2+s20+$0x0], $0xffff  }
0x263: {  	v1 =	vld.idx.msk [tilespmem:v1+s20+$0x0], $0xffff;
	_ =	sdelay $0x2  }
0x264: {  	v3 =	vsub.f32 v7, v4  }
0x265: {  	v5 =	vsub.f32 v5, v6  }
0x266: {  	v2 =	vmul.f32 $1.000000010e-01, v2;
	v7 =	vmul.f32 $5.000000000e-01, v3  }
0x267: {  	v8 =	vmul.f32 $5.000000000e-01, v5;
	v1 =	vmul.f32 $1.000000010e-01, v1;
	v9 =	vpop (erf)  }
.Ltmp5:
0x268: {  	v2 =	vmul.f32 v3, v2;
	v4 =	vadd.f32 v7, v4;
	v7 =	vmul.f32 v9, v3;
	v3 =	vpop (erf);
	(pc) =	sbr.rel @p0 .LBB2_12-.Ltmp5, $4  }
0x269: {  	v6 =	vadd.f32 v8, v6;
	v8 =	vmul.f32 v3, v5;
	v5 =	vmul.f32 v5, v1  }
0x26a: {  	v3 =	vmul.f32 $5.000000000e-01, v7;
	v4 =	vadd.f32 v4, v2  }
0x26b: {  	v1 =	vmul.f32 $5.000000000e-01, v8;
	v2 =	vadd.f32 v6, v5  }
0x26c: {  	v5 =	vsub.f32 v4, v3  }
0x26d: {  	v6 =	vsub.f32 v2, v1  }
0x26e: {  	v3 =	vadd.f32 v4, v3;
	v4 =	vmax.f32 v5, $0.0e+00  }
0x26f: {  	v1 =	vadd.f32 v2, v1;
	v2 =	vmax.f32 v6, $0.0e+00;
	v4 =	vmin.f32 v4, $1.000000000e+00  }
0x270: {  	v3 =	vmax.f32 v3, $0.0e+00;
	v2 =	vmin.f32 v2, $1.000000000e+00;
	[tilespmem:s4+$0xFFFFFF80] =	vst v4  }
0x271: {  	s2 =	sld [smem:$0x7F7];
	v1 =	vmax.f32 v1, $0.0e+00;
	v3 =	vmin.f32 v3, $1.000000000e+00;
	[tilespmem:s4+$0xFFFFFF00] =	vst v2  }
0x272: {  	v1 =	vmin.f32 v1, $1.000000000e+00;
	[tilespmem:s4+$0x80] =	vst v3  }
0x273: {  	s3 =	simm.s32 $0x0;
	[tilespmem:s4+$0x0] =	vst v1  }
0x274: {  	[hbm4b:s2+s3] =	stream.linear.scatter [tilespmem:s29], [sflag:$0x6], $0x200, $0x38;
	[tilespmem:$0x1F380] =	vst v63  }
0x275: {  	_ =	swait.ge [sflag:s30], $0x200  }
0x276: {  	[sflag:s30] =	ssyncset.done $0x0  }
0x277: {  	[sflag:s30] =	ssyncadd.s32 $0xFFFFFE00  }
0x278: {  	_ =	swait.ge [sflag:s19], $0xA200  }
0x279: {  	[sflag:s19] =	ssyncset.done $0x0  }
0x27a: {  	[sflag:s19] =	ssyncadd.s32 $0xFFFF5E00  }
0x27b: {  	_ =	swait.ge [sflag:s19], $0x200  }
0x27c: {  	[sflag:s19] =	ssyncset.done $0x0  }
0x27d: {  	[sflag:s19] =	ssyncadd.s32 $0xFFFFFE00  }
0x27e: {  	_ =	swait.ge [sflag:s19], $0x80  }
0x27f: {  	[sflag:s19] =	ssyncset.done $0x0;
	s5 =	rddreg [dreg:$0xd]  }
0x280: {  	s6 =	sld [smem:$0x7FB];
	[sflag:s19] =	ssyncadd.s32 $0xFFFFFF80  }
0x281: {  	[tilespmem:s20], [sflag:$0x3] =	stream.strided.gather [hbm4b:s5+s13], $0xA200, s14, s13, $0x38;
	[tilespmem:$0x1F380] =	vst v63  }
0x282: {  	_ = 	snop  }
0x283: {  	[tilespmem:s21], [sflag:$0x3] =	stream.linear.gather [hbm4b:s6+s3], $0x200, $0x38;
	[tilespmem:$0x1F380] =	vst v63  }
0x284: {  	s2 =	simm.s32 $0x1E600;
	s7 =	rddreg [dreg:$0x17]  }
0x285: {  	[tilespmem:s22], [sflag:$0x3] =	stream.linear.gather [hbm4b:s7+s3], $0x80, $0x38;
	[tilespmem:$0x1F380] =	vst v63  }
0x286: {  	v1 =	vld [tilespmem:s2+$0x0];
	_ =	sdelay $0x4  }
0x287: {  	v1 =	vshll.u32 v1, $0x9  }
0x288: {  	v1 =	vor.u32 s3, v1  }
0x289: {  	v1 =	vor.u32 v0, v1  }
0x28a: {  	v2 =	vor.u32 $0x180, v1  }
0x28b: {  	v3 =	vor.u32 $0x100, v1;
	_ =	sdelay $0x3  }
0x28c: {  	v2 =	vld.idx.msk [tilespmem:v2+s11+$0x0], $0xffff  }
0x28d: {  	v3 =	vld.idx.msk [tilespmem:v3+s11+$0x0], $0xffff;
	_ =	sdelay $0x3  }
0x28e: {  	v2 =	vmul.f32 $2.000000030e-01, v2  }
0x28f: {  	v3 =	vmul.f32 $2.000000030e-01, v3  }
0x290: {  	v2 =	vmax.f32 v2, $-4.135166650e+00  }
0x291: {  	v3 =	vmax.f32 v3, $-4.135166650e+00;
	v2 =	vmin.f32 v2, $4.135166650e+00  }
0x292: {  	s3 =	simm.s32 $0x1E880;
	v4 =	vor.u32 $0x80, v1;
	v3 =	vmin.f32 v3, $4.135166650e+00;
	v2 =	vmul.f32 $1.442695020e+00, v2  }
0x293: {  	v5 =	vld [tilespmem:s3+$0x0];
	v3 =	vmul.f32 $1.442695020e+00, v3  }
0x294: {  	v6 =	vld [tilespmem:s3+$0x80];
	(erf) = vpow2.f32 v2  }
0x295: {  	v2 =	vld [tilespmem:s3+$0xFFFFFF80];
	(erf) = vpow2.f32 v3  }
0x296: {  	v3 =	vld [tilespmem:s3+$0xFFFFFF00]  }
0x297: {  	v4 =	vld.idx.msk [tilespmem:v4+s11+$0x0], $0xffff  }
0x298: {  	v1 =	vld.idx.msk [tilespmem:v1+s11+$0x0], $0xffff;
	_ =	sdelay $0x1  }
0x299: {  	v6 =	vsub.f32 v6, v2  }
0x29a: {  	v5 =	vsub.f32 v5, v3  }
0x29b: {  	v4 =	vmul.f32 $1.000000010e-01, v4;
	v7 =	vmul.f32 $5.000000000e-01, v6  }
0x29c: {  	v1 =	vmul.f32 $1.000000010e-01, v1;
	v8 =	vmul.f32 $5.000000000e-01, v5;
	v9 =	vpop (erf)  }
0x29d: {  	v4 =	vmul.f32 v6, v4;
	v2 =	vadd.f32 v7, v2;
	v7 =	vmul.f32 v9, v6;
	v6 =	vpop (erf)  }
0x29e: {  	v8 =	vadd.f32 v8, v3;
	v6 =	vmul.f32 v6, v5;
	v5 =	vmul.f32 v5, v1  }
0x29f: {  	v4 =	vadd.f32 v2, v4;
	v3 =	vmul.f32 $5.000000000e-01, v7  }
0x2a0: {  	v1 =	vmul.f32 $5.000000000e-01, v6;
	v2 =	vadd.f32 v8, v5  }
0x2a1: {  	s4 =	simm.s32 $0x1EE80;
	s5 =	simm.s32 $0x1EE80;
	s6 =	simm.s32 $0x10;
	v5 =	vsub.f32 v4, v3  }
.LBB2_14:
0x2a2: {  	v6 =	vsub.f32 v2, v1;
	v3 =	vadd.f32 v4, v3;
	s2 =	sadd.s32 $0x10, s2;
	s3 =	sadd.s32 $0x10, s3;
	s5 =	sadd.s32 $0x10, s5  }
0x2a3: {  	p0 =	sne.s32 s6, $0x70;
	v1 =	vadd.f32 v2, v1;
	s7 =	smov.u32 s6;
	s6 =	sadd.s32 $0x10, s6;
	v4 =	vmax.f32 v5, $0.0e+00  }
0x2a4: {  	v2 =	vmax.f32 v6, $0.0e+00;
	v4 =	vmin.f32 v4, $1.000000000e+00;
	v3 =	vmax.f32 v3, $0.0e+00  }
0x2a5: {  	v1 =	vmax.f32 v1, $0.0e+00;
	v2 =	vmin.f32 v2, $1.000000000e+00;
	[tilespmem:s4+$0xFFFFFF80] =	vst v4;
	v3 =	vmin.f32 v3, $1.000000000e+00  }
0x2a6: {  	v1 =	vmin.f32 v1, $1.000000000e+00;
	[tilespmem:s4+$0xFFFFFF00] =	vst v2  }
0x2a7: {  	[tilespmem:s4+$0x80] =	vst v3  }
0x2a8: {  	[tilespmem:s4+$0x0] =	vst v1;
	s4 =	smov.u32 s5  }
0x2a9: {  	v1 =	vld [tilespmem:s2+$0x0];
	_ =	sdelay $0x4  }
0x2aa: {  	v1 =	vshll.u32 v1, $0x9  }
0x2ab: {  	v1 =	vor.u32 s7, v1  }
0x2ac: {  	v1 =	vor.u32 v0, v1  }
0x2ad: {  	v2 =	vor.u32 $0x80, v1;
	v3 =	vor.u32 $0x100, v1;
	v4 =	vor.u32 $0x180, v1;
	_ =	sdelay $0x4  }
0x2ae: {  	v4 =	vld.idx.msk [tilespmem:v4+s11+$0x0], $0xffff  }
0x2af: {  	v3 =	vld.idx.msk [tilespmem:v3+s11+$0x0], $0xffff;
	_ =	sdelay $0x4  }
0x2b0: {  	v4 =	vmul.f32 $2.000000030e-01, v4  }
0x2b1: {  	v3 =	vmul.f32 $2.000000030e-01, v3  }
0x2b2: {  	v4 =	vmax.f32 v4, $-4.135166650e+00  }
0x2b3: {  	v3 =	vmax.f32 v3, $-4.135166650e+00;
	v4 =	vmin.f32 v4, $4.135166650e+00  }
0x2b4: {  	v3 =	vmin.f32 v3, $4.135166650e+00;
	v4 =	vmul.f32 $1.442695020e+00, v4;
	v5 =	vld [tilespmem:s3+$0x0]  }
0x2b5: {  	v3 =	vmul.f32 $1.442695020e+00, v3;
	v6 =	vld [tilespmem:s3+$0xFFFFFF00]  }
0x2b6: {  	v7 =	vld [tilespmem:s3+$0x80];
	(erf) = vpow2.f32 v4  }
0x2b7: {  	v4 =	vld [tilespmem:s3+$0xFFFFFF80];
	(erf) = vpow2.f32 v3  }
0x2b8: {  	v2 =	vld.idx.msk [tilespmem:v2+s11+$0x0], $0xffff  }
0x2b9: {  	v1 =	vld.idx.msk [tilespmem:v1+s11+$0x0], $0xffff;
	_ =	sdelay $0x2  }
0x2ba: {  	v3 =	vsub.f32 v7, v4  }
0x2bb: {  	v5 =	vsub.f32 v5, v6  }
0x2bc: {  	v2 =	vmul.f32 $1.000000010e-01, v2;
	v7 =	vmul.f32 $5.000000000e-01, v3  }
0x2bd: {  	v8 =	vmul.f32 $5.000000000e-01, v5;
	v1 =	vmul.f32 $1.000000010e-01, v1;
	v9 =	vpop (erf)  }
.Ltmp6:
0x2be: {  	v2 =	vmul.f32 v3, v2;
	v4 =	vadd.f32 v7, v4;
	v7 =	vmul.f32 v9, v3;
	v3 =	vpop (erf);
	(pc) =	sbr.rel @p0 .LBB2_14-.Ltmp6, $4  }
0x2bf: {  	v6 =	vadd.f32 v8, v6;
	v8 =	vmul.f32 v3, v5;
	v5 =	vmul.f32 v5, v1  }
0x2c0: {  	v3 =	vmul.f32 $5.000000000e-01, v7;
	v4 =	vadd.f32 v4, v2  }
0x2c1: {  	v1 =	vmul.f32 $5.000000000e-01, v8;
	v2 =	vadd.f32 v6, v5  }
0x2c2: {  	v5 =	vsub.f32 v4, v3  }
0x2c3: {  	v6 =	vsub.f32 v2, v1  }
0x2c4: {  	v3 =	vadd.f32 v4, v3;
	v4 =	vmax.f32 v5, $0.0e+00  }
0x2c5: {  	v1 =	vadd.f32 v2, v1;
	v2 =	vmax.f32 v6, $0.0e+00;
	v4 =	vmin.f32 v4, $1.000000000e+00  }
0x2c6: {  	v3 =	vmax.f32 v3, $0.0e+00;
	v2 =	vmin.f32 v2, $1.000000000e+00;
	[tilespmem:s4+$0xFFFFFF80] =	vst v4  }
0x2c7: {  	s2 =	sld [smem:$0x7F9];
	v1 =	vmax.f32 v1, $0.0e+00;
	v3 =	vmin.f32 v3, $1.000000000e+00;
	[tilespmem:s4+$0xFFFFFF00] =	vst v2  }
0x2c8: {  	v1 =	vmin.f32 v1, $1.000000000e+00;
	[tilespmem:s4+$0x80] =	vst v3  }
0x2c9: {  	s3 =	simm.s32 $0x0;
	[tilespmem:s4+$0x0] =	vst v1  }
0x2ca: {  	[hbm4b:s2+s3] =	stream.linear.scatter [tilespmem:s23], [sflag:$0x4], $0x200, $0x38;
	[tilespmem:$0x1F380] =	vst v63  }
0x2cb: {  	_ =	swait.ge [sflag:s31], $0x200  }
0x2cc: {  	[sflag:s31] =	ssyncset.done $0x0  }
0x2cd: {  	[sflag:s31] =	ssyncadd.s32 $0xFFFFFE00  }
0x2ce: {  	_ =	swait.ge [sflag:s24], $0xA200  }
0x2cf: {  	[sflag:s24] =	ssyncset.done $0x0  }
0x2d0: {  	[sflag:s24] =	ssyncadd.s32 $0xFFFF5E00  }
0x2d1: {  	_ =	swait.ge [sflag:s24], $0x200  }
0x2d2: {  	[sflag:s24] =	ssyncset.done $0x0  }
0x2d3: {  	[sflag:s24] =	ssyncadd.s32 $0xFFFFFE00  }
0x2d4: {  	_ =	swait.ge [sflag:s24], $0x80  }
0x2d5: {  	[sflag:s24] =	ssyncset.done $0x0;
	s5 =	rddreg [dreg:$0xe]  }
0x2d6: {  	s6 =	sld [smem:$0x7FC];
	[sflag:s24] =	ssyncadd.s32 $0xFFFFFF80  }
0x2d7: {  	[tilespmem:s3], [sflag:$0x1] =	stream.strided.gather [hbm4b:s5+s13], $0xA200, s14, s13, $0x38;
	[tilespmem:$0x1F380] =	vst v63  }
0x2d8: {  	_ = 	snop  }
0x2d9: {  	[tilespmem:s15], [sflag:$0x1] =	stream.linear.gather [hbm4b:s6+s3], $0x200, $0x38;
	[tilespmem:$0x1F380] =	vst v63  }
0x2da: {  	s2 =	simm.s32 $0x1E680;
	s7 =	rddreg [dreg:$0x18]  }
0x2db: {  	[tilespmem:s25], [sflag:$0x1] =	stream.linear.gather [hbm4b:s7+s3], $0x80, $0x38;
	[tilespmem:$0x1F380] =	vst v63  }
0x2dc: {  	v1 =	vld [tilespmem:s2+$0x0];
	_ =	sdelay $0x4  }
0x2dd: {  	v1 =	vshll.u32 v1, $0x9  }
0x2de: {  	v1 =	vor.u32 s3, v1  }
0x2df: {  	v1 =	vor.u32 v0, v1  }
0x2e0: {  	v2 =	vor.u32 $0x180, v1  }
0x2e1: {  	v3 =	vor.u32 $0x100, v1;
	_ =	sdelay $0x3  }
0x2e2: {  	v2 =	vld.idx.msk [tilespmem:v2+s16+$0x0], $0xffff  }
0x2e3: {  	v3 =	vld.idx.msk [tilespmem:v3+s16+$0x0], $0xffff;
	_ =	sdelay $0x3  }
0x2e4: {  	v2 =	vmul.f32 $2.000000030e-01, v2  }
0x2e5: {  	v3 =	vmul.f32 $2.000000030e-01, v3  }
0x2e6: {  	v2 =	vmax.f32 v2, $-4.135166650e+00  }
0x2e7: {  	v3 =	vmax.f32 v3, $-4.135166650e+00;
	v2 =	vmin.f32 v2, $4.135166650e+00  }
0x2e8: {  	s3 =	simm.s32 $0x1EA80;
	v4 =	vor.u32 $0x80, v1;
	v3 =	vmin.f32 v3, $4.135166650e+00;
	v2 =	vmul.f32 $1.442695020e+00, v2  }
0x2e9: {  	v5 =	vld [tilespmem:s3+$0x0];
	v3 =	vmul.f32 $1.442695020e+00, v3  }
0x2ea: {  	v6 =	vld [tilespmem:s3+$0x80];
	(erf) = vpow2.f32 v2  }
0x2eb: {  	v2 =	vld [tilespmem:s3+$0xFFFFFF80];
	(erf) = vpow2.f32 v3  }
0x2ec: {  	v3 =	vld [tilespmem:s3+$0xFFFFFF00]  }
0x2ed: {  	v4 =	vld.idx.msk [tilespmem:v4+s16+$0x0], $0xffff  }
0x2ee: {  	v1 =	vld.idx.msk [tilespmem:v1+s16+$0x0], $0xffff;
	_ =	sdelay $0x1  }
0x2ef: {  	v6 =	vsub.f32 v6, v2  }
0x2f0: {  	v5 =	vsub.f32 v5, v3  }
0x2f1: {  	v4 =	vmul.f32 $1.000000010e-01, v4;
	v7 =	vmul.f32 $5.000000000e-01, v6  }
0x2f2: {  	v1 =	vmul.f32 $1.000000010e-01, v1;
	v8 =	vmul.f32 $5.000000000e-01, v5;
	v9 =	vpop (erf)  }
0x2f3: {  	v4 =	vmul.f32 v6, v4;
	v2 =	vadd.f32 v7, v2;
	v7 =	vmul.f32 v9, v6;
	v6 =	vpop (erf)  }
0x2f4: {  	v8 =	vadd.f32 v8, v3;
	v6 =	vmul.f32 v6, v5;
	v5 =	vmul.f32 v5, v1  }
0x2f5: {  	v4 =	vadd.f32 v2, v4;
	v3 =	vmul.f32 $5.000000000e-01, v7  }
0x2f6: {  	v1 =	vmul.f32 $5.000000000e-01, v6;
	v2 =	vadd.f32 v8, v5  }
0x2f7: {  	s4 =	simm.s32 $0x1F080;
	s5 =	simm.s32 $0x1F080;
	s6 =	simm.s32 $0x10;
	v5 =	vsub.f32 v4, v3  }
.LBB2_16:
0x2f8: {  	v6 =	vsub.f32 v2, v1;
	v3 =	vadd.f32 v4, v3;
	s2 =	sadd.s32 $0x10, s2;
	s3 =	sadd.s32 $0x10, s3;
	s5 =	sadd.s32 $0x10, s5  }
0x2f9: {  	p0 =	sne.s32 s6, $0x70;
	v1 =	vadd.f32 v2, v1;
	s7 =	smov.u32 s6;
	s6 =	sadd.s32 $0x10, s6;
	v4 =	vmax.f32 v5, $0.0e+00  }
0x2fa: {  	v2 =	vmax.f32 v6, $0.0e+00;
	v4 =	vmin.f32 v4, $1.000000000e+00;
	v3 =	vmax.f32 v3, $0.0e+00  }
0x2fb: {  	v1 =	vmax.f32 v1, $0.0e+00;
	v2 =	vmin.f32 v2, $1.000000000e+00;
	[tilespmem:s4+$0xFFFFFF80] =	vst v4;
	v3 =	vmin.f32 v3, $1.000000000e+00  }
0x2fc: {  	v1 =	vmin.f32 v1, $1.000000000e+00;
	[tilespmem:s4+$0xFFFFFF00] =	vst v2  }
0x2fd: {  	[tilespmem:s4+$0x80] =	vst v3  }
0x2fe: {  	[tilespmem:s4+$0x0] =	vst v1;
	s4 =	smov.u32 s5  }
0x2ff: {  	v1 =	vld [tilespmem:s2+$0x0];
	_ =	sdelay $0x4  }
0x300: {  	v1 =	vshll.u32 v1, $0x9  }
0x301: {  	v1 =	vor.u32 s7, v1  }
0x302: {  	v1 =	vor.u32 v0, v1  }
0x303: {  	v2 =	vor.u32 $0x80, v1;
	v3 =	vor.u32 $0x100, v1;
	v4 =	vor.u32 $0x180, v1;
	_ =	sdelay $0x4  }
0x304: {  	v4 =	vld.idx.msk [tilespmem:v4+s16+$0x0], $0xffff  }
0x305: {  	v3 =	vld.idx.msk [tilespmem:v3+s16+$0x0], $0xffff;
	_ =	sdelay $0x4  }
0x306: {  	v4 =	vmul.f32 $2.000000030e-01, v4  }
0x307: {  	v3 =	vmul.f32 $2.000000030e-01, v3  }
0x308: {  	v4 =	vmax.f32 v4, $-4.135166650e+00  }
0x309: {  	v3 =	vmax.f32 v3, $-4.135166650e+00;
	v4 =	vmin.f32 v4, $4.135166650e+00  }
0x30a: {  	v3 =	vmin.f32 v3, $4.135166650e+00;
	v4 =	vmul.f32 $1.442695020e+00, v4;
	v5 =	vld [tilespmem:s3+$0x0]  }
0x30b: {  	v3 =	vmul.f32 $1.442695020e+00, v3;
	v6 =	vld [tilespmem:s3+$0xFFFFFF00]  }
0x30c: {  	v7 =	vld [tilespmem:s3+$0x80];
	(erf) = vpow2.f32 v4  }
0x30d: {  	v4 =	vld [tilespmem:s3+$0xFFFFFF80];
	(erf) = vpow2.f32 v3  }
0x30e: {  	v2 =	vld.idx.msk [tilespmem:v2+s16+$0x0], $0xffff  }
0x30f: {  	v1 =	vld.idx.msk [tilespmem:v1+s16+$0x0], $0xffff;
	_ =	sdelay $0x2  }
0x310: {  	v3 =	vsub.f32 v7, v4  }
0x311: {  	v5 =	vsub.f32 v5, v6  }
0x312: {  	v2 =	vmul.f32 $1.000000010e-01, v2;
	v7 =	vmul.f32 $5.000000000e-01, v3  }
0x313: {  	v8 =	vmul.f32 $5.000000000e-01, v5;
	v1 =	vmul.f32 $1.000000010e-01, v1;
	v9 =	vpop (erf)  }
.Ltmp7:
0x314: {  	v2 =	vmul.f32 v3, v2;
	v4 =	vadd.f32 v7, v4;
	v7 =	vmul.f32 v9, v3;
	v3 =	vpop (erf);
	(pc) =	sbr.rel @p0 .LBB2_16-.Ltmp7, $4  }
0x315: {  	v6 =	vadd.f32 v8, v6;
	v8 =	vmul.f32 v3, v5;
	v5 =	vmul.f32 v5, v1  }
0x316: {  	v3 =	vmul.f32 $5.000000000e-01, v7;
	v4 =	vadd.f32 v4, v2  }
0x317: {  	v1 =	vmul.f32 $5.000000000e-01, v8;
	v2 =	vadd.f32 v6, v5  }
0x318: {  	v5 =	vsub.f32 v4, v3  }
0x319: {  	v6 =	vsub.f32 v2, v1  }
0x31a: {  	v3 =	vadd.f32 v4, v3;
	v4 =	vmax.f32 v5, $0.0e+00  }
0x31b: {  	v1 =	vadd.f32 v2, v1;
	v2 =	vmax.f32 v6, $0.0e+00;
	v4 =	vmin.f32 v4, $1.000000000e+00  }
0x31c: {  	v3 =	vmax.f32 v3, $0.0e+00;
	v2 =	vmin.f32 v2, $1.000000000e+00;
	[tilespmem:s4+$0xFFFFFF80] =	vst v4  }
0x31d: {  	v1 =	vmax.f32 v1, $0.0e+00;
	v3 =	vmin.f32 v3, $1.000000000e+00;
	[tilespmem:s4+$0xFFFFFF00] =	vst v2  }
0x31e: {  	v1 =	vmin.f32 v1, $1.000000000e+00;
	[tilespmem:s4+$0x80] =	vst v3  }
0x31f: {  	s3 =	simm.s32 $0x0;
	[tilespmem:s4+$0x0] =	vst v1  }
0x320: {  	[hbm4b:s8+s3] =	stream.linear.scatter [tilespmem:s26], [sflag:$0x5], $0x200, $0x38;
	[tilespmem:$0x1F380] =	vst v63  }
0x321: {  	_ =	swait.ge [sflag:s0], $0x200  }
0x322: {  	[sflag:s0] =	ssyncset.done $0x0  }
0x323: {  	[sflag:s0] =	ssyncadd.s32 $0xFFFFFE00  }
0x324: {  	_ =	swait.ge [sflag:s28], $0xA200  }
0x325: {  	[sflag:s28] =	ssyncset.done $0x0  }
0x326: {  	[sflag:s28] =	ssyncadd.s32 $0xFFFF5E00  }
0x327: {  	_ =	swait.ge [sflag:s28], $0x200  }
0x328: {  	[sflag:s28] =	ssyncset.done $0x0  }
0x329: {  	[sflag:s28] =	ssyncadd.s32 $0xFFFFFE00  }
0x32a: {  	_ =	swait.ge [sflag:s28], $0x80  }
0x32b: {  	[sflag:s28] =	ssyncset.done $0x0  }
0x32c: {  	s2 =	simm.s32 $0x1E700;
	[sflag:s28] =	ssyncadd.s32 $0xFFFFFF80  }
0x32d: {  	v1 =	vld [tilespmem:s2+$0x0];
	_ =	sdelay $0x4  }
0x32e: {  	v1 =	vshll.u32 v1, $0x9  }
0x32f: {  	v1 =	vor.u32 s3, v1  }
0x330: {  	v1 =	vor.u32 v0, v1  }
0x331: {  	v2 =	vor.u32 $0x180, v1  }
0x332: {  	v3 =	vor.u32 $0x100, v1;
	_ =	sdelay $0x3  }
0x333: {  	v2 =	vld.idx.msk [tilespmem:v2+s20+$0x0], $0xffff  }
0x334: {  	v3 =	vld.idx.msk [tilespmem:v3+s20+$0x0], $0xffff;
	_ =	sdelay $0x3  }
0x335: {  	v2 =	vmul.f32 $2.000000030e-01, v2  }
0x336: {  	v3 =	vmul.f32 $2.000000030e-01, v3  }
0x337: {  	v2 =	vmax.f32 v2, $-4.135166650e+00  }
0x338: {  	v3 =	vmax.f32 v3, $-4.135166650e+00;
	v2 =	vmin.f32 v2, $4.135166650e+00  }
0x339: {  	s3 =	simm.s32 $0x1EC80;
	v4 =	vor.u32 $0x80, v1;
	v3 =	vmin.f32 v3, $4.135166650e+00;
	v2 =	vmul.f32 $1.442695020e+00, v2  }
0x33a: {  	v5 =	vld [tilespmem:s3+$0x0];
	v3 =	vmul.f32 $1.442695020e+00, v3  }
0x33b: {  	v6 =	vld [tilespmem:s3+$0x80];
	(erf) = vpow2.f32 v2  }
0x33c: {  	v2 =	vld [tilespmem:s3+$0xFFFFFF80];
	(erf) = vpow2.f32 v3  }
0x33d: {  	v3 =	vld [tilespmem:s3+$0xFFFFFF00]  }
0x33e: {  	v4 =	vld.idx.msk [tilespmem:v4+s20+$0x0], $0xffff  }
0x33f: {  	v1 =	vld.idx.msk [tilespmem:v1+s20+$0x0], $0xffff;
	_ =	sdelay $0x1  }
0x340: {  	v6 =	vsub.f32 v6, v2  }
0x341: {  	v5 =	vsub.f32 v5, v3  }
0x342: {  	v4 =	vmul.f32 $1.000000010e-01, v4;
	v7 =	vmul.f32 $5.000000000e-01, v6  }
0x343: {  	v1 =	vmul.f32 $1.000000010e-01, v1;
	v8 =	vmul.f32 $5.000000000e-01, v5;
	v9 =	vpop (erf)  }
0x344: {  	v4 =	vmul.f32 v6, v4;
	v2 =	vadd.f32 v7, v2;
	v7 =	vmul.f32 v9, v6;
	v6 =	vpop (erf)  }
0x345: {  	v8 =	vadd.f32 v8, v3;
	v6 =	vmul.f32 v6, v5;
	v5 =	vmul.f32 v5, v1  }
0x346: {  	v4 =	vadd.f32 v2, v4;
	v3 =	vmul.f32 $5.000000000e-01, v7  }
0x347: {  	v1 =	vmul.f32 $5.000000000e-01, v6;
	v2 =	vadd.f32 v8, v5  }
0x348: {  	s5 =	simm.s32 $0x1F280;
	s6 =	simm.s32 $0x10;
	s4 =	simm.s32 $0x1F280;
	v5 =	vsub.f32 v4, v3  }
.LBB2_18:
0x349: {  	v6 =	vsub.f32 v2, v1;
	v3 =	vadd.f32 v4, v3;
	s2 =	sadd.s32 $0x10, s2;
	s3 =	sadd.s32 $0x10, s3;
	s5 =	sadd.s32 $0x10, s5  }
0x34a: {  	p0 =	sne.s32 s6, $0x70;
	v1 =	vadd.f32 v2, v1;
	s7 =	smov.u32 s6;
	s6 =	sadd.s32 $0x10, s6;
	v4 =	vmax.f32 v5, $0.0e+00  }
0x34b: {  	v2 =	vmax.f32 v6, $0.0e+00;
	v4 =	vmin.f32 v4, $1.000000000e+00;
	v3 =	vmax.f32 v3, $0.0e+00  }
0x34c: {  	v1 =	vmax.f32 v1, $0.0e+00;
	v2 =	vmin.f32 v2, $1.000000000e+00;
	[tilespmem:s4+$0xFFFFFF80] =	vst v4;
	v3 =	vmin.f32 v3, $1.000000000e+00  }
0x34d: {  	v1 =	vmin.f32 v1, $1.000000000e+00;
	[tilespmem:s4+$0xFFFFFF00] =	vst v2  }
0x34e: {  	[tilespmem:s4+$0x80] =	vst v3  }
0x34f: {  	[tilespmem:s4+$0x0] =	vst v1;
	s4 =	smov.u32 s5  }
0x350: {  	v1 =	vld [tilespmem:s2+$0x0];
	_ =	sdelay $0x4  }
0x351: {  	v1 =	vshll.u32 v1, $0x9  }
0x352: {  	v1 =	vor.u32 s7, v1  }
0x353: {  	v1 =	vor.u32 v0, v1  }
0x354: {  	v2 =	vor.u32 $0x80, v1;
	v3 =	vor.u32 $0x100, v1;
	v4 =	vor.u32 $0x180, v1;
	_ =	sdelay $0x4  }
0x355: {  	v4 =	vld.idx.msk [tilespmem:v4+s20+$0x0], $0xffff  }
0x356: {  	v3 =	vld.idx.msk [tilespmem:v3+s20+$0x0], $0xffff;
	_ =	sdelay $0x4  }
0x357: {  	v4 =	vmul.f32 $2.000000030e-01, v4  }
0x358: {  	v3 =	vmul.f32 $2.000000030e-01, v3  }
0x359: {  	v4 =	vmax.f32 v4, $-4.135166650e+00  }
0x35a: {  	v3 =	vmax.f32 v3, $-4.135166650e+00;
	v4 =	vmin.f32 v4, $4.135166650e+00  }
0x35b: {  	v3 =	vmin.f32 v3, $4.135166650e+00;
	v4 =	vmul.f32 $1.442695020e+00, v4;
	v5 =	vld [tilespmem:s3+$0x0]  }
0x35c: {  	v3 =	vmul.f32 $1.442695020e+00, v3;
	v6 =	vld [tilespmem:s3+$0xFFFFFF00]  }
0x35d: {  	v7 =	vld [tilespmem:s3+$0x80];
	(erf) = vpow2.f32 v4  }
0x35e: {  	v4 =	vld [tilespmem:s3+$0xFFFFFF80];
	(erf) = vpow2.f32 v3  }
0x35f: {  	v2 =	vld.idx.msk [tilespmem:v2+s20+$0x0], $0xffff  }
0x360: {  	v1 =	vld.idx.msk [tilespmem:v1+s20+$0x0], $0xffff;
	_ =	sdelay $0x2  }
0x361: {  	v3 =	vsub.f32 v7, v4  }
0x362: {  	v5 =	vsub.f32 v5, v6  }
0x363: {  	v2 =	vmul.f32 $1.000000010e-01, v2;
	v7 =	vmul.f32 $5.000000000e-01, v3  }
0x364: {  	v8 =	vmul.f32 $5.000000000e-01, v5;
	v1 =	vmul.f32 $1.000000010e-01, v1;
	v9 =	vpop (erf)  }
.Ltmp8:
0x365: {  	v2 =	vmul.f32 v3, v2;
	v4 =	vadd.f32 v7, v4;
	v7 =	vmul.f32 v9, v3;
	v3 =	vpop (erf);
	(pc) =	sbr.rel @p0 .LBB2_18-.Ltmp8, $4  }
0x366: {  	v6 =	vadd.f32 v8, v6;
	v8 =	vmul.f32 v3, v5;
	v5 =	vmul.f32 v5, v1  }
0x367: {  	v3 =	vmul.f32 $5.000000000e-01, v7;
	v4 =	vadd.f32 v4, v2  }
0x368: {  	v1 =	vmul.f32 $5.000000000e-01, v8;
	v2 =	vadd.f32 v6, v5  }
0x369: {  	v5 =	vsub.f32 v4, v3  }
0x36a: {  	v6 =	vsub.f32 v2, v1  }
0x36b: {  	v3 =	vadd.f32 v4, v3;
	v4 =	vmax.f32 v5, $0.0e+00  }
0x36c: {  	v1 =	vadd.f32 v2, v1;
	v2 =	vmax.f32 v6, $0.0e+00;
	v4 =	vmin.f32 v4, $1.000000000e+00  }
0x36d: {  	v3 =	vmax.f32 v3, $0.0e+00;
	v2 =	vmin.f32 v2, $1.000000000e+00;
	[tilespmem:s4+$0xFFFFFF80] =	vst v4  }
0x36e: {  	v1 =	vmax.f32 v1, $0.0e+00;
	v3 =	vmin.f32 v3, $1.000000000e+00;
	[tilespmem:s4+$0xFFFFFF00] =	vst v2  }
0x36f: {  	v1 =	vmin.f32 v1, $1.000000000e+00;
	[tilespmem:s4+$0x80] =	vst v3  }
0x370: {  	s3 =	simm.s32 $0x0;
	[tilespmem:s4+$0x0] =	vst v1  }
0x371: {  	[hbm4b:s9+s3] =	stream.linear.scatter [tilespmem:s29], [sflag:$0x6], $0x200, $0x38;
	[tilespmem:$0x1F380] =	vst v63  }
0x372: {  	_ =	swait.ge [sflag:s30], $0x200  }
0x373: {  	[sflag:s30] =	ssyncset.done $0x0  }
0x374: {  	[sflag:s30] =	ssyncadd.s32 $0xFFFFFE00  }
0x375: {  	_ =	swait.ge [sflag:s19], $0xA200  }
0x376: {  	[sflag:s19] =	ssyncset.done $0x0  }
0x377: {  	[sflag:s19] =	ssyncadd.s32 $0xFFFF5E00  }
0x378: {  	_ =	swait.ge [sflag:s19], $0x200  }
0x379: {  	[sflag:s19] =	ssyncset.done $0x0  }
0x37a: {  	[sflag:s19] =	ssyncadd.s32 $0xFFFFFE00  }
0x37b: {  	_ =	swait.ge [sflag:s19], $0x80  }
0x37c: {  	[sflag:s19] =	ssyncset.done $0x0  }
0x37d: {  	s2 =	simm.s32 $0x1E600;
	[sflag:s19] =	ssyncadd.s32 $0xFFFFFF80  }
0x37e: {  	v1 =	vld [tilespmem:s2+$0x0];
	_ =	sdelay $0x4  }
0x37f: {  	v1 =	vshll.u32 v1, $0x9  }
0x380: {  	v1 =	vor.u32 s3, v1  }
0x381: {  	v1 =	vor.u32 v0, v1  }
0x382: {  	v2 =	vor.u32 $0x180, v1  }
0x383: {  	v3 =	vor.u32 $0x100, v1;
	_ =	sdelay $0x3  }
0x384: {  	v2 =	vld.idx.msk [tilespmem:v2+s11+$0x0], $0xffff  }
0x385: {  	v3 =	vld.idx.msk [tilespmem:v3+s11+$0x0], $0xffff;
	_ =	sdelay $0x3  }
0x386: {  	v2 =	vmul.f32 $2.000000030e-01, v2  }
0x387: {  	v3 =	vmul.f32 $2.000000030e-01, v3  }
0x388: {  	v2 =	vmax.f32 v2, $-4.135166650e+00  }
0x389: {  	v3 =	vmax.f32 v3, $-4.135166650e+00;
	v2 =	vmin.f32 v2, $4.135166650e+00  }
0x38a: {  	s3 =	simm.s32 $0x1E880;
	v4 =	vor.u32 $0x80, v1;
	v3 =	vmin.f32 v3, $4.135166650e+00;
	v2 =	vmul.f32 $1.442695020e+00, v2  }
0x38b: {  	v5 =	vld [tilespmem:s3+$0x0];
	v3 =	vmul.f32 $1.442695020e+00, v3  }
0x38c: {  	v6 =	vld [tilespmem:s3+$0x80];
	(erf) = vpow2.f32 v2  }
0x38d: {  	v2 =	vld [tilespmem:s3+$0xFFFFFF80];
	(erf) = vpow2.f32 v3  }
0x38e: {  	v3 =	vld [tilespmem:s3+$0xFFFFFF00]  }
0x38f: {  	v4 =	vld.idx.msk [tilespmem:v4+s11+$0x0], $0xffff  }
0x390: {  	v1 =	vld.idx.msk [tilespmem:v1+s11+$0x0], $0xffff;
	_ =	sdelay $0x1  }
0x391: {  	v6 =	vsub.f32 v6, v2  }
0x392: {  	v5 =	vsub.f32 v5, v3  }
0x393: {  	v4 =	vmul.f32 $1.000000010e-01, v4;
	v7 =	vmul.f32 $5.000000000e-01, v6  }
0x394: {  	v1 =	vmul.f32 $1.000000010e-01, v1;
	v8 =	vmul.f32 $5.000000000e-01, v5;
	v9 =	vpop (erf)  }
0x395: {  	v4 =	vmul.f32 v6, v4;
	v2 =	vadd.f32 v7, v2;
	v7 =	vmul.f32 v9, v6;
	v6 =	vpop (erf)  }
0x396: {  	v8 =	vadd.f32 v8, v3;
	v6 =	vmul.f32 v6, v5;
	v5 =	vmul.f32 v5, v1  }
0x397: {  	v4 =	vadd.f32 v2, v4;
	v3 =	vmul.f32 $5.000000000e-01, v7  }
0x398: {  	v1 =	vmul.f32 $5.000000000e-01, v6;
	v2 =	vadd.f32 v8, v5  }
0x399: {  	s5 =	simm.s32 $0x1EE80;
	s6 =	simm.s32 $0x10;
	s4 =	simm.s32 $0x1EE80;
	v5 =	vsub.f32 v4, v3  }
.LBB2_20:
0x39a: {  	v6 =	vsub.f32 v2, v1;
	v3 =	vadd.f32 v4, v3;
	s2 =	sadd.s32 $0x10, s2;
	s3 =	sadd.s32 $0x10, s3;
	s5 =	sadd.s32 $0x10, s5  }
0x39b: {  	p0 =	sne.s32 s6, $0x70;
	v1 =	vadd.f32 v2, v1;
	s7 =	smov.u32 s6;
	s6 =	sadd.s32 $0x10, s6;
	v4 =	vmax.f32 v5, $0.0e+00  }
0x39c: {  	v2 =	vmax.f32 v6, $0.0e+00;
	v4 =	vmin.f32 v4, $1.000000000e+00;
	v3 =	vmax.f32 v3, $0.0e+00  }
0x39d: {  	v1 =	vmax.f32 v1, $0.0e+00;
	v2 =	vmin.f32 v2, $1.000000000e+00;
	[tilespmem:s4+$0xFFFFFF80] =	vst v4;
	v3 =	vmin.f32 v3, $1.000000000e+00  }
0x39e: {  	v1 =	vmin.f32 v1, $1.000000000e+00;
	[tilespmem:s4+$0xFFFFFF00] =	vst v2  }
0x39f: {  	[tilespmem:s4+$0x80] =	vst v3  }
0x3a0: {  	[tilespmem:s4+$0x0] =	vst v1;
	s4 =	smov.u32 s5  }
0x3a1: {  	v1 =	vld [tilespmem:s2+$0x0];
	_ =	sdelay $0x4  }
0x3a2: {  	v1 =	vshll.u32 v1, $0x9  }
0x3a3: {  	v1 =	vor.u32 s7, v1  }
0x3a4: {  	v1 =	vor.u32 v0, v1  }
0x3a5: {  	v2 =	vor.u32 $0x80, v1;
	v3 =	vor.u32 $0x100, v1;
	v4 =	vor.u32 $0x180, v1;
	_ =	sdelay $0x4  }
0x3a6: {  	v4 =	vld.idx.msk [tilespmem:v4+s11+$0x0], $0xffff  }
0x3a7: {  	v3 =	vld.idx.msk [tilespmem:v3+s11+$0x0], $0xffff;
	_ =	sdelay $0x4  }
0x3a8: {  	v4 =	vmul.f32 $2.000000030e-01, v4  }
0x3a9: {  	v3 =	vmul.f32 $2.000000030e-01, v3  }
0x3aa: {  	v4 =	vmax.f32 v4, $-4.135166650e+00  }
0x3ab: {  	v3 =	vmax.f32 v3, $-4.135166650e+00;
	v4 =	vmin.f32 v4, $4.135166650e+00  }
0x3ac: {  	v3 =	vmin.f32 v3, $4.135166650e+00;
	v4 =	vmul.f32 $1.442695020e+00, v4;
	v5 =	vld [tilespmem:s3+$0x0]  }
0x3ad: {  	v3 =	vmul.f32 $1.442695020e+00, v3;
	v6 =	vld [tilespmem:s3+$0xFFFFFF00]  }
0x3ae: {  	v7 =	vld [tilespmem:s3+$0x80];
	(erf) = vpow2.f32 v4  }
0x3af: {  	v4 =	vld [tilespmem:s3+$0xFFFFFF80];
	(erf) = vpow2.f32 v3  }
0x3b0: {  	v2 =	vld.idx.msk [tilespmem:v2+s11+$0x0], $0xffff  }
0x3b1: {  	v1 =	vld.idx.msk [tilespmem:v1+s11+$0x0], $0xffff;
	_ =	sdelay $0x2  }
0x3b2: {  	v3 =	vsub.f32 v7, v4  }
0x3b3: {  	v5 =	vsub.f32 v5, v6  }
0x3b4: {  	v2 =	vmul.f32 $1.000000010e-01, v2;
	v7 =	vmul.f32 $5.000000000e-01, v3  }
0x3b5: {  	v8 =	vmul.f32 $5.000000000e-01, v5;
	v1 =	vmul.f32 $1.000000010e-01, v1;
	v9 =	vpop (erf)  }
.Ltmp9:
0x3b6: {  	v2 =	vmul.f32 v3, v2;
	v4 =	vadd.f32 v7, v4;
	v7 =	vmul.f32 v9, v3;
	v3 =	vpop (erf);
	(pc) =	sbr.rel @p0 .LBB2_20-.Ltmp9, $4  }
0x3b7: {  	v6 =	vadd.f32 v8, v6;
	v8 =	vmul.f32 v3, v5;
	v5 =	vmul.f32 v5, v1  }
0x3b8: {  	v3 =	vmul.f32 $5.000000000e-01, v7;
	v4 =	vadd.f32 v4, v2  }
0x3b9: {  	v1 =	vmul.f32 $5.000000000e-01, v8;
	v2 =	vadd.f32 v6, v5  }
0x3ba: {  	v5 =	vsub.f32 v4, v3  }
0x3bb: {  	v6 =	vsub.f32 v2, v1  }
0x3bc: {  	v3 =	vadd.f32 v4, v3;
	v63 =	vmax.f32 v5, $0.0e+00  }
0x3bd: {  	v1 =	vadd.f32 v2, v1;
	v2 =	vmax.f32 v6, $0.0e+00;
	v4 =	vmin.f32 v63, $1.000000000e+00  }
0x3be: {  	v3 =	vmax.f32 v3, $0.0e+00;
	v2 =	vmin.f32 v2, $1.000000000e+00;
	[tilespmem:s4+$0xFFFFFF80] =	vst v4  }
0x3bf: {  	v1 =	vmax.f32 v1, $0.0e+00;
	v3 =	vmin.f32 v3, $1.000000000e+00;
	[tilespmem:s4+$0xFFFFFF00] =	vst v2  }
0x3c0: {  	v1 =	vmin.f32 v1, $1.000000000e+00;
	[tilespmem:s4+$0x80] =	vst v3  }
0x3c1: {  	[tilespmem:s4+$0x0] =	vst v1  }
0x3c2: {  	[hbm4b:s10+s11] =	stream.linear.scatter [tilespmem:s23], [sflag:$0x4], $0x200, $0x38;
	[tilespmem:$0x1F380] =	vst v63  }
0x3c3: {  	_ =	swait.ge [sflag:s31], $0x200  }
0x3c4: {  	[sflag:s31] =	ssyncset.done $0x0  }
0x3c5: {  	s1 =	sadd.s32 $0x1, s1;
	[sflag:s31] =	ssyncadd.s32 $0xFFFFFE00  }
0x3c6: {  	p0 =	sne.s32 s1, s12;
	_ =	swait.ge [sflag:s0], $0x200  }
.Ltmp10:
0x3c7: {  	[sflag:s0] =	ssyncset.done $0x0;
	(pc) =	sbr.rel @p0 .LBB2_1-.Ltmp10, $4  }
0x3c8: {  	[sflag:s0] =	ssyncadd.s32 $0xFFFFFE00  }
0x3c9: {  	_ =	swait.ge [sflag:s30], $0x200  }
0x3ca: {  	[sflag:s30] =	ssyncset.done $0x0  }
0x3cb: {  	[sflag:s30] =	ssyncadd.s32 $0xFFFFFE00  }
0x3cc: {  	_ =	sfence.sel $0x180000  }
0x3cd: {  	[bflag:$0x0] =	sbarrier.arrive $0xFFFF  }
0x3ce: {  	_ =	strace $0x90000047  }
0x3cf: {  	s0 =	stileid.u32;
	[bflag:$0x2] =	sbarrier.arrive $0xFFFF  }
0x3d0: {  	p0 =	sne.s32 s0, $0x0;
	s0 =	rddreg [dreg:$0x4]  }
0x3d1: {  	s0 =	sadd.s32 @!p0 $0x100000, s0  }
0x3d2: {  	[sflag:s0] =	ssyncadd.tile.s32 @!p0 $0x1;
	_ =	shalt  }
.Lfunc_end2:
_tile_overlayer_lowered:
.L_overlay_start_2:
0x3d3: {  	(tag) =	ssettag $0x2  }
0x3d4: {  	s0 =	rddreg [dreg:$0x0];
	s2 =	stileid.u32  }
0x3d5: {  	s1 =	rddreg [dreg:$0x1];
	p0 =	sne.s32 s2, $0x0  }
0x3d6: {  	s3 =	rddreg [dreg:$0x2];
	[bflag:$0x3] =	sbarrier.arrive $0xFFFF;
	s2 =	simm.s32 @!p0 $0x1C07  }
0x3d7: {  	[timem:s3], [sflag:s2] =	dma.local @!p0 [hbm:s0], s1  }
0x3d8: {  	s0 =	simm.s32 @!p0 $0x7  }
0x3d9: {  	_ =	swait.ge @!p0 [sflag:s0], s1  }
0x3da: {  	s1 =	ssub.s32 @!p0 $0x0, s1;
	[sflag:s0] =	ssyncset.done @!p0 $0x0  }
0x3db: {  	[sflag:s0] =	ssyncadd.s32 @!p0 s1  }
0x3dc: {  	[bflag:$0x3] =	sbarrier.arrive $0xFFFF  }
0x3dd: {  	_ =	shalt  }

</sc_bundles>
